<compile_context>
chip_gen: v7x
topology: tpu7x:2x2x1
jax: 0.10.2.dev20260603
libtpu: 0.0.44.dev20260713+nightly
codegen_flags: <defaults>
</compile_context>

<pallas_src>
import functools

import jax
import jax.numpy as jnp
import numpy as np
from jax import lax
from jax.experimental import pallas as pl
from jax.experimental.pallas import tpu as pltpu
from jax.experimental.pallas import tpu_sc as plsc


def _positional_encoding(context_size, embedding_size):
    positions = np.arange(context_size, dtype=np.float32)
    indices = np.arange(embedding_size // 2, dtype=np.float32)
    scaling_factor = 10000.0 ** (2.0 * indices / embedding_size)
    angles = positions[:, None] / scaling_factor[None, :]
    pe = np.stack([np.sin(angles), np.cos(angles)], axis=-1)
    return jnp.asarray(pe.reshape(context_size, embedding_size))


def kernel(x, table):
    batch, context = x.shape
    v, d = table.shape
    n = batch * context

    info = plsc.get_sparse_core_info()
    nw = info.num_cores * info.num_subcores
    bpw = n // nw
    wv = 2
    nbuf = 6
    nwaves = bpw // wv
    nt = bpw // 128

    pe_t = _positional_encoding(context, d).T.reshape(d, context // 128, 128)
    t3 = table.T.reshape(d // 8, 8, v)
    x_flat = x.reshape(n).astype(jnp.int32)

    mesh = plsc.VectorSubcoreMesh(core_axis_name="c", subcore_axis_name="s")

    @functools.partial(
        pl.kernel,
        out_type=jax.ShapeDtypeStruct((batch, d, context // 128, 128), jnp.float32),
        mesh=mesh,
        scratch_types=[
            pltpu.VMEM((bpw,), jnp.int32),
            pltpu.SMEM((bpw,), jnp.int32),
            pltpu.VMEM((nbuf, wv, d // 8, 8, 128), jnp.float32),
            pltpu.VMEM((d, nt, 128), jnp.float32),
            [pltpu.SemaphoreType.DMA] * nbuf,
            pltpu.SemaphoreType.DMA,
        ],
        compiler_params=pltpu.CompilerParams(needs_layout_passes=False),
    )
    def emb(x_hbm, pe_hbm, t3_hbm, out_hbm,
            idx_v, ism, gbuf, cols_v, sems, psem):
        wid = lax.axis_index("s") * info.num_cores + lax.axis_index("c")
        base = wid * bpw
        b = lax.div(base, context)
        t0 = pl.multiple_of(lax.rem(base, context), bpw)
        tg0 = lax.div(t0, 128)
        pe_cp = pltpu.make_async_copy(
            pe_hbm.at[:, pl.ds(tg0, nt), :], cols_v, psem)
        pe_cp.start()
        pltpu.sync_copy(x_hbm.at[pl.ds(base, bpw)], idx_v)

        def stage(q, carry):
            iv = idx_v[pl.ds(q * 16, 16)]
            for l in range(16):
                ism[q * 16 + l] = iv[l]
            return carry

        lax.fori_loop(0, bpw // 16, stage, 0)

        iota = lax.iota(jnp.int32, 16)
        chunk_hi = [(j * 16 + iota) >> 3 for j in range(d // 16)]
        chunk_lo = [(j * 16 + iota) & 7 for j in range(d // 16)]

        def issue(w, parity):
            for l in range(wv):
                r = ism[w * wv + l]
                r128 = pl.multiple_of((r >> 7) * 128, 128)
                pltpu.make_async_copy(
                    t3_hbm.at[:, :, pl.ds(r128, 128)],
                    gbuf.at[parity, l], sems[parity]).start()

        def drain(parity):
            for l in range(wv):
                pltpu.make_async_copy(
                    t3_hbm.at[:, :, pl.ds(0, 128)],
                    gbuf.at[parity, l], sems[parity]).wait()

        def extract(w, parity):
            for l in range(wv):
                i = w * wv + l
                r = ism[i]
                lane = jnp.full((16,), r & 127, jnp.int32)
                thi = jnp.full((16,), lax.div(i, 128), jnp.int32)
                tlo = jnp.full((16,), lax.rem(i, 128), jnp.int32)
                pv = jnp.full((16,), parity, jnp.int32)
                lv = jnp.full((16,), l, jnp.int32)
                for j in range(d // 16):
                    vals = plsc.load_gather(
                        gbuf, [pv, lv, chunk_hi[j], chunk_lo[j], lane])
                    pev = plsc.load_gather(cols_v, [j * 16 + iota, thi, tlo])
                    plsc.store_scatter(
                        cols_v, [j * 16 + iota, thi, tlo], vals + pev)

        ahead = nbuf - 1
        for w in range(ahead):
            issue(w, w % nbuf)
        pe_cp.wait()

        def pipeline(k, carry):
            w0 = k * nbuf
            for s in range(nbuf):
                issue(w0 + s + ahead, (s + ahead) % nbuf)
                drain(s)
                extract(w0 + s, s)
            return carry

        nloop = (nwaves - ahead) // nbuf
        lax.fori_loop(0, nloop, pipeline, 0)
        for w in range(nloop * nbuf, nwaves):
            if w + ahead < nwaves:
                issue(w + ahead, (w + ahead) % nbuf)
            drain(w % nbuf)
            extract(w, w % nbuf)

        pltpu.sync_copy(cols_v, out_hbm.at[b, :, pl.ds(tg0, nt), :])

    out4 = emb(x_flat, pe_t, t3)
    return out4.reshape(batch, d, context).transpose(0, 2, 1)

# --- scband reference (transcript-rebuilt; emitter-appended) ---
"""Pipeline reference for scband-embedding-83253646066124 (READ-ONLY COPY).

The authoritative reference and input builder live on the scoring server;
editing this copy changes nothing except your own understanding.
"""

import jax, jax.numpy as jnp
import numpy as np

VOCAB_SIZE = 1000000
CONTEXT_SIZE = 2048
EMBEDDING_SIZE = 64
BATCH = 4


def sinusoidal_positional_encoding(context_size, embedding_size):
    positions = jnp.arange(context_size, dtype=jnp.float32)
    indices = jnp.arange(embedding_size // 2, dtype=jnp.float32)
    scaling_factor = 10000.0 ** (2.0 * indices / embedding_size)
    angles = positions[:, None] / scaling_factor[None, :]
    # interleave sin (even cols) and cos (odd cols)
    pe = jnp.stack([jnp.sin(angles), jnp.cos(angles)], axis=-1).reshape(context_size, embedding_size)
    return pe


def setup_inputs(seed: int = 0) -> dict:
    key = jax.random.key(seed)
    k1, k2 = jax.random.split(key)
    x = jax.random.randint(k1, (BATCH, CONTEXT_SIZE), 0, VOCAB_SIZE, dtype=jnp.int64 if jax.config.jax_enable_x64 else jnp.int32)
    # embedding table, init like nn.Embedding (N(0,1))
    table = jax.random.normal(k2, (VOCAB_SIZE, EMBEDDING_SIZE), dtype=jnp.float32)
    return {"x": x, "table": table}


def reference(x, table):
    context_size = x.shape[-1]
    embedding_size = table.shape[-1]
    pe = sinusoidal_positional_encoding(context_size, embedding_size)
    # embedding gather (SparseCore-mappable) + broadcast add of positional encoding
    emb = jnp.take(table, x, axis=0)
    return emb + pe

if __name__ == "__main__":
    import jax
    _d = setup_inputs()
    print(jax.jit(kernel)(*tuple(_d.values())))

</pallas_src>

<mosaic_0001>
#map = affine_map<(d0, d1) -> (0)>
#map1 = affine_map<(d0, d1) -> (0, 0, 0)>
#map2 = affine_map<(d0, d1) -> (0, 0, 0, 0)>
module attributes {stable_mosaic.version = 14 : i64} {
  func.func @emb(%arg0: i32, %arg1: i32, %arg2: memref<8192xi32, #tpu.memory_space<hbm>>, %arg3: memref<64x16x128xf32, #tpu.memory_space<hbm>>, %arg4: memref<8x8x1000000xf32, #tpu.memory_space<hbm>>, %arg5: memref<4x64x16x128xf32, #tpu.memory_space<hbm>>, %arg6: memref<256xi32, #tpu.memory_space<vmem>>, %arg7: memref<256xi32, #tpu.memory_space<smem>>, %arg8: memref<6x2x8x8x128xf32, #tpu.memory_space<vmem>>, %arg9: memref<64x2x128xf32, #tpu.memory_space<vmem>>, %arg10: memref<!tpu.dma_semaphore, #tpu.memory_space<semaphore_mem>>, %arg11: memref<!tpu.dma_semaphore, #tpu.memory_space<semaphore_mem>>, %arg12: memref<!tpu.dma_semaphore, #tpu.memory_space<semaphore_mem>>, %arg13: memref<!tpu.dma_semaphore, #tpu.memory_space<semaphore_mem>>, %arg14: memref<!tpu.dma_semaphore, #tpu.memory_space<semaphore_mem>>, %arg15: memref<!tpu.dma_semaphore, #tpu.memory_space<semaphore_mem>>, %arg16: memref<!tpu.dma_semaphore, #tpu.memory_space<semaphore_mem>>) attributes {dimension_semantics = [#tpu.dimension_semantics<core_parallel>, #tpu.dimension_semantics<subcore_parallel>], iteration_bounds = array<i64: 2, 16>, scalar_prefetch = 0 : i64, scratch_operands = 11 : i64, tpu.core_type = #tpu.core_type<sc_vector_subcore>, window_params = [{transform_indices = #map}, {transform_indices = #map1}, {transform_indices = #map1}, {transform_indices = #map2}]} {
    %mul3A = arith.constant 2 : i32
    %mul3A_0 = arith.muli %arg1, %mul3A : i32
    %add3A = arith.addi %mul3A_0, %arg0 : i32
    %mul3A_1 = arith.constant 256 : i32
    %mul3A_2 = arith.muli %add3A, %mul3A_1 : i32
    %div3A = arith.constant 2048 : i32
    %div3A_3 = arith.divsi %mul3A_2, %div3A : i32
    %rem3A = arith.constant 2048 : i32
    %rem3A_4 = arith.remsi %mul3A_2, %rem3A : i32
    %multiple_of3A = tpu.assume_multiple %rem3A_4, 256 : i32
    %div3A_5 = arith.constant 128 : i32
    %div3A_6 = arith.divsi %multiple_of3A, %div3A_5 : i32
    %dma_start3A = arith.constant 0 : i32
    %dma_start3A_7 = arith.constant 0 : i32
    %dma_start3A_8 = tpu.memref_slice %arg3[%dma_start3A, %div3A_6, %dma_start3A_7] : memref<64x16x128xf32, #tpu.memory_space<hbm>> -> memref<64x2x128xf32, #tpu.memory_space<hbm>>
    %dma_start3A_9 = arith.constant 0 : i32
    %dma_start3A_10 = arith.constant 0 : i32
    %dma_start3A_11 = tpu.memref_slice %arg3[%dma_start3A_9, %div3A_6, %dma_start3A_10] : memref<64x16x128xf32, #tpu.memory_space<hbm>> -> memref<64x2x128xf32, #tpu.memory_space<hbm>>
    tpu.enqueue_dma source(%dma_start3A_11 : memref<64x2x128xf32, #tpu.memory_space<hbm>>) target(%arg9 : memref<64x2x128xf32, #tpu.memory_space<vmem>>) target_semaphore(%arg16 : memref<!tpu.dma_semaphore, #tpu.memory_space<semaphore_mem>>)
    "tpu.region"() ({
      %run_scoped3A = tpu.sem_alloc : memref<!tpu.dma_semaphore, #tpu.memory_space<semaphore_mem>>
      %dma_start3A_1671 = tpu.memref_slice %arg2[%mul3A_2] : memref<8192xi32, #tpu.memory_space<hbm>> -> memref<256xi32, #tpu.memory_space<hbm>>
      %dma_start3A_1672 = tpu.memref_slice %arg2[%mul3A_2] : memref<8192xi32, #tpu.memory_space<hbm>> -> memref<256xi32, #tpu.memory_space<hbm>>
      tpu.enqueue_dma source(%dma_start3A_1672 : memref<256xi32, #tpu.memory_space<hbm>>) target(%arg6 : memref<256xi32, #tpu.memory_space<vmem>>) target_semaphore(%run_scoped3A : memref<!tpu.dma_semaphore, #tpu.memory_space<semaphore_mem>>)
      %dma_wait3A_1673 = tpu.memref_slice %arg2[%mul3A_2] : memref<8192xi32, #tpu.memory_space<hbm>> -> memref<256xi32, #tpu.memory_space<hbm>>
      %dma_wait3A_1674 = tpu.memref_slice %arg2[%mul3A_2] : memref<8192xi32, #tpu.memory_space<hbm>> -> memref<256xi32, #tpu.memory_space<hbm>>
      tpu.wait_dma2 semaphore(%run_scoped3A : memref<!tpu.dma_semaphore, #tpu.memory_space<semaphore_mem>>) src(%dma_wait3A_1674 : memref<256xi32, #tpu.memory_space<hbm>>) dst(%arg6 : memref<256xi32, #tpu.memory_space<vmem>>)
      tpu.yield
    }) : () -> ()
    %scan3A = arith.constant 0 : i32
    %scan3A_12 = arith.constant 0 : i32
    %scan3A_13 = arith.constant 16 : i32
    %scan3A_14 = arith.addi %scan3A_12, %scan3A_13 : i32
    %scan3A_15 = arith.constant 1 : i32
    scf.for %scan3A_1671 = %scan3A_12 to %scan3A_14 step %scan3A_15  : i32 {
      %mul3A_1672 = arith.constant 16 : i32
      %mul3A_1673 = arith.muli %scan3A_1671, %mul3A_1672 : i32
      %get3A_1674 = arith.index_cast %mul3A_1673 : i32 to index
      %get3A_1675 = tpu.vector_load %arg6[%get3A_1674] {strides = array<i32>} : memref<256xi32, #tpu.memory_space<vmem>>, vector<16xi32>,
      %slice3A = vector.extract_strided_slice %get3A_1675 {offsets = [0], sizes = [1], strides = [1]} : vector<16xi32> to vector<1xi32>
      %squeeze3A = vector.extract %slice3A[0] : i32 from vector<1xi32>
      %mul3A_1676 = arith.constant 16 : i32
      %mul3A_1677 = arith.muli %scan3A_1671, %mul3A_1676 : i32
      %add3A_1678 = arith.constant 0 : i32
      %add3A_1679 = arith.addi %mul3A_1677, %add3A_1678 : i32
      %swap3A = arith.index_cast %add3A_1679 : i32 to index
      %swap3A_1680 = memref.load %arg7[%swap3A] : memref<256xi32, #tpu.memory_space<smem>>
      memref.store %squeeze3A, %arg7[%swap3A] : memref<256xi32, #tpu.memory_space<smem>>
      %slice3A_1681 = vector.extract_strided_slice %get3A_1675 {offsets = [1], sizes = [1], strides = [1]} : vector<16xi32> to vector<1xi32>
      %squeeze3A_1682 = vector.extract %slice3A_1681[0] : i32 from vector<1xi32>
      %mul3A_1683 = arith.constant 16 : i32
      %mul3A_1684 = arith.muli %scan3A_1671, %mul3A_1683 : i32
      %add3A_1685 = arith.constant 1 : i32
      %add3A_1686 = arith.addi %mul3A_1684, %add3A_1685 : i32
      %swap3A_1687 = arith.index_cast %add3A_1686 : i32 to index
      %swap3A_1688 = memref.load %arg7[%swap3A_1687] : memref<256xi32, #tpu.memory_space<smem>>
      memref.store %squeeze3A_1682, %arg7[%swap3A_1687] : memref<256xi32, #tpu.memory_space<smem>>
      %slice3A_1689 = vector.extract_strided_slice %get3A_1675 {offsets = [2], sizes = [1], strides = [1]} : vector<16xi32> to vector<1xi32>
      %squeeze3A_1690 = vector.extract %slice3A_1689[0] : i32 from vector<1xi32>
      %mul3A_1691 = arith.constant 16 : i32
      %mul3A_1692 = arith.muli %scan3A_1671, %mul3A_1691 : i32
      %add3A_1693 = arith.constant 2 : i32
      %add3A_1694 = arith.addi %mul3A_1692, %add3A_1693 : i32
      %swap3A_1695 = arith.index_cast %add3A_1694 : i32 to index
      %swap3A_1696 = memref.load %arg7[%swap3A_1695] : memref<256xi32, #tpu.memory_space<smem>>
      memref.store %squeeze3A_1690, %arg7[%swap3A_1695] : memref<256xi32, #tpu.memory_space<smem>>
      %slice3A_1697 = vector.extract_strided_slice %get3A_1675 {offsets = [3], sizes = [1], strides = [1]} : vector<16xi32> to vector<1xi32>
      %squeeze3A_1698 = vector.extract %slice3A_1697[0] : i32 from vector<1xi32>
      %mul3A_1699 = arith.constant 16 : i32
      %mul3A_1700 = arith.muli %scan3A_1671, %mul3A_1699 : i32
      %add3A_1701 = arith.constant 3 : i32
      %add3A_1702 = arith.addi %mul3A_1700, %add3A_1701 : i32
      %swap3A_1703 = arith.index_cast %add3A_1702 : i32 to index
      %swap3A_1704 = memref.load %arg7[%swap3A_1703] : memref<256xi32, #tpu.memory_space<smem>>
      memref.store %squeeze3A_1698, %arg7[%swap3A_1703] : memref<256xi32, #tpu.memory_space<smem>>
      %slice3A_1705 = vector.extract_strided_slice %get3A_1675 {offsets = [4], sizes = [1], strides = [1]} : vector<16xi32> to vector<1xi32>
      %squeeze3A_1706 = vector.extract %slice3A_1705[0] : i32 from vector<1xi32>
      %mul3A_1707 = arith.constant 16 : i32
      %mul3A_1708 = arith.muli %scan3A_1671, %mul3A_1707 : i32
      %add3A_1709 = arith.constant 4 : i32
      %add3A_1710 = arith.addi %mul3A_1708, %add3A_1709 : i32
      %swap3A_1711 = arith.index_cast %add3A_1710 : i32 to index
      %swap3A_1712 = memref.load %arg7[%swap3A_1711] : memref<256xi32, #tpu.memory_space<smem>>
      memref.store %squeeze3A_1706, %arg7[%swap3A_1711] : memref<256xi32, #tpu.memory_space<smem>>
      %slice3A_1713 = vector.extract_strided_slice %get3A_1675 {offsets = [5], sizes = [1], strides = [1]} : vector<16xi32> to vector<1xi32>
      %squeeze3A_1714 = vector.extract %slice3A_1713[0] : i32 from vector<1xi32>
      %mul3A_1715 = arith.constant 16 : i32
      %mul3A_1716 = arith.muli %scan3A_1671, %mul3A_1715 : i32
      %add3A_1717 = arith.constant 5 : i32
      %add3A_1718 = arith.addi %mul3A_1716, %add3A_1717 : i32
      %swap3A_1719 = arith.index_cast %add3A_1718 : i32 to index
      %swap3A_1720 = memref.load %arg7[%swap3A_1719] : memref<256xi32, #tpu.memory_space<smem>>
      memref.store %squeeze3A_1714, %arg7[%swap3A_1719] : memref<256xi32, #tpu.memory_space<smem>>
      %slice3A_1721 = vector.extract_strided_slice %get3A_1675 {offsets = [6], sizes = [1], strides = [1]} : vector<16xi32> to vector<1xi32>
      %squeeze3A_1722 = vector.extract %slice3A_1721[0] : i32 from vector<1xi32>
      %mul3A_1723 = arith.constant 16 : i32
      %mul3A_1724 = arith.muli %scan3A_1671, %mul3A_1723 : i32
      %add3A_1725 = arith.constant 6 : i32
      %add3A_1726 = arith.addi %mul3A_1724, %add3A_1725 : i32
      %swap3A_1727 = arith.index_cast %add3A_1726 : i32 to index
      %swap3A_1728 = memref.load %arg7[%swap3A_1727] : memref<256xi32, #tpu.memory_space<smem>>
      memref.store %squeeze3A_1722, %arg7[%swap3A_1727] : memref<256xi32, #tpu.memory_space<smem>>
      %slice3A_1729 = vector.extract_strided_slice %get3A_1675 {offsets = [7], sizes = [1], strides = [1]} : vector<16xi32> to vector<1xi32>
      %squeeze3A_1730 = vector.extract %slice3A_1729[0] : i32 from vector<1xi32>
      %mul3A_1731 = arith.constant 16 : i32
      %mul3A_1732 = arith.muli %scan3A_1671, %mul3A_1731 : i32
      %add3A_1733 = arith.constant 7 : i32
      %add3A_1734 = arith.addi %mul3A_1732, %add3A_1733 : i32
      %swap3A_1735 = arith.index_cast %add3A_1734 : i32 to index
      %swap3A_1736 = memref.load %arg7[%swap3A_1735] : memref<256xi32, #tpu.memory_space<smem>>
      memref.store %squeeze3A_1730, %arg7[%swap3A_1735] : memref<256xi32, #tpu.memory_space<smem>>
      %slice3A_1737 = vector.extract_strided_slice %get3A_1675 {offsets = [8], sizes = [1], strides = [1]} : vector<16xi32> to vector<1xi32>
      %squeeze3A_1738 = vector.extract %slice3A_1737[0] : i32 from vector<1xi32>
      %mul3A_1739 = arith.constant 16 : i32
      %mul3A_1740 = arith.muli %scan3A_1671, %mul3A_1739 : i32
      %add3A_1741 = arith.constant 8 : i32
      %add3A_1742 = arith.addi %mul3A_1740, %add3A_1741 : i32
      %swap3A_1743 = arith.index_cast %add3A_1742 : i32 to index
      %swap3A_1744 = memref.load %arg7[%swap3A_1743] : memref<256xi32, #tpu.memory_space<smem>>
      memref.store %squeeze3A_1738, %arg7[%swap3A_1743] : memref<256xi32, #tpu.memory_space<smem>>
      %slice3A_1745 = vector.extract_strided_slice %get3A_1675 {offsets = [9], sizes = [1], strides = [1]} : vector<16xi32> to vector<1xi32>
      %squeeze3A_1746 = vector.extract %slice3A_1745[0] : i32 from vector<1xi32>
      %mul3A_1747 = arith.constant 16 : i32
      %mul3A_1748 = arith.muli %scan3A_1671, %mul3A_1747 : i32
      %add3A_1749 = arith.constant 9 : i32
      %add3A_1750 = arith.addi %mul3A_1748, %add3A_1749 : i32
      %swap3A_1751 = arith.index_cast %add3A_1750 : i32 to index
      %swap3A_1752 = memref.load %arg7[%swap3A_1751] : memref<256xi32, #tpu.memory_space<smem>>
      memref.store %squeeze3A_1746, %arg7[%swap3A_1751] : memref<256xi32, #tpu.memory_space<smem>>
      %slice3A_1753 = vector.extract_strided_slice %get3A_1675 {offsets = [10], sizes = [1], strides = [1]} : vector<16xi32> to vector<1xi32>
      %squeeze3A_1754 = vector.extract %slice3A_1753[0] : i32 from vector<1xi32>
      %mul3A_1755 = arith.constant 16 : i32
      %mul3A_1756 = arith.muli %scan3A_1671, %mul3A_1755 : i32
      %add3A_1757 = arith.constant 10 : i32
      %add3A_1758 = arith.addi %mul3A_1756, %add3A_1757 : i32
      %swap3A_1759 = arith.index_cast %add3A_1758 : i32 to index
      %swap3A_1760 = memref.load %arg7[%swap3A_1759] : memref<256xi32, #tpu.memory_space<smem>>
      memref.store %squeeze3A_1754, %arg7[%swap3A_1759] : memref<256xi32, #tpu.memory_space<smem>>
      %slice3A_1761 = vector.extract_strided_slice %get3A_1675 {offsets = [11], sizes = [1], strides = [1]} : vector<16xi32> to vector<1xi32>
      %squeeze3A_1762 = vector.extract %slice3A_1761[0] : i32 from vector<1xi32>
      %mul3A_1763 = arith.constant 16 : i32
      %mul3A_1764 = arith.muli %scan3A_1671, %mul3A_1763 : i32
      %add3A_1765 = arith.constant 11 : i32
      %add3A_1766 = arith.addi %mul3A_1764, %add3A_1765 : i32
      %swap3A_1767 = arith.index_cast %add3A_1766 : i32 to index
      %swap3A_1768 = memref.load %arg7[%swap3A_1767] : memref<256xi32, #tpu.memory_space<smem>>
      memref.store %squeeze3A_1762, %arg7[%swap3A_1767] : memref<256xi32, #tpu.memory_space<smem>>
      %slice3A_1769 = vector.extract_strided_slice %get3A_1675 {offsets = [12], sizes = [1], strides = [1]} : vector<16xi32> to vector<1xi32>
      %squeeze3A_1770 = vector.extract %slice3A_1769[0] : i32 from vector<1xi32>
      %mul3A_1771 = arith.constant 16 : i32
      %mul3A_1772 = arith.muli %scan3A_1671, %mul3A_1771 : i32
      %add3A_1773 = arith.constant 12 : i32
      %add3A_1774 = arith.addi %mul3A_1772, %add3A_1773 : i32
      %swap3A_1775 = arith.index_cast %add3A_1774 : i32 to index
      %swap3A_1776 = memref.load %arg7[%swap3A_1775] : memref<256xi32, #tpu.memory_space<smem>>
      memref.store %squeeze3A_1770, %arg7[%swap3A_1775] : memref<256xi32, #tpu.memory_space<smem>>
      %slice3A_1777 = vector.extract_strided_slice %get3A_1675 {offsets = [13], sizes = [1], strides = [1]} : vector<16xi32> to vector<1xi32>
      %squeeze3A_1778 = vector.extract %slice3A_1777[0] : i32 from vector<1xi32>
      %mul3A_1779 = arith.constant 16 : i32
      %mul3A_1780 = arith.muli %scan3A_1671, %mul3A_1779 : i32
      %add3A_1781 = arith.constant 13 : i32
      %add3A_1782 = arith.addi %mul3A_1780, %add3A_1781 : i32
      %swap3A_1783 = arith.index_cast %add3A_1782 : i32 to index
      %swap3A_1784 = memref.load %arg7[%swap3A_1783] : memref<256xi32, #tpu.memory_space<smem>>
      memref.store %squeeze3A_1778, %arg7[%swap3A_1783] : memref<256xi32, #tpu.memory_space<smem>>
      %slice3A_1785 = vector.extract_strided_slice %get3A_1675 {offsets = [14], sizes = [1], strides = [1]} : vector<16xi32> to vector<1xi32>
      %squeeze3A_1786 = vector.extract %slice3A_1785[0] : i32 from vector<1xi32>
      %mul3A_1787 = arith.constant 16 : i32
      %mul3A_1788 = arith.muli %scan3A_1671, %mul3A_1787 : i32
      %add3A_1789 = arith.constant 14 : i32
      %add3A_1790 = arith.addi %mul3A_1788, %add3A_1789 : i32
      %swap3A_1791 = arith.index_cast %add3A_1790 : i32 to index
      %swap3A_1792 = memref.load %arg7[%swap3A_1791] : memref<256xi32, #tpu.memory_space<smem>>
      memref.store %squeeze3A_1786, %arg7[%swap3A_1791] : memref<256xi32, #tpu.memory_space<smem>>
      %slice3A_1793 = vector.extract_strided_slice %get3A_1675 {offsets = [15], sizes = [1], strides = [1]} : vector<16xi32> to vector<1xi32>
      %squeeze3A_1794 = vector.extract %slice3A_1793[0] : i32 from vector<1xi32>
      %mul3A_1795 = arith.constant 16 : i32
      %mul3A_1796 = arith.muli %scan3A_1671, %mul3A_1795 : i32
      %add3A_1797 = arith.constant 15 : i32
      %add3A_1798 = arith.addi %mul3A_1796, %add3A_1797 : i32
      %swap3A_1799 = arith.index_cast %add3A_1798 : i32 to index
      %swap3A_1800 = memref.load %arg7[%swap3A_1799] : memref<256xi32, #tpu.memory_space<smem>>
      memref.store %squeeze3A_1794, %arg7[%swap3A_1799] : memref<256xi32, #tpu.memory_space<smem>>
    }
    %scan3A_16 = arith.constant 16 : i32
    %iota3A = tpu.iota {dimensions = array<i32: 0>} : vector<16xi32>
    %add3A_17 = arith.constant 0 : i32
    %add3A_18 = vector.broadcast %add3A_17 : i32 to vector<16xi32>
    %add3A_19 = arith.addi %add3A_18, %iota3A : vector<16xi32>
    %shift_right_arithmetic3A = arith.constant 3 : i32
    %shift_right_arithmetic3A_20 = vector.broadcast %shift_right_arithmetic3A : i32 to vector<16xi32>
    %shift_right_arithmetic3A_21 = arith.shrsi %add3A_19, %shift_right_arithmetic3A_20 : vector<16xi32>
    %add3A_22 = arith.constant 16 : i32
    %add3A_23 = vector.broadcast %add3A_22 : i32 to vector<16xi32>
    %add3A_24 = arith.addi %add3A_23, %iota3A : vector<16xi32>
    %shift_right_arithmetic3A_25 = arith.constant 3 : i32
    %shift_right_arithmetic3A_26 = vector.broadcast %shift_right_arithmetic3A_25 : i32 to vector<16xi32>
    %shift_right_arithmetic3A_27 = arith.shrsi %add3A_24, %shift_right_arithmetic3A_26 : vector<16xi32>
    %add3A_28 = arith.constant 32 : i32
    %add3A_29 = vector.broadcast %add3A_28 : i32 to vector<16xi32>
    %add3A_30 = arith.addi %add3A_29, %iota3A : vector<16xi32>
    %shift_right_arithmetic3A_31 = arith.constant 3 : i32
    %shift_right_arithmetic3A_32 = vector.broadcast %shift_right_arithmetic3A_31 : i32 to vector<16xi32>
    %shift_right_arithmetic3A_33 = arith.shrsi %add3A_30, %shift_right_arithmetic3A_32 : vector<16xi32>
    %add3A_34 = arith.constant 48 : i32
    %add3A_35 = vector.broadcast %add3A_34 : i32 to vector<16xi32>
    %add3A_36 = arith.addi %add3A_35, %iota3A : vector<16xi32>
    %shift_right_arithmetic3A_37 = arith.constant 3 : i32
    %shift_right_arithmetic3A_38 = vector.broadcast %shift_right_arithmetic3A_37 : i32 to vector<16xi32>
    %shift_right_arithmetic3A_39 = arith.shrsi %add3A_36, %shift_right_arithmetic3A_38 : vector<16xi32>
    %add3A_40 = arith.constant 0 : i32
    %add3A_41 = vector.broadcast %add3A_40 : i32 to vector<16xi32>
    %add3A_42 = arith.addi %add3A_41, %iota3A : vector<16xi32>
    %and3A = arith.constant 7 : i32
    %and3A_43 = vector.broadcast %and3A : i32 to vector<16xi32>
    %and3A_44 = arith.andi %add3A_42, %and3A_43 : vector<16xi32>
    %add3A_45 = arith.constant 16 : i32
    %add3A_46 = vector.broadcast %add3A_45 : i32 to vector<16xi32>
    %add3A_47 = arith.addi %add3A_46, %iota3A : vector<16xi32>
    %and3A_48 = arith.constant 7 : i32
    %and3A_49 = vector.broadcast %and3A_48 : i32 to vector<16xi32>
    %and3A_50 = arith.andi %add3A_47, %and3A_49 : vector<16xi32>
    %add3A_51 = arith.constant 32 : i32
    %add3A_52 = vector.broadcast %add3A_51 : i32 to vector<16xi32>
    %add3A_53 = arith.addi %add3A_52, %iota3A : vector<16xi32>
    %and3A_54 = arith.constant 7 : i32
    %and3A_55 = vector.broadcast %and3A_54 : i32 to vector<16xi32>
    %and3A_56 = arith.andi %add3A_53, %and3A_55 : vector<16xi32>
    %add3A_57 = arith.constant 48 : i32
    %add3A_58 = vector.broadcast %add3A_57 : i32 to vector<16xi32>
    %add3A_59 = arith.addi %add3A_58, %iota3A : vector<16xi32>
    %and3A_60 = arith.constant 7 : i32
    %and3A_61 = vector.broadcast %and3A_60 : i32 to vector<16xi32>
    %and3A_62 = arith.andi %add3A_59, %and3A_61 : vector<16xi32>
    %get3A = arith.constant 0 : i32
    %get3A_63 = arith.index_cast %get3A : i32 to index
    %get3A_64 = memref.load %arg7[%get3A_63] : memref<256xi32, #tpu.memory_space<smem>>
    %shift_right_arithmetic3A_65 = arith.constant 7 : i32
    %shift_right_arithmetic3A_66 = arith.shrsi %get3A_64, %shift_right_arithmetic3A_65 : i32
    %mul3A_67 = arith.constant 128 : i32
    %mul3A_68 = arith.muli %shift_right_arithmetic3A_66, %mul3A_67 : i32
    %multiple_of3A_69 = tpu.assume_multiple %mul3A_68, 128 : i32
    %dma_start3A_70 = arith.constant 0 : i32
    %dma_start3A_71 = arith.constant 0 : i32
    %dma_start3A_72 = arith.constant 0 : i32
    %dma_start3A_73 = arith.constant 0 : i32
    %dma_start3A_74 = arith.constant 0 : i32
    %dma_start3A_75 = tpu.memref_slice %arg8[%dma_start3A_70, %dma_start3A_71, %dma_start3A_72, %dma_start3A_73, %dma_start3A_74] : memref<6x2x8x8x128xf32, #tpu.memory_space<vmem>> -> memref<1x1x8x8x128xf32, #tpu.memory_space<vmem>>
    %dma_start3A_76 = tpu.memref_squeeze %dma_start3A_75 : memref<1x1x8x8x128xf32, #tpu.memory_space<vmem>> -> memref<8x8x128xf32, #tpu.memory_space<vmem>>
    %dma_start3A_77 = arith.constant 0 : i32
    %dma_start3A_78 = arith.constant 0 : i32
    %dma_start3A_79 = tpu.memref_slice %arg4[%dma_start3A_77, %dma_start3A_78, %multiple_of3A_69] : memref<8x8x1000000xf32, #tpu.memory_space<hbm>> -> memref<8x8x128xf32, #tpu.memory_space<hbm>>
    %dma_start3A_80 = arith.constant 0 : i32
    %dma_start3A_81 = arith.constant 0 : i32
    %dma_start3A_82 = arith.constant 0 : i32
    %dma_start3A_83 = tpu.memref_slice %arg8[%dma_start3A_70, %dma_start3A_71, %dma_start3A_80, %dma_start3A_81, %dma_start3A_82] : memref<6x2x8x8x128xf32, #tpu.memory_space<vmem>> -> memref<1x1x8x8x128xf32, #tpu.memory_space<vmem>>
    %dma_start3A_84 = tpu.memref_squeeze %dma_start3A_83 : memref<1x1x8x8x128xf32, #tpu.memory_space<vmem>> -> memref<8x8x128xf32, #tpu.memory_space<vmem>>
    %dma_start3A_85 = arith.constant 0 : i32
    %dma_start3A_86 = arith.constant 0 : i32
    %dma_start3A_87 = tpu.memref_slice %arg4[%dma_start3A_85, %dma_start3A_86, %multiple_of3A_69] : memref<8x8x1000000xf32, #tpu.memory_space<hbm>> -> memref<8x8x128xf32, #tpu.memory_space<hbm>>
    tpu.enqueue_dma source(%dma_start3A_87 : memref<8x8x128xf32, #tpu.memory_space<hbm>>) target(%dma_start3A_84 : memref<8x8x128xf32, #tpu.memory_space<vmem>>) target_semaphore(%arg10 : memref<!tpu.dma_semaphore, #tpu.memory_space<semaphore_mem>>)
    %get3A_88 = arith.constant 1 : i32
    %get3A_89 = arith.index_cast %get3A_88 : i32 to index
    %get3A_90 = memref.load %arg7[%get3A_89] : memref<256xi32, #tpu.memory_space<smem>>
    %shift_right_arithmetic3A_91 = arith.constant 7 : i32
    %shift_right_arithmetic3A_92 = arith.shrsi %get3A_90, %shift_right_arithmetic3A_91 : i32
    %mul3A_93 = arith.constant 128 : i32
    %mul3A_94 = arith.muli %shift_right_arithmetic3A_92, %mul3A_93 : i32
    %multiple_of3A_95 = tpu.assume_multiple %mul3A_94, 128 : i32
    %dma_start3A_96 = arith.constant 0 : i32
    %dma_start3A_97 = arith.constant 1 : i32
    %dma_start3A_98 = arith.constant 0 : i32
    %dma_start3A_99 = arith.constant 0 : i32
    %dma_start3A_100 = arith.constant 0 : i32
    %dma_start3A_101 = tpu.memref_slice %arg8[%dma_start3A_96, %dma_start3A_97, %dma_start3A_98, %dma_start3A_99, %dma_start3A_100] : memref<6x2x8x8x128xf32, #tpu.memory_space<vmem>> -> memref<1x1x8x8x128xf32, #tpu.memory_space<vmem>>
    %dma_start3A_102 = tpu.memref_squeeze %dma_start3A_101 : memref<1x1x8x8x128xf32, #tpu.memory_space<vmem>> -> memref<8x8x128xf32, #tpu.memory_space<vmem>>
    %dma_start3A_103 = arith.constant 0 : i32
    %dma_start3A_104 = arith.constant 0 : i32
    %dma_start3A_105 = tpu.memref_slice %arg4[%dma_start3A_103, %dma_start3A_104, %multiple_of3A_95] : memref<8x8x1000000xf32, #tpu.memory_space<hbm>> -> memref<8x8x128xf32, #tpu.memory_space<hbm>>
    %dma_start3A_106 = arith.constant 0 : i32
    %dma_start3A_107 = arith.constant 0 : i32
    %dma_start3A_108 = arith.constant 0 : i32
    %dma_start3A_109 = tpu.memref_slice %arg8[%dma_start3A_96, %dma_start3A_97, %dma_start3A_106, %dma_start3A_107, %dma_start3A_108] : memref<6x2x8x8x128xf32, #tpu.memory_space<vmem>> -> memref<1x1x8x8x128xf32, #tpu.memory_space<vmem>>
    %dma_start3A_110 = tpu.memref_squeeze %dma_start3A_109 : memref<1x1x8x8x128xf32, #tpu.memory_space<vmem>> -> memref<8x8x128xf32, #tpu.memory_space<vmem>>
    %dma_start3A_111 = arith.constant 0 : i32
    %dma_start3A_112 = arith.constant 0 : i32
    %dma_start3A_113 = tpu.memref_slice %arg4[%dma_start3A_111, %dma_start3A_112, %multiple_of3A_95] : memref<8x8x1000000xf32, #tpu.memory_space<hbm>> -> memref<8x8x128xf32, #tpu.memory_space<hbm>>
    tpu.enqueue_dma source(%dma_start3A_113 : memref<8x8x128xf32, #tpu.memory_space<hbm>>) target(%dma_start3A_110 : memref<8x8x128xf32, #tpu.memory_space<vmem>>) target_semaphore(%arg10 : memref<!tpu.dma_semaphore, #tpu.memory_space<semaphore_mem>>)
    %get3A_114 = arith.constant 2 : i32
    %get3A_115 = arith.index_cast %get3A_114 : i32 to index
    %get3A_116 = memref.load %arg7[%get3A_115] : memref<256xi32, #tpu.memory_space<smem>>
    %shift_right_arithmetic3A_117 = arith.constant 7 : i32
    %shift_right_arithmetic3A_118 = arith.shrsi %get3A_116, %shift_right_arithmetic3A_117 : i32
    %mul3A_119 = arith.constant 128 : i32
    %mul3A_120 = arith.muli %shift_right_arithmetic3A_118, %mul3A_119 : i32
    %multiple_of3A_121 = tpu.assume_multiple %mul3A_120, 128 : i32
    %dma_start3A_122 = arith.constant 1 : i32
    %dma_start3A_123 = arith.constant 0 : i32
    %dma_start3A_124 = arith.constant 0 : i32
    %dma_start3A_125 = arith.constant 0 : i32
    %dma_start3A_126 = arith.constant 0 : i32
    %dma_start3A_127 = tpu.memref_slice %arg8[%dma_start3A_122, %dma_start3A_123, %dma_start3A_124, %dma_start3A_125, %dma_start3A_126] : memref<6x2x8x8x128xf32, #tpu.memory_space<vmem>> -> memref<1x1x8x8x128xf32, #tpu.memory_space<vmem>>
    %dma_start3A_128 = tpu.memref_squeeze %dma_start3A_127 : memref<1x1x8x8x128xf32, #tpu.memory_space<vmem>> -> memref<8x8x128xf32, #tpu.memory_space<vmem>>
    %dma_start3A_129 = arith.constant 0 : i32
    %dma_start3A_130 = arith.constant 0 : i32
    %dma_start3A_131 = tpu.memref_slice %arg4[%dma_start3A_129, %dma_start3A_130, %multiple_of3A_121] : memref<8x8x1000000xf32, #tpu.memory_space<hbm>> -> memref<8x8x128xf32, #tpu.memory_space<hbm>>
    %dma_start3A_132 = arith.constant 0 : i32
    %dma_start3A_133 = arith.constant 0 : i32
    %dma_start3A_134 = arith.constant 0 : i32
    %dma_start3A_135 = tpu.memref_slice %arg8[%dma_start3A_122, %dma_start3A_123, %dma_start3A_132, %dma_start3A_133, %dma_start3A_134] : memref<6x2x8x8x128xf32, #tpu.memory_space<vmem>> -> memref<1x1x8x8x128xf32, #tpu.memory_space<vmem>>
    %dma_start3A_136 = tpu.memref_squeeze %dma_start3A_135 : memref<1x1x8x8x128xf32, #tpu.memory_space<vmem>> -> memref<8x8x128xf32, #tpu.memory_space<vmem>>
    %dma_start3A_137 = arith.constant 0 : i32
    %dma_start3A_138 = arith.constant 0 : i32
    %dma_start3A_139 = tpu.memref_slice %arg4[%dma_start3A_137, %dma_start3A_138, %multiple_of3A_121] : memref<8x8x1000000xf32, #tpu.memory_space<hbm>> -> memref<8x8x128xf32, #tpu.memory_space<hbm>>
    tpu.enqueue_dma source(%dma_start3A_139 : memref<8x8x128xf32, #tpu.memory_space<hbm>>) target(%dma_start3A_136 : memref<8x8x128xf32, #tpu.memory_space<vmem>>) target_semaphore(%arg11 : memref<!tpu.dma_semaphore, #tpu.memory_space<semaphore_mem>>)
    %get3A_140 = arith.constant 3 : i32
    %get3A_141 = arith.index_cast %get3A_140 : i32 to index
    %get3A_142 = memref.load %arg7[%get3A_141] : memref<256xi32, #tpu.memory_space<smem>>
    %shift_right_arithmetic3A_143 = arith.constant 7 : i32
    %shift_right_arithmetic3A_144 = arith.shrsi %get3A_142, %shift_right_arithmetic3A_143 : i32
    %mul3A_145 = arith.constant 128 : i32
    %mul3A_146 = arith.muli %shift_right_arithmetic3A_144, %mul3A_145 : i32
    %multiple_of3A_147 = tpu.assume_multiple %mul3A_146, 128 : i32
    %dma_start3A_148 = arith.constant 1 : i32
    %dma_start3A_149 = arith.constant 1 : i32
    %dma_start3A_150 = arith.constant 0 : i32
    %dma_start3A_151 = arith.constant 0 : i32
    %dma_start3A_152 = arith.constant 0 : i32
    %dma_start3A_153 = tpu.memref_slice %arg8[%dma_start3A_148, %dma_start3A_149, %dma_start3A_150, %dma_start3A_151, %dma_start3A_152] : memref<6x2x8x8x128xf32, #tpu.memory_space<vmem>> -> memref<1x1x8x8x128xf32, #tpu.memory_space<vmem>>
    %dma_start3A_154 = tpu.memref_squeeze %dma_start3A_153 : memref<1x1x8x8x128xf32, #tpu.memory_space<vmem>> -> memref<8x8x128xf32, #tpu.memory_space<vmem>>
    %dma_start3A_155 = arith.constant 0 : i32
    %dma_start3A_156 = arith.constant 0 : i32
    %dma_start3A_157 = tpu.memref_slice %arg4[%dma_start3A_155, %dma_start3A_156, %multiple_of3A_147] : memref<8x8x1000000xf32, #tpu.memory_space<hbm>> -> memref<8x8x128xf32, #tpu.memory_space<hbm>>
    %dma_start3A_158 = arith.constant 0 : i32
    %dma_start3A_159 = arith.constant 0 : i32
    %dma_start3A_160 = arith.constant 0 : i32
    %dma_start3A_161 = tpu.memref_slice %arg8[%dma_start3A_148, %dma_start3A_149, %dma_start3A_158, %dma_start3A_159, %dma_start3A_160] : memref<6x2x8x8x128xf32, #tpu.memory_space<vmem>> -> memref<1x1x8x8x128xf32, #tpu.memory_space<vmem>>
    %dma_start3A_162 = tpu.memref_squeeze %dma_start3A_161 : memref<1x1x8x8x128xf32, #tpu.memory_space<vmem>> -> memref<8x8x128xf32, #tpu.memory_space<vmem>>
    %dma_start3A_163 = arith.constant 0 : i32
    %dma_start3A_164 = arith.constant 0 : i32
    %dma_start3A_165 = tpu.memref_slice %arg4[%dma_start3A_163, %dma_start3A_164, %multiple_of3A_147] : memref<8x8x1000000xf32, #tpu.memory_space<hbm>> -> memref<8x8x128xf32, #tpu.memory_space<hbm>>
    tpu.enqueue_dma source(%dma_start3A_165 : memref<8x8x128xf32, #tpu.memory_space<hbm>>) target(%dma_start3A_162 : memref<8x8x128xf32, #tpu.memory_space<vmem>>) target_semaphore(%arg11 : memref<!tpu.dma_semaphore, #tpu.memory_space<semaphore_mem>>)
    %get3A_166 = arith.constant 4 : i32
    %get3A_167 = arith.index_cast %get3A_166 : i32 to index
    %get3A_168 = memref.load %arg7[%get3A_167] : memref<256xi32, #tpu.memory_space<smem>>
    %shift_right_arithmetic3A_169 = arith.constant 7 : i32
    %shift_right_arithmetic3A_170 = arith.shrsi %get3A_168, %shift_right_arithmetic3A_169 : i32
    %mul3A_171 = arith.constant 128 : i32
    %mul3A_172 = arith.muli %shift_right_arithmetic3A_170, %mul3A_171 : i32
    %multiple_of3A_173 = tpu.assume_multiple %mul3A_172, 128 : i32
    %dma_start3A_174 = arith.constant 2 : i32
    %dma_start3A_175 = arith.constant 0 : i32
    %dma_start3A_176 = arith.constant 0 : i32
    %dma_start3A_177 = arith.constant 0 : i32
    %dma_start3A_178 = arith.constant 0 : i32
    %dma_start3A_179 = tpu.memref_slice %arg8[%dma_start3A_174, %dma_start3A_175, %dma_start3A_176, %dma_start3A_177, %dma_start3A_178] : memref<6x2x8x8x128xf32, #tpu.memory_space<vmem>> -> memref<1x1x8x8x128xf32, #tpu.memory_space<vmem>>
    %dma_start3A_180 = tpu.memref_squeeze %dma_start3A_179 : memref<1x1x8x8x128xf32, #tpu.memory_space<vmem>> -> memref<8x8x128xf32, #tpu.memory_space<vmem>>
    %dma_start3A_181 = arith.constant 0 : i32
    %dma_start3A_182 = arith.constant 0 : i32
    %dma_start3A_183 = tpu.memref_slice %arg4[%dma_start3A_181, %dma_start3A_182, %multiple_of3A_173] : memref<8x8x1000000xf32, #tpu.memory_space<hbm>> -> memref<8x8x128xf32, #tpu.memory_space<hbm>>
    %dma_start3A_184 = arith.constant 0 : i32
    %dma_start3A_185 = arith.constant 0 : i32
    %dma_start3A_186 = arith.constant 0 : i32
    %dma_start3A_187 = tpu.memref_slice %arg8[%dma_start3A_174, %dma_start3A_175, %dma_start3A_184, %dma_start3A_185, %dma_start3A_186] : memref<6x2x8x8x128xf32, #tpu.memory_space<vmem>> -> memref<1x1x8x8x128xf32, #tpu.memory_space<vmem>>
    %dma_start3A_188 = tpu.memref_squeeze %dma_start3A_187 : memref<1x1x8x8x128xf32, #tpu.memory_space<vmem>> -> memref<8x8x128xf32, #tpu.memory_space<vmem>>
    %dma_start3A_189 = arith.constant 0 : i32
    %dma_start3A_190 = arith.constant 0 : i32
    %dma_start3A_191 = tpu.memref_slice %arg4[%dma_start3A_189, %dma_start3A_190, %multiple_of3A_173] : memref<8x8x1000000xf32, #tpu.memory_space<hbm>> -> memref<8x8x128xf32, #tpu.memory_space<hbm>>
    tpu.enqueue_dma source(%dma_start3A_191 : memref<8x8x128xf32, #tpu.memory_space<hbm>>) target(%dma_start3A_188 : memref<8x8x128xf32, #tpu.memory_space<vmem>>) target_semaphore(%arg12 : memref<!tpu.dma_semaphore, #tpu.memory_space<semaphore_mem>>)
    %get3A_192 = arith.constant 5 : i32
    %get3A_193 = arith.index_cast %get3A_192 : i32 to index
    %get3A_194 = memref.load %arg7[%get3A_193] : memref<256xi32, #tpu.memory_space<smem>>
    %shift_right_arithmetic3A_195 = arith.constant 7 : i32
    %shift_right_arithmetic3A_196 = arith.shrsi %get3A_194, %shift_right_arithmetic3A_195 : i32
    %mul3A_197 = arith.constant 128 : i32
    %mul3A_198 = arith.muli %shift_right_arithmetic3A_196, %mul3A_197 : i32
    %multiple_of3A_199 = tpu.assume_multiple %mul3A_198, 128 : i32
    %dma_start3A_200 = arith.constant 2 : i32
    %dma_start3A_201 = arith.constant 1 : i32
    %dma_start3A_202 = arith.constant 0 : i32
    %dma_start3A_203 = arith.constant 0 : i32
    %dma_start3A_204 = arith.constant 0 : i32
    %dma_start3A_205 = tpu.memref_slice %arg8[%dma_start3A_200, %dma_start3A_201, %dma_start3A_202, %dma_start3A_203, %dma_start3A_204] : memref<6x2x8x8x128xf32, #tpu.memory_space<vmem>> -> memref<1x1x8x8x128xf32, #tpu.memory_space<vmem>>
    %dma_start3A_206 = tpu.memref_squeeze %dma_start3A_205 : memref<1x1x8x8x128xf32, #tpu.memory_space<vmem>> -> memref<8x8x128xf32, #tpu.memory_space<vmem>>
    %dma_start3A_207 = arith.constant 0 : i32
    %dma_start3A_208 = arith.constant 0 : i32
    %dma_start3A_209 = tpu.memref_slice %arg4[%dma_start3A_207, %dma_start3A_208, %multiple_of3A_199] : memref<8x8x1000000xf32, #tpu.memory_space<hbm>> -> memref<8x8x128xf32, #tpu.memory_space<hbm>>
    %dma_start3A_210 = arith.constant 0 : i32
    %dma_start3A_211 = arith.constant 0 : i32
    %dma_start3A_212 = arith.constant 0 : i32
    %dma_start3A_213 = tpu.memref_slice %arg8[%dma_start3A_200, %dma_start3A_201, %dma_start3A_210, %dma_start3A_211, %dma_start3A_212] : memref<6x2x8x8x128xf32, #tpu.memory_space<vmem>> -> memref<1x1x8x8x128xf32, #tpu.memory_space<vmem>>
    %dma_start3A_214 = tpu.memref_squeeze %dma_start3A_213 : memref<1x1x8x8x128xf32, #tpu.memory_space<vmem>> -> memref<8x8x128xf32, #tpu.memory_space<vmem>>
    %dma_start3A_215 = arith.constant 0 : i32
    %dma_start3A_216 = arith.constant 0 : i32
    %dma_start3A_217 = tpu.memref_slice %arg4[%dma_start3A_215, %dma_start3A_216, %multiple_of3A_199] : memref<8x8x1000000xf32, #tpu.memory_space<hbm>> -> memref<8x8x128xf32, #tpu.memory_space<hbm>>
    tpu.enqueue_dma source(%dma_start3A_217 : memref<8x8x128xf32, #tpu.memory_space<hbm>>) target(%dma_start3A_214 : memref<8x8x128xf32, #tpu.memory_space<vmem>>) target_semaphore(%arg12 : memref<!tpu.dma_semaphore, #tpu.memory_space<semaphore_mem>>)
    %get3A_218 = arith.constant 6 : i32
    %get3A_219 = arith.index_cast %get3A_218 : i32 to index
    %get3A_220 = memref.load %arg7[%get3A_219] : memref<256xi32, #tpu.memory_space<smem>>
    %shift_right_arithmetic3A_221 = arith.constant 7 : i32
    %shift_right_arithmetic3A_222 = arith.shrsi %get3A_220, %shift_right_arithmetic3A_221 : i32
    %mul3A_223 = arith.constant 128 : i32
    %mul3A_224 = arith.muli %shift_right_arithmetic3A_222, %mul3A_223 : i32
    %multiple_of3A_225 = tpu.assume_multiple %mul3A_224, 128 : i32
    %dma_start3A_226 = arith.constant 3 : i32
    %dma_start3A_227 = arith.constant 0 : i32
    %dma_start3A_228 = arith.constant 0 : i32
    %dma_start3A_229 = arith.constant 0 : i32
    %dma_start3A_230 = arith.constant 0 : i32
    %dma_start3A_231 = tpu.memref_slice %arg8[%dma_start3A_226, %dma_start3A_227, %dma_start3A_228, %dma_start3A_229, %dma_start3A_230] : memref<6x2x8x8x128xf32, #tpu.memory_space<vmem>> -> memref<1x1x8x8x128xf32, #tpu.memory_space<vmem>>
    %dma_start3A_232 = tpu.memref_squeeze %dma_start3A_231 : memref<1x1x8x8x128xf32, #tpu.memory_space<vmem>> -> memref<8x8x128xf32, #tpu.memory_space<vmem>>
    %dma_start3A_233 = arith.constant 0 : i32
    %dma_start3A_234 = arith.constant 0 : i32
    %dma_start3A_235 = tpu.memref_slice %arg4[%dma_start3A_233, %dma_start3A_234, %multiple_of3A_225] : memref<8x8x1000000xf32, #tpu.memory_space<hbm>> -> memref<8x8x128xf32, #tpu.memory_space<hbm>>
    %dma_start3A_236 = arith.constant 0 : i32
    %dma_start3A_237 = arith.constant 0 : i32
    %dma_start3A_238 = arith.constant 0 : i32
    %dma_start3A_239 = tpu.memref_slice %arg8[%dma_start3A_226, %dma_start3A_227, %dma_start3A_236, %dma_start3A_237, %dma_start3A_238] : memref<6x2x8x8x128xf32, #tpu.memory_space<vmem>> -> memref<1x1x8x8x128xf32, #tpu.memory_space<vmem>>
    %dma_start3A_240 = tpu.memref_squeeze %dma_start3A_239 : memref<1x1x8x8x128xf32, #tpu.memory_space<vmem>> -> memref<8x8x128xf32, #tpu.memory_space<vmem>>
    %dma_start3A_241 = arith.constant 0 : i32
    %dma_start3A_242 = arith.constant 0 : i32
    %dma_start3A_243 = tpu.memref_slice %arg4[%dma_start3A_241, %dma_start3A_242, %multiple_of3A_225] : memref<8x8x1000000xf32, #tpu.memory_space<hbm>> -> memref<8x8x128xf32, #tpu.memory_space<hbm>>
    tpu.enqueue_dma source(%dma_start3A_243 : memref<8x8x128xf32, #tpu.memory_space<hbm>>) target(%dma_start3A_240 : memref<8x8x128xf32, #tpu.memory_space<vmem>>) target_semaphore(%arg13 : memref<!tpu.dma_semaphore, #tpu.memory_space<semaphore_mem>>)
    %get3A_244 = arith.constant 7 : i32
    %get3A_245 = arith.index_cast %get3A_244 : i32 to index
    %get3A_246 = memref.load %arg7[%get3A_245] : memref<256xi32, #tpu.memory_space<smem>>
    %shift_right_arithmetic3A_247 = arith.constant 7 : i32
    %shift_right_arithmetic3A_248 = arith.shrsi %get3A_246, %shift_right_arithmetic3A_247 : i32
    %mul3A_249 = arith.constant 128 : i32
    %mul3A_250 = arith.muli %shift_right_arithmetic3A_248, %mul3A_249 : i32
    %multiple_of3A_251 = tpu.assume_multiple %mul3A_250, 128 : i32
    %dma_start3A_252 = arith.constant 3 : i32
    %dma_start3A_253 = arith.constant 1 : i32
    %dma_start3A_254 = arith.constant 0 : i32
    %dma_start3A_255 = arith.constant 0 : i32
    %dma_start3A_256 = arith.constant 0 : i32
    %dma_start3A_257 = tpu.memref_slice %arg8[%dma_start3A_252, %dma_start3A_253, %dma_start3A_254, %dma_start3A_255, %dma_start3A_256] : memref<6x2x8x8x128xf32, #tpu.memory_space<vmem>> -> memref<1x1x8x8x128xf32, #tpu.memory_space<vmem>>
    %dma_start3A_258 = tpu.memref_squeeze %dma_start3A_257 : memref<1x1x8x8x128xf32, #tpu.memory_space<vmem>> -> memref<8x8x128xf32, #tpu.memory_space<vmem>>
    %dma_start3A_259 = arith.constant 0 : i32
    %dma_start3A_260 = arith.constant 0 : i32
    %dma_start3A_261 = tpu.memref_slice %arg4[%dma_start3A_259, %dma_start3A_260, %multiple_of3A_251] : memref<8x8x1000000xf32, #tpu.memory_space<hbm>> -> memref<8x8x128xf32, #tpu.memory_space<hbm>>
    %dma_start3A_262 = arith.constant 0 : i32
    %dma_start3A_263 = arith.constant 0 : i32
    %dma_start3A_264 = arith.constant 0 : i32
    %dma_start3A_265 = tpu.memref_slice %arg8[%dma_start3A_252, %dma_start3A_253, %dma_start3A_262, %dma_start3A_263, %dma_start3A_264] : memref<6x2x8x8x128xf32, #tpu.memory_space<vmem>> -> memref<1x1x8x8x128xf32, #tpu.memory_space<vmem>>
    %dma_start3A_266 = tpu.memref_squeeze %dma_start3A_265 : memref<1x1x8x8x128xf32, #tpu.memory_space<vmem>> -> memref<8x8x128xf32, #tpu.memory_space<vmem>>
    %dma_start3A_267 = arith.constant 0 : i32
    %dma_start3A_268 = arith.constant 0 : i32
    %dma_start3A_269 = tpu.memref_slice %arg4[%dma_start3A_267, %dma_start3A_268, %multiple_of3A_251] : memref<8x8x1000000xf32, #tpu.memory_space<hbm>> -> memref<8x8x128xf32, #tpu.memory_space<hbm>>
    tpu.enqueue_dma source(%dma_start3A_269 : memref<8x8x128xf32, #tpu.memory_space<hbm>>) target(%dma_start3A_266 : memref<8x8x128xf32, #tpu.memory_space<vmem>>) target_semaphore(%arg13 : memref<!tpu.dma_semaphore, #tpu.memory_space<semaphore_mem>>)
    %get3A_270 = arith.constant 8 : i32
    %get3A_271 = arith.index_cast %get3A_270 : i32 to index
    %get3A_272 = memref.load %arg7[%get3A_271] : memref<256xi32, #tpu.memory_space<smem>>
    %shift_right_arithmetic3A_273 = arith.constant 7 : i32
    %shift_right_arithmetic3A_274 = arith.shrsi %get3A_272, %shift_right_arithmetic3A_273 : i32
    %mul3A_275 = arith.constant 128 : i32
    %mul3A_276 = arith.muli %shift_right_arithmetic3A_274, %mul3A_275 : i32
    %multiple_of3A_277 = tpu.assume_multiple %mul3A_276, 128 : i32
    %dma_start3A_278 = arith.constant 4 : i32
    %dma_start3A_279 = arith.constant 0 : i32
    %dma_start3A_280 = arith.constant 0 : i32
    %dma_start3A_281 = arith.constant 0 : i32
    %dma_start3A_282 = arith.constant 0 : i32
    %dma_start3A_283 = tpu.memref_slice %arg8[%dma_start3A_278, %dma_start3A_279, %dma_start3A_280, %dma_start3A_281, %dma_start3A_282] : memref<6x2x8x8x128xf32, #tpu.memory_space<vmem>> -> memref<1x1x8x8x128xf32, #tpu.memory_space<vmem>>
    %dma_start3A_284 = tpu.memref_squeeze %dma_start3A_283 : memref<1x1x8x8x128xf32, #tpu.memory_space<vmem>> -> memref<8x8x128xf32, #tpu.memory_space<vmem>>
    %dma_start3A_285 = arith.constant 0 : i32
    %dma_start3A_286 = arith.constant 0 : i32
    %dma_start3A_287 = tpu.memref_slice %arg4[%dma_start3A_285, %dma_start3A_286, %multiple_of3A_277] : memref<8x8x1000000xf32, #tpu.memory_space<hbm>> -> memref<8x8x128xf32, #tpu.memory_space<hbm>>
    %dma_start3A_288 = arith.constant 0 : i32
    %dma_start3A_289 = arith.constant 0 : i32
    %dma_start3A_290 = arith.constant 0 : i32
    %dma_start3A_291 = tpu.memref_slice %arg8[%dma_start3A_278, %dma_start3A_279, %dma_start3A_288, %dma_start3A_289, %dma_start3A_290] : memref<6x2x8x8x128xf32, #tpu.memory_space<vmem>> -> memref<1x1x8x8x128xf32, #tpu.memory_space<vmem>>
    %dma_start3A_292 = tpu.memref_squeeze %dma_start3A_291 : memref<1x1x8x8x128xf32, #tpu.memory_space<vmem>> -> memref<8x8x128xf32, #tpu.memory_space<vmem>>
    %dma_start3A_293 = arith.constant 0 : i32
    %dma_start3A_294 = arith.constant 0 : i32
    %dma_start3A_295 = tpu.memref_slice %arg4[%dma_start3A_293, %dma_start3A_294, %multiple_of3A_277] : memref<8x8x1000000xf32, #tpu.memory_space<hbm>> -> memref<8x8x128xf32, #tpu.memory_space<hbm>>
    tpu.enqueue_dma source(%dma_start3A_295 : memref<8x8x128xf32, #tpu.memory_space<hbm>>) target(%dma_start3A_292 : memref<8x8x128xf32, #tpu.memory_space<vmem>>) target_semaphore(%arg14 : memref<!tpu.dma_semaphore, #tpu.memory_space<semaphore_mem>>)
    %get3A_296 = arith.constant 9 : i32
    %get3A_297 = arith.index_cast %get3A_296 : i32 to index
    %get3A_298 = memref.load %arg7[%get3A_297] : memref<256xi32, #tpu.memory_space<smem>>
    %shift_right_arithmetic3A_299 = arith.constant 7 : i32
    %shift_right_arithmetic3A_300 = arith.shrsi %get3A_298, %shift_right_arithmetic3A_299 : i32
    %mul3A_301 = arith.constant 128 : i32
    %mul3A_302 = arith.muli %shift_right_arithmetic3A_300, %mul3A_301 : i32
    %multiple_of3A_303 = tpu.assume_multiple %mul3A_302, 128 : i32
    %dma_start3A_304 = arith.constant 4 : i32
    %dma_start3A_305 = arith.constant 1 : i32
    %dma_start3A_306 = arith.constant 0 : i32
    %dma_start3A_307 = arith.constant 0 : i32
    %dma_start3A_308 = arith.constant 0 : i32
    %dma_start3A_309 = tpu.memref_slice %arg8[%dma_start3A_304, %dma_start3A_305, %dma_start3A_306, %dma_start3A_307, %dma_start3A_308] : memref<6x2x8x8x128xf32, #tpu.memory_space<vmem>> -> memref<1x1x8x8x128xf32, #tpu.memory_space<vmem>>
    %dma_start3A_310 = tpu.memref_squeeze %dma_start3A_309 : memref<1x1x8x8x128xf32, #tpu.memory_space<vmem>> -> memref<8x8x128xf32, #tpu.memory_space<vmem>>
    %dma_start3A_311 = arith.constant 0 : i32
    %dma_start3A_312 = arith.constant 0 : i32
    %dma_start3A_313 = tpu.memref_slice %arg4[%dma_start3A_311, %dma_start3A_312, %multiple_of3A_303] : memref<8x8x1000000xf32, #tpu.memory_space<hbm>> -> memref<8x8x128xf32, #tpu.memory_space<hbm>>
    %dma_start3A_314 = arith.constant 0 : i32
    %dma_start3A_315 = arith.constant 0 : i32
    %dma_start3A_316 = arith.constant 0 : i32
    %dma_start3A_317 = tpu.memref_slice %arg8[%dma_start3A_304, %dma_start3A_305, %dma_start3A_314, %dma_start3A_315, %dma_start3A_316] : memref<6x2x8x8x128xf32, #tpu.memory_space<vmem>> -> memref<1x1x8x8x128xf32, #tpu.memory_space<vmem>>
    %dma_start3A_318 = tpu.memref_squeeze %dma_start3A_317 : memref<1x1x8x8x128xf32, #tpu.memory_space<vmem>> -> memref<8x8x128xf32, #tpu.memory_space<vmem>>
    %dma_start3A_319 = arith.constant 0 : i32
    %dma_start3A_320 = arith.constant 0 : i32
    %dma_start3A_321 = tpu.memref_slice %arg4[%dma_start3A_319, %dma_start3A_320, %multiple_of3A_303] : memref<8x8x1000000xf32, #tpu.memory_space<hbm>> -> memref<8x8x128xf32, #tpu.memory_space<hbm>>
    tpu.enqueue_dma source(%dma_start3A_321 : memref<8x8x128xf32, #tpu.memory_space<hbm>>) target(%dma_start3A_318 : memref<8x8x128xf32, #tpu.memory_space<vmem>>) target_semaphore(%arg14 : memref<!tpu.dma_semaphore, #tpu.memory_space<semaphore_mem>>)
    %dma_wait3A = arith.constant 0 : i32
    %dma_wait3A_322 = arith.constant 0 : i32
    %dma_wait3A_323 = tpu.memref_slice %arg3[%dma_wait3A, %div3A_6, %dma_wait3A_322] : memref<64x16x128xf32, #tpu.memory_space<hbm>> -> memref<64x2x128xf32, #tpu.memory_space<hbm>>
    %dma_wait3A_324 = arith.constant 0 : i32
    %dma_wait3A_325 = arith.constant 0 : i32
    %dma_wait3A_326 = tpu.memref_slice %arg3[%dma_wait3A_324, %div3A_6, %dma_wait3A_325] : memref<64x16x128xf32, #tpu.memory_space<hbm>> -> memref<64x2x128xf32, #tpu.memory_space<hbm>>
    tpu.wait_dma2 semaphore(%arg16 : memref<!tpu.dma_semaphore, #tpu.memory_space<semaphore_mem>>) src(%dma_wait3A_326 : memref<64x2x128xf32, #tpu.memory_space<hbm>>) dst(%arg9 : memref<64x2x128xf32, #tpu.memory_space<vmem>>)
    %scan3A_327 = arith.constant 0 : i32
    %scan3A_328 = arith.constant 0 : i32
    %scan3A_329 = arith.constant 20 : i32
    %scan3A_330 = arith.addi %scan3A_328, %scan3A_329 : i32
    %scan3A_331 = arith.constant 1 : i32
    scf.for %scan3A_1671 = %scan3A_328 to %scan3A_330 step %scan3A_331  : i32 {
      %mul3A_1672 = arith.constant 6 : i32
      %mul3A_1673 = arith.muli %scan3A_1671, %mul3A_1672 : i32
      %add3A_1674 = arith.constant 0 : i32
      %add3A_1675 = arith.addi %mul3A_1673, %add3A_1674 : i32
      %add3A_1676 = arith.constant 5 : i32
      %add3A_1677 = arith.addi %add3A_1675, %add3A_1676 : i32
      %mul3A_1678 = arith.constant 2 : i32
      %mul3A_1679 = arith.muli %add3A_1677, %mul3A_1678 : i32
      %add3A_1680 = arith.constant 0 : i32
      %add3A_1681 = arith.addi %mul3A_1679, %add3A_1680 : i32
      %get3A_1682 = arith.index_cast %add3A_1681 : i32 to index
      %get3A_1683 = memref.load %arg7[%get3A_1682] : memref<256xi32, #tpu.memory_space<smem>>
      %shift_right_arithmetic3A_1684 = arith.constant 7 : i32
      %shift_right_arithmetic3A_1685 = arith.shrsi %get3A_1683, %shift_right_arithmetic3A_1684 : i32
      %mul3A_1686 = arith.constant 128 : i32
      %mul3A_1687 = arith.muli %shift_right_arithmetic3A_1685, %mul3A_1686 : i32
      %multiple_of3A_1688 = tpu.assume_multiple %mul3A_1687, 128 : i32
      %dma_start3A_1689 = arith.constant 5 : i32
      %dma_start3A_1690 = arith.constant 0 : i32
      %dma_start3A_1691 = arith.constant 0 : i32
      %dma_start3A_1692 = arith.constant 0 : i32
      %dma_start3A_1693 = arith.constant 0 : i32
      %dma_start3A_1694 = tpu.memref_slice %arg8[%dma_start3A_1689, %dma_start3A_1690, %dma_start3A_1691, %dma_start3A_1692, %dma_start3A_1693] : memref<6x2x8x8x128xf32, #tpu.memory_space<vmem>> -> memref<1x1x8x8x128xf32, #tpu.memory_space<vmem>>
      %dma_start3A_1695 = tpu.memref_squeeze %dma_start3A_1694 : memref<1x1x8x8x128xf32, #tpu.memory_space<vmem>> -> memref<8x8x128xf32, #tpu.memory_space<vmem>>
      %dma_start3A_1696 = arith.constant 0 : i32
      %dma_start3A_1697 = arith.constant 0 : i32
      %dma_start3A_1698 = tpu.memref_slice %arg4[%dma_start3A_1696, %dma_start3A_1697, %multiple_of3A_1688] : memref<8x8x1000000xf32, #tpu.memory_space<hbm>> -> memref<8x8x128xf32, #tpu.memory_space<hbm>>
      %dma_start3A_1699 = arith.constant 0 : i32
      %dma_start3A_1700 = arith.constant 0 : i32
      %dma_start3A_1701 = arith.constant 0 : i32
      %dma_start3A_1702 = tpu.memref_slice %arg8[%dma_start3A_1689, %dma_start3A_1690, %dma_start3A_1699, %dma_start3A_1700, %dma_start3A_1701] : memref<6x2x8x8x128xf32, #tpu.memory_space<vmem>> -> memref<1x1x8x8x128xf32, #tpu.memory_space<vmem>>
      %dma_start3A_1703 = tpu.memref_squeeze %dma_start3A_1702 : memref<1x1x8x8x128xf32, #tpu.memory_space<vmem>> -> memref<8x8x128xf32, #tpu.memory_space<vmem>>
      %dma_start3A_1704 = arith.constant 0 : i32
      %dma_start3A_1705 = arith.constant 0 : i32
      %dma_start3A_1706 = tpu.memref_slice %arg4[%dma_start3A_1704, %dma_start3A_1705, %multiple_of3A_1688] : memref<8x8x1000000xf32, #tpu.memory_space<hbm>> -> memref<8x8x128xf32, #tpu.memory_space<hbm>>
      tpu.enqueue_dma source(%dma_start3A_1706 : memref<8x8x128xf32, #tpu.memory_space<hbm>>) target(%dma_start3A_1703 : memref<8x8x128xf32, #tpu.memory_space<vmem>>) target_semaphore(%arg15 : memref<!tpu.dma_semaphore, #tpu.memory_space<semaphore_mem>>)
      %mul3A_1707 = arith.constant 2 : i32
      %mul3A_1708 = arith.muli %add3A_1677, %mul3A_1707 : i32
      %add3A_1709 = arith.constant 1 : i32
      %add3A_1710 = arith.addi %mul3A_1708, %add3A_1709 : i32
      %get3A_1711 = arith.index_cast %add3A_1710 : i32 to index
      %get3A_1712 = memref.load %arg7[%get3A_1711] : memref<256xi32, #tpu.memory_space<smem>>
      %shift_right_arithmetic3A_1713 = arith.constant 7 : i32
      %shift_right_arithmetic3A_1714 = arith.shrsi %get3A_1712, %shift_right_arithmetic3A_1713 : i32
      %mul3A_1715 = arith.constant 128 : i32
      %mul3A_1716 = arith.muli %shift_right_arithmetic3A_1714, %mul3A_1715 : i32
      %multiple_of3A_1717 = tpu.assume_multiple %mul3A_1716, 128 : i32
      %dma_start3A_1718 = arith.constant 5 : i32
      %dma_start3A_1719 = arith.constant 1 : i32
      %dma_start3A_1720 = arith.constant 0 : i32
      %dma_start3A_1721 = arith.constant 0 : i32
      %dma_start3A_1722 = arith.constant 0 : i32
      %dma_start3A_1723 = tpu.memref_slice %arg8[%dma_start3A_1718, %dma_start3A_1719, %dma_start3A_1720, %dma_start3A_1721, %dma_start3A_1722] : memref<6x2x8x8x128xf32, #tpu.memory_space<vmem>> -> memref<1x1x8x8x128xf32, #tpu.memory_space<vmem>>
      %dma_start3A_1724 = tpu.memref_squeeze %dma_start3A_1723 : memref<1x1x8x8x128xf32, #tpu.memory_space<vmem>> -> memref<8x8x128xf32, #tpu.memory_space<vmem>>
      %dma_start3A_1725 = arith.constant 0 : i32
      %dma_start3A_1726 = arith.constant 0 : i32
      %dma_start3A_1727 = tpu.memref_slice %arg4[%dma_start3A_1725, %dma_start3A_1726, %multiple_of3A_1717] : memref<8x8x1000000xf32, #tpu.memory_space<hbm>> -> memref<8x8x128xf32, #tpu.memory_space<hbm>>
      %dma_start3A_1728 = arith.constant 0 : i32
      %dma_start3A_1729 = arith.constant 0 : i32
      %dma_start3A_1730 = arith.constant 0 : i32
      %dma_start3A_1731 = tpu.memref_slice %arg8[%dma_start3A_1718, %dma_start3A_1719, %dma_start3A_1728, %dma_start3A_1729, %dma_start3A_1730] : memref<6x2x8x8x128xf32, #tpu.memory_space<vmem>> -> memref<1x1x8x8x128xf32, #tpu.memory_space<vmem>>
      %dma_start3A_1732 = tpu.memref_squeeze %dma_start3A_1731 : memref<1x1x8x8x128xf32, #tpu.memory_space<vmem>> -> memref<8x8x128xf32, #tpu.memory_space<vmem>>
      %dma_start3A_1733 = arith.constant 0 : i32
      %dma_start3A_1734 = arith.constant 0 : i32
      %dma_start3A_1735 = tpu.memref_slice %arg4[%dma_start3A_1733, %dma_start3A_1734, %multiple_of3A_1717] : memref<8x8x1000000xf32, #tpu.memory_space<hbm>> -> memref<8x8x128xf32, #tpu.memory_space<hbm>>
      tpu.enqueue_dma source(%dma_start3A_1735 : memref<8x8x128xf32, #tpu.memory_space<hbm>>) target(%dma_start3A_1732 : memref<8x8x128xf32, #tpu.memory_space<vmem>>) target_semaphore(%arg15 : memref<!tpu.dma_semaphore, #tpu.memory_space<semaphore_mem>>)
      %dma_wait3A_1736 = arith.constant 0 : i32
      %dma_wait3A_1737 = arith.constant 0 : i32
      %dma_wait3A_1738 = arith.constant 0 : i32
      %dma_wait3A_1739 = arith.constant 0 : i32
      %dma_wait3A_1740 = arith.constant 0 : i32
      %dma_wait3A_1741 = tpu.memref_slice %arg8[%dma_wait3A_1736, %dma_wait3A_1737, %dma_wait3A_1738, %dma_wait3A_1739, %dma_wait3A_1740] : memref<6x2x8x8x128xf32, #tpu.memory_space<vmem>> -> memref<1x1x8x8x128xf32, #tpu.memory_space<vmem>>
      %dma_wait3A_1742 = tpu.memref_squeeze %dma_wait3A_1741 : memref<1x1x8x8x128xf32, #tpu.memory_space<vmem>> -> memref<8x8x128xf32, #tpu.memory_space<vmem>>
      %dma_wait3A_1743 = arith.constant 0 : i32
      %dma_wait3A_1744 = arith.constant 0 : i32
      %dma_wait3A_1745 = arith.constant 0 : i32
      %dma_wait3A_1746 = tpu.memref_slice %arg4[%dma_wait3A_1743, %dma_wait3A_1744, %dma_wait3A_1745] : memref<8x8x1000000xf32, #tpu.memory_space<hbm>> -> memref<8x8x128xf32, #tpu.memory_space<hbm>>
      %dma_wait3A_1747 = arith.constant 0 : i32
      %dma_wait3A_1748 = arith.constant 0 : i32
      %dma_wait3A_1749 = arith.constant 0 : i32
      %dma_wait3A_1750 = tpu.memref_slice %arg8[%dma_wait3A_1736, %dma_wait3A_1737, %dma_wait3A_1747, %dma_wait3A_1748, %dma_wait3A_1749] : memref<6x2x8x8x128xf32, #tpu.memory_space<vmem>> -> memref<1x1x8x8x128xf32, #tpu.memory_space<vmem>>
      %dma_wait3A_1751 = tpu.memref_squeeze %dma_wait3A_1750 : memref<1x1x8x8x128xf32, #tpu.memory_space<vmem>> -> memref<8x8x128xf32, #tpu.memory_space<vmem>>
      %dma_wait3A_1752 = arith.constant 0 : i32
      %dma_wait3A_1753 = arith.constant 0 : i32
      %dma_wait3A_1754 = arith.constant 0 : i32
      %dma_wait3A_1755 = tpu.memref_slice %arg4[%dma_wait3A_1752, %dma_wait3A_1753, %dma_wait3A_1754] : memref<8x8x1000000xf32, #tpu.memory_space<hbm>> -> memref<8x8x128xf32, #tpu.memory_space<hbm>>
      tpu.wait_dma2 semaphore(%arg10 : memref<!tpu.dma_semaphore, #tpu.memory_space<semaphore_mem>>) src(%dma_wait3A_1755 : memref<8x8x128xf32, #tpu.memory_space<hbm>>) dst(%dma_wait3A_1751 : memref<8x8x128xf32, #tpu.memory_space<vmem>>)
      %dma_wait3A_1756 = arith.constant 0 : i32
      %dma_wait3A_1757 = arith.constant 1 : i32
      %dma_wait3A_1758 = arith.constant 0 : i32
      %dma_wait3A_1759 = arith.constant 0 : i32
      %dma_wait3A_1760 = arith.constant 0 : i32
      %dma_wait3A_1761 = tpu.memref_slice %arg8[%dma_wait3A_1756, %dma_wait3A_1757, %dma_wait3A_1758, %dma_wait3A_1759, %dma_wait3A_1760] : memref<6x2x8x8x128xf32, #tpu.memory_space<vmem>> -> memref<1x1x8x8x128xf32, #tpu.memory_space<vmem>>
      %dma_wait3A_1762 = tpu.memref_squeeze %dma_wait3A_1761 : memref<1x1x8x8x128xf32, #tpu.memory_space<vmem>> -> memref<8x8x128xf32, #tpu.memory_space<vmem>>
      %dma_wait3A_1763 = arith.constant 0 : i32
      %dma_wait3A_1764 = arith.constant 0 : i32
      %dma_wait3A_1765 = arith.constant 0 : i32
      %dma_wait3A_1766 = tpu.memref_slice %arg4[%dma_wait3A_1763, %dma_wait3A_1764, %dma_wait3A_1765] : memref<8x8x1000000xf32, #tpu.memory_space<hbm>> -> memref<8x8x128xf32, #tpu.memory_space<hbm>>
      %dma_wait3A_1767 = arith.constant 0 : i32
      %dma_wait3A_1768 = arith.constant 0 : i32
      %dma_wait3A_1769 = arith.constant 0 : i32
      %dma_wait3A_1770 = tpu.memref_slice %arg8[%dma_wait3A_1756, %dma_wait3A_1757, %dma_wait3A_1767, %dma_wait3A_1768, %dma_wait3A_1769] : memref<6x2x8x8x128xf32, #tpu.memory_space<vmem>> -> memref<1x1x8x8x128xf32, #tpu.memory_space<vmem>>
      %dma_wait3A_1771 = tpu.memref_squeeze %dma_wait3A_1770 : memref<1x1x8x8x128xf32, #tpu.memory_space<vmem>> -> memref<8x8x128xf32, #tpu.memory_space<vmem>>
      %dma_wait3A_1772 = arith.constant 0 : i32
      %dma_wait3A_1773 = arith.constant 0 : i32
      %dma_wait3A_1774 = arith.constant 0 : i32
      %dma_wait3A_1775 = tpu.memref_slice %arg4[%dma_wait3A_1772, %dma_wait3A_1773, %dma_wait3A_1774] : memref<8x8x1000000xf32, #tpu.memory_space<hbm>> -> memref<8x8x128xf32, #tpu.memory_space<hbm>>
      tpu.wait_dma2 semaphore(%arg10 : memref<!tpu.dma_semaphore, #tpu.memory_space<semaphore_mem>>) src(%dma_wait3A_1775 : memref<8x8x128xf32, #tpu.memory_space<hbm>>) dst(%dma_wait3A_1771 : memref<8x8x128xf32, #tpu.memory_space<vmem>>)
      %add3A_1776 = arith.constant 0 : i32
      %add3A_1777 = arith.addi %mul3A_1673, %add3A_1776 : i32
      %mul3A_1778 = arith.constant 2 : i32
      %mul3A_1779 = arith.muli %add3A_1777, %mul3A_1778 : i32
      %add3A_1780 = arith.constant 0 : i32
      %add3A_1781 = arith.addi %mul3A_1779, %add3A_1780 : i32
      %get3A_1782 = arith.index_cast %add3A_1781 : i32 to index
      %get3A_1783 = memref.load %arg7[%get3A_1782] : memref<256xi32, #tpu.memory_space<smem>>
      %and3A_1784 = arith.constant 127 : i32
      %and3A_1785 = arith.andi %get3A_1783, %and3A_1784 : i32
      %broadcast_in_dim3A_1786 = vector.broadcast %and3A_1785 : i32 to vector<16xi32>
      %div3A_1787 = arith.constant 128 : i32
      %div3A_1788 = arith.divsi %add3A_1781, %div3A_1787 : i32
      %broadcast_in_dim3A_1789 = vector.broadcast %div3A_1788 : i32 to vector<16xi32>
      %rem3A_1790 = arith.constant 128 : i32
      %rem3A_1791 = arith.remsi %add3A_1781, %rem3A_1790 : i32
      %broadcast_in_dim3A_1792 = vector.broadcast %rem3A_1791 : i32 to vector<16xi32>
      %broadcast_in_dim3A_1793 = arith.constant 0 : i32
      %broadcast_in_dim3A_1794 = vector.broadcast %broadcast_in_dim3A_1793 : i32 to vector<16xi32>
      %broadcast_in_dim3A_1795 = arith.constant 0 : i32
      %broadcast_in_dim3A_1796 = vector.broadcast %broadcast_in_dim3A_1795 : i32 to vector<16xi32>
      %gather3A_1797 = tpu.vector_load_idx %arg8[%broadcast_in_dim3A_1794, %broadcast_in_dim3A_1796, %shift_right_arithmetic3A_21, %and3A_44, %broadcast_in_dim3A_1786] : memref<6x2x8x8x128xf32, #tpu.memory_space<vmem>>[vector<16xi32>, vector<16xi32>, vector<16xi32>, vector<16xi32>, vector<16xi32>], vector<16xf32>,
      %add3A_1798 = arith.constant 0 : i32
      %add3A_1799 = vector.broadcast %add3A_1798 : i32 to vector<16xi32>
      %add3A_1800 = arith.addi %add3A_1799, %iota3A : vector<16xi32>
      %gather3A_1801 = tpu.vector_load_idx %arg9[%add3A_1800, %broadcast_in_dim3A_1789, %broadcast_in_dim3A_1792] : memref<64x2x128xf32, #tpu.memory_space<vmem>>[vector<16xi32>, vector<16xi32>, vector<16xi32>], vector<16xf32>,
      %add3A_1802 = arith.constant 0 : i32
      %add3A_1803 = vector.broadcast %add3A_1802 : i32 to vector<16xi32>
      %add3A_1804 = arith.addi %add3A_1803, %iota3A : vector<16xi32>
      %add3A_1805 = arith.addf %gather3A_1797, %gather3A_1801 : vector<16xf32>
      tpu.vector_store_idx %arg9[%add3A_1804, %broadcast_in_dim3A_1789, %broadcast_in_dim3A_1792], %add3A_1805 : memref<64x2x128xf32, #tpu.memory_space<vmem>>[vector<16xi32>, vector<16xi32>, vector<16xi32>], vector<16xf32>,
      %gather3A_1806 = tpu.vector_load_idx %arg8[%broadcast_in_dim3A_1794, %broadcast_in_dim3A_1796, %shift_right_arithmetic3A_27, %and3A_50, %broadcast_in_dim3A_1786] : memref<6x2x8x8x128xf32, #tpu.memory_space<vmem>>[vector<16xi32>, vector<16xi32>, vector<16xi32>, vector<16xi32>, vector<16xi32>], vector<16xf32>,
      %add3A_1807 = arith.constant 16 : i32
      %add3A_1808 = vector.broadcast %add3A_1807 : i32 to vector<16xi32>
      %add3A_1809 = arith.addi %add3A_1808, %iota3A : vector<16xi32>
      %gather3A_1810 = tpu.vector_load_idx %arg9[%add3A_1809, %broadcast_in_dim3A_1789, %broadcast_in_dim3A_1792] : memref<64x2x128xf32, #tpu.memory_space<vmem>>[vector<16xi32>, vector<16xi32>, vector<16xi32>], vector<16xf32>,
      %add3A_1811 = arith.constant 16 : i32
      %add3A_1812 = vector.broadcast %add3A_1811 : i32 to vector<16xi32>
      %add3A_1813 = arith.addi %add3A_1812, %iota3A : vector<16xi32>
      %add3A_1814 = arith.addf %gather3A_1806, %gather3A_1810 : vector<16xf32>
      tpu.vector_store_idx %arg9[%add3A_1813, %broadcast_in_dim3A_1789, %broadcast_in_dim3A_1792], %add3A_1814 : memref<64x2x128xf32, #tpu.memory_space<vmem>>[vector<16xi32>, vector<16xi32>, vector<16xi32>], vector<16xf32>,
      %gather3A_1815 = tpu.vector_load_idx %arg8[%broadcast_in_dim3A_1794, %broadcast_in_dim3A_1796, %shift_right_arithmetic3A_33, %and3A_56, %broadcast_in_dim3A_1786] : memref<6x2x8x8x128xf32, #tpu.memory_space<vmem>>[vector<16xi32>, vector<16xi32>, vector<16xi32>, vector<16xi32>, vector<16xi32>], vector<16xf32>,
      %add3A_1816 = arith.constant 32 : i32
      %add3A_1817 = vector.broadcast %add3A_1816 : i32 to vector<16xi32>
      %add3A_1818 = arith.addi %add3A_1817, %iota3A : vector<16xi32>
      %gather3A_1819 = tpu.vector_load_idx %arg9[%add3A_1818, %broadcast_in_dim3A_1789, %broadcast_in_dim3A_1792] : memref<64x2x128xf32, #tpu.memory_space<vmem>>[vector<16xi32>, vector<16xi32>, vector<16xi32>], vector<16xf32>,
      %add3A_1820 = arith.constant 32 : i32
      %add3A_1821 = vector.broadcast %add3A_1820 : i32 to vector<16xi32>
      %add3A_1822 = arith.addi %add3A_1821, %iota3A : vector<16xi32>
      %add3A_1823 = arith.addf %gather3A_1815, %gather3A_1819 : vector<16xf32>
      tpu.vector_store_idx %arg9[%add3A_1822, %broadcast_in_dim3A_1789, %broadcast_in_dim3A_1792], %add3A_1823 : memref<64x2x128xf32, #tpu.memory_space<vmem>>[vector<16xi32>, vector<16xi32>, vector<16xi32>], vector<16xf32>,
      %gather3A_1824 = tpu.vector_load_idx %arg8[%broadcast_in_dim3A_1794, %broadcast_in_dim3A_1796, %shift_right_arithmetic3A_39, %and3A_62, %broadcast_in_dim3A_1786] : memref<6x2x8x8x128xf32, #tpu.memory_space<vmem>>[vector<16xi32>, vector<16xi32>, vector<16xi32>, vector<16xi32>, vector<16xi32>], vector<16xf32>,
      %add3A_1825 = arith.constant 48 : i32
      %add3A_1826 = vector.broadcast %add3A_1825 : i32 to vector<16xi32>
      %add3A_1827 = arith.addi %add3A_1826, %iota3A : vector<16xi32>
      %gather3A_1828 = tpu.vector_load_idx %arg9[%add3A_1827, %broadcast_in_dim3A_1789, %broadcast_in_dim3A_1792] : memref<64x2x128xf32, #tpu.memory_space<vmem>>[vector<16xi32>, vector<16xi32>, vector<16xi32>], vector<16xf32>,
      %add3A_1829 = arith.constant 48 : i32
      %add3A_1830 = vector.broadcast %add3A_1829 : i32 to vector<16xi32>
      %add3A_1831 = arith.addi %add3A_1830, %iota3A : vector<16xi32>
      %add3A_1832 = arith.addf %gather3A_1824, %gather3A_1828 : vector<16xf32>
      tpu.vector_store_idx %arg9[%add3A_1831, %broadcast_in_dim3A_1789, %broadcast_in_dim3A_1792], %add3A_1832 : memref<64x2x128xf32, #tpu.memory_space<vmem>>[vector<16xi32>, vector<16xi32>, vector<16xi32>], vector<16xf32>,
      %mul3A_1833 = arith.constant 2 : i32
      %mul3A_1834 = arith.muli %add3A_1777, %mul3A_1833 : i32
      %add3A_1835 = arith.constant 1 : i32
      %add3A_1836 = arith.addi %mul3A_1834, %add3A_1835 : i32
      %get3A_1837 = arith.index_cast %add3A_1836 : i32 to index
      %get3A_1838 = memref.load %arg7[%get3A_1837] : memref<256xi32, #tpu.memory_space<smem>>
      %and3A_1839 = arith.constant 127 : i32
      %and3A_1840 = arith.andi %get3A_1838, %and3A_1839 : i32
      %broadcast_in_dim3A_1841 = vector.broadcast %and3A_1840 : i32 to vector<16xi32>
      %div3A_1842 = arith.constant 128 : i32
      %div3A_1843 = arith.divsi %add3A_1836, %div3A_1842 : i32
      %broadcast_in_dim3A_1844 = vector.broadcast %div3A_1843 : i32 to vector<16xi32>
      %rem3A_1845 = arith.constant 128 : i32
      %rem3A_1846 = arith.remsi %add3A_1836, %rem3A_1845 : i32
      %broadcast_in_dim3A_1847 = vector.broadcast %rem3A_1846 : i32 to vector<16xi32>
      %broadcast_in_dim3A_1848 = arith.constant 0 : i32
      %broadcast_in_dim3A_1849 = vector.broadcast %broadcast_in_dim3A_1848 : i32 to vector<16xi32>
      %broadcast_in_dim3A_1850 = arith.constant 1 : i32
      %broadcast_in_dim3A_1851 = vector.broadcast %broadcast_in_dim3A_1850 : i32 to vector<16xi32>
      %gather3A_1852 = tpu.vector_load_idx %arg8[%broadcast_in_dim3A_1849, %broadcast_in_dim3A_1851, %shift_right_arithmetic3A_21, %and3A_44, %broadcast_in_dim3A_1841] : memref<6x2x8x8x128xf32, #tpu.memory_space<vmem>>[vector<16xi32>, vector<16xi32>, vector<16xi32>, vector<16xi32>, vector<16xi32>], vector<16xf32>,
      %add3A_1853 = arith.constant 0 : i32
      %add3A_1854 = vector.broadcast %add3A_1853 : i32 to vector<16xi32>
      %add3A_1855 = arith.addi %add3A_1854, %iota3A : vector<16xi32>
      %gather3A_1856 = tpu.vector_load_idx %arg9[%add3A_1855, %broadcast_in_dim3A_1844, %broadcast_in_dim3A_1847] : memref<64x2x128xf32, #tpu.memory_space<vmem>>[vector<16xi32>, vector<16xi32>, vector<16xi32>], vector<16xf32>,
      %add3A_1857 = arith.constant 0 : i32
      %add3A_1858 = vector.broadcast %add3A_1857 : i32 to vector<16xi32>
      %add3A_1859 = arith.addi %add3A_1858, %iota3A : vector<16xi32>
      %add3A_1860 = arith.addf %gather3A_1852, %gather3A_1856 : vector<16xf32>
      tpu.vector_store_idx %arg9[%add3A_1859, %broadcast_in_dim3A_1844, %broadcast_in_dim3A_1847], %add3A_1860 : memref<64x2x128xf32, #tpu.memory_space<vmem>>[vector<16xi32>, vector<16xi32>, vector<16xi32>], vector<16xf32>,
      %gather3A_1861 = tpu.vector_load_idx %arg8[%broadcast_in_dim3A_1849, %broadcast_in_dim3A_1851, %shift_right_arithmetic3A_27, %and3A_50, %broadcast_in_dim3A_1841] : memref<6x2x8x8x128xf32, #tpu.memory_space<vmem>>[vector<16xi32>, vector<16xi32>, vector<16xi32>, vector<16xi32>, vector<16xi32>], vector<16xf32>,
      %add3A_1862 = arith.constant 16 : i32
      %add3A_1863 = vector.broadcast %add3A_1862 : i32 to vector<16xi32>
      %add3A_1864 = arith.addi %add3A_1863, %iota3A : vector<16xi32>
      %gather3A_1865 = tpu.vector_load_idx %arg9[%add3A_1864, %broadcast_in_dim3A_1844, %broadcast_in_dim3A_1847] : memref<64x2x128xf32, #tpu.memory_space<vmem>>[vector<16xi32>, vector<16xi32>, vector<16xi32>], vector<16xf32>,
      %add3A_1866 = arith.constant 16 : i32
      %add3A_1867 = vector.broadcast %add3A_1866 : i32 to vector<16xi32>
      %add3A_1868 = arith.addi %add3A_1867, %iota3A : vector<16xi32>
      %add3A_1869 = arith.addf %gather3A_1861, %gather3A_1865 : vector<16xf32>
      tpu.vector_store_idx %arg9[%add3A_1868, %broadcast_in_dim3A_1844, %broadcast_in_dim3A_1847], %add3A_1869 : memref<64x2x128xf32, #tpu.memory_space<vmem>>[vector<16xi32>, vector<16xi32>, vector<16xi32>], vector<16xf32>,
      %gather3A_1870 = tpu.vector_load_idx %arg8[%broadcast_in_dim3A_1849, %broadcast_in_dim3A_1851, %shift_right_arithmetic3A_33, %and3A_56, %broadcast_in_dim3A_1841] : memref<6x2x8x8x128xf32, #tpu.memory_space<vmem>>[vector<16xi32>, vector<16xi32>, vector<16xi32>, vector<16xi32>, vector<16xi32>], vector<16xf32>,
      %add3A_1871 = arith.constant 32 : i32
      %add3A_1872 = vector.broadcast %add3A_1871 : i32 to vector<16xi32>
      %add3A_1873 = arith.addi %add3A_1872, %iota3A : vector<16xi32>
      %gather3A_1874 = tpu.vector_load_idx %arg9[%add3A_1873, %broadcast_in_dim3A_1844, %broadcast_in_dim3A_1847] : memref<64x2x128xf32, #tpu.memory_space<vmem>>[vector<16xi32>, vector<16xi32>, vector<16xi32>], vector<16xf32>,
      %add3A_1875 = arith.constant 32 : i32
      %add3A_1876 = vector.broadcast %add3A_1875 : i32 to vector<16xi32>
      %add3A_1877 = arith.addi %add3A_1876, %iota3A : vector<16xi32>
      %add3A_1878 = arith.addf %gather3A_1870, %gather3A_1874 : vector<16xf32>
      tpu.vector_store_idx %arg9[%add3A_1877, %broadcast_in_dim3A_1844, %broadcast_in_dim3A_1847], %add3A_1878 : memref<64x2x128xf32, #tpu.memory_space<vmem>>[vector<16xi32>, vector<16xi32>, vector<16xi32>], vector<16xf32>,
      %gather3A_1879 = tpu.vector_load_idx %arg8[%broadcast_in_dim3A_1849, %broadcast_in_dim3A_1851, %shift_right_arithmetic3A_39, %and3A_62, %broadcast_in_dim3A_1841] : memref<6x2x8x8x128xf32, #tpu.memory_space<vmem>>[vector<16xi32>, vector<16xi32>, vector<16xi32>, vector<16xi32>, vector<16xi32>], vector<16xf32>,
      %add3A_1880 = arith.constant 48 : i32
      %add3A_1881 = vector.broadcast %add3A_1880 : i32 to vector<16xi32>
      %add3A_1882 = arith.addi %add3A_1881, %iota3A : vector<16xi32>
      %gather3A_1883 = tpu.vector_load_idx %arg9[%add3A_1882, %broadcast_in_dim3A_1844, %broadcast_in_dim3A_1847] : memref<64x2x128xf32, #tpu.memory_space<vmem>>[vector<16xi32>, vector<16xi32>, vector<16xi32>], vector<16xf32>,
      %add3A_1884 = arith.constant 48 : i32
      %add3A_1885 = vector.broadcast %add3A_1884 : i32 to vector<16xi32>
      %add3A_1886 = arith.addi %add3A_1885, %iota3A : vector<16xi32>
      %add3A_1887 = arith.addf %gather3A_1879, %gather3A_1883 : vector<16xf32>
      tpu.vector_store_idx %arg9[%add3A_1886, %broadcast_in_dim3A_1844, %broadcast_in_dim3A_1847], %add3A_1887 : memref<64x2x128xf32, #tpu.memory_space<vmem>>[vector<16xi32>, vector<16xi32>, vector<16xi32>], vector<16xf32>,
      %add3A_1888 = arith.constant 1 : i32
      %add3A_1889 = arith.addi %mul3A_1673, %add3A_1888 : i32
      %add3A_1890 = arith.constant 5 : i32
      %add3A_1891 = arith.addi %add3A_1889, %add3A_1890 : i32
      %mul3A_1892 = arith.constant 2 : i32
      %mul3A_1893 = arith.muli %add3A_1891, %mul3A_1892 : i32
      %add3A_1894 = arith.constant 0 : i32
      %add3A_1895 = arith.addi %mul3A_1893, %add3A_1894 : i32
      %get3A_1896 = arith.index_cast %add3A_1895 : i32 to index
      %get3A_1897 = memref.load %arg7[%get3A_1896] : memref<256xi32, #tpu.memory_space<smem>>
      %shift_right_arithmetic3A_1898 = arith.constant 7 : i32
      %shift_right_arithmetic3A_1899 = arith.shrsi %get3A_1897, %shift_right_arithmetic3A_1898 : i32
      %mul3A_1900 = arith.constant 128 : i32
      %mul3A_1901 = arith.muli %shift_right_arithmetic3A_1899, %mul3A_1900 : i32
      %multiple_of3A_1902 = tpu.assume_multiple %mul3A_1901, 128 : i32
      %dma_start3A_1903 = arith.constant 0 : i32
      %dma_start3A_1904 = arith.constant 0 : i32
      %dma_start3A_1905 = arith.constant 0 : i32
      %dma_start3A_1906 = arith.constant 0 : i32
      %dma_start3A_1907 = arith.constant 0 : i32
      %dma_start3A_1908 = tpu.memref_slice %arg8[%dma_start3A_1903, %dma_start3A_1904, %dma_start3A_1905, %dma_start3A_1906, %dma_start3A_1907] : memref<6x2x8x8x128xf32, #tpu.memory_space<vmem>> -> memref<1x1x8x8x128xf32, #tpu.memory_space<vmem>>
      %dma_start3A_1909 = tpu.memref_squeeze %dma_start3A_1908 : memref<1x1x8x8x128xf32, #tpu.memory_space<vmem>> -> memref<8x8x128xf32, #tpu.memory_space<vmem>>
      %dma_start3A_1910 = arith.constant 0 : i32
      %dma_start3A_1911 = arith.constant 0 : i32
      %dma_start3A_1912 = tpu.memref_slice %arg4[%dma_start3A_1910, %dma_start3A_1911, %multiple_of3A_1902] : memref<8x8x1000000xf32, #tpu.memory_space<hbm>> -> memref<8x8x128xf32, #tpu.memory_space<hbm>>
      %dma_start3A_1913 = arith.constant 0 : i32
      %dma_start3A_1914 = arith.constant 0 : i32
      %dma_start3A_1915 = arith.constant 0 : i32
      %dma_start3A_1916 = tpu.memref_slice %arg8[%dma_start3A_1903, %dma_start3A_1904, %dma_start3A_1913, %dma_start3A_1914, %dma_start3A_1915] : memref<6x2x8x8x128xf32, #tpu.memory_space<vmem>> -> memref<1x1x8x8x128xf32, #tpu.memory_space<vmem>>
      %dma_start3A_1917 = tpu.memref_squeeze %dma_start3A_1916 : memref<1x1x8x8x128xf32, #tpu.memory_space<vmem>> -> memref<8x8x128xf32, #tpu.memory_space<vmem>>
      %dma_start3A_1918 = arith.constant 0 : i32
      %dma_start3A_1919 = arith.constant 0 : i32
      %dma_start3A_1920 = tpu.memref_slice %arg4[%dma_start3A_1918, %dma_start3A_1919, %multiple_of3A_1902] : memref<8x8x1000000xf32, #tpu.memory_space<hbm>> -> memref<8x8x128xf32, #tpu.memory_space<hbm>>
      tpu.enqueue_dma source(%dma_start3A_1920 : memref<8x8x128xf32, #tpu.memory_space<hbm>>) target(%dma_start3A_1917 : memref<8x8x128xf32, #tpu.memory_space<vmem>>) target_semaphore(%arg10 : memref<!tpu.dma_semaphore, #tpu.memory_space<semaphore_mem>>)
      %mul3A_1921 = arith.constant 2 : i32
      %mul3A_1922 = arith.muli %add3A_1891, %mul3A_1921 : i32
      %add3A_1923 = arith.constant 1 : i32
      %add3A_1924 = arith.addi %mul3A_1922, %add3A_1923 : i32
      %get3A_1925 = arith.index_cast %add3A_1924 : i32 to index
      %get3A_1926 = memref.load %arg7[%get3A_1925] : memref<256xi32, #tpu.memory_space<smem>>
      %shift_right_arithmetic3A_1927 = arith.constant 7 : i32
      %shift_right_arithmetic3A_1928 = arith.shrsi %get3A_1926, %shift_right_arithmetic3A_1927 : i32
      %mul3A_1929 = arith.constant 128 : i32
      %mul3A_1930 = arith.muli %shift_right_arithmetic3A_1928, %mul3A_1929 : i32
      %multiple_of3A_1931 = tpu.assume_multiple %mul3A_1930, 128 : i32
      %dma_start3A_1932 = arith.constant 0 : i32
      %dma_start3A_1933 = arith.constant 1 : i32
      %dma_start3A_1934 = arith.constant 0 : i32
      %dma_start3A_1935 = arith.constant 0 : i32
      %dma_start3A_1936 = arith.constant 0 : i32
      %dma_start3A_1937 = tpu.memref_slice %arg8[%dma_start3A_1932, %dma_start3A_1933, %dma_start3A_1934, %dma_start3A_1935, %dma_start3A_1936] : memref<6x2x8x8x128xf32, #tpu.memory_space<vmem>> -> memref<1x1x8x8x128xf32, #tpu.memory_space<vmem>>
      %dma_start3A_1938 = tpu.memref_squeeze %dma_start3A_1937 : memref<1x1x8x8x128xf32, #tpu.memory_space<vmem>> -> memref<8x8x128xf32, #tpu.memory_space<vmem>>
      %dma_start3A_1939 = arith.constant 0 : i32
      %dma_start3A_1940 = arith.constant 0 : i32
      %dma_start3A_1941 = tpu.memref_slice %arg4[%dma_start3A_1939, %dma_start3A_1940, %multiple_of3A_1931] : memref<8x8x1000000xf32, #tpu.memory_space<hbm>> -> memref<8x8x128xf32, #tpu.memory_space<hbm>>
      %dma_start3A_1942 = arith.constant 0 : i32
      %dma_start3A_1943 = arith.constant 0 : i32
      %dma_start3A_1944 = arith.constant 0 : i32
      %dma_start3A_1945 = tpu.memref_slice %arg8[%dma_start3A_1932, %dma_start3A_1933, %dma_start3A_1942, %dma_start3A_1943, %dma_start3A_1944] : memref<6x2x8x8x128xf32, #tpu.memory_space<vmem>> -> memref<1x1x8x8x128xf32, #tpu.memory_space<vmem>>
      %dma_start3A_1946 = tpu.memref_squeeze %dma_start3A_1945 : memref<1x1x8x8x128xf32, #tpu.memory_space<vmem>> -> memref<8x8x128xf32, #tpu.memory_space<vmem>>
      %dma_start3A_1947 = arith.constant 0 : i32
      %dma_start3A_1948 = arith.constant 0 : i32
      %dma_start3A_1949 = tpu.memref_slice %arg4[%dma_start3A_1947, %dma_start3A_1948, %multiple_of3A_1931] : memref<8x8x1000000xf32, #tpu.memory_space<hbm>> -> memref<8x8x128xf32, #tpu.memory_space<hbm>>
      tpu.enqueue_dma source(%dma_start3A_1949 : memref<8x8x128xf32, #tpu.memory_space<hbm>>) target(%dma_start3A_1946 : memref<8x8x128xf32, #tpu.memory_space<vmem>>) target_semaphore(%arg10 : memref<!tpu.dma_semaphore, #tpu.memory_space<semaphore_mem>>)
      %dma_wait3A_1950 = arith.constant 1 : i32
      %dma_wait3A_1951 = arith.constant 0 : i32
      %dma_wait3A_1952 = arith.constant 0 : i32
      %dma_wait3A_1953 = arith.constant 0 : i32
      %dma_wait3A_1954 = arith.constant 0 : i32
      %dma_wait3A_1955 = tpu.memref_slice %arg8[%dma_wait3A_1950, %dma_wait3A_1951, %dma_wait3A_1952, %dma_wait3A_1953, %dma_wait3A_1954] : memref<6x2x8x8x128xf32, #tpu.memory_space<vmem>> -> memref<1x1x8x8x128xf32, #tpu.memory_space<vmem>>
      %dma_wait3A_1956 = tpu.memref_squeeze %dma_wait3A_1955 : memref<1x1x8x8x128xf32, #tpu.memory_space<vmem>> -> memref<8x8x128xf32, #tpu.memory_space<vmem>>
      %dma_wait3A_1957 = arith.constant 0 : i32
      %dma_wait3A_1958 = arith.constant 0 : i32
      %dma_wait3A_1959 = arith.constant 0 : i32
      %dma_wait3A_1960 = tpu.memref_slice %arg4[%dma_wait3A_1957, %dma_wait3A_1958, %dma_wait3A_1959] : memref<8x8x1000000xf32, #tpu.memory_space<hbm>> -> memref<8x8x128xf32, #tpu.memory_space<hbm>>
      %dma_wait3A_1961 = arith.constant 0 : i32
      %dma_wait3A_1962 = arith.constant 0 : i32
      %dma_wait3A_1963 = arith.constant 0 : i32
      %dma_wait3A_1964 = tpu.memref_slice %arg8[%dma_wait3A_1950, %dma_wait3A_1951, %dma_wait3A_1961, %dma_wait3A_1962, %dma_wait3A_1963] : memref<6x2x8x8x128xf32, #tpu.memory_space<vmem>> -> memref<1x1x8x8x128xf32, #tpu.memory_space<vmem>>
      %dma_wait3A_1965 = tpu.memref_squeeze %dma_wait3A_1964 : memref<1x1x8x8x128xf32, #tpu.memory_space<vmem>> -> memref<8x8x128xf32, #tpu.memory_space<vmem>>
      %dma_wait3A_1966 = arith.constant 0 : i32
      %dma_wait3A_1967 = arith.constant 0 : i32
      %dma_wait3A_1968 = arith.constant 0 : i32
      %dma_wait3A_1969 = tpu.memref_slice %arg4[%dma_wait3A_1966, %dma_wait3A_1967, %dma_wait3A_1968] : memref<8x8x1000000xf32, #tpu.memory_space<hbm>> -> memref<8x8x128xf32, #tpu.memory_space<hbm>>
      tpu.wait_dma2 semaphore(%arg11 : memref<!tpu.dma_semaphore, #tpu.memory_space<semaphore_mem>>) src(%dma_wait3A_1969 : memref<8x8x128xf32, #tpu.memory_space<hbm>>) dst(%dma_wait3A_1965 : memref<8x8x128xf32, #tpu.memory_space<vmem>>)
      %dma_wait3A_1970 = arith.constant 1 : i32
      %dma_wait3A_1971 = arith.constant 1 : i32
      %dma_wait3A_1972 = arith.constant 0 : i32
      %dma_wait3A_1973 = arith.constant 0 : i32
      %dma_wait3A_1974 = arith.constant 0 : i32
      %dma_wait3A_1975 = tpu.memref_slice %arg8[%dma_wait3A_1970, %dma_wait3A_1971, %dma_wait3A_1972, %dma_wait3A_1973, %dma_wait3A_1974] : memref<6x2x8x8x128xf32, #tpu.memory_space<vmem>> -> memref<1x1x8x8x128xf32, #tpu.memory_space<vmem>>
      %dma_wait3A_1976 = tpu.memref_squeeze %dma_wait3A_1975 : memref<1x1x8x8x128xf32, #tpu.memory_space<vmem>> -> memref<8x8x128xf32, #tpu.memory_space<vmem>>
      %dma_wait3A_1977 = arith.constant 0 : i32
      %dma_wait3A_1978 = arith.constant 0 : i32
      %dma_wait3A_1979 = arith.constant 0 : i32
      %dma_wait3A_1980 = tpu.memref_slice %arg4[%dma_wait3A_1977, %dma_wait3A_1978, %dma_wait3A_1979] : memref<8x8x1000000xf32, #tpu.memory_space<hbm>> -> memref<8x8x128xf32, #tpu.memory_space<hbm>>
      %dma_wait3A_1981 = arith.constant 0 : i32
      %dma_wait3A_1982 = arith.constant 0 : i32
      %dma_wait3A_1983 = arith.constant 0 : i32
      %dma_wait3A_1984 = tpu.memref_slice %arg8[%dma_wait3A_1970, %dma_wait3A_1971, %dma_wait3A_1981, %dma_wait3A_1982, %dma_wait3A_1983] : memref<6x2x8x8x128xf32, #tpu.memory_space<vmem>> -> memref<1x1x8x8x128xf32, #tpu.memory_space<vmem>>
      %dma_wait3A_1985 = tpu.memref_squeeze %dma_wait3A_1984 : memref<1x1x8x8x128xf32, #tpu.memory_space<vmem>> -> memref<8x8x128xf32, #tpu.memory_space<vmem>>
      %dma_wait3A_1986 = arith.constant 0 : i32
      %dma_wait3A_1987 = arith.constant 0 : i32
      %dma_wait3A_1988 = arith.constant 0 : i32
      %dma_wait3A_1989 = tpu.memref_slice %arg4[%dma_wait3A_1986, %dma_wait3A_1987, %dma_wait3A_1988] : memref<8x8x1000000xf32, #tpu.memory_space<hbm>> -> memref<8x8x128xf32, #tpu.memory_space<hbm>>
      tpu.wait_dma2 semaphore(%arg11 : memref<!tpu.dma_semaphore, #tpu.memory_space<semaphore_mem>>) src(%dma_wait3A_1989 : memref<8x8x128xf32, #tpu.memory_space<hbm>>) dst(%dma_wait3A_1985 : memref<8x8x128xf32, #tpu.memory_space<vmem>>)
      %add3A_1990 = arith.constant 1 : i32
      %add3A_1991 = arith.addi %mul3A_1673, %add3A_1990 : i32
      %mul3A_1992 = arith.constant 2 : i32
      %mul3A_1993 = arith.muli %add3A_1991, %mul3A_1992 : i32
      %add3A_1994 = arith.constant 0 : i32
      %add3A_1995 = arith.addi %mul3A_1993, %add3A_1994 : i32
      %get3A_1996 = arith.index_cast %add3A_1995 : i32 to index
      %get3A_1997 = memref.load %arg7[%get3A_1996] : memref<256xi32, #tpu.memory_space<smem>>
      %and3A_1998 = arith.constant 127 : i32
      %and3A_1999 = arith.andi %get3A_1997, %and3A_1998 : i32
      %broadcast_in_dim3A_2000 = vector.broadcast %and3A_1999 : i32 to vector<16xi32>
      %div3A_2001 = arith.constant 128 : i32
      %div3A_2002 = arith.divsi %add3A_1995, %div3A_2001 : i32
      %broadcast_in_dim3A_2003 = vector.broadcast %div3A_2002 : i32 to vector<16xi32>
      %rem3A_2004 = arith.constant 128 : i32
      %rem3A_2005 = arith.remsi %add3A_1995, %rem3A_2004 : i32
      %broadcast_in_dim3A_2006 = vector.broadcast %rem3A_2005 : i32 to vector<16xi32>
      %broadcast_in_dim3A_2007 = arith.constant 1 : i32
      %broadcast_in_dim3A_2008 = vector.broadcast %broadcast_in_dim3A_2007 : i32 to vector<16xi32>
      %broadcast_in_dim3A_2009 = arith.constant 0 : i32
      %broadcast_in_dim3A_2010 = vector.broadcast %broadcast_in_dim3A_2009 : i32 to vector<16xi32>
      %gather3A_2011 = tpu.vector_load_idx %arg8[%broadcast_in_dim3A_2008, %broadcast_in_dim3A_2010, %shift_right_arithmetic3A_21, %and3A_44, %broadcast_in_dim3A_2000] : memref<6x2x8x8x128xf32, #tpu.memory_space<vmem>>[vector<16xi32>, vector<16xi32>, vector<16xi32>, vector<16xi32>, vector<16xi32>], vector<16xf32>,
      %add3A_2012 = arith.constant 0 : i32
      %add3A_2013 = vector.broadcast %add3A_2012 : i32 to vector<16xi32>
      %add3A_2014 = arith.addi %add3A_2013, %iota3A : vector<16xi32>
      %gather3A_2015 = tpu.vector_load_idx %arg9[%add3A_2014, %broadcast_in_dim3A_2003, %broadcast_in_dim3A_2006] : memref<64x2x128xf32, #tpu.memory_space<vmem>>[vector<16xi32>, vector<16xi32>, vector<16xi32>], vector<16xf32>,
      %add3A_2016 = arith.constant 0 : i32
      %add3A_2017 = vector.broadcast %add3A_2016 : i32 to vector<16xi32>
      %add3A_2018 = arith.addi %add3A_2017, %iota3A : vector<16xi32>
      %add3A_2019 = arith.addf %gather3A_2011, %gather3A_2015 : vector<16xf32>
      tpu.vector_store_idx %arg9[%add3A_2018, %broadcast_in_dim3A_2003, %broadcast_in_dim3A_2006], %add3A_2019 : memref<64x2x128xf32, #tpu.memory_space<vmem>>[vector<16xi32>, vector<16xi32>, vector<16xi32>], vector<16xf32>,
      %gather3A_2020 = tpu.vector_load_idx %arg8[%broadcast_in_dim3A_2008, %broadcast_in_dim3A_2010, %shift_right_arithmetic3A_27, %and3A_50, %broadcast_in_dim3A_2000] : memref<6x2x8x8x128xf32, #tpu.memory_space<vmem>>[vector<16xi32>, vector<16xi32>, vector<16xi32>, vector<16xi32>, vector<16xi32>], vector<16xf32>,
      %add3A_2021 = arith.constant 16 : i32
      %add3A_2022 = vector.broadcast %add3A_2021 : i32 to vector<16xi32>
      %add3A_2023 = arith.addi %add3A_2022, %iota3A : vector<16xi32>
      %gather3A_2024 = tpu.vector_load_idx %arg9[%add3A_2023, %broadcast_in_dim3A_2003, %broadcast_in_dim3A_2006] : memref<64x2x128xf32, #tpu.memory_space<vmem>>[vector<16xi32>, vector<16xi32>, vector<16xi32>], vector<16xf32>,
      %add3A_2025 = arith.constant 16 : i32
      %add3A_2026 = vector.broadcast %add3A_2025 : i32 to vector<16xi32>
      %add3A_2027 = arith.addi %add3A_2026, %iota3A : vector<16xi32>
      %add3A_2028 = arith.addf %gather3A_2020, %gather3A_2024 : vector<16xf32>
      tpu.vector_store_idx %arg9[%add3A_2027, %broadcast_in_dim3A_2003, %broadcast_in_dim3A_2006], %add3A_2028 : memref<64x2x128xf32, #tpu.memory_space<vmem>>[vector<16xi32>, vector<16xi32>, vector<16xi32>], vector<16xf32>,
      %gather3A_2029 = tpu.vector_load_idx %arg8[%broadcast_in_dim3A_2008, %broadcast_in_dim3A_2010, %shift_right_arithmetic3A_33, %and3A_56, %broadcast_in_dim3A_2000] : memref<6x2x8x8x128xf32, #tpu.memory_space<vmem>>[vector<16xi32>, vector<16xi32>, vector<16xi32>, vector<16xi32>, vector<16xi32>], vector<16xf32>,
      %add3A_2030 = arith.constant 32 : i32
      %add3A_2031 = vector.broadcast %add3A_2030 : i32 to vector<16xi32>
      %add3A_2032 = arith.addi %add3A_2031, %iota3A : vector<16xi32>
      %gather3A_2033 = tpu.vector_load_idx %arg9[%add3A_2032, %broadcast_in_dim3A_2003, %broadcast_in_dim3A_2006] : memref<64x2x128xf32, #tpu.memory_space<vmem>>[vector<16xi32>, vector<16xi32>, vector<16xi32>], vector<16xf32>,
      %add3A_2034 = arith.constant 32 : i32
      %add3A_2035 = vector.broadcast %add3A_2034 : i32 to vector<16xi32>
      %add3A_2036 = arith.addi %add3A_2035, %iota3A : vector<16xi32>
      %add3A_2037 = arith.addf %gather3A_2029, %gather3A_2033 : vector<16xf32>
      tpu.vector_store_idx %arg9[%add3A_2036, %broadcast_in_dim3A_2003, %broadcast_in_dim3A_2006], %add3A_2037 : memref<64x2x128xf32, #tpu.memory_space<vmem>>[vector<16xi32>, vector<16xi32>, vector<16xi32>], vector<16xf32>,
      %gather3A_2038 = tpu.vector_load_idx %arg8[%broadcast_in_dim3A_2008, %broadcast_in_dim3A_2010, %shift_right_arithmetic3A_39, %and3A_62, %broadcast_in_dim3A_2000] : memref<6x2x8x8x128xf32, #tpu.memory_space<vmem>>[vector<16xi32>, vector<16xi32>, vector<16xi32>, vector<16xi32>, vector<16xi32>], vector<16xf32>,
      %add3A_2039 = arith.constant 48 : i32
      %add3A_2040 = vector.broadcast %add3A_2039 : i32 to vector<16xi32>
      %add3A_2041 = arith.addi %add3A_2040, %iota3A : vector<16xi32>
      %gather3A_2042 = tpu.vector_load_idx %arg9[%add3A_2041, %broadcast_in_dim3A_2003, %broadcast_in_dim3A_2006] : memref<64x2x128xf32, #tpu.memory_space<vmem>>[vector<16xi32>, vector<16xi32>, vector<16xi32>], vector<16xf32>,
      %add3A_2043 = arith.constant 48 : i32
      %add3A_2044 = vector.broadcast %add3A_2043 : i32 to vector<16xi32>
      %add3A_2045 = arith.addi %add3A_2044, %iota3A : vector<16xi32>
      %add3A_2046 = arith.addf %gather3A_2038, %gather3A_2042 : vector<16xf32>
      tpu.vector_store_idx %arg9[%add3A_2045, %broadcast_in_dim3A_2003, %broadcast_in_dim3A_2006], %add3A_2046 : memref<64x2x128xf32, #tpu.memory_space<vmem>>[vector<16xi32>, vector<16xi32>, vector<16xi32>], vector<16xf32>,
      %mul3A_2047 = arith.constant 2 : i32
      %mul3A_2048 = arith.muli %add3A_1991, %mul3A_2047 : i32
      %add3A_2049 = arith.constant 1 : i32
      %add3A_2050 = arith.addi %mul3A_2048, %add3A_2049 : i32
      %get3A_2051 = arith.index_cast %add3A_2050 : i32 to index
      %get3A_2052 = memref.load %arg7[%get3A_2051] : memref<256xi32, #tpu.memory_space<smem>>
      %and3A_2053 = arith.constant 127 : i32
      %and3A_2054 = arith.andi %get3A_2052, %and3A_2053 : i32
      %broadcast_in_dim3A_2055 = vector.broadcast %and3A_2054 : i32 to vector<16xi32>
      %div3A_2056 = arith.constant 128 : i32
      %div3A_2057 = arith.divsi %add3A_2050, %div3A_2056 : i32
      %broadcast_in_dim3A_2058 = vector.broadcast %div3A_2057 : i32 to vector<16xi32>
      %rem3A_2059 = arith.constant 128 : i32
      %rem3A_2060 = arith.remsi %add3A_2050, %rem3A_2059 : i32
      %broadcast_in_dim3A_2061 = vector.broadcast %rem3A_2060 : i32 to vector<16xi32>
      %broadcast_in_dim3A_2062 = arith.constant 1 : i32
      %broadcast_in_dim3A_2063 = vector.broadcast %broadcast_in_dim3A_2062 : i32 to vector<16xi32>
      %broadcast_in_dim3A_2064 = arith.constant 1 : i32
      %broadcast_in_dim3A_2065 = vector.broadcast %broadcast_in_dim3A_2064 : i32 to vector<16xi32>
      %gather3A_2066 = tpu.vector_load_idx %arg8[%broadcast_in_dim3A_2063, %broadcast_in_dim3A_2065, %shift_right_arithmetic3A_21, %and3A_44, %broadcast_in_dim3A_2055] : memref<6x2x8x8x128xf32, #tpu.memory_space<vmem>>[vector<16xi32>, vector<16xi32>, vector<16xi32>, vector<16xi32>, vector<16xi32>], vector<16xf32>,
      %add3A_2067 = arith.constant 0 : i32
      %add3A_2068 = vector.broadcast %add3A_2067 : i32 to vector<16xi32>
      %add3A_2069 = arith.addi %add3A_2068, %iota3A : vector<16xi32>
      %gather3A_2070 = tpu.vector_load_idx %arg9[%add3A_2069, %broadcast_in_dim3A_2058, %broadcast_in_dim3A_2061] : memref<64x2x128xf32, #tpu.memory_space<vmem>>[vector<16xi32>, vector<16xi32>, vector<16xi32>], vector<16xf32>,
      %add3A_2071 = arith.constant 0 : i32
      %add3A_2072 = vector.broadcast %add3A_2071 : i32 to vector<16xi32>
      %add3A_2073 = arith.addi %add3A_2072, %iota3A : vector<16xi32>
      %add3A_2074 = arith.addf %gather3A_2066, %gather3A_2070 : vector<16xf32>
      tpu.vector_store_idx %arg9[%add3A_2073, %broadcast_in_dim3A_2058, %broadcast_in_dim3A_2061], %add3A_2074 : memref<64x2x128xf32, #tpu.memory_space<vmem>>[vector<16xi32>, vector<16xi32>, vector<16xi32>], vector<16xf32>,
      %gather3A_2075 = tpu.vector_load_idx %arg8[%broadcast_in_dim3A_2063, %broadcast_in_dim3A_2065, %shift_right_arithmetic3A_27, %and3A_50, %broadcast_in_dim3A_2055] : memref<6x2x8x8x128xf32, #tpu.memory_space<vmem>>[vector<16xi32>, vector<16xi32>, vector<16xi32>, vector<16xi32>, vector<16xi32>], vector<16xf32>,
      %add3A_2076 = arith.constant 16 : i32
      %add3A_2077 = vector.broadcast %add3A_2076 : i32 to vector<16xi32>
      %add3A_2078 = arith.addi %add3A_2077, %iota3A : vector<16xi32>
      %gather3A_2079 = tpu.vector_load_idx %arg9[%add3A_2078, %broadcast_in_dim3A_2058, %broadcast_in_dim3A_2061] : memref<64x2x128xf32, #tpu.memory_space<vmem>>[vector<16xi32>, vector<16xi32>, vector<16xi32>], vector<16xf32>,
      %add3A_2080 = arith.constant 16 : i32
      %add3A_2081 = vector.broadcast %add3A_2080 : i32 to vector<16xi32>
      %add3A_2082 = arith.addi %add3A_2081, %iota3A : vector<16xi32>
      %add3A_2083 = arith.addf %gather3A_2075, %gather3A_2079 : vector<16xf32>
      tpu.vector_store_idx %arg9[%add3A_2082, %broadcast_in_dim3A_2058, %broadcast_in_dim3A_2061], %add3A_2083 : memref<64x2x128xf32, #tpu.memory_space<vmem>>[vector<16xi32>, vector<16xi32>, vector<16xi32>], vector<16xf32>,
      %gather3A_2084 = tpu.vector_load_idx %arg8[%broadcast_in_dim3A_2063, %broadcast_in_dim3A_2065, %shift_right_arithmetic3A_33, %and3A_56, %broadcast_in_dim3A_2055] : memref<6x2x8x8x128xf32, #tpu.memory_space<vmem>>[vector<16xi32>, vector<16xi32>, vector<16xi32>, vector<16xi32>, vector<16xi32>], vector<16xf32>,
      %add3A_2085 = arith.constant 32 : i32
      %add3A_2086 = vector.broadcast %add3A_2085 : i32 to vector<16xi32>
      %add3A_2087 = arith.addi %add3A_2086, %iota3A : vector<16xi32>
      %gather3A_2088 = tpu.vector_load_idx %arg9[%add3A_2087, %broadcast_in_dim3A_2058, %broadcast_in_dim3A_2061] : memref<64x2x128xf32, #tpu.memory_space<vmem>>[vector<16xi32>, vector<16xi32>, vector<16xi32>], vector<16xf32>,
      %add3A_2089 = arith.constant 32 : i32
      %add3A_2090 = vector.broadcast %add3A_2089 : i32 to vector<16xi32>
      %add3A_2091 = arith.addi %add3A_2090, %iota3A : vector<16xi32>
      %add3A_2092 = arith.addf %gather3A_2084, %gather3A_2088 : vector<16xf32>
      tpu.vector_store_idx %arg9[%add3A_2091, %broadcast_in_dim3A_2058, %broadcast_in_dim3A_2061], %add3A_2092 : memref<64x2x128xf32, #tpu.memory_space<vmem>>[vector<16xi32>, vector<16xi32>, vector<16xi32>], vector<16xf32>,
      %gather3A_2093 = tpu.vector_load_idx %arg8[%broadcast_in_dim3A_2063, %broadcast_in_dim3A_2065, %shift_right_arithmetic3A_39, %and3A_62, %broadcast_in_dim3A_2055] : memref<6x2x8x8x128xf32, #tpu.memory_space<vmem>>[vector<16xi32>, vector<16xi32>, vector<16xi32>, vector<16xi32>, vector<16xi32>], vector<16xf32>,
      %add3A_2094 = arith.constant 48 : i32
      %add3A_2095 = vector.broadcast %add3A_2094 : i32 to vector<16xi32>
      %add3A_2096 = arith.addi %add3A_2095, %iota3A : vector<16xi32>
      %gather3A_2097 = tpu.vector_load_idx %arg9[%add3A_2096, %broadcast_in_dim3A_2058, %broadcast_in_dim3A_2061] : memref<64x2x128xf32, #tpu.memory_space<vmem>>[vector<16xi32>, vector<16xi32>, vector<16xi32>], vector<16xf32>,
      %add3A_2098 = arith.constant 48 : i32
      %add3A_2099 = vector.broadcast %add3A_2098 : i32 to vector<16xi32>
      %add3A_2100 = arith.addi %add3A_2099, %iota3A : vector<16xi32>
      %add3A_2101 = arith.addf %gather3A_2093, %gather3A_2097 : vector<16xf32>
      tpu.vector_store_idx %arg9[%add3A_2100, %broadcast_in_dim3A_2058, %broadcast_in_dim3A_2061], %add3A_2101 : memref<64x2x128xf32, #tpu.memory_space<vmem>>[vector<16xi32>, vector<16xi32>, vector<16xi32>], vector<16xf32>,
      %add3A_2102 = arith.constant 2 : i32
      %add3A_2103 = arith.addi %mul3A_1673, %add3A_2102 : i32
      %add3A_2104 = arith.constant 5 : i32
      %add3A_2105 = arith.addi %add3A_2103, %add3A_2104 : i32
      %mul3A_2106 = arith.constant 2 : i32
      %mul3A_2107 = arith.muli %add3A_2105, %mul3A_2106 : i32
      %add3A_2108 = arith.constant 0 : i32
      %add3A_2109 = arith.addi %mul3A_2107, %add3A_2108 : i32
      %get3A_2110 = arith.index_cast %add3A_2109 : i32 to index
      %get3A_2111 = memref.load %arg7[%get3A_2110] : memref<256xi32, #tpu.memory_space<smem>>
      %shift_right_arithmetic3A_2112 = arith.constant 7 : i32
      %shift_right_arithmetic3A_2113 = arith.shrsi %get3A_2111, %shift_right_arithmetic3A_2112 : i32
      %mul3A_2114 = arith.constant 128 : i32
      %mul3A_2115 = arith.muli %shift_right_arithmetic3A_2113, %mul3A_2114 : i32
      %multiple_of3A_2116 = tpu.assume_multiple %mul3A_2115, 128 : i32
      %dma_start3A_2117 = arith.constant 1 : i32
      %dma_start3A_2118 = arith.constant 0 : i32
      %dma_start3A_2119 = arith.constant 0 : i32
      %dma_start3A_2120 = arith.constant 0 : i32
      %dma_start3A_2121 = arith.constant 0 : i32
      %dma_start3A_2122 = tpu.memref_slice %arg8[%dma_start3A_2117, %dma_start3A_2118, %dma_start3A_2119, %dma_start3A_2120, %dma_start3A_2121] : memref<6x2x8x8x128xf32, #tpu.memory_space<vmem>> -> memref<1x1x8x8x128xf32, #tpu.memory_space<vmem>>
      %dma_start3A_2123 = tpu.memref_squeeze %dma_start3A_2122 : memref<1x1x8x8x128xf32, #tpu.memory_space<vmem>> -> memref<8x8x128xf32, #tpu.memory_space<vmem>>
      %dma_start3A_2124 = arith.constant 0 : i32
      %dma_start3A_2125 = arith.constant 0 : i32
      %dma_start3A_2126 = tpu.memref_slice %arg4[%dma_start3A_2124, %dma_start3A_2125, %multiple_of3A_2116] : memref<8x8x1000000xf32, #tpu.memory_space<hbm>> -> memref<8x8x128xf32, #tpu.memory_space<hbm>>
      %dma_start3A_2127 = arith.constant 0 : i32
      %dma_start3A_2128 = arith.constant 0 : i32
      %dma_start3A_2129 = arith.constant 0 : i32
      %dma_start3A_2130 = tpu.memref_slice %arg8[%dma_start3A_2117, %dma_start3A_2118, %dma_start3A_2127, %dma_start3A_2128, %dma_start3A_2129] : memref<6x2x8x8x128xf32, #tpu.memory_space<vmem>> -> memref<1x1x8x8x128xf32, #tpu.memory_space<vmem>>
      %dma_start3A_2131 = tpu.memref_squeeze %dma_start3A_2130 : memref<1x1x8x8x128xf32, #tpu.memory_space<vmem>> -> memref<8x8x128xf32, #tpu.memory_space<vmem>>
      %dma_start3A_2132 = arith.constant 0 : i32
      %dma_start3A_2133 = arith.constant 0 : i32
      %dma_start3A_2134 = tpu.memref_slice %arg4[%dma_start3A_2132, %dma_start3A_2133, %multiple_of3A_2116] : memref<8x8x1000000xf32, #tpu.memory_space<hbm>> -> memref<8x8x128xf32, #tpu.memory_space<hbm>>
      tpu.enqueue_dma source(%dma_start3A_2134 : memref<8x8x128xf32, #tpu.memory_space<hbm>>) target(%dma_start3A_2131 : memref<8x8x128xf32, #tpu.memory_space<vmem>>) target_semaphore(%arg11 : memref<!tpu.dma_semaphore, #tpu.memory_space<semaphore_mem>>)
      %mul3A_2135 = arith.constant 2 : i32
      %mul3A_2136 = arith.muli %add3A_2105, %mul3A_2135 : i32
      %add3A_2137 = arith.constant 1 : i32
      %add3A_2138 = arith.addi %mul3A_2136, %add3A_2137 : i32
      %get3A_2139 = arith.index_cast %add3A_2138 : i32 to index
      %get3A_2140 = memref.load %arg7[%get3A_2139] : memref<256xi32, #tpu.memory_space<smem>>
      %shift_right_arithmetic3A_2141 = arith.constant 7 : i32
      %shift_right_arithmetic3A_2142 = arith.shrsi %get3A_2140, %shift_right_arithmetic3A_2141 : i32
      %mul3A_2143 = arith.constant 128 : i32
      %mul3A_2144 = arith.muli %shift_right_arithmetic3A_2142, %mul3A_2143 : i32
      %multiple_of3A_2145 = tpu.assume_multiple %mul3A_2144, 128 : i32
      %dma_start3A_2146 = arith.constant 1 : i32
      %dma_start3A_2147 = arith.constant 1 : i32
      %dma_start3A_2148 = arith.constant 0 : i32
      %dma_start3A_2149 = arith.constant 0 : i32
      %dma_start3A_2150 = arith.constant 0 : i32
      %dma_start3A_2151 = tpu.memref_slice %arg8[%dma_start3A_2146, %dma_start3A_2147, %dma_start3A_2148, %dma_start3A_2149, %dma_start3A_2150] : memref<6x2x8x8x128xf32, #tpu.memory_space<vmem>> -> memref<1x1x8x8x128xf32, #tpu.memory_space<vmem>>
      %dma_start3A_2152 = tpu.memref_squeeze %dma_start3A_2151 : memref<1x1x8x8x128xf32, #tpu.memory_space<vmem>> -> memref<8x8x128xf32, #tpu.memory_space<vmem>>
      %dma_start3A_2153 = arith.constant 0 : i32
      %dma_start3A_2154 = arith.constant 0 : i32
      %dma_start3A_2155 = tpu.memref_slice %arg4[%dma_start3A_2153, %dma_start3A_2154, %multiple_of3A_2145] : memref<8x8x1000000xf32, #tpu.memory_space<hbm>> -> memref<8x8x128xf32, #tpu.memory_space<hbm>>
      %dma_start3A_2156 = arith.constant 0 : i32
      %dma_start3A_2157 = arith.constant 0 : i32
      %dma_start3A_2158 = arith.constant 0 : i32
      %dma_start3A_2159 = tpu.memref_slice %arg8[%dma_start3A_2146, %dma_start3A_2147, %dma_start3A_2156, %dma_start3A_2157, %dma_start3A_2158] : memref<6x2x8x8x128xf32, #tpu.memory_space<vmem>> -> memref<1x1x8x8x128xf32, #tpu.memory_space<vmem>>
      %dma_start3A_2160 = tpu.memref_squeeze %dma_start3A_2159 : memref<1x1x8x8x128xf32, #tpu.memory_space<vmem>> -> memref<8x8x128xf32, #tpu.memory_space<vmem>>
      %dma_start3A_2161 = arith.constant 0 : i32
      %dma_start3A_2162 = arith.constant 0 : i32
      %dma_start3A_2163 = tpu.memref_slice %arg4[%dma_start3A_2161, %dma_start3A_2162, %multiple_of3A_2145] : memref<8x8x1000000xf32, #tpu.memory_space<hbm>> -> memref<8x8x128xf32, #tpu.memory_space<hbm>>
      tpu.enqueue_dma source(%dma_start3A_2163 : memref<8x8x128xf32, #tpu.memory_space<hbm>>) target(%dma_start3A_2160 : memref<8x8x128xf32, #tpu.memory_space<vmem>>) target_semaphore(%arg11 : memref<!tpu.dma_semaphore, #tpu.memory_space<semaphore_mem>>)
      %dma_wait3A_2164 = arith.constant 2 : i32
      %dma_wait3A_2165 = arith.constant 0 : i32
      %dma_wait3A_2166 = arith.constant 0 : i32
      %dma_wait3A_2167 = arith.constant 0 : i32
      %dma_wait3A_2168 = arith.constant 0 : i32
      %dma_wait3A_2169 = tpu.memref_slice %arg8[%dma_wait3A_2164, %dma_wait3A_2165, %dma_wait3A_2166, %dma_wait3A_2167, %dma_wait3A_2168] : memref<6x2x8x8x128xf32, #tpu.memory_space<vmem>> -> memref<1x1x8x8x128xf32, #tpu.memory_space<vmem>>
      %dma_wait3A_2170 = tpu.memref_squeeze %dma_wait3A_2169 : memref<1x1x8x8x128xf32, #tpu.memory_space<vmem>> -> memref<8x8x128xf32, #tpu.memory_space<vmem>>
      %dma_wait3A_2171 = arith.constant 0 : i32
      %dma_wait3A_2172 = arith.constant 0 : i32
      %dma_wait3A_2173 = arith.constant 0 : i32
      %dma_wait3A_2174 = tpu.memref_slice %arg4[%dma_wait3A_2171, %dma_wait3A_2172, %dma_wait3A_2173] : memref<8x8x1000000xf32, #tpu.memory_space<hbm>> -> memref<8x8x128xf32, #tpu.memory_space<hbm>>
      %dma_wait3A_2175 = arith.constant 0 : i32
      %dma_wait3A_2176 = arith.constant 0 : i32
      %dma_wait3A_2177 = arith.constant 0 : i32
      %dma_wait3A_2178 = tpu.memref_slice %arg8[%dma_wait3A_2164, %dma_wait3A_2165, %dma_wait3A_2175, %dma_wait3A_2176, %dma_wait3A_2177] : memref<6x2x8x8x128xf32, #tpu.memory_space<vmem>> -> memref<1x1x8x8x128xf32, #tpu.memory_space<vmem>>
      %dma_wait3A_2179 = tpu.memref_squeeze %dma_wait3A_2178 : memref<1x1x8x8x128xf32, #tpu.memory_space<vmem>> -> memref<8x8x128xf32, #tpu.memory_space<vmem>>
      %dma_wait3A_2180 = arith.constant 0 : i32
      %dma_wait3A_2181 = arith.constant 0 : i32
      %dma_wait3A_2182 = arith.constant 0 : i32
      %dma_wait3A_2183 = tpu.memref_slice %arg4[%dma_wait3A_2180, %dma_wait3A_2181, %dma_wait3A_2182] : memref<8x8x1000000xf32, #tpu.memory_space<hbm>> -> memref<8x8x128xf32, #tpu.memory_space<hbm>>
      tpu.wait_dma2 semaphore(%arg12 : memref<!tpu.dma_semaphore, #tpu.memory_space<semaphore_mem>>) src(%dma_wait3A_2183 : memref<8x8x128xf32, #tpu.memory_space<hbm>>) dst(%dma_wait3A_2179 : memref<8x8x128xf32, #tpu.memory_space<vmem>>)
      %dma_wait3A_2184 = arith.constant 2 : i32
      %dma_wait3A_2185 = arith.constant 1 : i32
      %dma_wait3A_2186 = arith.constant 0 : i32
      %dma_wait3A_2187 = arith.constant 0 : i32
      %dma_wait3A_2188 = arith.constant 0 : i32
      %dma_wait3A_2189 = tpu.memref_slice %arg8[%dma_wait3A_2184, %dma_wait3A_2185, %dma_wait3A_2186, %dma_wait3A_2187, %dma_wait3A_2188] : memref<6x2x8x8x128xf32, #tpu.memory_space<vmem>> -> memref<1x1x8x8x128xf32, #tpu.memory_space<vmem>>
      %dma_wait3A_2190 = tpu.memref_squeeze %dma_wait3A_2189 : memref<1x1x8x8x128xf32, #tpu.memory_space<vmem>> -> memref<8x8x128xf32, #tpu.memory_space<vmem>>
      %dma_wait3A_2191 = arith.constant 0 : i32
      %dma_wait3A_2192 = arith.constant 0 : i32
      %dma_wait3A_2193 = arith.constant 0 : i32
      %dma_wait3A_2194 = tpu.memref_slice %arg4[%dma_wait3A_2191, %dma_wait3A_2192, %dma_wait3A_2193] : memref<8x8x1000000xf32, #tpu.memory_space<hbm>> -> memref<8x8x128xf32, #tpu.memory_space<hbm>>
      %dma_wait3A_2195 = arith.constant 0 : i32
      %dma_wait3A_2196 = arith.constant 0 : i32
      %dma_wait3A_2197 = arith.constant 0 : i32
      %dma_wait3A_2198 = tpu.memref_slice %arg8[%dma_wait3A_2184, %dma_wait3A_2185, %dma_wait3A_2195, %dma_wait3A_2196, %dma_wait3A_2197] : memref<6x2x8x8x128xf32, #tpu.memory_space<vmem>> -> memref<1x1x8x8x128xf32, #tpu.memory_space<vmem>>
      %dma_wait3A_2199 = tpu.memref_squeeze %dma_wait3A_2198 : memref<1x1x8x8x128xf32, #tpu.memory_space<vmem>> -> memref<8x8x128xf32, #tpu.memory_space<vmem>>
      %dma_wait3A_2200 = arith.constant 0 : i32
      %dma_wait3A_2201 = arith.constant 0 : i32
      %dma_wait3A_2202 = arith.constant 0 : i32
      %dma_wait3A_2203 = tpu.memref_slice %arg4[%dma_wait3A_2200, %dma_wait3A_2201, %dma_wait3A_2202] : memref<8x8x1000000xf32, #tpu.memory_space<hbm>> -> memref<8x8x128xf32, #tpu.memory_space<hbm>>
      tpu.wait_dma2 semaphore(%arg12 : memref<!tpu.dma_semaphore, #tpu.memory_space<semaphore_mem>>) src(%dma_wait3A_2203 : memref<8x8x128xf32, #tpu.memory_space<hbm>>) dst(%dma_wait3A_2199 : memref<8x8x128xf32, #tpu.memory_space<vmem>>)
      %add3A_2204 = arith.constant 2 : i32
      %add3A_2205 = arith.addi %mul3A_1673, %add3A_2204 : i32
      %mul3A_2206 = arith.constant 2 : i32
      %mul3A_2207 = arith.muli %add3A_2205, %mul3A_2206 : i32
      %add3A_2208 = arith.constant 0 : i32
      %add3A_2209 = arith.addi %mul3A_2207, %add3A_2208 : i32
      %get3A_2210 = arith.index_cast %add3A_2209 : i32 to index
      %get3A_2211 = memref.load %arg7[%get3A_2210] : memref<256xi32, #tpu.memory_space<smem>>
      %and3A_2212 = arith.constant 127 : i32
      %and3A_2213 = arith.andi %get3A_2211, %and3A_2212 : i32
      %broadcast_in_dim3A_2214 = vector.broadcast %and3A_2213 : i32 to vector<16xi32>
      %div3A_2215 = arith.constant 128 : i32
      %div3A_2216 = arith.divsi %add3A_2209, %div3A_2215 : i32
      %broadcast_in_dim3A_2217 = vector.broadcast %div3A_2216 : i32 to vector<16xi32>
      %rem3A_2218 = arith.constant 128 : i32
      %rem3A_2219 = arith.remsi %add3A_2209, %rem3A_2218 : i32
      %broadcast_in_dim3A_2220 = vector.broadcast %rem3A_2219 : i32 to vector<16xi32>
      %broadcast_in_dim3A_2221 = arith.constant 2 : i32
      %broadcast_in_dim3A_2222 = vector.broadcast %broadcast_in_dim3A_2221 : i32 to vector<16xi32>
      %broadcast_in_dim3A_2223 = arith.constant 0 : i32
      %broadcast_in_dim3A_2224 = vector.broadcast %broadcast_in_dim3A_2223 : i32 to vector<16xi32>
      %gather3A_2225 = tpu.vector_load_idx %arg8[%broadcast_in_dim3A_2222, %broadcast_in_dim3A_2224, %shift_right_arithmetic3A_21, %and3A_44, %broadcast_in_dim3A_2214] : memref<6x2x8x8x128xf32, #tpu.memory_space<vmem>>[vector<16xi32>, vector<16xi32>, vector<16xi32>, vector<16xi32>, vector<16xi32>], vector<16xf32>,
      %add3A_2226 = arith.constant 0 : i32
      %add3A_2227 = vector.broadcast %add3A_2226 : i32 to vector<16xi32>
      %add3A_2228 = arith.addi %add3A_2227, %iota3A : vector<16xi32>
      %gather3A_2229 = tpu.vector_load_idx %arg9[%add3A_2228, %broadcast_in_dim3A_2217, %broadcast_in_dim3A_2220] : memref<64x2x128xf32, #tpu.memory_space<vmem>>[vector<16xi32>, vector<16xi32>, vector<16xi32>], vector<16xf32>,
      %add3A_2230 = arith.constant 0 : i32
      %add3A_2231 = vector.broadcast %add3A_2230 : i32 to vector<16xi32>
      %add3A_2232 = arith.addi %add3A_2231, %iota3A : vector<16xi32>
      %add3A_2233 = arith.addf %gather3A_2225, %gather3A_2229 : vector<16xf32>
      tpu.vector_store_idx %arg9[%add3A_2232, %broadcast_in_dim3A_2217, %broadcast_in_dim3A_2220], %add3A_2233 : memref<64x2x128xf32, #tpu.memory_space<vmem>>[vector<16xi32>, vector<16xi32>, vector<16xi32>], vector<16xf32>,
      %gather3A_2234 = tpu.vector_load_idx %arg8[%broadcast_in_dim3A_2222, %broadcast_in_dim3A_2224, %shift_right_arithmetic3A_27, %and3A_50, %broadcast_in_dim3A_2214] : memref<6x2x8x8x128xf32, #tpu.memory_space<vmem>>[vector<16xi32>, vector<16xi32>, vector<16xi32>, vector<16xi32>, vector<16xi32>], vector<16xf32>,
      %add3A_2235 = arith.constant 16 : i32
      %add3A_2236 = vector.broadcast %add3A_2235 : i32 to vector<16xi32>
      %add3A_2237 = arith.addi %add3A_2236, %iota3A : vector<16xi32>
      %gather3A_2238 = tpu.vector_load_idx %arg9[%add3A_2237, %broadcast_in_dim3A_2217, %broadcast_in_dim3A_2220] : memref<64x2x128xf32, #tpu.memory_space<vmem>>[vector<16xi32>, vector<16xi32>, vector<16xi32>], vector<16xf32>,
      %add3A_2239 = arith.constant 16 : i32
      %add3A_2240 = vector.broadcast %add3A_2239 : i32 to vector<16xi32>
      %add3A_2241 = arith.addi %add3A_2240, %iota3A : vector<16xi32>
      %add3A_2242 = arith.addf %gather3A_2234, %gather3A_2238 : vector<16xf32>
      tpu.vector_store_idx %arg9[%add3A_2241, %broadcast_in_dim3A_2217, %broadcast_in_dim3A_2220], %add3A_2242 : memref<64x2x128xf32, #tpu.memory_space<vmem>>[vector<16xi32>, vector<16xi32>, vector<16xi32>], vector<16xf32>,
      %gather3A_2243 = tpu.vector_load_idx %arg8[%broadcast_in_dim3A_2222, %broadcast_in_dim3A_2224, %shift_right_arithmetic3A_33, %and3A_56, %broadcast_in_dim3A_2214] : memref<6x2x8x8x128xf32, #tpu.memory_space<vmem>>[vector<16xi32>, vector<16xi32>, vector<16xi32>, vector<16xi32>, vector<16xi32>], vector<16xf32>,
      %add3A_2244 = arith.constant 32 : i32
      %add3A_2245 = vector.broadcast %add3A_2244 : i32 to vector<16xi32>
      %add3A_2246 = arith.addi %add3A_2245, %iota3A : vector<16xi32>
      %gather3A_2247 = tpu.vector_load_idx %arg9[%add3A_2246, %broadcast_in_dim3A_2217, %broadcast_in_dim3A_2220] : memref<64x2x128xf32, #tpu.memory_space<vmem>>[vector<16xi32>, vector<16xi32>, vector<16xi32>], vector<16xf32>,
      %add3A_2248 = arith.constant 32 : i32
      %add3A_2249 = vector.broadcast %add3A_2248 : i32 to vector<16xi32>
      %add3A_2250 = arith.addi %add3A_2249, %iota3A : vector<16xi32>
      %add3A_2251 = arith.addf %gather3A_2243, %gather3A_2247 : vector<16xf32>
      tpu.vector_store_idx %arg9[%add3A_2250, %broadcast_in_dim3A_2217, %broadcast_in_dim3A_2220], %add3A_2251 : memref<64x2x128xf32, #tpu.memory_space<vmem>>[vector<16xi32>, vector<16xi32>, vector<16xi32>], vector<16xf32>,
      %gather3A_2252 = tpu.vector_load_idx %arg8[%broadcast_in_dim3A_2222, %broadcast_in_dim3A_2224, %shift_right_arithmetic3A_39, %and3A_62, %broadcast_in_dim3A_2214] : memref<6x2x8x8x128xf32, #tpu.memory_space<vmem>>[vector<16xi32>, vector<16xi32>, vector<16xi32>, vector<16xi32>, vector<16xi32>], vector<16xf32>,
      %add3A_2253 = arith.constant 48 : i32
      %add3A_2254 = vector.broadcast %add3A_2253 : i32 to vector<16xi32>
      %add3A_2255 = arith.addi %add3A_2254, %iota3A : vector<16xi32>
      %gather3A_2256 = tpu.vector_load_idx %arg9[%add3A_2255, %broadcast_in_dim3A_2217, %broadcast_in_dim3A_2220] : memref<64x2x128xf32, #tpu.memory_space<vmem>>[vector<16xi32>, vector<16xi32>, vector<16xi32>], vector<16xf32>,
      %add3A_2257 = arith.constant 48 : i32
      %add3A_2258 = vector.broadcast %add3A_2257 : i32 to vector<16xi32>
      %add3A_2259 = arith.addi %add3A_2258, %iota3A : vector<16xi32>
      %add3A_2260 = arith.addf %gather3A_2252, %gather3A_2256 : vector<16xf32>
      tpu.vector_store_idx %arg9[%add3A_2259, %broadcast_in_dim3A_2217, %broadcast_in_dim3A_2220], %add3A_2260 : memref<64x2x128xf32, #tpu.memory_space<vmem>>[vector<16xi32>, vector<16xi32>, vector<16xi32>], vector<16xf32>,
      %mul3A_2261 = arith.constant 2 : i32
      %mul3A_2262 = arith.muli %add3A_2205, %mul3A_2261 : i32
      %add3A_2263 = arith.constant 1 : i32
      %add3A_2264 = arith.addi %mul3A_2262, %add3A_2263 : i32
      %get3A_2265 = arith.index_cast %add3A_2264 : i32 to index
      %get3A_2266 = memref.load %arg7[%get3A_2265] : memref<256xi32, #tpu.memory_space<smem>>
      %and3A_2267 = arith.constant 127 : i32
      %and3A_2268 = arith.andi %get3A_2266, %and3A_2267 : i32
      %broadcast_in_dim3A_2269 = vector.broadcast %and3A_2268 : i32 to vector<16xi32>
      %div3A_2270 = arith.constant 128 : i32
      %div3A_2271 = arith.divsi %add3A_2264, %div3A_2270 : i32
      %broadcast_in_dim3A_2272 = vector.broadcast %div3A_2271 : i32 to vector<16xi32>
      %rem3A_2273 = arith.constant 128 : i32
      %rem3A_2274 = arith.remsi %add3A_2264, %rem3A_2273 : i32
      %broadcast_in_dim3A_2275 = vector.broadcast %rem3A_2274 : i32 to vector<16xi32>
      %broadcast_in_dim3A_2276 = arith.constant 2 : i32
      %broadcast_in_dim3A_2277 = vector.broadcast %broadcast_in_dim3A_2276 : i32 to vector<16xi32>
      %broadcast_in_dim3A_2278 = arith.constant 1 : i32
      %broadcast_in_dim3A_2279 = vector.broadcast %broadcast_in_dim3A_2278 : i32 to vector<16xi32>
      %gather3A_2280 = tpu.vector_load_idx %arg8[%broadcast_in_dim3A_2277, %broadcast_in_dim3A_2279, %shift_right_arithmetic3A_21, %and3A_44, %broadcast_in_dim3A_2269] : memref<6x2x8x8x128xf32, #tpu.memory_space<vmem>>[vector<16xi32>, vector<16xi32>, vector<16xi32>, vector<16xi32>, vector<16xi32>], vector<16xf32>,
      %add3A_2281 = arith.constant 0 : i32
      %add3A_2282 = vector.broadcast %add3A_2281 : i32 to vector<16xi32>
      %add3A_2283 = arith.addi %add3A_2282, %iota3A : vector<16xi32>
      %gather3A_2284 = tpu.vector_load_idx %arg9[%add3A_2283, %broadcast_in_dim3A_2272, %broadcast_in_dim3A_2275] : memref<64x2x128xf32, #tpu.memory_space<vmem>>[vector<16xi32>, vector<16xi32>, vector<16xi32>], vector<16xf32>,
      %add3A_2285 = arith.constant 0 : i32
      %add3A_2286 = vector.broadcast %add3A_2285 : i32 to vector<16xi32>
      %add3A_2287 = arith.addi %add3A_2286, %iota3A : vector<16xi32>
      %add3A_2288 = arith.addf %gather3A_2280, %gather3A_2284 : vector<16xf32>
      tpu.vector_store_idx %arg9[%add3A_2287, %broadcast_in_dim3A_2272, %broadcast_in_dim3A_2275], %add3A_2288 : memref<64x2x128xf32, #tpu.memory_space<vmem>>[vector<16xi32>, vector<16xi32>, vector<16xi32>], vector<16xf32>,
      %gather3A_2289 = tpu.vector_load_idx %arg8[%broadcast_in_dim3A_2277, %broadcast_in_dim3A_2279, %shift_right_arithmetic3A_27, %and3A_50, %broadcast_in_dim3A_2269] : memref<6x2x8x8x128xf32, #tpu.memory_space<vmem>>[vector<16xi32>, vector<16xi32>, vector<16xi32>, vector<16xi32>, vector<16xi32>], vector<16xf32>,
      %add3A_2290 = arith.constant 16 : i32
      %add3A_2291 = vector.broadcast %add3A_2290 : i32 to vector<16xi32>
      %add3A_2292 = arith.addi %add3A_2291, %iota3A : vector<16xi32>
      %gather3A_2293 = tpu.vector_load_idx %arg9[%add3A_2292, %broadcast_in_dim3A_2272, %broadcast_in_dim3A_2275] : memref<64x2x128xf32, #tpu.memory_space<vmem>>[vector<16xi32>, vector<16xi32>, vector<16xi32>], vector<16xf32>,
      %add3A_2294 = arith.constant 16 : i32
      %add3A_2295 = vector.broadcast %add3A_2294 : i32 to vector<16xi32>
      %add3A_2296 = arith.addi %add3A_2295, %iota3A : vector<16xi32>
      %add3A_2297 = arith.addf %gather3A_2289, %gather3A_2293 : vector<16xf32>
      tpu.vector_store_idx %arg9[%add3A_2296, %broadcast_in_dim3A_2272, %broadcast_in_dim3A_2275], %add3A_2297 : memref<64x2x128xf32, #tpu.memory_space<vmem>>[vector<16xi32>, vector<16xi32>, vector<16xi32>], vector<16xf32>,
      %gather3A_2298 = tpu.vector_load_idx %arg8[%broadcast_in_dim3A_2277, %broadcast_in_dim3A_2279, %shift_right_arithmetic3A_33, %and3A_56, %broadcast_in_dim3A_2269] : memref<6x2x8x8x128xf32, #tpu.memory_space<vmem>>[vector<16xi32>, vector<16xi32>, vector<16xi32>, vector<16xi32>, vector<16xi32>], vector<16xf32>,
      %add3A_2299 = arith.constant 32 : i32
      %add3A_2300 = vector.broadcast %add3A_2299 : i32 to vector<16xi32>
      %add3A_2301 = arith.addi %add3A_2300, %iota3A : vector<16xi32>
      %gather3A_2302 = tpu.vector_load_idx %arg9[%add3A_2301, %broadcast_in_dim3A_2272, %broadcast_in_dim3A_2275] : memref<64x2x128xf32, #tpu.memory_space<vmem>>[vector<16xi32>, vector<16xi32>, vector<16xi32>], vector<16xf32>,
      %add3A_2303 = arith.constant 32 : i32
      %add3A_2304 = vector.broadcast %add3A_2303 : i32 to vector<16xi32>
      %add3A_2305 = arith.addi %add3A_2304, %iota3A : vector<16xi32>
      %add3A_2306 = arith.addf %gather3A_2298, %gather3A_2302 : vector<16xf32>
      tpu.vector_store_idx %arg9[%add3A_2305, %broadcast_in_dim3A_2272, %broadcast_in_dim3A_2275], %add3A_2306 : memref<64x2x128xf32, #tpu.memory_space<vmem>>[vector<16xi32>, vector<16xi32>, vector<16xi32>], vector<16xf32>,
      %gather3A_2307 = tpu.vector_load_idx %arg8[%broadcast_in_dim3A_2277, %broadcast_in_dim3A_2279, %shift_right_arithmetic3A_39, %and3A_62, %broadcast_in_dim3A_2269] : memref<6x2x8x8x128xf32, #tpu.memory_space<vmem>>[vector<16xi32>, vector<16xi32>, vector<16xi32>, vector<16xi32>, vector<16xi32>], vector<16xf32>,
      %add3A_2308 = arith.constant 48 : i32
      %add3A_2309 = vector.broadcast %add3A_2308 : i32 to vector<16xi32>
      %add3A_2310 = arith.addi %add3A_2309, %iota3A : vector<16xi32>
      %gather3A_2311 = tpu.vector_load_idx %arg9[%add3A_2310, %broadcast_in_dim3A_2272, %broadcast_in_dim3A_2275] : memref<64x2x128xf32, #tpu.memory_space<vmem>>[vector<16xi32>, vector<16xi32>, vector<16xi32>], vector<16xf32>,
      %add3A_2312 = arith.constant 48 : i32
      %add3A_2313 = vector.broadcast %add3A_2312 : i32 to vector<16xi32>
      %add3A_2314 = arith.addi %add3A_2313, %iota3A : vector<16xi32>
      %add3A_2315 = arith.addf %gather3A_2307, %gather3A_2311 : vector<16xf32>
      tpu.vector_store_idx %arg9[%add3A_2314, %broadcast_in_dim3A_2272, %broadcast_in_dim3A_2275], %add3A_2315 : memref<64x2x128xf32, #tpu.memory_space<vmem>>[vector<16xi32>, vector<16xi32>, vector<16xi32>], vector<16xf32>,
      %add3A_2316 = arith.constant 3 : i32
      %add3A_2317 = arith.addi %mul3A_1673, %add3A_2316 : i32
      %add3A_2318 = arith.constant 5 : i32
      %add3A_2319 = arith.addi %add3A_2317, %add3A_2318 : i32
      %mul3A_2320 = arith.constant 2 : i32
      %mul3A_2321 = arith.muli %add3A_2319, %mul3A_2320 : i32
      %add3A_2322 = arith.constant 0 : i32
      %add3A_2323 = arith.addi %mul3A_2321, %add3A_2322 : i32
      %get3A_2324 = arith.index_cast %add3A_2323 : i32 to index
      %get3A_2325 = memref.load %arg7[%get3A_2324] : memref<256xi32, #tpu.memory_space<smem>>
      %shift_right_arithmetic3A_2326 = arith.constant 7 : i32
      %shift_right_arithmetic3A_2327 = arith.shrsi %get3A_2325, %shift_right_arithmetic3A_2326 : i32
      %mul3A_2328 = arith.constant 128 : i32
      %mul3A_2329 = arith.muli %shift_right_arithmetic3A_2327, %mul3A_2328 : i32
      %multiple_of3A_2330 = tpu.assume_multiple %mul3A_2329, 128 : i32
      %dma_start3A_2331 = arith.constant 2 : i32
      %dma_start3A_2332 = arith.constant 0 : i32
      %dma_start3A_2333 = arith.constant 0 : i32
      %dma_start3A_2334 = arith.constant 0 : i32
      %dma_start3A_2335 = arith.constant 0 : i32
      %dma_start3A_2336 = tpu.memref_slice %arg8[%dma_start3A_2331, %dma_start3A_2332, %dma_start3A_2333, %dma_start3A_2334, %dma_start3A_2335] : memref<6x2x8x8x128xf32, #tpu.memory_space<vmem>> -> memref<1x1x8x8x128xf32, #tpu.memory_space<vmem>>
      %dma_start3A_2337 = tpu.memref_squeeze %dma_start3A_2336 : memref<1x1x8x8x128xf32, #tpu.memory_space<vmem>> -> memref<8x8x128xf32, #tpu.memory_space<vmem>>
      %dma_start3A_2338 = arith.constant 0 : i32
      %dma_start3A_2339 = arith.constant 0 : i32
      %dma_start3A_2340 = tpu.memref_slice %arg4[%dma_start3A_2338, %dma_start3A_2339, %multiple_of3A_2330] : memref<8x8x1000000xf32, #tpu.memory_space<hbm>> -> memref<8x8x128xf32, #tpu.memory_space<hbm>>
      %dma_start3A_2341 = arith.constant 0 : i32
      %dma_start3A_2342 = arith.constant 0 : i32
      %dma_start3A_2343 = arith.constant 0 : i32
      %dma_start3A_2344 = tpu.memref_slice %arg8[%dma_start3A_2331, %dma_start3A_2332, %dma_start3A_2341, %dma_start3A_2342, %dma_start3A_2343] : memref<6x2x8x8x128xf32, #tpu.memory_space<vmem>> -> memref<1x1x8x8x128xf32, #tpu.memory_space<vmem>>
      %dma_start3A_2345 = tpu.memref_squeeze %dma_start3A_2344 : memref<1x1x8x8x128xf32, #tpu.memory_space<vmem>> -> memref<8x8x128xf32, #tpu.memory_space<vmem>>
      %dma_start3A_2346 = arith.constant 0 : i32
      %dma_start3A_2347 = arith.constant 0 : i32
      %dma_start3A_2348 = tpu.memref_slice %arg4[%dma_start3A_2346, %dma_start3A_2347, %multiple_of3A_2330] : memref<8x8x1000000xf32, #tpu.memory_space<hbm>> -> memref<8x8x128xf32, #tpu.memory_space<hbm>>
      tpu.enqueue_dma source(%dma_start3A_2348 : memref<8x8x128xf32, #tpu.memory_space<hbm>>) target(%dma_start3A_2345 : memref<8x8x128xf32, #tpu.memory_space<vmem>>) target_semaphore(%arg12 : memref<!tpu.dma_semaphore, #tpu.memory_space<semaphore_mem>>)
      %mul3A_2349 = arith.constant 2 : i32
      %mul3A_2350 = arith.muli %add3A_2319, %mul3A_2349 : i32
      %add3A_2351 = arith.constant 1 : i32
      %add3A_2352 = arith.addi %mul3A_2350, %add3A_2351 : i32
      %get3A_2353 = arith.index_cast %add3A_2352 : i32 to index
      %get3A_2354 = memref.load %arg7[%get3A_2353] : memref<256xi32, #tpu.memory_space<smem>>
      %shift_right_arithmetic3A_2355 = arith.constant 7 : i32
      %shift_right_arithmetic3A_2356 = arith.shrsi %get3A_2354, %shift_right_arithmetic3A_2355 : i32
      %mul3A_2357 = arith.constant 128 : i32
      %mul3A_2358 = arith.muli %shift_right_arithmetic3A_2356, %mul3A_2357 : i32
      %multiple_of3A_2359 = tpu.assume_multiple %mul3A_2358, 128 : i32
      %dma_start3A_2360 = arith.constant 2 : i32
      %dma_start3A_2361 = arith.constant 1 : i32
      %dma_start3A_2362 = arith.constant 0 : i32
      %dma_start3A_2363 = arith.constant 0 : i32
      %dma_start3A_2364 = arith.constant 0 : i32
      %dma_start3A_2365 = tpu.memref_slice %arg8[%dma_start3A_2360, %dma_start3A_2361, %dma_start3A_2362, %dma_start3A_2363, %dma_start3A_2364] : memref<6x2x8x8x128xf32, #tpu.memory_space<vmem>> -> memref<1x1x8x8x128xf32, #tpu.memory_space<vmem>>
      %dma_start3A_2366 = tpu.memref_squeeze %dma_start3A_2365 : memref<1x1x8x8x128xf32, #tpu.memory_space<vmem>> -> memref<8x8x128xf32, #tpu.memory_space<vmem>>
      %dma_start3A_2367 = arith.constant 0 : i32
      %dma_start3A_2368 = arith.constant 0 : i32
      %dma_start3A_2369 = tpu.memref_slice %arg4[%dma_start3A_2367, %dma_start3A_2368, %multiple_of3A_2359] : memref<8x8x1000000xf32, #tpu.memory_space<hbm>> -> memref<8x8x128xf32, #tpu.memory_space<hbm>>
      %dma_start3A_2370 = arith.constant 0 : i32
      %dma_start3A_2371 = arith.constant 0 : i32
      %dma_start3A_2372 = arith.constant 0 : i32
      %dma_start3A_2373 = tpu.memref_slice %arg8[%dma_start3A_2360, %dma_start3A_2361, %dma_start3A_2370, %dma_start3A_2371, %dma_start3A_2372] : memref<6x2x8x8x128xf32, #tpu.memory_space<vmem>> -> memref<1x1x8x8x128xf32, #tpu.memory_space<vmem>>
      %dma_start3A_2374 = tpu.memref_squeeze %dma_start3A_2373 : memref<1x1x8x8x128xf32, #tpu.memory_space<vmem>> -> memref<8x8x128xf32, #tpu.memory_space<vmem>>
      %dma_start3A_2375 = arith.constant 0 : i32
      %dma_start3A_2376 = arith.constant 0 : i32
      %dma_start3A_2377 = tpu.memref_slice %arg4[%dma_start3A_2375, %dma_start3A_2376, %multiple_of3A_2359] : memref<8x8x1000000xf32, #tpu.memory_space<hbm>> -> memref<8x8x128xf32, #tpu.memory_space<hbm>>
      tpu.enqueue_dma source(%dma_start3A_2377 : memref<8x8x128xf32, #tpu.memory_space<hbm>>) target(%dma_start3A_2374 : memref<8x8x128xf32, #tpu.memory_space<vmem>>) target_semaphore(%arg12 : memref<!tpu.dma_semaphore, #tpu.memory_space<semaphore_mem>>)
      %dma_wait3A_2378 = arith.constant 3 : i32
      %dma_wait3A_2379 = arith.constant 0 : i32
      %dma_wait3A_2380 = arith.constant 0 : i32
      %dma_wait3A_2381 = arith.constant 0 : i32
      %dma_wait3A_2382 = arith.constant 0 : i32
      %dma_wait3A_2383 = tpu.memref_slice %arg8[%dma_wait3A_2378, %dma_wait3A_2379, %dma_wait3A_2380, %dma_wait3A_2381, %dma_wait3A_2382] : memref<6x2x8x8x128xf32, #tpu.memory_space<vmem>> -> memref<1x1x8x8x128xf32, #tpu.memory_space<vmem>>
      %dma_wait3A_2384 = tpu.memref_squeeze %dma_wait3A_2383 : memref<1x1x8x8x128xf32, #tpu.memory_space<vmem>> -> memref<8x8x128xf32, #tpu.memory_space<vmem>>
      %dma_wait3A_2385 = arith.constant 0 : i32
      %dma_wait3A_2386 = arith.constant 0 : i32
      %dma_wait3A_2387 = arith.constant 0 : i32
      %dma_wait3A_2388 = tpu.memref_slice %arg4[%dma_wait3A_2385, %dma_wait3A_2386, %dma_wait3A_2387] : memref<8x8x1000000xf32, #tpu.memory_space<hbm>> -> memref<8x8x128xf32, #tpu.memory_space<hbm>>
      %dma_wait3A_2389 = arith.constant 0 : i32
      %dma_wait3A_2390 = arith.constant 0 : i32
      %dma_wait3A_2391 = arith.constant 0 : i32
      %dma_wait3A_2392 = tpu.memref_slice %arg8[%dma_wait3A_2378, %dma_wait3A_2379, %dma_wait3A_2389, %dma_wait3A_2390, %dma_wait3A_2391] : memref<6x2x8x8x128xf32, #tpu.memory_space<vmem>> -> memref<1x1x8x8x128xf32, #tpu.memory_space<vmem>>
      %dma_wait3A_2393 = tpu.memref_squeeze %dma_wait3A_2392 : memref<1x1x8x8x128xf32, #tpu.memory_space<vmem>> -> memref<8x8x128xf32, #tpu.memory_space<vmem>>
      %dma_wait3A_2394 = arith.constant 0 : i32
      %dma_wait3A_2395 = arith.constant 0 : i32
      %dma_wait3A_2396 = arith.constant 0 : i32
      %dma_wait3A_2397 = tpu.memref_slice %arg4[%dma_wait3A_2394, %dma_wait3A_2395, %dma_wait3A_2396] : memref<8x8x1000000xf32, #tpu.memory_space<hbm>> -> memref<8x8x128xf32, #tpu.memory_space<hbm>>
      tpu.wait_dma2 semaphore(%arg13 : memref<!tpu.dma_semaphore, #tpu.memory_space<semaphore_mem>>) src(%dma_wait3A_2397 : memref<8x8x128xf32, #tpu.memory_space<hbm>>) dst(%dma_wait3A_2393 : memref<8x8x128xf32, #tpu.memory_space<vmem>>)
      %dma_wait3A_2398 = arith.constant 3 : i32
      %dma_wait3A_2399 = arith.constant 1 : i32
      %dma_wait3A_2400 = arith.constant 0 : i32
      %dma_wait3A_2401 = arith.constant 0 : i32
      %dma_wait3A_2402 = arith.constant 0 : i32
      %dma_wait3A_2403 = tpu.memref_slice %arg8[%dma_wait3A_2398, %dma_wait3A_2399, %dma_wait3A_2400, %dma_wait3A_2401, %dma_wait3A_2402] : memref<6x2x8x8x128xf32, #tpu.memory_space<vmem>> -> memref<1x1x8x8x128xf32, #tpu.memory_space<vmem>>
      %dma_wait3A_2404 = tpu.memref_squeeze %dma_wait3A_2403 : memref<1x1x8x8x128xf32, #tpu.memory_space<vmem>> -> memref<8x8x128xf32, #tpu.memory_space<vmem>>
      %dma_wait3A_2405 = arith.constant 0 : i32
      %dma_wait3A_2406 = arith.constant 0 : i32
      %dma_wait3A_2407 = arith.constant 0 : i32
      %dma_wait3A_2408 = tpu.memref_slice %arg4[%dma_wait3A_2405, %dma_wait3A_2406, %dma_wait3A_2407] : memref<8x8x1000000xf32, #tpu.memory_space<hbm>> -> memref<8x8x128xf32, #tpu.memory_space<hbm>>
      %dma_wait3A_2409 = arith.constant 0 : i32
      %dma_wait3A_2410 = arith.constant 0 : i32
      %dma_wait3A_2411 = arith.constant 0 : i32
      %dma_wait3A_2412 = tpu.memref_slice %arg8[%dma_wait3A_2398, %dma_wait3A_2399, %dma_wait3A_2409, %dma_wait3A_2410, %dma_wait3A_2411] : memref<6x2x8x8x128xf32, #tpu.memory_space<vmem>> -> memref<1x1x8x8x128xf32, #tpu.memory_space<vmem>>
      %dma_wait3A_2413 = tpu.memref_squeeze %dma_wait3A_2412 : memref<1x1x8x8x128xf32, #tpu.memory_space<vmem>> -> memref<8x8x128xf32, #tpu.memory_space<vmem>>
      %dma_wait3A_2414 = arith.constant 0 : i32
      %dma_wait3A_2415 = arith.constant 0 : i32
      %dma_wait3A_2416 = arith.constant 0 : i32
      %dma_wait3A_2417 = tpu.memref_slice %arg4[%dma_wait3A_2414, %dma_wait3A_2415, %dma_wait3A_2416] : memref<8x8x1000000xf32, #tpu.memory_space<hbm>> -> memref<8x8x128xf32, #tpu.memory_space<hbm>>
      tpu.wait_dma2 semaphore(%arg13 : memref<!tpu.dma_semaphore, #tpu.memory_space<semaphore_mem>>) src(%dma_wait3A_2417 : memref<8x8x128xf32, #tpu.memory_space<hbm>>) dst(%dma_wait3A_2413 : memref<8x8x128xf32, #tpu.memory_space<vmem>>)
      %add3A_2418 = arith.constant 3 : i32
      %add3A_2419 = arith.addi %mul3A_1673, %add3A_2418 : i32
      %mul3A_2420 = arith.constant 2 : i32
      %mul3A_2421 = arith.muli %add3A_2419, %mul3A_2420 : i32
      %add3A_2422 = arith.constant 0 : i32
      %add3A_2423 = arith.addi %mul3A_2421, %add3A_2422 : i32
      %get3A_2424 = arith.index_cast %add3A_2423 : i32 to index
      %get3A_2425 = memref.load %arg7[%get3A_2424] : memref<256xi32, #tpu.memory_space<smem>>
      %and3A_2426 = arith.constant 127 : i32
      %and3A_2427 = arith.andi %get3A_2425, %and3A_2426 : i32
      %broadcast_in_dim3A_2428 = vector.broadcast %and3A_2427 : i32 to vector<16xi32>
      %div3A_2429 = arith.constant 128 : i32
      %div3A_2430 = arith.divsi %add3A_2423, %div3A_2429 : i32
      %broadcast_in_dim3A_2431 = vector.broadcast %div3A_2430 : i32 to vector<16xi32>
      %rem3A_2432 = arith.constant 128 : i32
      %rem3A_2433 = arith.remsi %add3A_2423, %rem3A_2432 : i32
      %broadcast_in_dim3A_2434 = vector.broadcast %rem3A_2433 : i32 to vector<16xi32>
      %broadcast_in_dim3A_2435 = arith.constant 3 : i32
      %broadcast_in_dim3A_2436 = vector.broadcast %broadcast_in_dim3A_2435 : i32 to vector<16xi32>
      %broadcast_in_dim3A_2437 = arith.constant 0 : i32
      %broadcast_in_dim3A_2438 = vector.broadcast %broadcast_in_dim3A_2437 : i32 to vector<16xi32>
      %gather3A_2439 = tpu.vector_load_idx %arg8[%broadcast_in_dim3A_2436, %broadcast_in_dim3A_2438, %shift_right_arithmetic3A_21, %and3A_44, %broadcast_in_dim3A_2428] : memref<6x2x8x8x128xf32, #tpu.memory_space<vmem>>[vector<16xi32>, vector<16xi32>, vector<16xi32>, vector<16xi32>, vector<16xi32>], vector<16xf32>,
      %add3A_2440 = arith.constant 0 : i32
      %add3A_2441 = vector.broadcast %add3A_2440 : i32 to vector<16xi32>
      %add3A_2442 = arith.addi %add3A_2441, %iota3A : vector<16xi32>
      %gather3A_2443 = tpu.vector_load_idx %arg9[%add3A_2442, %broadcast_in_dim3A_2431, %broadcast_in_dim3A_2434] : memref<64x2x128xf32, #tpu.memory_space<vmem>>[vector<16xi32>, vector<16xi32>, vector<16xi32>], vector<16xf32>,
      %add3A_2444 = arith.constant 0 : i32
      %add3A_2445 = vector.broadcast %add3A_2444 : i32 to vector<16xi32>
      %add3A_2446 = arith.addi %add3A_2445, %iota3A : vector<16xi32>
      %add3A_2447 = arith.addf %gather3A_2439, %gather3A_2443 : vector<16xf32>
      tpu.vector_store_idx %arg9[%add3A_2446, %broadcast_in_dim3A_2431, %broadcast_in_dim3A_2434], %add3A_2447 : memref<64x2x128xf32, #tpu.memory_space<vmem>>[vector<16xi32>, vector<16xi32>, vector<16xi32>], vector<16xf32>,
      %gather3A_2448 = tpu.vector_load_idx %arg8[%broadcast_in_dim3A_2436, %broadcast_in_dim3A_2438, %shift_right_arithmetic3A_27, %and3A_50, %broadcast_in_dim3A_2428] : memref<6x2x8x8x128xf32, #tpu.memory_space<vmem>>[vector<16xi32>, vector<16xi32>, vector<16xi32>, vector<16xi32>, vector<16xi32>], vector<16xf32>,
      %add3A_2449 = arith.constant 16 : i32
      %add3A_2450 = vector.broadcast %add3A_2449 : i32 to vector<16xi32>
      %add3A_2451 = arith.addi %add3A_2450, %iota3A : vector<16xi32>
      %gather3A_2452 = tpu.vector_load_idx %arg9[%add3A_2451, %broadcast_in_dim3A_2431, %broadcast_in_dim3A_2434] : memref<64x2x128xf32, #tpu.memory_space<vmem>>[vector<16xi32>, vector<16xi32>, vector<16xi32>], vector<16xf32>,
      %add3A_2453 = arith.constant 16 : i32
      %add3A_2454 = vector.broadcast %add3A_2453 : i32 to vector<16xi32>
      %add3A_2455 = arith.addi %add3A_2454, %iota3A : vector<16xi32>
      %add3A_2456 = arith.addf %gather3A_2448, %gather3A_2452 : vector<16xf32>
      tpu.vector_store_idx %arg9[%add3A_2455, %broadcast_in_dim3A_2431, %broadcast_in_dim3A_2434], %add3A_2456 : memref<64x2x128xf32, #tpu.memory_space<vmem>>[vector<16xi32>, vector<16xi32>, vector<16xi32>], vector<16xf32>,
      %gather3A_2457 = tpu.vector_load_idx %arg8[%broadcast_in_dim3A_2436, %broadcast_in_dim3A_2438, %shift_right_arithmetic3A_33, %and3A_56, %broadcast_in_dim3A_2428] : memref<6x2x8x8x128xf32, #tpu.memory_space<vmem>>[vector<16xi32>, vector<16xi32>, vector<16xi32>, vector<16xi32>, vector<16xi32>], vector<16xf32>,
      %add3A_2458 = arith.constant 32 : i32
      %add3A_2459 = vector.broadcast %add3A_2458 : i32 to vector<16xi32>
      %add3A_2460 = arith.addi %add3A_2459, %iota3A : vector<16xi32>
      %gather3A_2461 = tpu.vector_load_idx %arg9[%add3A_2460, %broadcast_in_dim3A_2431, %broadcast_in_dim3A_2434] : memref<64x2x128xf32, #tpu.memory_space<vmem>>[vector<16xi32>, vector<16xi32>, vector<16xi32>], vector<16xf32>,
      %add3A_2462 = arith.constant 32 : i32
      %add3A_2463 = vector.broadcast %add3A_2462 : i32 to vector<16xi32>
      %add3A_2464 = arith.addi %add3A_2463, %iota3A : vector<16xi32>
      %add3A_2465 = arith.addf %gather3A_2457, %gather3A_2461 : vector<16xf32>
      tpu.vector_store_idx %arg9[%add3A_2464, %broadcast_in_dim3A_2431, %broadcast_in_dim3A_2434], %add3A_2465 : memref<64x2x128xf32, #tpu.memory_space<vmem>>[vector<16xi32>, vector<16xi32>, vector<16xi32>], vector<16xf32>,
      %gather3A_2466 = tpu.vector_load_idx %arg8[%broadcast_in_dim3A_2436, %broadcast_in_dim3A_2438, %shift_right_arithmetic3A_39, %and3A_62, %broadcast_in_dim3A_2428] : memref<6x2x8x8x128xf32, #tpu.memory_space<vmem>>[vector<16xi32>, vector<16xi32>, vector<16xi32>, vector<16xi32>, vector<16xi32>], vector<16xf32>,
      %add3A_2467 = arith.constant 48 : i32
      %add3A_2468 = vector.broadcast %add3A_2467 : i32 to vector<16xi32>
      %add3A_2469 = arith.addi %add3A_2468, %iota3A : vector<16xi32>
      %gather3A_2470 = tpu.vector_load_idx %arg9[%add3A_2469, %broadcast_in_dim3A_2431, %broadcast_in_dim3A_2434] : memref<64x2x128xf32, #tpu.memory_space<vmem>>[vector<16xi32>, vector<16xi32>, vector<16xi32>], vector<16xf32>,
      %add3A_2471 = arith.constant 48 : i32
      %add3A_2472 = vector.broadcast %add3A_2471 : i32 to vector<16xi32>
      %add3A_2473 = arith.addi %add3A_2472, %iota3A : vector<16xi32>
      %add3A_2474 = arith.addf %gather3A_2466, %gather3A_2470 : vector<16xf32>
      tpu.vector_store_idx %arg9[%add3A_2473, %broadcast_in_dim3A_2431, %broadcast_in_dim3A_2434], %add3A_2474 : memref<64x2x128xf32, #tpu.memory_space<vmem>>[vector<16xi32>, vector<16xi32>, vector<16xi32>], vector<16xf32>,
      %mul3A_2475 = arith.constant 2 : i32
      %mul3A_2476 = arith.muli %add3A_2419, %mul3A_2475 : i32
      %add3A_2477 = arith.constant 1 : i32
      %add3A_2478 = arith.addi %mul3A_2476, %add3A_2477 : i32
      %get3A_2479 = arith.index_cast %add3A_2478 : i32 to index
      %get3A_2480 = memref.load %arg7[%get3A_2479] : memref<256xi32, #tpu.memory_space<smem>>
      %and3A_2481 = arith.constant 127 : i32
      %and3A_2482 = arith.andi %get3A_2480, %and3A_2481 : i32
      %broadcast_in_dim3A_2483 = vector.broadcast %and3A_2482 : i32 to vector<16xi32>
      %div3A_2484 = arith.constant 128 : i32
      %div3A_2485 = arith.divsi %add3A_2478, %div3A_2484 : i32
      %broadcast_in_dim3A_2486 = vector.broadcast %div3A_2485 : i32 to vector<16xi32>
      %rem3A_2487 = arith.constant 128 : i32
      %rem3A_2488 = arith.remsi %add3A_2478, %rem3A_2487 : i32
      %broadcast_in_dim3A_2489 = vector.broadcast %rem3A_2488 : i32 to vector<16xi32>
      %broadcast_in_dim3A_2490 = arith.constant 3 : i32
      %broadcast_in_dim3A_2491 = vector.broadcast %broadcast_in_dim3A_2490 : i32 to vector<16xi32>
      %broadcast_in_dim3A_2492 = arith.constant 1 : i32
      %broadcast_in_dim3A_2493 = vector.broadcast %broadcast_in_dim3A_2492 : i32 to vector<16xi32>
      %gather3A_2494 = tpu.vector_load_idx %arg8[%broadcast_in_dim3A_2491, %broadcast_in_dim3A_2493, %shift_right_arithmetic3A_21, %and3A_44, %broadcast_in_dim3A_2483] : memref<6x2x8x8x128xf32, #tpu.memory_space<vmem>>[vector<16xi32>, vector<16xi32>, vector<16xi32>, vector<16xi32>, vector<16xi32>], vector<16xf32>,
      %add3A_2495 = arith.constant 0 : i32
      %add3A_2496 = vector.broadcast %add3A_2495 : i32 to vector<16xi32>
      %add3A_2497 = arith.addi %add3A_2496, %iota3A : vector<16xi32>
      %gather3A_2498 = tpu.vector_load_idx %arg9[%add3A_2497, %broadcast_in_dim3A_2486, %broadcast_in_dim3A_2489] : memref<64x2x128xf32, #tpu.memory_space<vmem>>[vector<16xi32>, vector<16xi32>, vector<16xi32>], vector<16xf32>,
      %add3A_2499 = arith.constant 0 : i32
      %add3A_2500 = vector.broadcast %add3A_2499 : i32 to vector<16xi32>
      %add3A_2501 = arith.addi %add3A_2500, %iota3A : vector<16xi32>
      %add3A_2502 = arith.addf %gather3A_2494, %gather3A_2498 : vector<16xf32>
      tpu.vector_store_idx %arg9[%add3A_2501, %broadcast_in_dim3A_2486, %broadcast_in_dim3A_2489], %add3A_2502 : memref<64x2x128xf32, #tpu.memory_space<vmem>>[vector<16xi32>, vector<16xi32>, vector<16xi32>], vector<16xf32>,
      %gather3A_2503 = tpu.vector_load_idx %arg8[%broadcast_in_dim3A_2491, %broadcast_in_dim3A_2493, %shift_right_arithmetic3A_27, %and3A_50, %broadcast_in_dim3A_2483] : memref<6x2x8x8x128xf32, #tpu.memory_space<vmem>>[vector<16xi32>, vector<16xi32>, vector<16xi32>, vector<16xi32>, vector<16xi32>], vector<16xf32>,
      %add3A_2504 = arith.constant 16 : i32
      %add3A_2505 = vector.broadcast %add3A_2504 : i32 to vector<16xi32>
      %add3A_2506 = arith.addi %add3A_2505, %iota3A : vector<16xi32>
      %gather3A_2507 = tpu.vector_load_idx %arg9[%add3A_2506, %broadcast_in_dim3A_2486, %broadcast_in_dim3A_2489] : memref<64x2x128xf32, #tpu.memory_space<vmem>>[vector<16xi32>, vector<16xi32>, vector<16xi32>], vector<16xf32>,
      %add3A_2508 = arith.constant 16 : i32
      %add3A_2509 = vector.broadcast %add3A_2508 : i32 to vector<16xi32>
      %add3A_2510 = arith.addi %add3A_2509, %iota3A : vector<16xi32>
      %add3A_2511 = arith.addf %gather3A_2503, %gather3A_2507 : vector<16xf32>
      tpu.vector_store_idx %arg9[%add3A_2510, %broadcast_in_dim3A_2486, %broadcast_in_dim3A_2489], %add3A_2511 : memref<64x2x128xf32, #tpu.memory_space<vmem>>[vector<16xi32>, vector<16xi32>, vector<16xi32>], vector<16xf32>,
      %gather3A_2512 = tpu.vector_load_idx %arg8[%broadcast_in_dim3A_2491, %broadcast_in_dim3A_2493, %shift_right_arithmetic3A_33, %and3A_56, %broadcast_in_dim3A_2483] : memref<6x2x8x8x128xf32, #tpu.memory_space<vmem>>[vector<16xi32>, vector<16xi32>, vector<16xi32>, vector<16xi32>, vector<16xi32>], vector<16xf32>,
      %add3A_2513 = arith.constant 32 : i32
      %add3A_2514 = vector.broadcast %add3A_2513 : i32 to vector<16xi32>
      %add3A_2515 = arith.addi %add3A_2514, %iota3A : vector<16xi32>
      %gather3A_2516 = tpu.vector_load_idx %arg9[%add3A_2515, %broadcast_in_dim3A_2486, %broadcast_in_dim3A_2489] : memref<64x2x128xf32, #tpu.memory_space<vmem>>[vector<16xi32>, vector<16xi32>, vector<16xi32>], vector<16xf32>,
      %add3A_2517 = arith.constant 32 : i32
      %add3A_2518 = vector.broadcast %add3A_2517 : i32 to vector<16xi32>
      %add3A_2519 = arith.addi %add3A_2518, %iota3A : vector<16xi32>
      %add3A_2520 = arith.addf %gather3A_2512, %gather3A_2516 : vector<16xf32>
      tpu.vector_store_idx %arg9[%add3A_2519, %broadcast_in_dim3A_2486, %broadcast_in_dim3A_2489], %add3A_2520 : memref<64x2x128xf32, #tpu.memory_space<vmem>>[vector<16xi32>, vector<16xi32>, vector<16xi32>], vector<16xf32>,
      %gather3A_2521 = tpu.vector_load_idx %arg8[%broadcast_in_dim3A_2491, %broadcast_in_dim3A_2493, %shift_right_arithmetic3A_39, %and3A_62, %broadcast_in_dim3A_2483] : memref<6x2x8x8x128xf32, #tpu.memory_space<vmem>>[vector<16xi32>, vector<16xi32>, vector<16xi32>, vector<16xi32>, vector<16xi32>], vector<16xf32>,
      %add3A_2522 = arith.constant 48 : i32
      %add3A_2523 = vector.broadcast %add3A_2522 : i32 to vector<16xi32>
      %add3A_2524 = arith.addi %add3A_2523, %iota3A : vector<16xi32>
      %gather3A_2525 = tpu.vector_load_idx %arg9[%add3A_2524, %broadcast_in_dim3A_2486, %broadcast_in_dim3A_2489] : memref<64x2x128xf32, #tpu.memory_space<vmem>>[vector<16xi32>, vector<16xi32>, vector<16xi32>], vector<16xf32>,
      %add3A_2526 = arith.constant 48 : i32
      %add3A_2527 = vector.broadcast %add3A_2526 : i32 to vector<16xi32>
      %add3A_2528 = arith.addi %add3A_2527, %iota3A : vector<16xi32>
      %add3A_2529 = arith.addf %gather3A_2521, %gather3A_2525 : vector<16xf32>
      tpu.vector_store_idx %arg9[%add3A_2528, %broadcast_in_dim3A_2486, %broadcast_in_dim3A_2489], %add3A_2529 : memref<64x2x128xf32, #tpu.memory_space<vmem>>[vector<16xi32>, vector<16xi32>, vector<16xi32>], vector<16xf32>,
      %add3A_2530 = arith.constant 4 : i32
      %add3A_2531 = arith.addi %mul3A_1673, %add3A_2530 : i32
      %add3A_2532 = arith.constant 5 : i32
      %add3A_2533 = arith.addi %add3A_2531, %add3A_2532 : i32
      %mul3A_2534 = arith.constant 2 : i32
      %mul3A_2535 = arith.muli %add3A_2533, %mul3A_2534 : i32
      %add3A_2536 = arith.constant 0 : i32
      %add3A_2537 = arith.addi %mul3A_2535, %add3A_2536 : i32
      %get3A_2538 = arith.index_cast %add3A_2537 : i32 to index
      %get3A_2539 = memref.load %arg7[%get3A_2538] : memref<256xi32, #tpu.memory_space<smem>>
      %shift_right_arithmetic3A_2540 = arith.constant 7 : i32
      %shift_right_arithmetic3A_2541 = arith.shrsi %get3A_2539, %shift_right_arithmetic3A_2540 : i32
      %mul3A_2542 = arith.constant 128 : i32
      %mul3A_2543 = arith.muli %shift_right_arithmetic3A_2541, %mul3A_2542 : i32
      %multiple_of3A_2544 = tpu.assume_multiple %mul3A_2543, 128 : i32
      %dma_start3A_2545 = arith.constant 3 : i32
      %dma_start3A_2546 = arith.constant 0 : i32
      %dma_start3A_2547 = arith.constant 0 : i32
      %dma_start3A_2548 = arith.constant 0 : i32
      %dma_start3A_2549 = arith.constant 0 : i32
      %dma_start3A_2550 = tpu.memref_slice %arg8[%dma_start3A_2545, %dma_start3A_2546, %dma_start3A_2547, %dma_start3A_2548, %dma_start3A_2549] : memref<6x2x8x8x128xf32, #tpu.memory_space<vmem>> -> memref<1x1x8x8x128xf32, #tpu.memory_space<vmem>>
      %dma_start3A_2551 = tpu.memref_squeeze %dma_start3A_2550 : memref<1x1x8x8x128xf32, #tpu.memory_space<vmem>> -> memref<8x8x128xf32, #tpu.memory_space<vmem>>
      %dma_start3A_2552 = arith.constant 0 : i32
      %dma_start3A_2553 = arith.constant 0 : i32
      %dma_start3A_2554 = tpu.memref_slice %arg4[%dma_start3A_2552, %dma_start3A_2553, %multiple_of3A_2544] : memref<8x8x1000000xf32, #tpu.memory_space<hbm>> -> memref<8x8x128xf32, #tpu.memory_space<hbm>>
      %dma_start3A_2555 = arith.constant 0 : i32
      %dma_start3A_2556 = arith.constant 0 : i32
      %dma_start3A_2557 = arith.constant 0 : i32
      %dma_start3A_2558 = tpu.memref_slice %arg8[%dma_start3A_2545, %dma_start3A_2546, %dma_start3A_2555, %dma_start3A_2556, %dma_start3A_2557] : memref<6x2x8x8x128xf32, #tpu.memory_space<vmem>> -> memref<1x1x8x8x128xf32, #tpu.memory_space<vmem>>
      %dma_start3A_2559 = tpu.memref_squeeze %dma_start3A_2558 : memref<1x1x8x8x128xf32, #tpu.memory_space<vmem>> -> memref<8x8x128xf32, #tpu.memory_space<vmem>>
      %dma_start3A_2560 = arith.constant 0 : i32
      %dma_start3A_2561 = arith.constant 0 : i32
      %dma_start3A_2562 = tpu.memref_slice %arg4[%dma_start3A_2560, %dma_start3A_2561, %multiple_of3A_2544] : memref<8x8x1000000xf32, #tpu.memory_space<hbm>> -> memref<8x8x128xf32, #tpu.memory_space<hbm>>
      tpu.enqueue_dma source(%dma_start3A_2562 : memref<8x8x128xf32, #tpu.memory_space<hbm>>) target(%dma_start3A_2559 : memref<8x8x128xf32, #tpu.memory_space<vmem>>) target_semaphore(%arg13 : memref<!tpu.dma_semaphore, #tpu.memory_space<semaphore_mem>>)
      %mul3A_2563 = arith.constant 2 : i32
      %mul3A_2564 = arith.muli %add3A_2533, %mul3A_2563 : i32
      %add3A_2565 = arith.constant 1 : i32
      %add3A_2566 = arith.addi %mul3A_2564, %add3A_2565 : i32
      %get3A_2567 = arith.index_cast %add3A_2566 : i32 to index
      %get3A_2568 = memref.load %arg7[%get3A_2567] : memref<256xi32, #tpu.memory_space<smem>>
      %shift_right_arithmetic3A_2569 = arith.constant 7 : i32
      %shift_right_arithmetic3A_2570 = arith.shrsi %get3A_2568, %shift_right_arithmetic3A_2569 : i32
      %mul3A_2571 = arith.constant 128 : i32
      %mul3A_2572 = arith.muli %shift_right_arithmetic3A_2570, %mul3A_2571 : i32
      %multiple_of3A_2573 = tpu.assume_multiple %mul3A_2572, 128 : i32
      %dma_start3A_2574 = arith.constant 3 : i32
      %dma_start3A_2575 = arith.constant 1 : i32
      %dma_start3A_2576 = arith.constant 0 : i32
      %dma_start3A_2577 = arith.constant 0 : i32
      %dma_start3A_2578 = arith.constant 0 : i32
      %dma_start3A_2579 = tpu.memref_slice %arg8[%dma_start3A_2574, %dma_start3A_2575, %dma_start3A_2576, %dma_start3A_2577, %dma_start3A_2578] : memref<6x2x8x8x128xf32, #tpu.memory_space<vmem>> -> memref<1x1x8x8x128xf32, #tpu.memory_space<vmem>>
      %dma_start3A_2580 = tpu.memref_squeeze %dma_start3A_2579 : memref<1x1x8x8x128xf32, #tpu.memory_space<vmem>> -> memref<8x8x128xf32, #tpu.memory_space<vmem>>
      %dma_start3A_2581 = arith.constant 0 : i32
      %dma_start3A_2582 = arith.constant 0 : i32
      %dma_start3A_2583 = tpu.memref_slice %arg4[%dma_start3A_2581, %dma_start3A_2582, %multiple_of3A_2573] : memref<8x8x1000000xf32, #tpu.memory_space<hbm>> -> memref<8x8x128xf32, #tpu.memory_space<hbm>>
      %dma_start3A_2584 = arith.constant 0 : i32
      %dma_start3A_2585 = arith.constant 0 : i32
      %dma_start3A_2586 = arith.constant 0 : i32
      %dma_start3A_2587 = tpu.memref_slice %arg8[%dma_start3A_2574, %dma_start3A_2575, %dma_start3A_2584, %dma_start3A_2585, %dma_start3A_2586] : memref<6x2x8x8x128xf32, #tpu.memory_space<vmem>> -> memref<1x1x8x8x128xf32, #tpu.memory_space<vmem>>
      %dma_start3A_2588 = tpu.memref_squeeze %dma_start3A_2587 : memref<1x1x8x8x128xf32, #tpu.memory_space<vmem>> -> memref<8x8x128xf32, #tpu.memory_space<vmem>>
      %dma_start3A_2589 = arith.constant 0 : i32
      %dma_start3A_2590 = arith.constant 0 : i32
      %dma_start3A_2591 = tpu.memref_slice %arg4[%dma_start3A_2589, %dma_start3A_2590, %multiple_of3A_2573] : memref<8x8x1000000xf32, #tpu.memory_space<hbm>> -> memref<8x8x128xf32, #tpu.memory_space<hbm>>
      tpu.enqueue_dma source(%dma_start3A_2591 : memref<8x8x128xf32, #tpu.memory_space<hbm>>) target(%dma_start3A_2588 : memref<8x8x128xf32, #tpu.memory_space<vmem>>) target_semaphore(%arg13 : memref<!tpu.dma_semaphore, #tpu.memory_space<semaphore_mem>>)
      %dma_wait3A_2592 = arith.constant 4 : i32
      %dma_wait3A_2593 = arith.constant 0 : i32
      %dma_wait3A_2594 = arith.constant 0 : i32
      %dma_wait3A_2595 = arith.constant 0 : i32
      %dma_wait3A_2596 = arith.constant 0 : i32
      %dma_wait3A_2597 = tpu.memref_slice %arg8[%dma_wait3A_2592, %dma_wait3A_2593, %dma_wait3A_2594, %dma_wait3A_2595, %dma_wait3A_2596] : memref<6x2x8x8x128xf32, #tpu.memory_space<vmem>> -> memref<1x1x8x8x128xf32, #tpu.memory_space<vmem>>
      %dma_wait3A_2598 = tpu.memref_squeeze %dma_wait3A_2597 : memref<1x1x8x8x128xf32, #tpu.memory_space<vmem>> -> memref<8x8x128xf32, #tpu.memory_space<vmem>>
      %dma_wait3A_2599 = arith.constant 0 : i32
      %dma_wait3A_2600 = arith.constant 0 : i32
      %dma_wait3A_2601 = arith.constant 0 : i32
      %dma_wait3A_2602 = tpu.memref_slice %arg4[%dma_wait3A_2599, %dma_wait3A_2600, %dma_wait3A_2601] : memref<8x8x1000000xf32, #tpu.memory_space<hbm>> -> memref<8x8x128xf32, #tpu.memory_space<hbm>>
      %dma_wait3A_2603 = arith.constant 0 : i32
      %dma_wait3A_2604 = arith.constant 0 : i32
      %dma_wait3A_2605 = arith.constant 0 : i32
      %dma_wait3A_2606 = tpu.memref_slice %arg8[%dma_wait3A_2592, %dma_wait3A_2593, %dma_wait3A_2603, %dma_wait3A_2604, %dma_wait3A_2605] : memref<6x2x8x8x128xf32, #tpu.memory_space<vmem>> -> memref<1x1x8x8x128xf32, #tpu.memory_space<vmem>>
      %dma_wait3A_2607 = tpu.memref_squeeze %dma_wait3A_2606 : memref<1x1x8x8x128xf32, #tpu.memory_space<vmem>> -> memref<8x8x128xf32, #tpu.memory_space<vmem>>
      %dma_wait3A_2608 = arith.constant 0 : i32
      %dma_wait3A_2609 = arith.constant 0 : i32
      %dma_wait3A_2610 = arith.constant 0 : i32
      %dma_wait3A_2611 = tpu.memref_slice %arg4[%dma_wait3A_2608, %dma_wait3A_2609, %dma_wait3A_2610] : memref<8x8x1000000xf32, #tpu.memory_space<hbm>> -> memref<8x8x128xf32, #tpu.memory_space<hbm>>
      tpu.wait_dma2 semaphore(%arg14 : memref<!tpu.dma_semaphore, #tpu.memory_space<semaphore_mem>>) src(%dma_wait3A_2611 : memref<8x8x128xf32, #tpu.memory_space<hbm>>) dst(%dma_wait3A_2607 : memref<8x8x128xf32, #tpu.memory_space<vmem>>)
      %dma_wait3A_2612 = arith.constant 4 : i32
      %dma_wait3A_2613 = arith.constant 1 : i32
      %dma_wait3A_2614 = arith.constant 0 : i32
      %dma_wait3A_2615 = arith.constant 0 : i32
      %dma_wait3A_2616 = arith.constant 0 : i32
      %dma_wait3A_2617 = tpu.memref_slice %arg8[%dma_wait3A_2612, %dma_wait3A_2613, %dma_wait3A_2614, %dma_wait3A_2615, %dma_wait3A_2616] : memref<6x2x8x8x128xf32, #tpu.memory_space<vmem>> -> memref<1x1x8x8x128xf32, #tpu.memory_space<vmem>>
      %dma_wait3A_2618 = tpu.memref_squeeze %dma_wait3A_2617 : memref<1x1x8x8x128xf32, #tpu.memory_space<vmem>> -> memref<8x8x128xf32, #tpu.memory_space<vmem>>
      %dma_wait3A_2619 = arith.constant 0 : i32
      %dma_wait3A_2620 = arith.constant 0 : i32
      %dma_wait3A_2621 = arith.constant 0 : i32
      %dma_wait3A_2622 = tpu.memref_slice %arg4[%dma_wait3A_2619, %dma_wait3A_2620, %dma_wait3A_2621] : memref<8x8x1000000xf32, #tpu.memory_space<hbm>> -> memref<8x8x128xf32, #tpu.memory_space<hbm>>
      %dma_wait3A_2623 = arith.constant 0 : i32
      %dma_wait3A_2624 = arith.constant 0 : i32
      %dma_wait3A_2625 = arith.constant 0 : i32
      %dma_wait3A_2626 = tpu.memref_slice %arg8[%dma_wait3A_2612, %dma_wait3A_2613, %dma_wait3A_2623, %dma_wait3A_2624, %dma_wait3A_2625] : memref<6x2x8x8x128xf32, #tpu.memory_space<vmem>> -> memref<1x1x8x8x128xf32, #tpu.memory_space<vmem>>
      %dma_wait3A_2627 = tpu.memref_squeeze %dma_wait3A_2626 : memref<1x1x8x8x128xf32, #tpu.memory_space<vmem>> -> memref<8x8x128xf32, #tpu.memory_space<vmem>>
      %dma_wait3A_2628 = arith.constant 0 : i32
      %dma_wait3A_2629 = arith.constant 0 : i32
      %dma_wait3A_2630 = arith.constant 0 : i32
      %dma_wait3A_2631 = tpu.memref_slice %arg4[%dma_wait3A_2628, %dma_wait3A_2629, %dma_wait3A_2630] : memref<8x8x1000000xf32, #tpu.memory_space<hbm>> -> memref<8x8x128xf32, #tpu.memory_space<hbm>>
      tpu.wait_dma2 semaphore(%arg14 : memref<!tpu.dma_semaphore, #tpu.memory_space<semaphore_mem>>) src(%dma_wait3A_2631 : memref<8x8x128xf32, #tpu.memory_space<hbm>>) dst(%dma_wait3A_2627 : memref<8x8x128xf32, #tpu.memory_space<vmem>>)
      %add3A_2632 = arith.constant 4 : i32
      %add3A_2633 = arith.addi %mul3A_1673, %add3A_2632 : i32
      %mul3A_2634 = arith.constant 2 : i32
      %mul3A_2635 = arith.muli %add3A_2633, %mul3A_2634 : i32
      %add3A_2636 = arith.constant 0 : i32
      %add3A_2637 = arith.addi %mul3A_2635, %add3A_2636 : i32
      %get3A_2638 = arith.index_cast %add3A_2637 : i32 to index
      %get3A_2639 = memref.load %arg7[%get3A_2638] : memref<256xi32, #tpu.memory_space<smem>>
      %and3A_2640 = arith.constant 127 : i32
      %and3A_2641 = arith.andi %get3A_2639, %and3A_2640 : i32
      %broadcast_in_dim3A_2642 = vector.broadcast %and3A_2641 : i32 to vector<16xi32>
      %div3A_2643 = arith.constant 128 : i32
      %div3A_2644 = arith.divsi %add3A_2637, %div3A_2643 : i32
      %broadcast_in_dim3A_2645 = vector.broadcast %div3A_2644 : i32 to vector<16xi32>
      %rem3A_2646 = arith.constant 128 : i32
      %rem3A_2647 = arith.remsi %add3A_2637, %rem3A_2646 : i32
      %broadcast_in_dim3A_2648 = vector.broadcast %rem3A_2647 : i32 to vector<16xi32>
      %broadcast_in_dim3A_2649 = arith.constant 4 : i32
      %broadcast_in_dim3A_2650 = vector.broadcast %broadcast_in_dim3A_2649 : i32 to vector<16xi32>
      %broadcast_in_dim3A_2651 = arith.constant 0 : i32
      %broadcast_in_dim3A_2652 = vector.broadcast %broadcast_in_dim3A_2651 : i32 to vector<16xi32>
      %gather3A_2653 = tpu.vector_load_idx %arg8[%broadcast_in_dim3A_2650, %broadcast_in_dim3A_2652, %shift_right_arithmetic3A_21, %and3A_44, %broadcast_in_dim3A_2642] : memref<6x2x8x8x128xf32, #tpu.memory_space<vmem>>[vector<16xi32>, vector<16xi32>, vector<16xi32>, vector<16xi32>, vector<16xi32>], vector<16xf32>,
      %add3A_2654 = arith.constant 0 : i32
      %add3A_2655 = vector.broadcast %add3A_2654 : i32 to vector<16xi32>
      %add3A_2656 = arith.addi %add3A_2655, %iota3A : vector<16xi32>
      %gather3A_2657 = tpu.vector_load_idx %arg9[%add3A_2656, %broadcast_in_dim3A_2645, %broadcast_in_dim3A_2648] : memref<64x2x128xf32, #tpu.memory_space<vmem>>[vector<16xi32>, vector<16xi32>, vector<16xi32>], vector<16xf32>,
      %add3A_2658 = arith.constant 0 : i32
      %add3A_2659 = vector.broadcast %add3A_2658 : i32 to vector<16xi32>
      %add3A_2660 = arith.addi %add3A_2659, %iota3A : vector<16xi32>
      %add3A_2661 = arith.addf %gather3A_2653, %gather3A_2657 : vector<16xf32>
      tpu.vector_store_idx %arg9[%add3A_2660, %broadcast_in_dim3A_2645, %broadcast_in_dim3A_2648], %add3A_2661 : memref<64x2x128xf32, #tpu.memory_space<vmem>>[vector<16xi32>, vector<16xi32>, vector<16xi32>], vector<16xf32>,
      %gather3A_2662 = tpu.vector_load_idx %arg8[%broadcast_in_dim3A_2650, %broadcast_in_dim3A_2652, %shift_right_arithmetic3A_27, %and3A_50, %broadcast_in_dim3A_2642] : memref<6x2x8x8x128xf32, #tpu.memory_space<vmem>>[vector<16xi32>, vector<16xi32>, vector<16xi32>, vector<16xi32>, vector<16xi32>], vector<16xf32>,
      %add3A_2663 = arith.constant 16 : i32
      %add3A_2664 = vector.broadcast %add3A_2663 : i32 to vector<16xi32>
      %add3A_2665 = arith.addi %add3A_2664, %iota3A : vector<16xi32>
      %gather3A_2666 = tpu.vector_load_idx %arg9[%add3A_2665, %broadcast_in_dim3A_2645, %broadcast_in_dim3A_2648] : memref<64x2x128xf32, #tpu.memory_space<vmem>>[vector<16xi32>, vector<16xi32>, vector<16xi32>], vector<16xf32>,
      %add3A_2667 = arith.constant 16 : i32
      %add3A_2668 = vector.broadcast %add3A_2667 : i32 to vector<16xi32>
      %add3A_2669 = arith.addi %add3A_2668, %iota3A : vector<16xi32>
      %add3A_2670 = arith.addf %gather3A_2662, %gather3A_2666 : vector<16xf32>
      tpu.vector_store_idx %arg9[%add3A_2669, %broadcast_in_dim3A_2645, %broadcast_in_dim3A_2648], %add3A_2670 : memref<64x2x128xf32, #tpu.memory_space<vmem>>[vector<16xi32>, vector<16xi32>, vector<16xi32>], vector<16xf32>,
      %gather3A_2671 = tpu.vector_load_idx %arg8[%broadcast_in_dim3A_2650, %broadcast_in_dim3A_2652, %shift_right_arithmetic3A_33, %and3A_56, %broadcast_in_dim3A_2642] : memref<6x2x8x8x128xf32, #tpu.memory_space<vmem>>[vector<16xi32>, vector<16xi32>, vector<16xi32>, vector<16xi32>, vector<16xi32>], vector<16xf32>,
      %add3A_2672 = arith.constant 32 : i32
      %add3A_2673 = vector.broadcast %add3A_2672 : i32 to vector<16xi32>
      %add3A_2674 = arith.addi %add3A_2673, %iota3A : vector<16xi32>
      %gather3A_2675 = tpu.vector_load_idx %arg9[%add3A_2674, %broadcast_in_dim3A_2645, %broadcast_in_dim3A_2648] : memref<64x2x128xf32, #tpu.memory_space<vmem>>[vector<16xi32>, vector<16xi32>, vector<16xi32>], vector<16xf32>,
      %add3A_2676 = arith.constant 32 : i32
      %add3A_2677 = vector.broadcast %add3A_2676 : i32 to vector<16xi32>
      %add3A_2678 = arith.addi %add3A_2677, %iota3A : vector<16xi32>
      %add3A_2679 = arith.addf %gather3A_2671, %gather3A_2675 : vector<16xf32>
      tpu.vector_store_idx %arg9[%add3A_2678, %broadcast_in_dim3A_2645, %broadcast_in_dim3A_2648], %add3A_2679 : memref<64x2x128xf32, #tpu.memory_space<vmem>>[vector<16xi32>, vector<16xi32>, vector<16xi32>], vector<16xf32>,
      %gather3A_2680 = tpu.vector_load_idx %arg8[%broadcast_in_dim3A_2650, %broadcast_in_dim3A_2652, %shift_right_arithmetic3A_39, %and3A_62, %broadcast_in_dim3A_2642] : memref<6x2x8x8x128xf32, #tpu.memory_space<vmem>>[vector<16xi32>, vector<16xi32>, vector<16xi32>, vector<16xi32>, vector<16xi32>], vector<16xf32>,
      %add3A_2681 = arith.constant 48 : i32
      %add3A_2682 = vector.broadcast %add3A_2681 : i32 to vector<16xi32>
      %add3A_2683 = arith.addi %add3A_2682, %iota3A : vector<16xi32>
      %gather3A_2684 = tpu.vector_load_idx %arg9[%add3A_2683, %broadcast_in_dim3A_2645, %broadcast_in_dim3A_2648] : memref<64x2x128xf32, #tpu.memory_space<vmem>>[vector<16xi32>, vector<16xi32>, vector<16xi32>], vector<16xf32>,
      %add3A_2685 = arith.constant 48 : i32
      %add3A_2686 = vector.broadcast %add3A_2685 : i32 to vector<16xi32>
      %add3A_2687 = arith.addi %add3A_2686, %iota3A : vector<16xi32>
      %add3A_2688 = arith.addf %gather3A_2680, %gather3A_2684 : vector<16xf32>
      tpu.vector_store_idx %arg9[%add3A_2687, %broadcast_in_dim3A_2645, %broadcast_in_dim3A_2648], %add3A_2688 : memref<64x2x128xf32, #tpu.memory_space<vmem>>[vector<16xi32>, vector<16xi32>, vector<16xi32>], vector<16xf32>,
      %mul3A_2689 = arith.constant 2 : i32
      %mul3A_2690 = arith.muli %add3A_2633, %mul3A_2689 : i32
      %add3A_2691 = arith.constant 1 : i32
      %add3A_2692 = arith.addi %mul3A_2690, %add3A_2691 : i32
      %get3A_2693 = arith.index_cast %add3A_2692 : i32 to index
      %get3A_2694 = memref.load %arg7[%get3A_2693] : memref<256xi32, #tpu.memory_space<smem>>
      %and3A_2695 = arith.constant 127 : i32
      %and3A_2696 = arith.andi %get3A_2694, %and3A_2695 : i32
      %broadcast_in_dim3A_2697 = vector.broadcast %and3A_2696 : i32 to vector<16xi32>
      %div3A_2698 = arith.constant 128 : i32
      %div3A_2699 = arith.divsi %add3A_2692, %div3A_2698 : i32
      %broadcast_in_dim3A_2700 = vector.broadcast %div3A_2699 : i32 to vector<16xi32>
      %rem3A_2701 = arith.constant 128 : i32
      %rem3A_2702 = arith.remsi %add3A_2692, %rem3A_2701 : i32
      %broadcast_in_dim3A_2703 = vector.broadcast %rem3A_2702 : i32 to vector<16xi32>
      %broadcast_in_dim3A_2704 = arith.constant 4 : i32
      %broadcast_in_dim3A_2705 = vector.broadcast %broadcast_in_dim3A_2704 : i32 to vector<16xi32>
      %broadcast_in_dim3A_2706 = arith.constant 1 : i32
      %broadcast_in_dim3A_2707 = vector.broadcast %broadcast_in_dim3A_2706 : i32 to vector<16xi32>
      %gather3A_2708 = tpu.vector_load_idx %arg8[%broadcast_in_dim3A_2705, %broadcast_in_dim3A_2707, %shift_right_arithmetic3A_21, %and3A_44, %broadcast_in_dim3A_2697] : memref<6x2x8x8x128xf32, #tpu.memory_space<vmem>>[vector<16xi32>, vector<16xi32>, vector<16xi32>, vector<16xi32>, vector<16xi32>], vector<16xf32>,
      %add3A_2709 = arith.constant 0 : i32
      %add3A_2710 = vector.broadcast %add3A_2709 : i32 to vector<16xi32>
      %add3A_2711 = arith.addi %add3A_2710, %iota3A : vector<16xi32>
      %gather3A_2712 = tpu.vector_load_idx %arg9[%add3A_2711, %broadcast_in_dim3A_2700, %broadcast_in_dim3A_2703] : memref<64x2x128xf32, #tpu.memory_space<vmem>>[vector<16xi32>, vector<16xi32>, vector<16xi32>], vector<16xf32>,
      %add3A_2713 = arith.constant 0 : i32
      %add3A_2714 = vector.broadcast %add3A_2713 : i32 to vector<16xi32>
      %add3A_2715 = arith.addi %add3A_2714, %iota3A : vector<16xi32>
      %add3A_2716 = arith.addf %gather3A_2708, %gather3A_2712 : vector<16xf32>
      tpu.vector_store_idx %arg9[%add3A_2715, %broadcast_in_dim3A_2700, %broadcast_in_dim3A_2703], %add3A_2716 : memref<64x2x128xf32, #tpu.memory_space<vmem>>[vector<16xi32>, vector<16xi32>, vector<16xi32>], vector<16xf32>,
      %gather3A_2717 = tpu.vector_load_idx %arg8[%broadcast_in_dim3A_2705, %broadcast_in_dim3A_2707, %shift_right_arithmetic3A_27, %and3A_50, %broadcast_in_dim3A_2697] : memref<6x2x8x8x128xf32, #tpu.memory_space<vmem>>[vector<16xi32>, vector<16xi32>, vector<16xi32>, vector<16xi32>, vector<16xi32>], vector<16xf32>,
      %add3A_2718 = arith.constant 16 : i32
      %add3A_2719 = vector.broadcast %add3A_2718 : i32 to vector<16xi32>
      %add3A_2720 = arith.addi %add3A_2719, %iota3A : vector<16xi32>
      %gather3A_2721 = tpu.vector_load_idx %arg9[%add3A_2720, %broadcast_in_dim3A_2700, %broadcast_in_dim3A_2703] : memref<64x2x128xf32, #tpu.memory_space<vmem>>[vector<16xi32>, vector<16xi32>, vector<16xi32>], vector<16xf32>,
      %add3A_2722 = arith.constant 16 : i32
      %add3A_2723 = vector.broadcast %add3A_2722 : i32 to vector<16xi32>
      %add3A_2724 = arith.addi %add3A_2723, %iota3A : vector<16xi32>
      %add3A_2725 = arith.addf %gather3A_2717, %gather3A_2721 : vector<16xf32>
      tpu.vector_store_idx %arg9[%add3A_2724, %broadcast_in_dim3A_2700, %broadcast_in_dim3A_2703], %add3A_2725 : memref<64x2x128xf32, #tpu.memory_space<vmem>>[vector<16xi32>, vector<16xi32>, vector<16xi32>], vector<16xf32>,
      %gather3A_2726 = tpu.vector_load_idx %arg8[%broadcast_in_dim3A_2705, %broadcast_in_dim3A_2707, %shift_right_arithmetic3A_33, %and3A_56, %broadcast_in_dim3A_2697] : memref<6x2x8x8x128xf32, #tpu.memory_space<vmem>>[vector<16xi32>, vector<16xi32>, vector<16xi32>, vector<16xi32>, vector<16xi32>], vector<16xf32>,
      %add3A_2727 = arith.constant 32 : i32
      %add3A_2728 = vector.broadcast %add3A_2727 : i32 to vector<16xi32>
      %add3A_2729 = arith.addi %add3A_2728, %iota3A : vector<16xi32>
      %gather3A_2730 = tpu.vector_load_idx %arg9[%add3A_2729, %broadcast_in_dim3A_2700, %broadcast_in_dim3A_2703] : memref<64x2x128xf32, #tpu.memory_space<vmem>>[vector<16xi32>, vector<16xi32>, vector<16xi32>], vector<16xf32>,
      %add3A_2731 = arith.constant 32 : i32
      %add3A_2732 = vector.broadcast %add3A_2731 : i32 to vector<16xi32>
      %add3A_2733 = arith.addi %add3A_2732, %iota3A : vector<16xi32>
      %add3A_2734 = arith.addf %gather3A_2726, %gather3A_2730 : vector<16xf32>
      tpu.vector_store_idx %arg9[%add3A_2733, %broadcast_in_dim3A_2700, %broadcast_in_dim3A_2703], %add3A_2734 : memref<64x2x128xf32, #tpu.memory_space<vmem>>[vector<16xi32>, vector<16xi32>, vector<16xi32>], vector<16xf32>,
      %gather3A_2735 = tpu.vector_load_idx %arg8[%broadcast_in_dim3A_2705, %broadcast_in_dim3A_2707, %shift_right_arithmetic3A_39, %and3A_62, %broadcast_in_dim3A_2697] : memref<6x2x8x8x128xf32, #tpu.memory_space<vmem>>[vector<16xi32>, vector<16xi32>, vector<16xi32>, vector<16xi32>, vector<16xi32>], vector<16xf32>,
      %add3A_2736 = arith.constant 48 : i32
      %add3A_2737 = vector.broadcast %add3A_2736 : i32 to vector<16xi32>
      %add3A_2738 = arith.addi %add3A_2737, %iota3A : vector<16xi32>
      %gather3A_2739 = tpu.vector_load_idx %arg9[%add3A_2738, %broadcast_in_dim3A_2700, %broadcast_in_dim3A_2703] : memref<64x2x128xf32, #tpu.memory_space<vmem>>[vector<16xi32>, vector<16xi32>, vector<16xi32>], vector<16xf32>,
      %add3A_2740 = arith.constant 48 : i32
      %add3A_2741 = vector.broadcast %add3A_2740 : i32 to vector<16xi32>
      %add3A_2742 = arith.addi %add3A_2741, %iota3A : vector<16xi32>
      %add3A_2743 = arith.addf %gather3A_2735, %gather3A_2739 : vector<16xf32>
      tpu.vector_store_idx %arg9[%add3A_2742, %broadcast_in_dim3A_2700, %broadcast_in_dim3A_2703], %add3A_2743 : memref<64x2x128xf32, #tpu.memory_space<vmem>>[vector<16xi32>, vector<16xi32>, vector<16xi32>], vector<16xf32>,
      %add3A_2744 = arith.constant 5 : i32
      %add3A_2745 = arith.addi %mul3A_1673, %add3A_2744 : i32
      %add3A_2746 = arith.constant 5 : i32
      %add3A_2747 = arith.addi %add3A_2745, %add3A_2746 : i32
      %mul3A_2748 = arith.constant 2 : i32
      %mul3A_2749 = arith.muli %add3A_2747, %mul3A_2748 : i32
      %add3A_2750 = arith.constant 0 : i32
      %add3A_2751 = arith.addi %mul3A_2749, %add3A_2750 : i32
      %get3A_2752 = arith.index_cast %add3A_2751 : i32 to index
      %get3A_2753 = memref.load %arg7[%get3A_2752] : memref<256xi32, #tpu.memory_space<smem>>
      %shift_right_arithmetic3A_2754 = arith.constant 7 : i32
      %shift_right_arithmetic3A_2755 = arith.shrsi %get3A_2753, %shift_right_arithmetic3A_2754 : i32
      %mul3A_2756 = arith.constant 128 : i32
      %mul3A_2757 = arith.muli %shift_right_arithmetic3A_2755, %mul3A_2756 : i32
      %multiple_of3A_2758 = tpu.assume_multiple %mul3A_2757, 128 : i32
      %dma_start3A_2759 = arith.constant 4 : i32
      %dma_start3A_2760 = arith.constant 0 : i32
      %dma_start3A_2761 = arith.constant 0 : i32
      %dma_start3A_2762 = arith.constant 0 : i32
      %dma_start3A_2763 = arith.constant 0 : i32
      %dma_start3A_2764 = tpu.memref_slice %arg8[%dma_start3A_2759, %dma_start3A_2760, %dma_start3A_2761, %dma_start3A_2762, %dma_start3A_2763] : memref<6x2x8x8x128xf32, #tpu.memory_space<vmem>> -> memref<1x1x8x8x128xf32, #tpu.memory_space<vmem>>
      %dma_start3A_2765 = tpu.memref_squeeze %dma_start3A_2764 : memref<1x1x8x8x128xf32, #tpu.memory_space<vmem>> -> memref<8x8x128xf32, #tpu.memory_space<vmem>>
      %dma_start3A_2766 = arith.constant 0 : i32
      %dma_start3A_2767 = arith.constant 0 : i32
      %dma_start3A_2768 = tpu.memref_slice %arg4[%dma_start3A_2766, %dma_start3A_2767, %multiple_of3A_2758] : memref<8x8x1000000xf32, #tpu.memory_space<hbm>> -> memref<8x8x128xf32, #tpu.memory_space<hbm>>
      %dma_start3A_2769 = arith.constant 0 : i32
      %dma_start3A_2770 = arith.constant 0 : i32
      %dma_start3A_2771 = arith.constant 0 : i32
      %dma_start3A_2772 = tpu.memref_slice %arg8[%dma_start3A_2759, %dma_start3A_2760, %dma_start3A_2769, %dma_start3A_2770, %dma_start3A_2771] : memref<6x2x8x8x128xf32, #tpu.memory_space<vmem>> -> memref<1x1x8x8x128xf32, #tpu.memory_space<vmem>>
      %dma_start3A_2773 = tpu.memref_squeeze %dma_start3A_2772 : memref<1x1x8x8x128xf32, #tpu.memory_space<vmem>> -> memref<8x8x128xf32, #tpu.memory_space<vmem>>
      %dma_start3A_2774 = arith.constant 0 : i32
      %dma_start3A_2775 = arith.constant 0 : i32
      %dma_start3A_2776 = tpu.memref_slice %arg4[%dma_start3A_2774, %dma_start3A_2775, %multiple_of3A_2758] : memref<8x8x1000000xf32, #tpu.memory_space<hbm>> -> memref<8x8x128xf32, #tpu.memory_space<hbm>>
      tpu.enqueue_dma source(%dma_start3A_2776 : memref<8x8x128xf32, #tpu.memory_space<hbm>>) target(%dma_start3A_2773 : memref<8x8x128xf32, #tpu.memory_space<vmem>>) target_semaphore(%arg14 : memref<!tpu.dma_semaphore, #tpu.memory_space<semaphore_mem>>)
      %mul3A_2777 = arith.constant 2 : i32
      %mul3A_2778 = arith.muli %add3A_2747, %mul3A_2777 : i32
      %add3A_2779 = arith.constant 1 : i32
      %add3A_2780 = arith.addi %mul3A_2778, %add3A_2779 : i32
      %get3A_2781 = arith.index_cast %add3A_2780 : i32 to index
      %get3A_2782 = memref.load %arg7[%get3A_2781] : memref<256xi32, #tpu.memory_space<smem>>
      %shift_right_arithmetic3A_2783 = arith.constant 7 : i32
      %shift_right_arithmetic3A_2784 = arith.shrsi %get3A_2782, %shift_right_arithmetic3A_2783 : i32
      %mul3A_2785 = arith.constant 128 : i32
      %mul3A_2786 = arith.muli %shift_right_arithmetic3A_2784, %mul3A_2785 : i32
      %multiple_of3A_2787 = tpu.assume_multiple %mul3A_2786, 128 : i32
      %dma_start3A_2788 = arith.constant 4 : i32
      %dma_start3A_2789 = arith.constant 1 : i32
      %dma_start3A_2790 = arith.constant 0 : i32
      %dma_start3A_2791 = arith.constant 0 : i32
      %dma_start3A_2792 = arith.constant 0 : i32
      %dma_start3A_2793 = tpu.memref_slice %arg8[%dma_start3A_2788, %dma_start3A_2789, %dma_start3A_2790, %dma_start3A_2791, %dma_start3A_2792] : memref<6x2x8x8x128xf32, #tpu.memory_space<vmem>> -> memref<1x1x8x8x128xf32, #tpu.memory_space<vmem>>
      %dma_start3A_2794 = tpu.memref_squeeze %dma_start3A_2793 : memref<1x1x8x8x128xf32, #tpu.memory_space<vmem>> -> memref<8x8x128xf32, #tpu.memory_space<vmem>>
      %dma_start3A_2795 = arith.constant 0 : i32
      %dma_start3A_2796 = arith.constant 0 : i32
      %dma_start3A_2797 = tpu.memref_slice %arg4[%dma_start3A_2795, %dma_start3A_2796, %multiple_of3A_2787] : memref<8x8x1000000xf32, #tpu.memory_space<hbm>> -> memref<8x8x128xf32, #tpu.memory_space<hbm>>
      %dma_start3A_2798 = arith.constant 0 : i32
      %dma_start3A_2799 = arith.constant 0 : i32
      %dma_start3A_2800 = arith.constant 0 : i32
      %dma_start3A_2801 = tpu.memref_slice %arg8[%dma_start3A_2788, %dma_start3A_2789, %dma_start3A_2798, %dma_start3A_2799, %dma_start3A_2800] : memref<6x2x8x8x128xf32, #tpu.memory_space<vmem>> -> memref<1x1x8x8x128xf32, #tpu.memory_space<vmem>>
      %dma_start3A_2802 = tpu.memref_squeeze %dma_start3A_2801 : memref<1x1x8x8x128xf32, #tpu.memory_space<vmem>> -> memref<8x8x128xf32, #tpu.memory_space<vmem>>
      %dma_start3A_2803 = arith.constant 0 : i32
      %dma_start3A_2804 = arith.constant 0 : i32
      %dma_start3A_2805 = tpu.memref_slice %arg4[%dma_start3A_2803, %dma_start3A_2804, %multiple_of3A_2787] : memref<8x8x1000000xf32, #tpu.memory_space<hbm>> -> memref<8x8x128xf32, #tpu.memory_space<hbm>>
      tpu.enqueue_dma source(%dma_start3A_2805 : memref<8x8x128xf32, #tpu.memory_space<hbm>>) target(%dma_start3A_2802 : memref<8x8x128xf32, #tpu.memory_space<vmem>>) target_semaphore(%arg14 : memref<!tpu.dma_semaphore, #tpu.memory_space<semaphore_mem>>)
      %dma_wait3A_2806 = arith.constant 5 : i32
      %dma_wait3A_2807 = arith.constant 0 : i32
      %dma_wait3A_2808 = arith.constant 0 : i32
      %dma_wait3A_2809 = arith.constant 0 : i32
      %dma_wait3A_2810 = arith.constant 0 : i32
      %dma_wait3A_2811 = tpu.memref_slice %arg8[%dma_wait3A_2806, %dma_wait3A_2807, %dma_wait3A_2808, %dma_wait3A_2809, %dma_wait3A_2810] : memref<6x2x8x8x128xf32, #tpu.memory_space<vmem>> -> memref<1x1x8x8x128xf32, #tpu.memory_space<vmem>>
      %dma_wait3A_2812 = tpu.memref_squeeze %dma_wait3A_2811 : memref<1x1x8x8x128xf32, #tpu.memory_space<vmem>> -> memref<8x8x128xf32, #tpu.memory_space<vmem>>
      %dma_wait3A_2813 = arith.constant 0 : i32
      %dma_wait3A_2814 = arith.constant 0 : i32
      %dma_wait3A_2815 = arith.constant 0 : i32
      %dma_wait3A_2816 = tpu.memref_slice %arg4[%dma_wait3A_2813, %dma_wait3A_2814, %dma_wait3A_2815] : memref<8x8x1000000xf32, #tpu.memory_space<hbm>> -> memref<8x8x128xf32, #tpu.memory_space<hbm>>
      %dma_wait3A_2817 = arith.constant 0 : i32
      %dma_wait3A_2818 = arith.constant 0 : i32
      %dma_wait3A_2819 = arith.constant 0 : i32
      %dma_wait3A_2820 = tpu.memref_slice %arg8[%dma_wait3A_2806, %dma_wait3A_2807, %dma_wait3A_2817, %dma_wait3A_2818, %dma_wait3A_2819] : memref<6x2x8x8x128xf32, #tpu.memory_space<vmem>> -> memref<1x1x8x8x128xf32, #tpu.memory_space<vmem>>
      %dma_wait3A_2821 = tpu.memref_squeeze %dma_wait3A_2820 : memref<1x1x8x8x128xf32, #tpu.memory_space<vmem>> -> memref<8x8x128xf32, #tpu.memory_space<vmem>>
      %dma_wait3A_2822 = arith.constant 0 : i32
      %dma_wait3A_2823 = arith.constant 0 : i32
      %dma_wait3A_2824 = arith.constant 0 : i32
      %dma_wait3A_2825 = tpu.memref_slice %arg4[%dma_wait3A_2822, %dma_wait3A_2823, %dma_wait3A_2824] : memref<8x8x1000000xf32, #tpu.memory_space<hbm>> -> memref<8x8x128xf32, #tpu.memory_space<hbm>>
      tpu.wait_dma2 semaphore(%arg15 : memref<!tpu.dma_semaphore, #tpu.memory_space<semaphore_mem>>) src(%dma_wait3A_2825 : memref<8x8x128xf32, #tpu.memory_space<hbm>>) dst(%dma_wait3A_2821 : memref<8x8x128xf32, #tpu.memory_space<vmem>>)
      %dma_wait3A_2826 = arith.constant 5 : i32
      %dma_wait3A_2827 = arith.constant 1 : i32
      %dma_wait3A_2828 = arith.constant 0 : i32
      %dma_wait3A_2829 = arith.constant 0 : i32
      %dma_wait3A_2830 = arith.constant 0 : i32
      %dma_wait3A_2831 = tpu.memref_slice %arg8[%dma_wait3A_2826, %dma_wait3A_2827, %dma_wait3A_2828, %dma_wait3A_2829, %dma_wait3A_2830] : memref<6x2x8x8x128xf32, #tpu.memory_space<vmem>> -> memref<1x1x8x8x128xf32, #tpu.memory_space<vmem>>
      %dma_wait3A_2832 = tpu.memref_squeeze %dma_wait3A_2831 : memref<1x1x8x8x128xf32, #tpu.memory_space<vmem>> -> memref<8x8x128xf32, #tpu.memory_space<vmem>>
      %dma_wait3A_2833 = arith.constant 0 : i32
      %dma_wait3A_2834 = arith.constant 0 : i32
      %dma_wait3A_2835 = arith.constant 0 : i32
      %dma_wait3A_2836 = tpu.memref_slice %arg4[%dma_wait3A_2833, %dma_wait3A_2834, %dma_wait3A_2835] : memref<8x8x1000000xf32, #tpu.memory_space<hbm>> -> memref<8x8x128xf32, #tpu.memory_space<hbm>>
      %dma_wait3A_2837 = arith.constant 0 : i32
      %dma_wait3A_2838 = arith.constant 0 : i32
      %dma_wait3A_2839 = arith.constant 0 : i32
      %dma_wait3A_2840 = tpu.memref_slice %arg8[%dma_wait3A_2826, %dma_wait3A_2827, %dma_wait3A_2837, %dma_wait3A_2838, %dma_wait3A_2839] : memref<6x2x8x8x128xf32, #tpu.memory_space<vmem>> -> memref<1x1x8x8x128xf32, #tpu.memory_space<vmem>>
      %dma_wait3A_2841 = tpu.memref_squeeze %dma_wait3A_2840 : memref<1x1x8x8x128xf32, #tpu.memory_space<vmem>> -> memref<8x8x128xf32, #tpu.memory_space<vmem>>
      %dma_wait3A_2842 = arith.constant 0 : i32
      %dma_wait3A_2843 = arith.constant 0 : i32
      %dma_wait3A_2844 = arith.constant 0 : i32
      %dma_wait3A_2845 = tpu.memref_slice %arg4[%dma_wait3A_2842, %dma_wait3A_2843, %dma_wait3A_2844] : memref<8x8x1000000xf32, #tpu.memory_space<hbm>> -> memref<8x8x128xf32, #tpu.memory_space<hbm>>
      tpu.wait_dma2 semaphore(%arg15 : memref<!tpu.dma_semaphore, #tpu.memory_space<semaphore_mem>>) src(%dma_wait3A_2845 : memref<8x8x128xf32, #tpu.memory_space<hbm>>) dst(%dma_wait3A_2841 : memref<8x8x128xf32, #tpu.memory_space<vmem>>)
      %add3A_2846 = arith.constant 5 : i32
      %add3A_2847 = arith.addi %mul3A_1673, %add3A_2846 : i32
      %mul3A_2848 = arith.constant 2 : i32
      %mul3A_2849 = arith.muli %add3A_2847, %mul3A_2848 : i32
      %add3A_2850 = arith.constant 0 : i32
      %add3A_2851 = arith.addi %mul3A_2849, %add3A_2850 : i32
      %get3A_2852 = arith.index_cast %add3A_2851 : i32 to index
      %get3A_2853 = memref.load %arg7[%get3A_2852] : memref<256xi32, #tpu.memory_space<smem>>
      %and3A_2854 = arith.constant 127 : i32
      %and3A_2855 = arith.andi %get3A_2853, %and3A_2854 : i32
      %broadcast_in_dim3A_2856 = vector.broadcast %and3A_2855 : i32 to vector<16xi32>
      %div3A_2857 = arith.constant 128 : i32
      %div3A_2858 = arith.divsi %add3A_2851, %div3A_2857 : i32
      %broadcast_in_dim3A_2859 = vector.broadcast %div3A_2858 : i32 to vector<16xi32>
      %rem3A_2860 = arith.constant 128 : i32
      %rem3A_2861 = arith.remsi %add3A_2851, %rem3A_2860 : i32
      %broadcast_in_dim3A_2862 = vector.broadcast %rem3A_2861 : i32 to vector<16xi32>
      %broadcast_in_dim3A_2863 = arith.constant 5 : i32
      %broadcast_in_dim3A_2864 = vector.broadcast %broadcast_in_dim3A_2863 : i32 to vector<16xi32>
      %broadcast_in_dim3A_2865 = arith.constant 0 : i32
      %broadcast_in_dim3A_2866 = vector.broadcast %broadcast_in_dim3A_2865 : i32 to vector<16xi32>
      %gather3A_2867 = tpu.vector_load_idx %arg8[%broadcast_in_dim3A_2864, %broadcast_in_dim3A_2866, %shift_right_arithmetic3A_21, %and3A_44, %broadcast_in_dim3A_2856] : memref<6x2x8x8x128xf32, #tpu.memory_space<vmem>>[vector<16xi32>, vector<16xi32>, vector<16xi32>, vector<16xi32>, vector<16xi32>], vector<16xf32>,
      %add3A_2868 = arith.constant 0 : i32
      %add3A_2869 = vector.broadcast %add3A_2868 : i32 to vector<16xi32>
      %add3A_2870 = arith.addi %add3A_2869, %iota3A : vector<16xi32>
      %gather3A_2871 = tpu.vector_load_idx %arg9[%add3A_2870, %broadcast_in_dim3A_2859, %broadcast_in_dim3A_2862] : memref<64x2x128xf32, #tpu.memory_space<vmem>>[vector<16xi32>, vector<16xi32>, vector<16xi32>], vector<16xf32>,
      %add3A_2872 = arith.constant 0 : i32
      %add3A_2873 = vector.broadcast %add3A_2872 : i32 to vector<16xi32>
      %add3A_2874 = arith.addi %add3A_2873, %iota3A : vector<16xi32>
      %add3A_2875 = arith.addf %gather3A_2867, %gather3A_2871 : vector<16xf32>
      tpu.vector_store_idx %arg9[%add3A_2874, %broadcast_in_dim3A_2859, %broadcast_in_dim3A_2862], %add3A_2875 : memref<64x2x128xf32, #tpu.memory_space<vmem>>[vector<16xi32>, vector<16xi32>, vector<16xi32>], vector<16xf32>,
      %gather3A_2876 = tpu.vector_load_idx %arg8[%broadcast_in_dim3A_2864, %broadcast_in_dim3A_2866, %shift_right_arithmetic3A_27, %and3A_50, %broadcast_in_dim3A_2856] : memref<6x2x8x8x128xf32, #tpu.memory_space<vmem>>[vector<16xi32>, vector<16xi32>, vector<16xi32>, vector<16xi32>, vector<16xi32>], vector<16xf32>,
      %add3A_2877 = arith.constant 16 : i32
      %add3A_2878 = vector.broadcast %add3A_2877 : i32 to vector<16xi32>
      %add3A_2879 = arith.addi %add3A_2878, %iota3A : vector<16xi32>
      %gather3A_2880 = tpu.vector_load_idx %arg9[%add3A_2879, %broadcast_in_dim3A_2859, %broadcast_in_dim3A_2862] : memref<64x2x128xf32, #tpu.memory_space<vmem>>[vector<16xi32>, vector<16xi32>, vector<16xi32>], vector<16xf32>,
      %add3A_2881 = arith.constant 16 : i32
      %add3A_2882 = vector.broadcast %add3A_2881 : i32 to vector<16xi32>
      %add3A_2883 = arith.addi %add3A_2882, %iota3A : vector<16xi32>
      %add3A_2884 = arith.addf %gather3A_2876, %gather3A_2880 : vector<16xf32>
      tpu.vector_store_idx %arg9[%add3A_2883, %broadcast_in_dim3A_2859, %broadcast_in_dim3A_2862], %add3A_2884 : memref<64x2x128xf32, #tpu.memory_space<vmem>>[vector<16xi32>, vector<16xi32>, vector<16xi32>], vector<16xf32>,
      %gather3A_2885 = tpu.vector_load_idx %arg8[%broadcast_in_dim3A_2864, %broadcast_in_dim3A_2866, %shift_right_arithmetic3A_33, %and3A_56, %broadcast_in_dim3A_2856] : memref<6x2x8x8x128xf32, #tpu.memory_space<vmem>>[vector<16xi32>, vector<16xi32>, vector<16xi32>, vector<16xi32>, vector<16xi32>], vector<16xf32>,
      %add3A_2886 = arith.constant 32 : i32
      %add3A_2887 = vector.broadcast %add3A_2886 : i32 to vector<16xi32>
      %add3A_2888 = arith.addi %add3A_2887, %iota3A : vector<16xi32>
      %gather3A_2889 = tpu.vector_load_idx %arg9[%add3A_2888, %broadcast_in_dim3A_2859, %broadcast_in_dim3A_2862] : memref<64x2x128xf32, #tpu.memory_space<vmem>>[vector<16xi32>, vector<16xi32>, vector<16xi32>], vector<16xf32>,
      %add3A_2890 = arith.constant 32 : i32
      %add3A_2891 = vector.broadcast %add3A_2890 : i32 to vector<16xi32>
      %add3A_2892 = arith.addi %add3A_2891, %iota3A : vector<16xi32>
      %add3A_2893 = arith.addf %gather3A_2885, %gather3A_2889 : vector<16xf32>
      tpu.vector_store_idx %arg9[%add3A_2892, %broadcast_in_dim3A_2859, %broadcast_in_dim3A_2862], %add3A_2893 : memref<64x2x128xf32, #tpu.memory_space<vmem>>[vector<16xi32>, vector<16xi32>, vector<16xi32>], vector<16xf32>,
      %gather3A_2894 = tpu.vector_load_idx %arg8[%broadcast_in_dim3A_2864, %broadcast_in_dim3A_2866, %shift_right_arithmetic3A_39, %and3A_62, %broadcast_in_dim3A_2856] : memref<6x2x8x8x128xf32, #tpu.memory_space<vmem>>[vector<16xi32>, vector<16xi32>, vector<16xi32>, vector<16xi32>, vector<16xi32>], vector<16xf32>,
      %add3A_2895 = arith.constant 48 : i32
      %add3A_2896 = vector.broadcast %add3A_2895 : i32 to vector<16xi32>
      %add3A_2897 = arith.addi %add3A_2896, %iota3A : vector<16xi32>
      %gather3A_2898 = tpu.vector_load_idx %arg9[%add3A_2897, %broadcast_in_dim3A_2859, %broadcast_in_dim3A_2862] : memref<64x2x128xf32, #tpu.memory_space<vmem>>[vector<16xi32>, vector<16xi32>, vector<16xi32>], vector<16xf32>,
      %add3A_2899 = arith.constant 48 : i32
      %add3A_2900 = vector.broadcast %add3A_2899 : i32 to vector<16xi32>
      %add3A_2901 = arith.addi %add3A_2900, %iota3A : vector<16xi32>
      %add3A_2902 = arith.addf %gather3A_2894, %gather3A_2898 : vector<16xf32>
      tpu.vector_store_idx %arg9[%add3A_2901, %broadcast_in_dim3A_2859, %broadcast_in_dim3A_2862], %add3A_2902 : memref<64x2x128xf32, #tpu.memory_space<vmem>>[vector<16xi32>, vector<16xi32>, vector<16xi32>], vector<16xf32>,
      %mul3A_2903 = arith.constant 2 : i32
      %mul3A_2904 = arith.muli %add3A_2847, %mul3A_2903 : i32
      %add3A_2905 = arith.constant 1 : i32
      %add3A_2906 = arith.addi %mul3A_2904, %add3A_2905 : i32
      %get3A_2907 = arith.index_cast %add3A_2906 : i32 to index
      %get3A_2908 = memref.load %arg7[%get3A_2907] : memref<256xi32, #tpu.memory_space<smem>>
      %and3A_2909 = arith.constant 127 : i32
      %and3A_2910 = arith.andi %get3A_2908, %and3A_2909 : i32
      %broadcast_in_dim3A_2911 = vector.broadcast %and3A_2910 : i32 to vector<16xi32>
      %div3A_2912 = arith.constant 128 : i32
      %div3A_2913 = arith.divsi %add3A_2906, %div3A_2912 : i32
      %broadcast_in_dim3A_2914 = vector.broadcast %div3A_2913 : i32 to vector<16xi32>
      %rem3A_2915 = arith.constant 128 : i32
      %rem3A_2916 = arith.remsi %add3A_2906, %rem3A_2915 : i32
      %broadcast_in_dim3A_2917 = vector.broadcast %rem3A_2916 : i32 to vector<16xi32>
      %broadcast_in_dim3A_2918 = arith.constant 5 : i32
      %broadcast_in_dim3A_2919 = vector.broadcast %broadcast_in_dim3A_2918 : i32 to vector<16xi32>
      %broadcast_in_dim3A_2920 = arith.constant 1 : i32
      %broadcast_in_dim3A_2921 = vector.broadcast %broadcast_in_dim3A_2920 : i32 to vector<16xi32>
      %gather3A_2922 = tpu.vector_load_idx %arg8[%broadcast_in_dim3A_2919, %broadcast_in_dim3A_2921, %shift_right_arithmetic3A_21, %and3A_44, %broadcast_in_dim3A_2911] : memref<6x2x8x8x128xf32, #tpu.memory_space<vmem>>[vector<16xi32>, vector<16xi32>, vector<16xi32>, vector<16xi32>, vector<16xi32>], vector<16xf32>,
      %add3A_2923 = arith.constant 0 : i32
      %add3A_2924 = vector.broadcast %add3A_2923 : i32 to vector<16xi32>
      %add3A_2925 = arith.addi %add3A_2924, %iota3A : vector<16xi32>
      %gather3A_2926 = tpu.vector_load_idx %arg9[%add3A_2925, %broadcast_in_dim3A_2914, %broadcast_in_dim3A_2917] : memref<64x2x128xf32, #tpu.memory_space<vmem>>[vector<16xi32>, vector<16xi32>, vector<16xi32>], vector<16xf32>,
      %add3A_2927 = arith.constant 0 : i32
      %add3A_2928 = vector.broadcast %add3A_2927 : i32 to vector<16xi32>
      %add3A_2929 = arith.addi %add3A_2928, %iota3A : vector<16xi32>
      %add3A_2930 = arith.addf %gather3A_2922, %gather3A_2926 : vector<16xf32>
      tpu.vector_store_idx %arg9[%add3A_2929, %broadcast_in_dim3A_2914, %broadcast_in_dim3A_2917], %add3A_2930 : memref<64x2x128xf32, #tpu.memory_space<vmem>>[vector<16xi32>, vector<16xi32>, vector<16xi32>], vector<16xf32>,
      %gather3A_2931 = tpu.vector_load_idx %arg8[%broadcast_in_dim3A_2919, %broadcast_in_dim3A_2921, %shift_right_arithmetic3A_27, %and3A_50, %broadcast_in_dim3A_2911] : memref<6x2x8x8x128xf32, #tpu.memory_space<vmem>>[vector<16xi32>, vector<16xi32>, vector<16xi32>, vector<16xi32>, vector<16xi32>], vector<16xf32>,
      %add3A_2932 = arith.constant 16 : i32
      %add3A_2933 = vector.broadcast %add3A_2932 : i32 to vector<16xi32>
      %add3A_2934 = arith.addi %add3A_2933, %iota3A : vector<16xi32>
      %gather3A_2935 = tpu.vector_load_idx %arg9[%add3A_2934, %broadcast_in_dim3A_2914, %broadcast_in_dim3A_2917] : memref<64x2x128xf32, #tpu.memory_space<vmem>>[vector<16xi32>, vector<16xi32>, vector<16xi32>], vector<16xf32>,
      %add3A_2936 = arith.constant 16 : i32
      %add3A_2937 = vector.broadcast %add3A_2936 : i32 to vector<16xi32>
      %add3A_2938 = arith.addi %add3A_2937, %iota3A : vector<16xi32>
      %add3A_2939 = arith.addf %gather3A_2931, %gather3A_2935 : vector<16xf32>
      tpu.vector_store_idx %arg9[%add3A_2938, %broadcast_in_dim3A_2914, %broadcast_in_dim3A_2917], %add3A_2939 : memref<64x2x128xf32, #tpu.memory_space<vmem>>[vector<16xi32>, vector<16xi32>, vector<16xi32>], vector<16xf32>,
      %gather3A_2940 = tpu.vector_load_idx %arg8[%broadcast_in_dim3A_2919, %broadcast_in_dim3A_2921, %shift_right_arithmetic3A_33, %and3A_56, %broadcast_in_dim3A_2911] : memref<6x2x8x8x128xf32, #tpu.memory_space<vmem>>[vector<16xi32>, vector<16xi32>, vector<16xi32>, vector<16xi32>, vector<16xi32>], vector<16xf32>,
      %add3A_2941 = arith.constant 32 : i32
      %add3A_2942 = vector.broadcast %add3A_2941 : i32 to vector<16xi32>
      %add3A_2943 = arith.addi %add3A_2942, %iota3A : vector<16xi32>
      %gather3A_2944 = tpu.vector_load_idx %arg9[%add3A_2943, %broadcast_in_dim3A_2914, %broadcast_in_dim3A_2917] : memref<64x2x128xf32, #tpu.memory_space<vmem>>[vector<16xi32>, vector<16xi32>, vector<16xi32>], vector<16xf32>,
      %add3A_2945 = arith.constant 32 : i32
      %add3A_2946 = vector.broadcast %add3A_2945 : i32 to vector<16xi32>
      %add3A_2947 = arith.addi %add3A_2946, %iota3A : vector<16xi32>
      %add3A_2948 = arith.addf %gather3A_2940, %gather3A_2944 : vector<16xf32>
      tpu.vector_store_idx %arg9[%add3A_2947, %broadcast_in_dim3A_2914, %broadcast_in_dim3A_2917], %add3A_2948 : memref<64x2x128xf32, #tpu.memory_space<vmem>>[vector<16xi32>, vector<16xi32>, vector<16xi32>], vector<16xf32>,
      %gather3A_2949 = tpu.vector_load_idx %arg8[%broadcast_in_dim3A_2919, %broadcast_in_dim3A_2921, %shift_right_arithmetic3A_39, %and3A_62, %broadcast_in_dim3A_2911] : memref<6x2x8x8x128xf32, #tpu.memory_space<vmem>>[vector<16xi32>, vector<16xi32>, vector<16xi32>, vector<16xi32>, vector<16xi32>], vector<16xf32>,
      %add3A_2950 = arith.constant 48 : i32
      %add3A_2951 = vector.broadcast %add3A_2950 : i32 to vector<16xi32>
      %add3A_2952 = arith.addi %add3A_2951, %iota3A : vector<16xi32>
      %gather3A_2953 = tpu.vector_load_idx %arg9[%add3A_2952, %broadcast_in_dim3A_2914, %broadcast_in_dim3A_2917] : memref<64x2x128xf32, #tpu.memory_space<vmem>>[vector<16xi32>, vector<16xi32>, vector<16xi32>], vector<16xf32>,
      %add3A_2954 = arith.constant 48 : i32
      %add3A_2955 = vector.broadcast %add3A_2954 : i32 to vector<16xi32>
      %add3A_2956 = arith.addi %add3A_2955, %iota3A : vector<16xi32>
      %add3A_2957 = arith.addf %gather3A_2949, %gather3A_2953 : vector<16xf32>
      tpu.vector_store_idx %arg9[%add3A_2956, %broadcast_in_dim3A_2914, %broadcast_in_dim3A_2917], %add3A_2957 : memref<64x2x128xf32, #tpu.memory_space<vmem>>[vector<16xi32>, vector<16xi32>, vector<16xi32>], vector<16xf32>,
    }
    %scan3A_332 = arith.constant 20 : i32
    %get3A_333 = arith.constant 250 : i32
    %get3A_334 = arith.index_cast %get3A_333 : i32 to index
    %get3A_335 = memref.load %arg7[%get3A_334] : memref<256xi32, #tpu.memory_space<smem>>
    %shift_right_arithmetic3A_336 = arith.constant 7 : i32
    %shift_right_arithmetic3A_337 = arith.shrsi %get3A_335, %shift_right_arithmetic3A_336 : i32
    %mul3A_338 = arith.constant 128 : i32
    %mul3A_339 = arith.muli %shift_right_arithmetic3A_337, %mul3A_338 : i32
    %multiple_of3A_340 = tpu.assume_multiple %mul3A_339, 128 : i32
    %dma_start3A_341 = arith.constant 5 : i32
    %dma_start3A_342 = arith.constant 0 : i32
    %dma_start3A_343 = arith.constant 0 : i32
    %dma_start3A_344 = arith.constant 0 : i32
    %dma_start3A_345 = arith.constant 0 : i32
    %dma_start3A_346 = tpu.memref_slice %arg8[%dma_start3A_341, %dma_start3A_342, %dma_start3A_343, %dma_start3A_344, %dma_start3A_345] : memref<6x2x8x8x128xf32, #tpu.memory_space<vmem>> -> memref<1x1x8x8x128xf32, #tpu.memory_space<vmem>>
    %dma_start3A_347 = tpu.memref_squeeze %dma_start3A_346 : memref<1x1x8x8x128xf32, #tpu.memory_space<vmem>> -> memref<8x8x128xf32, #tpu.memory_space<vmem>>
    %dma_start3A_348 = arith.constant 0 : i32
    %dma_start3A_349 = arith.constant 0 : i32
    %dma_start3A_350 = tpu.memref_slice %arg4[%dma_start3A_348, %dma_start3A_349, %multiple_of3A_340] : memref<8x8x1000000xf32, #tpu.memory_space<hbm>> -> memref<8x8x128xf32, #tpu.memory_space<hbm>>
    %dma_start3A_351 = arith.constant 0 : i32
    %dma_start3A_352 = arith.constant 0 : i32
    %dma_start3A_353 = arith.constant 0 : i32
    %dma_start3A_354 = tpu.memref_slice %arg8[%dma_start3A_341, %dma_start3A_342, %dma_start3A_351, %dma_start3A_352, %dma_start3A_353] : memref<6x2x8x8x128xf32, #tpu.memory_space<vmem>> -> memref<1x1x8x8x128xf32, #tpu.memory_space<vmem>>
    %dma_start3A_355 = tpu.memref_squeeze %dma_start3A_354 : memref<1x1x8x8x128xf32, #tpu.memory_space<vmem>> -> memref<8x8x128xf32, #tpu.memory_space<vmem>>
    %dma_start3A_356 = arith.constant 0 : i32
    %dma_start3A_357 = arith.constant 0 : i32
    %dma_start3A_358 = tpu.memref_slice %arg4[%dma_start3A_356, %dma_start3A_357, %multiple_of3A_340] : memref<8x8x1000000xf32, #tpu.memory_space<hbm>> -> memref<8x8x128xf32, #tpu.memory_space<hbm>>
    tpu.enqueue_dma source(%dma_start3A_358 : memref<8x8x128xf32, #tpu.memory_space<hbm>>) target(%dma_start3A_355 : memref<8x8x128xf32, #tpu.memory_space<vmem>>) target_semaphore(%arg15 : memref<!tpu.dma_semaphore, #tpu.memory_space<semaphore_mem>>)
    %get3A_359 = arith.constant 251 : i32
    %get3A_360 = arith.index_cast %get3A_359 : i32 to index
    %get3A_361 = memref.load %arg7[%get3A_360] : memref<256xi32, #tpu.memory_space<smem>>
    %shift_right_arithmetic3A_362 = arith.constant 7 : i32
    %shift_right_arithmetic3A_363 = arith.shrsi %get3A_361, %shift_right_arithmetic3A_362 : i32
    %mul3A_364 = arith.constant 128 : i32
    %mul3A_365 = arith.muli %shift_right_arithmetic3A_363, %mul3A_364 : i32
    %multiple_of3A_366 = tpu.assume_multiple %mul3A_365, 128 : i32
    %dma_start3A_367 = arith.constant 5 : i32
    %dma_start3A_368 = arith.constant 1 : i32
    %dma_start3A_369 = arith.constant 0 : i32
    %dma_start3A_370 = arith.constant 0 : i32
    %dma_start3A_371 = arith.constant 0 : i32
    %dma_start3A_372 = tpu.memref_slice %arg8[%dma_start3A_367, %dma_start3A_368, %dma_start3A_369, %dma_start3A_370, %dma_start3A_371] : memref<6x2x8x8x128xf32, #tpu.memory_space<vmem>> -> memref<1x1x8x8x128xf32, #tpu.memory_space<vmem>>
    %dma_start3A_373 = tpu.memref_squeeze %dma_start3A_372 : memref<1x1x8x8x128xf32, #tpu.memory_space<vmem>> -> memref<8x8x128xf32, #tpu.memory_space<vmem>>
    %dma_start3A_374 = arith.constant 0 : i32
    %dma_start3A_375 = arith.constant 0 : i32
    %dma_start3A_376 = tpu.memref_slice %arg4[%dma_start3A_374, %dma_start3A_375, %multiple_of3A_366] : memref<8x8x1000000xf32, #tpu.memory_space<hbm>> -> memref<8x8x128xf32, #tpu.memory_space<hbm>>
    %dma_start3A_377 = arith.constant 0 : i32
    %dma_start3A_378 = arith.constant 0 : i32
    %dma_start3A_379 = arith.constant 0 : i32
    %dma_start3A_380 = tpu.memref_slice %arg8[%dma_start3A_367, %dma_start3A_368, %dma_start3A_377, %dma_start3A_378, %dma_start3A_379] : memref<6x2x8x8x128xf32, #tpu.memory_space<vmem>> -> memref<1x1x8x8x128xf32, #tpu.memory_space<vmem>>
    %dma_start3A_381 = tpu.memref_squeeze %dma_start3A_380 : memref<1x1x8x8x128xf32, #tpu.memory_space<vmem>> -> memref<8x8x128xf32, #tpu.memory_space<vmem>>
    %dma_start3A_382 = arith.constant 0 : i32
    %dma_start3A_383 = arith.constant 0 : i32
    %dma_start3A_384 = tpu.memref_slice %arg4[%dma_start3A_382, %dma_start3A_383, %multiple_of3A_366] : memref<8x8x1000000xf32, #tpu.memory_space<hbm>> -> memref<8x8x128xf32, #tpu.memory_space<hbm>>
    tpu.enqueue_dma source(%dma_start3A_384 : memref<8x8x128xf32, #tpu.memory_space<hbm>>) target(%dma_start3A_381 : memref<8x8x128xf32, #tpu.memory_space<vmem>>) target_semaphore(%arg15 : memref<!tpu.dma_semaphore, #tpu.memory_space<semaphore_mem>>)
    %dma_wait3A_385 = arith.constant 0 : i32
    %dma_wait3A_386 = arith.constant 0 : i32
    %dma_wait3A_387 = arith.constant 0 : i32
    %dma_wait3A_388 = arith.constant 0 : i32
    %dma_wait3A_389 = arith.constant 0 : i32
    %dma_wait3A_390 = tpu.memref_slice %arg8[%dma_wait3A_385, %dma_wait3A_386, %dma_wait3A_387, %dma_wait3A_388, %dma_wait3A_389] : memref<6x2x8x8x128xf32, #tpu.memory_space<vmem>> -> memref<1x1x8x8x128xf32, #tpu.memory_space<vmem>>
    %dma_wait3A_391 = tpu.memref_squeeze %dma_wait3A_390 : memref<1x1x8x8x128xf32, #tpu.memory_space<vmem>> -> memref<8x8x128xf32, #tpu.memory_space<vmem>>
    %dma_wait3A_392 = arith.constant 0 : i32
    %dma_wait3A_393 = arith.constant 0 : i32
    %dma_wait3A_394 = arith.constant 0 : i32
    %dma_wait3A_395 = tpu.memref_slice %arg4[%dma_wait3A_392, %dma_wait3A_393, %dma_wait3A_394] : memref<8x8x1000000xf32, #tpu.memory_space<hbm>> -> memref<8x8x128xf32, #tpu.memory_space<hbm>>
    %dma_wait3A_396 = arith.constant 0 : i32
    %dma_wait3A_397 = arith.constant 0 : i32
    %dma_wait3A_398 = arith.constant 0 : i32
    %dma_wait3A_399 = tpu.memref_slice %arg8[%dma_wait3A_385, %dma_wait3A_386, %dma_wait3A_396, %dma_wait3A_397, %dma_wait3A_398] : memref<6x2x8x8x128xf32, #tpu.memory_space<vmem>> -> memref<1x1x8x8x128xf32, #tpu.memory_space<vmem>>
    %dma_wait3A_400 = tpu.memref_squeeze %dma_wait3A_399 : memref<1x1x8x8x128xf32, #tpu.memory_space<vmem>> -> memref<8x8x128xf32, #tpu.memory_space<vmem>>
    %dma_wait3A_401 = arith.constant 0 : i32
    %dma_wait3A_402 = arith.constant 0 : i32
    %dma_wait3A_403 = arith.constant 0 : i32
    %dma_wait3A_404 = tpu.memref_slice %arg4[%dma_wait3A_401, %dma_wait3A_402, %dma_wait3A_403] : memref<8x8x1000000xf32, #tpu.memory_space<hbm>> -> memref<8x8x128xf32, #tpu.memory_space<hbm>>
    tpu.wait_dma2 semaphore(%arg10 : memref<!tpu.dma_semaphore, #tpu.memory_space<semaphore_mem>>) src(%dma_wait3A_404 : memref<8x8x128xf32, #tpu.memory_space<hbm>>) dst(%dma_wait3A_400 : memref<8x8x128xf32, #tpu.memory_space<vmem>>)
    %dma_wait3A_405 = arith.constant 0 : i32
    %dma_wait3A_406 = arith.constant 1 : i32
    %dma_wait3A_407 = arith.constant 0 : i32
    %dma_wait3A_408 = arith.constant 0 : i32
    %dma_wait3A_409 = arith.constant 0 : i32
    %dma_wait3A_410 = tpu.memref_slice %arg8[%dma_wait3A_405, %dma_wait3A_406, %dma_wait3A_407, %dma_wait3A_408, %dma_wait3A_409] : memref<6x2x8x8x128xf32, #tpu.memory_space<vmem>> -> memref<1x1x8x8x128xf32, #tpu.memory_space<vmem>>
    %dma_wait3A_411 = tpu.memref_squeeze %dma_wait3A_410 : memref<1x1x8x8x128xf32, #tpu.memory_space<vmem>> -> memref<8x8x128xf32, #tpu.memory_space<vmem>>
    %dma_wait3A_412 = arith.constant 0 : i32
    %dma_wait3A_413 = arith.constant 0 : i32
    %dma_wait3A_414 = arith.constant 0 : i32
    %dma_wait3A_415 = tpu.memref_slice %arg4[%dma_wait3A_412, %dma_wait3A_413, %dma_wait3A_414] : memref<8x8x1000000xf32, #tpu.memory_space<hbm>> -> memref<8x8x128xf32, #tpu.memory_space<hbm>>
    %dma_wait3A_416 = arith.constant 0 : i32
    %dma_wait3A_417 = arith.constant 0 : i32
    %dma_wait3A_418 = arith.constant 0 : i32
    %dma_wait3A_419 = tpu.memref_slice %arg8[%dma_wait3A_405, %dma_wait3A_406, %dma_wait3A_416, %dma_wait3A_417, %dma_wait3A_418] : memref<6x2x8x8x128xf32, #tpu.memory_space<vmem>> -> memref<1x1x8x8x128xf32, #tpu.memory_space<vmem>>
    %dma_wait3A_420 = tpu.memref_squeeze %dma_wait3A_419 : memref<1x1x8x8x128xf32, #tpu.memory_space<vmem>> -> memref<8x8x128xf32, #tpu.memory_space<vmem>>
    %dma_wait3A_421 = arith.constant 0 : i32
    %dma_wait3A_422 = arith.constant 0 : i32
    %dma_wait3A_423 = arith.constant 0 : i32
    %dma_wait3A_424 = tpu.memref_slice %arg4[%dma_wait3A_421, %dma_wait3A_422, %dma_wait3A_423] : memref<8x8x1000000xf32, #tpu.memory_space<hbm>> -> memref<8x8x128xf32, #tpu.memory_space<hbm>>
    tpu.wait_dma2 semaphore(%arg10 : memref<!tpu.dma_semaphore, #tpu.memory_space<semaphore_mem>>) src(%dma_wait3A_424 : memref<8x8x128xf32, #tpu.memory_space<hbm>>) dst(%dma_wait3A_420 : memref<8x8x128xf32, #tpu.memory_space<vmem>>)
    %get3A_425 = arith.constant 240 : i32
    %get3A_426 = arith.index_cast %get3A_425 : i32 to index
    %get3A_427 = memref.load %arg7[%get3A_426] : memref<256xi32, #tpu.memory_space<smem>>
    %and3A_428 = arith.constant 127 : i32
    %and3A_429 = arith.andi %get3A_427, %and3A_428 : i32
    %broadcast_in_dim3A = vector.broadcast %and3A_429 : i32 to vector<16xi32>
    %div3A_430 = arith.constant 240 : i32
    %div3A_431 = arith.constant 128 : i32
    %div3A_432 = arith.divsi %div3A_430, %div3A_431 : i32
    %broadcast_in_dim3A_433 = vector.broadcast %div3A_432 : i32 to vector<16xi32>
    %rem3A_434 = arith.constant 240 : i32
    %rem3A_435 = arith.constant 128 : i32
    %rem3A_436 = arith.remsi %rem3A_434, %rem3A_435 : i32
    %broadcast_in_dim3A_437 = vector.broadcast %rem3A_436 : i32 to vector<16xi32>
    %broadcast_in_dim3A_438 = arith.constant 0 : i32
    %broadcast_in_dim3A_439 = vector.broadcast %broadcast_in_dim3A_438 : i32 to vector<16xi32>
    %broadcast_in_dim3A_440 = arith.constant 0 : i32
    %broadcast_in_dim3A_441 = vector.broadcast %broadcast_in_dim3A_440 : i32 to vector<16xi32>
    %gather3A = tpu.vector_load_idx %arg8[%broadcast_in_dim3A_439, %broadcast_in_dim3A_441, %shift_right_arithmetic3A_21, %and3A_44, %broadcast_in_dim3A] : memref<6x2x8x8x128xf32, #tpu.memory_space<vmem>>[vector<16xi32>, vector<16xi32>, vector<16xi32>, vector<16xi32>, vector<16xi32>], vector<16xf32>,
    %add3A_442 = arith.constant 0 : i32
    %add3A_443 = vector.broadcast %add3A_442 : i32 to vector<16xi32>
    %add3A_444 = arith.addi %add3A_443, %iota3A : vector<16xi32>
    %gather3A_445 = tpu.vector_load_idx %arg9[%add3A_444, %broadcast_in_dim3A_433, %broadcast_in_dim3A_437] : memref<64x2x128xf32, #tpu.memory_space<vmem>>[vector<16xi32>, vector<16xi32>, vector<16xi32>], vector<16xf32>,
    %add3A_446 = arith.constant 0 : i32
    %add3A_447 = vector.broadcast %add3A_446 : i32 to vector<16xi32>
    %add3A_448 = arith.addi %add3A_447, %iota3A : vector<16xi32>
    %add3A_449 = arith.addf %gather3A, %gather3A_445 : vector<16xf32>
    tpu.vector_store_idx %arg9[%add3A_448, %broadcast_in_dim3A_433, %broadcast_in_dim3A_437], %add3A_449 : memref<64x2x128xf32, #tpu.memory_space<vmem>>[vector<16xi32>, vector<16xi32>, vector<16xi32>], vector<16xf32>,
    %gather3A_450 = tpu.vector_load_idx %arg8[%broadcast_in_dim3A_439, %broadcast_in_dim3A_441, %shift_right_arithmetic3A_27, %and3A_50, %broadcast_in_dim3A] : memref<6x2x8x8x128xf32, #tpu.memory_space<vmem>>[vector<16xi32>, vector<16xi32>, vector<16xi32>, vector<16xi32>, vector<16xi32>], vector<16xf32>,
    %add3A_451 = arith.constant 16 : i32
    %add3A_452 = vector.broadcast %add3A_451 : i32 to vector<16xi32>
    %add3A_453 = arith.addi %add3A_452, %iota3A : vector<16xi32>
    %gather3A_454 = tpu.vector_load_idx %arg9[%add3A_453, %broadcast_in_dim3A_433, %broadcast_in_dim3A_437] : memref<64x2x128xf32, #tpu.memory_space<vmem>>[vector<16xi32>, vector<16xi32>, vector<16xi32>], vector<16xf32>,
    %add3A_455 = arith.constant 16 : i32
    %add3A_456 = vector.broadcast %add3A_455 : i32 to vector<16xi32>
    %add3A_457 = arith.addi %add3A_456, %iota3A : vector<16xi32>
    %add3A_458 = arith.addf %gather3A_450, %gather3A_454 : vector<16xf32>
    tpu.vector_store_idx %arg9[%add3A_457, %broadcast_in_dim3A_433, %broadcast_in_dim3A_437], %add3A_458 : memref<64x2x128xf32, #tpu.memory_space<vmem>>[vector<16xi32>, vector<16xi32>, vector<16xi32>], vector<16xf32>,
    %gather3A_459 = tpu.vector_load_idx %arg8[%broadcast_in_dim3A_439, %broadcast_in_dim3A_441, %shift_right_arithmetic3A_33, %and3A_56, %broadcast_in_dim3A] : memref<6x2x8x8x128xf32, #tpu.memory_space<vmem>>[vector<16xi32>, vector<16xi32>, vector<16xi32>, vector<16xi32>, vector<16xi32>], vector<16xf32>,
    %add3A_460 = arith.constant 32 : i32
    %add3A_461 = vector.broadcast %add3A_460 : i32 to vector<16xi32>
    %add3A_462 = arith.addi %add3A_461, %iota3A : vector<16xi32>
    %gather3A_463 = tpu.vector_load_idx %arg9[%add3A_462, %broadcast_in_dim3A_433, %broadcast_in_dim3A_437] : memref<64x2x128xf32, #tpu.memory_space<vmem>>[vector<16xi32>, vector<16xi32>, vector<16xi32>], vector<16xf32>,
    %add3A_464 = arith.constant 32 : i32
    %add3A_465 = vector.broadcast %add3A_464 : i32 to vector<16xi32>
    %add3A_466 = arith.addi %add3A_465, %iota3A : vector<16xi32>
    %add3A_467 = arith.addf %gather3A_459, %gather3A_463 : vector<16xf32>
    tpu.vector_store_idx %arg9[%add3A_466, %broadcast_in_dim3A_433, %broadcast_in_dim3A_437], %add3A_467 : memref<64x2x128xf32, #tpu.memory_space<vmem>>[vector<16xi32>, vector<16xi32>, vector<16xi32>], vector<16xf32>,
    %gather3A_468 = tpu.vector_load_idx %arg8[%broadcast_in_dim3A_439, %broadcast_in_dim3A_441, %shift_right_arithmetic3A_39, %and3A_62, %broadcast_in_dim3A] : memref<6x2x8x8x128xf32, #tpu.memory_space<vmem>>[vector<16xi32>, vector<16xi32>, vector<16xi32>, vector<16xi32>, vector<16xi32>], vector<16xf32>,
    %add3A_469 = arith.constant 48 : i32
    %add3A_470 = vector.broadcast %add3A_469 : i32 to vector<16xi32>
    %add3A_471 = arith.addi %add3A_470, %iota3A : vector<16xi32>
    %gather3A_472 = tpu.vector_load_idx %arg9[%add3A_471, %broadcast_in_dim3A_433, %broadcast_in_dim3A_437] : memref<64x2x128xf32, #tpu.memory_space<vmem>>[vector<16xi32>, vector<16xi32>, vector<16xi32>], vector<16xf32>,
    %add3A_473 = arith.constant 48 : i32
    %add3A_474 = vector.broadcast %add3A_473 : i32 to vector<16xi32>
    %add3A_475 = arith.addi %add3A_474, %iota3A : vector<16xi32>
    %add3A_476 = arith.addf %gather3A_468, %gather3A_472 : vector<16xf32>
    tpu.vector_store_idx %arg9[%add3A_475, %broadcast_in_dim3A_433, %broadcast_in_dim3A_437], %add3A_476 : memref<64x2x128xf32, #tpu.memory_space<vmem>>[vector<16xi32>, vector<16xi32>, vector<16xi32>], vector<16xf32>,
    %get3A_477 = arith.constant 241 : i32
    %get3A_478 = arith.index_cast %get3A_477 : i32 to index
    %get3A_479 = memref.load %arg7[%get3A_478] : memref<256xi32, #tpu.memory_space<smem>>
    %and3A_480 = arith.constant 127 : i32
    %and3A_481 = arith.andi %get3A_479, %and3A_480 : i32
    %broadcast_in_dim3A_482 = vector.broadcast %and3A_481 : i32 to vector<16xi32>
    %div3A_483 = arith.constant 241 : i32
    %div3A_484 = arith.constant 128 : i32
    %div3A_485 = arith.divsi %div3A_483, %div3A_484 : i32
    %broadcast_in_dim3A_486 = vector.broadcast %div3A_485 : i32 to vector<16xi32>
    %rem3A_487 = arith.constant 241 : i32
    %rem3A_488 = arith.constant 128 : i32
    %rem3A_489 = arith.remsi %rem3A_487, %rem3A_488 : i32
    %broadcast_in_dim3A_490 = vector.broadcast %rem3A_489 : i32 to vector<16xi32>
    %broadcast_in_dim3A_491 = arith.constant 0 : i32
    %broadcast_in_dim3A_492 = vector.broadcast %broadcast_in_dim3A_491 : i32 to vector<16xi32>
    %broadcast_in_dim3A_493 = arith.constant 1 : i32
    %broadcast_in_dim3A_494 = vector.broadcast %broadcast_in_dim3A_493 : i32 to vector<16xi32>
    %gather3A_495 = tpu.vector_load_idx %arg8[%broadcast_in_dim3A_492, %broadcast_in_dim3A_494, %shift_right_arithmetic3A_21, %and3A_44, %broadcast_in_dim3A_482] : memref<6x2x8x8x128xf32, #tpu.memory_space<vmem>>[vector<16xi32>, vector<16xi32>, vector<16xi32>, vector<16xi32>, vector<16xi32>], vector<16xf32>,
    %add3A_496 = arith.constant 0 : i32
    %add3A_497 = vector.broadcast %add3A_496 : i32 to vector<16xi32>
    %add3A_498 = arith.addi %add3A_497, %iota3A : vector<16xi32>
    %gather3A_499 = tpu.vector_load_idx %arg9[%add3A_498, %broadcast_in_dim3A_486, %broadcast_in_dim3A_490] : memref<64x2x128xf32, #tpu.memory_space<vmem>>[vector<16xi32>, vector<16xi32>, vector<16xi32>], vector<16xf32>,
    %add3A_500 = arith.constant 0 : i32
    %add3A_501 = vector.broadcast %add3A_500 : i32 to vector<16xi32>
    %add3A_502 = arith.addi %add3A_501, %iota3A : vector<16xi32>
    %add3A_503 = arith.addf %gather3A_495, %gather3A_499 : vector<16xf32>
    tpu.vector_store_idx %arg9[%add3A_502, %broadcast_in_dim3A_486, %broadcast_in_dim3A_490], %add3A_503 : memref<64x2x128xf32, #tpu.memory_space<vmem>>[vector<16xi32>, vector<16xi32>, vector<16xi32>], vector<16xf32>,
    %gather3A_504 = tpu.vector_load_idx %arg8[%broadcast_in_dim3A_492, %broadcast_in_dim3A_494, %shift_right_arithmetic3A_27, %and3A_50, %broadcast_in_dim3A_482] : memref<6x2x8x8x128xf32, #tpu.memory_space<vmem>>[vector<16xi32>, vector<16xi32>, vector<16xi32>, vector<16xi32>, vector<16xi32>], vector<16xf32>,
    %add3A_505 = arith.constant 16 : i32
    %add3A_506 = vector.broadcast %add3A_505 : i32 to vector<16xi32>
    %add3A_507 = arith.addi %add3A_506, %iota3A : vector<16xi32>
    %gather3A_508 = tpu.vector_load_idx %arg9[%add3A_507, %broadcast_in_dim3A_486, %broadcast_in_dim3A_490] : memref<64x2x128xf32, #tpu.memory_space<vmem>>[vector<16xi32>, vector<16xi32>, vector<16xi32>], vector<16xf32>,
    %add3A_509 = arith.constant 16 : i32
    %add3A_510 = vector.broadcast %add3A_509 : i32 to vector<16xi32>
    %add3A_511 = arith.addi %add3A_510, %iota3A : vector<16xi32>
    %add3A_512 = arith.addf %gather3A_504, %gather3A_508 : vector<16xf32>
    tpu.vector_store_idx %arg9[%add3A_511, %broadcast_in_dim3A_486, %broadcast_in_dim3A_490], %add3A_512 : memref<64x2x128xf32, #tpu.memory_space<vmem>>[vector<16xi32>, vector<16xi32>, vector<16xi32>], vector<16xf32>,
    %gather3A_513 = tpu.vector_load_idx %arg8[%broadcast_in_dim3A_492, %broadcast_in_dim3A_494, %shift_right_arithmetic3A_33, %and3A_56, %broadcast_in_dim3A_482] : memref<6x2x8x8x128xf32, #tpu.memory_space<vmem>>[vector<16xi32>, vector<16xi32>, vector<16xi32>, vector<16xi32>, vector<16xi32>], vector<16xf32>,
    %add3A_514 = arith.constant 32 : i32
    %add3A_515 = vector.broadcast %add3A_514 : i32 to vector<16xi32>
    %add3A_516 = arith.addi %add3A_515, %iota3A : vector<16xi32>
    %gather3A_517 = tpu.vector_load_idx %arg9[%add3A_516, %broadcast_in_dim3A_486, %broadcast_in_dim3A_490] : memref<64x2x128xf32, #tpu.memory_space<vmem>>[vector<16xi32>, vector<16xi32>, vector<16xi32>], vector<16xf32>,
    %add3A_518 = arith.constant 32 : i32
    %add3A_519 = vector.broadcast %add3A_518 : i32 to vector<16xi32>
    %add3A_520 = arith.addi %add3A_519, %iota3A : vector<16xi32>
    %add3A_521 = arith.addf %gather3A_513, %gather3A_517 : vector<16xf32>
    tpu.vector_store_idx %arg9[%add3A_520, %broadcast_in_dim3A_486, %broadcast_in_dim3A_490], %add3A_521 : memref<64x2x128xf32, #tpu.memory_space<vmem>>[vector<16xi32>, vector<16xi32>, vector<16xi32>], vector<16xf32>,
    %gather3A_522 = tpu.vector_load_idx %arg8[%broadcast_in_dim3A_492, %broadcast_in_dim3A_494, %shift_right_arithmetic3A_39, %and3A_62, %broadcast_in_dim3A_482] : memref<6x2x8x8x128xf32, #tpu.memory_space<vmem>>[vector<16xi32>, vector<16xi32>, vector<16xi32>, vector<16xi32>, vector<16xi32>], vector<16xf32>,
    %add3A_523 = arith.constant 48 : i32
    %add3A_524 = vector.broadcast %add3A_523 : i32 to vector<16xi32>
    %add3A_525 = arith.addi %add3A_524, %iota3A : vector<16xi32>
    %gather3A_526 = tpu.vector_load_idx %arg9[%add3A_525, %broadcast_in_dim3A_486, %broadcast_in_dim3A_490] : memref<64x2x128xf32, #tpu.memory_space<vmem>>[vector<16xi32>, vector<16xi32>, vector<16xi32>], vector<16xf32>,
    %add3A_527 = arith.constant 48 : i32
    %add3A_528 = vector.broadcast %add3A_527 : i32 to vector<16xi32>
    %add3A_529 = arith.addi %add3A_528, %iota3A : vector<16xi32>
    %add3A_530 = arith.addf %gather3A_522, %gather3A_526 : vector<16xf32>
    tpu.vector_store_idx %arg9[%add3A_529, %broadcast_in_dim3A_486, %broadcast_in_dim3A_490], %add3A_530 : memref<64x2x128xf32, #tpu.memory_space<vmem>>[vector<16xi32>, vector<16xi32>, vector<16xi32>], vector<16xf32>,
    %get3A_531 = arith.constant 252 : i32
    %get3A_532 = arith.index_cast %get3A_531 : i32 to index
    %get3A_533 = memref.load %arg7[%get3A_532] : memref<256xi32, #tpu.memory_space<smem>>
    %shift_right_arithmetic3A_534 = arith.constant 7 : i32
    %shift_right_arithmetic3A_535 = arith.shrsi %get3A_533, %shift_right_arithmetic3A_534 : i32
    %mul3A_536 = arith.constant 128 : i32
    %mul3A_537 = arith.muli %shift_right_arithmetic3A_535, %mul3A_536 : i32
    %multiple_of3A_538 = tpu.assume_multiple %mul3A_537, 128 : i32
    %dma_start3A_539 = arith.constant 0 : i32
    %dma_start3A_540 = arith.constant 0 : i32
    %dma_start3A_541 = arith.constant 0 : i32
    %dma_start3A_542 = arith.constant 0 : i32
    %dma_start3A_543 = arith.constant 0 : i32
    %dma_start3A_544 = tpu.memref_slice %arg8[%dma_start3A_539, %dma_start3A_540, %dma_start3A_541, %dma_start3A_542, %dma_start3A_543] : memref<6x2x8x8x128xf32, #tpu.memory_space<vmem>> -> memref<1x1x8x8x128xf32, #tpu.memory_space<vmem>>
    %dma_start3A_545 = tpu.memref_squeeze %dma_start3A_544 : memref<1x1x8x8x128xf32, #tpu.memory_space<vmem>> -> memref<8x8x128xf32, #tpu.memory_space<vmem>>
    %dma_start3A_546 = arith.constant 0 : i32
    %dma_start3A_547 = arith.constant 0 : i32
    %dma_start3A_548 = tpu.memref_slice %arg4[%dma_start3A_546, %dma_start3A_547, %multiple_of3A_538] : memref<8x8x1000000xf32, #tpu.memory_space<hbm>> -> memref<8x8x128xf32, #tpu.memory_space<hbm>>
    %dma_start3A_549 = arith.constant 0 : i32
    %dma_start3A_550 = arith.constant 0 : i32
    %dma_start3A_551 = arith.constant 0 : i32
    %dma_start3A_552 = tpu.memref_slice %arg8[%dma_start3A_539, %dma_start3A_540, %dma_start3A_549, %dma_start3A_550, %dma_start3A_551] : memref<6x2x8x8x128xf32, #tpu.memory_space<vmem>> -> memref<1x1x8x8x128xf32, #tpu.memory_space<vmem>>
    %dma_start3A_553 = tpu.memref_squeeze %dma_start3A_552 : memref<1x1x8x8x128xf32, #tpu.memory_space<vmem>> -> memref<8x8x128xf32, #tpu.memory_space<vmem>>
    %dma_start3A_554 = arith.constant 0 : i32
    %dma_start3A_555 = arith.constant 0 : i32
    %dma_start3A_556 = tpu.memref_slice %arg4[%dma_start3A_554, %dma_start3A_555, %multiple_of3A_538] : memref<8x8x1000000xf32, #tpu.memory_space<hbm>> -> memref<8x8x128xf32, #tpu.memory_space<hbm>>
    tpu.enqueue_dma source(%dma_start3A_556 : memref<8x8x128xf32, #tpu.memory_space<hbm>>) target(%dma_start3A_553 : memref<8x8x128xf32, #tpu.memory_space<vmem>>) target_semaphore(%arg10 : memref<!tpu.dma_semaphore, #tpu.memory_space<semaphore_mem>>)
    %get3A_557 = arith.constant 253 : i32
    %get3A_558 = arith.index_cast %get3A_557 : i32 to index
    %get3A_559 = memref.load %arg7[%get3A_558] : memref<256xi32, #tpu.memory_space<smem>>
    %shift_right_arithmetic3A_560 = arith.constant 7 : i32
    %shift_right_arithmetic3A_561 = arith.shrsi %get3A_559, %shift_right_arithmetic3A_560 : i32
    %mul3A_562 = arith.constant 128 : i32
    %mul3A_563 = arith.muli %shift_right_arithmetic3A_561, %mul3A_562 : i32
    %multiple_of3A_564 = tpu.assume_multiple %mul3A_563, 128 : i32
    %dma_start3A_565 = arith.constant 0 : i32
    %dma_start3A_566 = arith.constant 1 : i32
    %dma_start3A_567 = arith.constant 0 : i32
    %dma_start3A_568 = arith.constant 0 : i32
    %dma_start3A_569 = arith.constant 0 : i32
    %dma_start3A_570 = tpu.memref_slice %arg8[%dma_start3A_565, %dma_start3A_566, %dma_start3A_567, %dma_start3A_568, %dma_start3A_569] : memref<6x2x8x8x128xf32, #tpu.memory_space<vmem>> -> memref<1x1x8x8x128xf32, #tpu.memory_space<vmem>>
    %dma_start3A_571 = tpu.memref_squeeze %dma_start3A_570 : memref<1x1x8x8x128xf32, #tpu.memory_space<vmem>> -> memref<8x8x128xf32, #tpu.memory_space<vmem>>
    %dma_start3A_572 = arith.constant 0 : i32
    %dma_start3A_573 = arith.constant 0 : i32
    %dma_start3A_574 = tpu.memref_slice %arg4[%dma_start3A_572, %dma_start3A_573, %multiple_of3A_564] : memref<8x8x1000000xf32, #tpu.memory_space<hbm>> -> memref<8x8x128xf32, #tpu.memory_space<hbm>>
    %dma_start3A_575 = arith.constant 0 : i32
    %dma_start3A_576 = arith.constant 0 : i32
    %dma_start3A_577 = arith.constant 0 : i32
    %dma_start3A_578 = tpu.memref_slice %arg8[%dma_start3A_565, %dma_start3A_566, %dma_start3A_575, %dma_start3A_576, %dma_start3A_577] : memref<6x2x8x8x128xf32, #tpu.memory_space<vmem>> -> memref<1x1x8x8x128xf32, #tpu.memory_space<vmem>>
    %dma_start3A_579 = tpu.memref_squeeze %dma_start3A_578 : memref<1x1x8x8x128xf32, #tpu.memory_space<vmem>> -> memref<8x8x128xf32, #tpu.memory_space<vmem>>
    %dma_start3A_580 = arith.constant 0 : i32
    %dma_start3A_581 = arith.constant 0 : i32
    %dma_start3A_582 = tpu.memref_slice %arg4[%dma_start3A_580, %dma_start3A_581, %multiple_of3A_564] : memref<8x8x1000000xf32, #tpu.memory_space<hbm>> -> memref<8x8x128xf32, #tpu.memory_space<hbm>>
    tpu.enqueue_dma source(%dma_start3A_582 : memref<8x8x128xf32, #tpu.memory_space<hbm>>) target(%dma_start3A_579 : memref<8x8x128xf32, #tpu.memory_space<vmem>>) target_semaphore(%arg10 : memref<!tpu.dma_semaphore, #tpu.memory_space<semaphore_mem>>)
    %dma_wait3A_583 = arith.constant 1 : i32
    %dma_wait3A_584 = arith.constant 0 : i32
    %dma_wait3A_585 = arith.constant 0 : i32
    %dma_wait3A_586 = arith.constant 0 : i32
    %dma_wait3A_587 = arith.constant 0 : i32
    %dma_wait3A_588 = tpu.memref_slice %arg8[%dma_wait3A_583, %dma_wait3A_584, %dma_wait3A_585, %dma_wait3A_586, %dma_wait3A_587] : memref<6x2x8x8x128xf32, #tpu.memory_space<vmem>> -> memref<1x1x8x8x128xf32, #tpu.memory_space<vmem>>
    %dma_wait3A_589 = tpu.memref_squeeze %dma_wait3A_588 : memref<1x1x8x8x128xf32, #tpu.memory_space<vmem>> -> memref<8x8x128xf32, #tpu.memory_space<vmem>>
    %dma_wait3A_590 = arith.constant 0 : i32
    %dma_wait3A_591 = arith.constant 0 : i32
    %dma_wait3A_592 = arith.constant 0 : i32
    %dma_wait3A_593 = tpu.memref_slice %arg4[%dma_wait3A_590, %dma_wait3A_591, %dma_wait3A_592] : memref<8x8x1000000xf32, #tpu.memory_space<hbm>> -> memref<8x8x128xf32, #tpu.memory_space<hbm>>
    %dma_wait3A_594 = arith.constant 0 : i32
    %dma_wait3A_595 = arith.constant 0 : i32
    %dma_wait3A_596 = arith.constant 0 : i32
    %dma_wait3A_597 = tpu.memref_slice %arg8[%dma_wait3A_583, %dma_wait3A_584, %dma_wait3A_594, %dma_wait3A_595, %dma_wait3A_596] : memref<6x2x8x8x128xf32, #tpu.memory_space<vmem>> -> memref<1x1x8x8x128xf32, #tpu.memory_space<vmem>>
    %dma_wait3A_598 = tpu.memref_squeeze %dma_wait3A_597 : memref<1x1x8x8x128xf32, #tpu.memory_space<vmem>> -> memref<8x8x128xf32, #tpu.memory_space<vmem>>
    %dma_wait3A_599 = arith.constant 0 : i32
    %dma_wait3A_600 = arith.constant 0 : i32
    %dma_wait3A_601 = arith.constant 0 : i32
    %dma_wait3A_602 = tpu.memref_slice %arg4[%dma_wait3A_599, %dma_wait3A_600, %dma_wait3A_601] : memref<8x8x1000000xf32, #tpu.memory_space<hbm>> -> memref<8x8x128xf32, #tpu.memory_space<hbm>>
    tpu.wait_dma2 semaphore(%arg11 : memref<!tpu.dma_semaphore, #tpu.memory_space<semaphore_mem>>) src(%dma_wait3A_602 : memref<8x8x128xf32, #tpu.memory_space<hbm>>) dst(%dma_wait3A_598 : memref<8x8x128xf32, #tpu.memory_space<vmem>>)
    %dma_wait3A_603 = arith.constant 1 : i32
    %dma_wait3A_604 = arith.constant 1 : i32
    %dma_wait3A_605 = arith.constant 0 : i32
    %dma_wait3A_606 = arith.constant 0 : i32
    %dma_wait3A_607 = arith.constant 0 : i32
    %dma_wait3A_608 = tpu.memref_slice %arg8[%dma_wait3A_603, %dma_wait3A_604, %dma_wait3A_605, %dma_wait3A_606, %dma_wait3A_607] : memref<6x2x8x8x128xf32, #tpu.memory_space<vmem>> -> memref<1x1x8x8x128xf32, #tpu.memory_space<vmem>>
    %dma_wait3A_609 = tpu.memref_squeeze %dma_wait3A_608 : memref<1x1x8x8x128xf32, #tpu.memory_space<vmem>> -> memref<8x8x128xf32, #tpu.memory_space<vmem>>
    %dma_wait3A_610 = arith.constant 0 : i32
    %dma_wait3A_611 = arith.constant 0 : i32
    %dma_wait3A_612 = arith.constant 0 : i32
    %dma_wait3A_613 = tpu.memref_slice %arg4[%dma_wait3A_610, %dma_wait3A_611, %dma_wait3A_612] : memref<8x8x1000000xf32, #tpu.memory_space<hbm>> -> memref<8x8x128xf32, #tpu.memory_space<hbm>>
    %dma_wait3A_614 = arith.constant 0 : i32
    %dma_wait3A_615 = arith.constant 0 : i32
    %dma_wait3A_616 = arith.constant 0 : i32
    %dma_wait3A_617 = tpu.memref_slice %arg8[%dma_wait3A_603, %dma_wait3A_604, %dma_wait3A_614, %dma_wait3A_615, %dma_wait3A_616] : memref<6x2x8x8x128xf32, #tpu.memory_space<vmem>> -> memref<1x1x8x8x128xf32, #tpu.memory_space<vmem>>
    %dma_wait3A_618 = tpu.memref_squeeze %dma_wait3A_617 : memref<1x1x8x8x128xf32, #tpu.memory_space<vmem>> -> memref<8x8x128xf32, #tpu.memory_space<vmem>>
    %dma_wait3A_619 = arith.constant 0 : i32
    %dma_wait3A_620 = arith.constant 0 : i32
    %dma_wait3A_621 = arith.constant 0 : i32
    %dma_wait3A_622 = tpu.memref_slice %arg4[%dma_wait3A_619, %dma_wait3A_620, %dma_wait3A_621] : memref<8x8x1000000xf32, #tpu.memory_space<hbm>> -> memref<8x8x128xf32, #tpu.memory_space<hbm>>
    tpu.wait_dma2 semaphore(%arg11 : memref<!tpu.dma_semaphore, #tpu.memory_space<semaphore_mem>>) src(%dma_wait3A_622 : memref<8x8x128xf32, #tpu.memory_space<hbm>>) dst(%dma_wait3A_618 : memref<8x8x128xf32, #tpu.memory_space<vmem>>)
    %get3A_623 = arith.constant 242 : i32
    %get3A_624 = arith.index_cast %get3A_623 : i32 to index
    %get3A_625 = memref.load %arg7[%get3A_624] : memref<256xi32, #tpu.memory_space<smem>>
    %and3A_626 = arith.constant 127 : i32
    %and3A_627 = arith.andi %get3A_625, %and3A_626 : i32
    %broadcast_in_dim3A_628 = vector.broadcast %and3A_627 : i32 to vector<16xi32>
    %div3A_629 = arith.constant 242 : i32
    %div3A_630 = arith.constant 128 : i32
    %div3A_631 = arith.divsi %div3A_629, %div3A_630 : i32
    %broadcast_in_dim3A_632 = vector.broadcast %div3A_631 : i32 to vector<16xi32>
    %rem3A_633 = arith.constant 242 : i32
    %rem3A_634 = arith.constant 128 : i32
    %rem3A_635 = arith.remsi %rem3A_633, %rem3A_634 : i32
    %broadcast_in_dim3A_636 = vector.broadcast %rem3A_635 : i32 to vector<16xi32>
    %broadcast_in_dim3A_637 = arith.constant 1 : i32
    %broadcast_in_dim3A_638 = vector.broadcast %broadcast_in_dim3A_637 : i32 to vector<16xi32>
    %broadcast_in_dim3A_639 = arith.constant 0 : i32
    %broadcast_in_dim3A_640 = vector.broadcast %broadcast_in_dim3A_639 : i32 to vector<16xi32>
    %gather3A_641 = tpu.vector_load_idx %arg8[%broadcast_in_dim3A_638, %broadcast_in_dim3A_640, %shift_right_arithmetic3A_21, %and3A_44, %broadcast_in_dim3A_628] : memref<6x2x8x8x128xf32, #tpu.memory_space<vmem>>[vector<16xi32>, vector<16xi32>, vector<16xi32>, vector<16xi32>, vector<16xi32>], vector<16xf32>,
    %add3A_642 = arith.constant 0 : i32
    %add3A_643 = vector.broadcast %add3A_642 : i32 to vector<16xi32>
    %add3A_644 = arith.addi %add3A_643, %iota3A : vector<16xi32>
    %gather3A_645 = tpu.vector_load_idx %arg9[%add3A_644, %broadcast_in_dim3A_632, %broadcast_in_dim3A_636] : memref<64x2x128xf32, #tpu.memory_space<vmem>>[vector<16xi32>, vector<16xi32>, vector<16xi32>], vector<16xf32>,
    %add3A_646 = arith.constant 0 : i32
    %add3A_647 = vector.broadcast %add3A_646 : i32 to vector<16xi32>
    %add3A_648 = arith.addi %add3A_647, %iota3A : vector<16xi32>
    %add3A_649 = arith.addf %gather3A_641, %gather3A_645 : vector<16xf32>
    tpu.vector_store_idx %arg9[%add3A_648, %broadcast_in_dim3A_632, %broadcast_in_dim3A_636], %add3A_649 : memref<64x2x128xf32, #tpu.memory_space<vmem>>[vector<16xi32>, vector<16xi32>, vector<16xi32>], vector<16xf32>,
    %gather3A_650 = tpu.vector_load_idx %arg8[%broadcast_in_dim3A_638, %broadcast_in_dim3A_640, %shift_right_arithmetic3A_27, %and3A_50, %broadcast_in_dim3A_628] : memref<6x2x8x8x128xf32, #tpu.memory_space<vmem>>[vector<16xi32>, vector<16xi32>, vector<16xi32>, vector<16xi32>, vector<16xi32>], vector<16xf32>,
    %add3A_651 = arith.constant 16 : i32
    %add3A_652 = vector.broadcast %add3A_651 : i32 to vector<16xi32>
    %add3A_653 = arith.addi %add3A_652, %iota3A : vector<16xi32>
    %gather3A_654 = tpu.vector_load_idx %arg9[%add3A_653, %broadcast_in_dim3A_632, %broadcast_in_dim3A_636] : memref<64x2x128xf32, #tpu.memory_space<vmem>>[vector<16xi32>, vector<16xi32>, vector<16xi32>], vector<16xf32>,
    %add3A_655 = arith.constant 16 : i32
    %add3A_656 = vector.broadcast %add3A_655 : i32 to vector<16xi32>
    %add3A_657 = arith.addi %add3A_656, %iota3A : vector<16xi32>
    %add3A_658 = arith.addf %gather3A_650, %gather3A_654 : vector<16xf32>
    tpu.vector_store_idx %arg9[%add3A_657, %broadcast_in_dim3A_632, %broadcast_in_dim3A_636], %add3A_658 : memref<64x2x128xf32, #tpu.memory_space<vmem>>[vector<16xi32>, vector<16xi32>, vector<16xi32>], vector<16xf32>,
    %gather3A_659 = tpu.vector_load_idx %arg8[%broadcast_in_dim3A_638, %broadcast_in_dim3A_640, %shift_right_arithmetic3A_33, %and3A_56, %broadcast_in_dim3A_628] : memref<6x2x8x8x128xf32, #tpu.memory_space<vmem>>[vector<16xi32>, vector<16xi32>, vector<16xi32>, vector<16xi32>, vector<16xi32>], vector<16xf32>,
    %add3A_660 = arith.constant 32 : i32
    %add3A_661 = vector.broadcast %add3A_660 : i32 to vector<16xi32>
    %add3A_662 = arith.addi %add3A_661, %iota3A : vector<16xi32>
    %gather3A_663 = tpu.vector_load_idx %arg9[%add3A_662, %broadcast_in_dim3A_632, %broadcast_in_dim3A_636] : memref<64x2x128xf32, #tpu.memory_space<vmem>>[vector<16xi32>, vector<16xi32>, vector<16xi32>], vector<16xf32>,
    %add3A_664 = arith.constant 32 : i32
    %add3A_665 = vector.broadcast %add3A_664 : i32 to vector<16xi32>
    %add3A_666 = arith.addi %add3A_665, %iota3A : vector<16xi32>
    %add3A_667 = arith.addf %gather3A_659, %gather3A_663 : vector<16xf32>
    tpu.vector_store_idx %arg9[%add3A_666, %broadcast_in_dim3A_632, %broadcast_in_dim3A_636], %add3A_667 : memref<64x2x128xf32, #tpu.memory_space<vmem>>[vector<16xi32>, vector<16xi32>, vector<16xi32>], vector<16xf32>,
    %gather3A_668 = tpu.vector_load_idx %arg8[%broadcast_in_dim3A_638, %broadcast_in_dim3A_640, %shift_right_arithmetic3A_39, %and3A_62, %broadcast_in_dim3A_628] : memref<6x2x8x8x128xf32, #tpu.memory_space<vmem>>[vector<16xi32>, vector<16xi32>, vector<16xi32>, vector<16xi32>, vector<16xi32>], vector<16xf32>,
    %add3A_669 = arith.constant 48 : i32
    %add3A_670 = vector.broadcast %add3A_669 : i32 to vector<16xi32>
    %add3A_671 = arith.addi %add3A_670, %iota3A : vector<16xi32>
    %gather3A_672 = tpu.vector_load_idx %arg9[%add3A_671, %broadcast_in_dim3A_632, %broadcast_in_dim3A_636] : memref<64x2x128xf32, #tpu.memory_space<vmem>>[vector<16xi32>, vector<16xi32>, vector<16xi32>], vector<16xf32>,
    %add3A_673 = arith.constant 48 : i32
    %add3A_674 = vector.broadcast %add3A_673 : i32 to vector<16xi32>
    %add3A_675 = arith.addi %add3A_674, %iota3A : vector<16xi32>
    %add3A_676 = arith.addf %gather3A_668, %gather3A_672 : vector<16xf32>
    tpu.vector_store_idx %arg9[%add3A_675, %broadcast_in_dim3A_632, %broadcast_in_dim3A_636], %add3A_676 : memref<64x2x128xf32, #tpu.memory_space<vmem>>[vector<16xi32>, vector<16xi32>, vector<16xi32>], vector<16xf32>,
    %get3A_677 = arith.constant 243 : i32
    %get3A_678 = arith.index_cast %get3A_677 : i32 to index
    %get3A_679 = memref.load %arg7[%get3A_678] : memref<256xi32, #tpu.memory_space<smem>>
    %and3A_680 = arith.constant 127 : i32
    %and3A_681 = arith.andi %get3A_679, %and3A_680 : i32
    %broadcast_in_dim3A_682 = vector.broadcast %and3A_681 : i32 to vector<16xi32>
    %div3A_683 = arith.constant 243 : i32
    %div3A_684 = arith.constant 128 : i32
    %div3A_685 = arith.divsi %div3A_683, %div3A_684 : i32
    %broadcast_in_dim3A_686 = vector.broadcast %div3A_685 : i32 to vector<16xi32>
    %rem3A_687 = arith.constant 243 : i32
    %rem3A_688 = arith.constant 128 : i32
    %rem3A_689 = arith.remsi %rem3A_687, %rem3A_688 : i32
    %broadcast_in_dim3A_690 = vector.broadcast %rem3A_689 : i32 to vector<16xi32>
    %broadcast_in_dim3A_691 = arith.constant 1 : i32
    %broadcast_in_dim3A_692 = vector.broadcast %broadcast_in_dim3A_691 : i32 to vector<16xi32>
    %broadcast_in_dim3A_693 = arith.constant 1 : i32
    %broadcast_in_dim3A_694 = vector.broadcast %broadcast_in_dim3A_693 : i32 to vector<16xi32>
    %gather3A_695 = tpu.vector_load_idx %arg8[%broadcast_in_dim3A_692, %broadcast_in_dim3A_694, %shift_right_arithmetic3A_21, %and3A_44, %broadcast_in_dim3A_682] : memref<6x2x8x8x128xf32, #tpu.memory_space<vmem>>[vector<16xi32>, vector<16xi32>, vector<16xi32>, vector<16xi32>, vector<16xi32>], vector<16xf32>,
    %add3A_696 = arith.constant 0 : i32
    %add3A_697 = vector.broadcast %add3A_696 : i32 to vector<16xi32>
    %add3A_698 = arith.addi %add3A_697, %iota3A : vector<16xi32>
    %gather3A_699 = tpu.vector_load_idx %arg9[%add3A_698, %broadcast_in_dim3A_686, %broadcast_in_dim3A_690] : memref<64x2x128xf32, #tpu.memory_space<vmem>>[vector<16xi32>, vector<16xi32>, vector<16xi32>], vector<16xf32>,
    %add3A_700 = arith.constant 0 : i32
    %add3A_701 = vector.broadcast %add3A_700 : i32 to vector<16xi32>
    %add3A_702 = arith.addi %add3A_701, %iota3A : vector<16xi32>
    %add3A_703 = arith.addf %gather3A_695, %gather3A_699 : vector<16xf32>
    tpu.vector_store_idx %arg9[%add3A_702, %broadcast_in_dim3A_686, %broadcast_in_dim3A_690], %add3A_703 : memref<64x2x128xf32, #tpu.memory_space<vmem>>[vector<16xi32>, vector<16xi32>, vector<16xi32>], vector<16xf32>,
    %gather3A_704 = tpu.vector_load_idx %arg8[%broadcast_in_dim3A_692, %broadcast_in_dim3A_694, %shift_right_arithmetic3A_27, %and3A_50, %broadcast_in_dim3A_682] : memref<6x2x8x8x128xf32, #tpu.memory_space<vmem>>[vector<16xi32>, vector<16xi32>, vector<16xi32>, vector<16xi32>, vector<16xi32>], vector<16xf32>,
    %add3A_705 = arith.constant 16 : i32
    %add3A_706 = vector.broadcast %add3A_705 : i32 to vector<16xi32>
    %add3A_707 = arith.addi %add3A_706, %iota3A : vector<16xi32>
    %gather3A_708 = tpu.vector_load_idx %arg9[%add3A_707, %broadcast_in_dim3A_686, %broadcast_in_dim3A_690] : memref<64x2x128xf32, #tpu.memory_space<vmem>>[vector<16xi32>, vector<16xi32>, vector<16xi32>], vector<16xf32>,
    %add3A_709 = arith.constant 16 : i32
    %add3A_710 = vector.broadcast %add3A_709 : i32 to vector<16xi32>
    %add3A_711 = arith.addi %add3A_710, %iota3A : vector<16xi32>
    %add3A_712 = arith.addf %gather3A_704, %gather3A_708 : vector<16xf32>
    tpu.vector_store_idx %arg9[%add3A_711, %broadcast_in_dim3A_686, %broadcast_in_dim3A_690], %add3A_712 : memref<64x2x128xf32, #tpu.memory_space<vmem>>[vector<16xi32>, vector<16xi32>, vector<16xi32>], vector<16xf32>,
    %gather3A_713 = tpu.vector_load_idx %arg8[%broadcast_in_dim3A_692, %broadcast_in_dim3A_694, %shift_right_arithmetic3A_33, %and3A_56, %broadcast_in_dim3A_682] : memref<6x2x8x8x128xf32, #tpu.memory_space<vmem>>[vector<16xi32>, vector<16xi32>, vector<16xi32>, vector<16xi32>, vector<16xi32>], vector<16xf32>,
    %add3A_714 = arith.constant 32 : i32
    %add3A_715 = vector.broadcast %add3A_714 : i32 to vector<16xi32>
    %add3A_716 = arith.addi %add3A_715, %iota3A : vector<16xi32>
    %gather3A_717 = tpu.vector_load_idx %arg9[%add3A_716, %broadcast_in_dim3A_686, %broadcast_in_dim3A_690] : memref<64x2x128xf32, #tpu.memory_space<vmem>>[vector<16xi32>, vector<16xi32>, vector<16xi32>], vector<16xf32>,
    %add3A_718 = arith.constant 32 : i32
    %add3A_719 = vector.broadcast %add3A_718 : i32 to vector<16xi32>
    %add3A_720 = arith.addi %add3A_719, %iota3A : vector<16xi32>
    %add3A_721 = arith.addf %gather3A_713, %gather3A_717 : vector<16xf32>
    tpu.vector_store_idx %arg9[%add3A_720, %broadcast_in_dim3A_686, %broadcast_in_dim3A_690], %add3A_721 : memref<64x2x128xf32, #tpu.memory_space<vmem>>[vector<16xi32>, vector<16xi32>, vector<16xi32>], vector<16xf32>,
    %gather3A_722 = tpu.vector_load_idx %arg8[%broadcast_in_dim3A_692, %broadcast_in_dim3A_694, %shift_right_arithmetic3A_39, %and3A_62, %broadcast_in_dim3A_682] : memref<6x2x8x8x128xf32, #tpu.memory_space<vmem>>[vector<16xi32>, vector<16xi32>, vector<16xi32>, vector<16xi32>, vector<16xi32>], vector<16xf32>,
    %add3A_723 = arith.constant 48 : i32
    %add3A_724 = vector.broadcast %add3A_723 : i32 to vector<16xi32>
    %add3A_725 = arith.addi %add3A_724, %iota3A : vector<16xi32>
    %gather3A_726 = tpu.vector_load_idx %arg9[%add3A_725, %broadcast_in_dim3A_686, %broadcast_in_dim3A_690] : memref<64x2x128xf32, #tpu.memory_space<vmem>>[vector<16xi32>, vector<16xi32>, vector<16xi32>], vector<16xf32>,
    %add3A_727 = arith.constant 48 : i32
    %add3A_728 = vector.broadcast %add3A_727 : i32 to vector<16xi32>
    %add3A_729 = arith.addi %add3A_728, %iota3A : vector<16xi32>
    %add3A_730 = arith.addf %gather3A_722, %gather3A_726 : vector<16xf32>
    tpu.vector_store_idx %arg9[%add3A_729, %broadcast_in_dim3A_686, %broadcast_in_dim3A_690], %add3A_730 : memref<64x2x128xf32, #tpu.memory_space<vmem>>[vector<16xi32>, vector<16xi32>, vector<16xi32>], vector<16xf32>,
    %get3A_731 = arith.constant 254 : i32
    %get3A_732 = arith.index_cast %get3A_731 : i32 to index
    %get3A_733 = memref.load %arg7[%get3A_732] : memref<256xi32, #tpu.memory_space<smem>>
    %shift_right_arithmetic3A_734 = arith.constant 7 : i32
    %shift_right_arithmetic3A_735 = arith.shrsi %get3A_733, %shift_right_arithmetic3A_734 : i32
    %mul3A_736 = arith.constant 128 : i32
    %mul3A_737 = arith.muli %shift_right_arithmetic3A_735, %mul3A_736 : i32
    %multiple_of3A_738 = tpu.assume_multiple %mul3A_737, 128 : i32
    %dma_start3A_739 = arith.constant 1 : i32
    %dma_start3A_740 = arith.constant 0 : i32
    %dma_start3A_741 = arith.constant 0 : i32
    %dma_start3A_742 = arith.constant 0 : i32
    %dma_start3A_743 = arith.constant 0 : i32
    %dma_start3A_744 = tpu.memref_slice %arg8[%dma_start3A_739, %dma_start3A_740, %dma_start3A_741, %dma_start3A_742, %dma_start3A_743] : memref<6x2x8x8x128xf32, #tpu.memory_space<vmem>> -> memref<1x1x8x8x128xf32, #tpu.memory_space<vmem>>
    %dma_start3A_745 = tpu.memref_squeeze %dma_start3A_744 : memref<1x1x8x8x128xf32, #tpu.memory_space<vmem>> -> memref<8x8x128xf32, #tpu.memory_space<vmem>>
    %dma_start3A_746 = arith.constant 0 : i32
    %dma_start3A_747 = arith.constant 0 : i32
    %dma_start3A_748 = tpu.memref_slice %arg4[%dma_start3A_746, %dma_start3A_747, %multiple_of3A_738] : memref<8x8x1000000xf32, #tpu.memory_space<hbm>> -> memref<8x8x128xf32, #tpu.memory_space<hbm>>
    %dma_start3A_749 = arith.constant 0 : i32
    %dma_start3A_750 = arith.constant 0 : i32
    %dma_start3A_751 = arith.constant 0 : i32
    %dma_start3A_752 = tpu.memref_slice %arg8[%dma_start3A_739, %dma_start3A_740, %dma_start3A_749, %dma_start3A_750, %dma_start3A_751] : memref<6x2x8x8x128xf32, #tpu.memory_space<vmem>> -> memref<1x1x8x8x128xf32, #tpu.memory_space<vmem>>
    %dma_start3A_753 = tpu.memref_squeeze %dma_start3A_752 : memref<1x1x8x8x128xf32, #tpu.memory_space<vmem>> -> memref<8x8x128xf32, #tpu.memory_space<vmem>>
    %dma_start3A_754 = arith.constant 0 : i32
    %dma_start3A_755 = arith.constant 0 : i32
    %dma_start3A_756 = tpu.memref_slice %arg4[%dma_start3A_754, %dma_start3A_755, %multiple_of3A_738] : memref<8x8x1000000xf32, #tpu.memory_space<hbm>> -> memref<8x8x128xf32, #tpu.memory_space<hbm>>
    tpu.enqueue_dma source(%dma_start3A_756 : memref<8x8x128xf32, #tpu.memory_space<hbm>>) target(%dma_start3A_753 : memref<8x8x128xf32, #tpu.memory_space<vmem>>) target_semaphore(%arg11 : memref<!tpu.dma_semaphore, #tpu.memory_space<semaphore_mem>>)
    %get3A_757 = arith.constant 255 : i32
    %get3A_758 = arith.index_cast %get3A_757 : i32 to index
    %get3A_759 = memref.load %arg7[%get3A_758] : memref<256xi32, #tpu.memory_space<smem>>
    %shift_right_arithmetic3A_760 = arith.constant 7 : i32
    %shift_right_arithmetic3A_761 = arith.shrsi %get3A_759, %shift_right_arithmetic3A_760 : i32
    %mul3A_762 = arith.constant 128 : i32
    %mul3A_763 = arith.muli %shift_right_arithmetic3A_761, %mul3A_762 : i32
    %multiple_of3A_764 = tpu.assume_multiple %mul3A_763, 128 : i32
    %dma_start3A_765 = arith.constant 1 : i32
    %dma_start3A_766 = arith.constant 1 : i32
    %dma_start3A_767 = arith.constant 0 : i32
    %dma_start3A_768 = arith.constant 0 : i32
    %dma_start3A_769 = arith.constant 0 : i32
    %dma_start3A_770 = tpu.memref_slice %arg8[%dma_start3A_765, %dma_start3A_766, %dma_start3A_767, %dma_start3A_768, %dma_start3A_769] : memref<6x2x8x8x128xf32, #tpu.memory_space<vmem>> -> memref<1x1x8x8x128xf32, #tpu.memory_space<vmem>>
    %dma_start3A_771 = tpu.memref_squeeze %dma_start3A_770 : memref<1x1x8x8x128xf32, #tpu.memory_space<vmem>> -> memref<8x8x128xf32, #tpu.memory_space<vmem>>
    %dma_start3A_772 = arith.constant 0 : i32
    %dma_start3A_773 = arith.constant 0 : i32
    %dma_start3A_774 = tpu.memref_slice %arg4[%dma_start3A_772, %dma_start3A_773, %multiple_of3A_764] : memref<8x8x1000000xf32, #tpu.memory_space<hbm>> -> memref<8x8x128xf32, #tpu.memory_space<hbm>>
    %dma_start3A_775 = arith.constant 0 : i32
    %dma_start3A_776 = arith.constant 0 : i32
    %dma_start3A_777 = arith.constant 0 : i32
    %dma_start3A_778 = tpu.memref_slice %arg8[%dma_start3A_765, %dma_start3A_766, %dma_start3A_775, %dma_start3A_776, %dma_start3A_777] : memref<6x2x8x8x128xf32, #tpu.memory_space<vmem>> -> memref<1x1x8x8x128xf32, #tpu.memory_space<vmem>>
    %dma_start3A_779 = tpu.memref_squeeze %dma_start3A_778 : memref<1x1x8x8x128xf32, #tpu.memory_space<vmem>> -> memref<8x8x128xf32, #tpu.memory_space<vmem>>
    %dma_start3A_780 = arith.constant 0 : i32
    %dma_start3A_781 = arith.constant 0 : i32
    %dma_start3A_782 = tpu.memref_slice %arg4[%dma_start3A_780, %dma_start3A_781, %multiple_of3A_764] : memref<8x8x1000000xf32, #tpu.memory_space<hbm>> -> memref<8x8x128xf32, #tpu.memory_space<hbm>>
    tpu.enqueue_dma source(%dma_start3A_782 : memref<8x8x128xf32, #tpu.memory_space<hbm>>) target(%dma_start3A_779 : memref<8x8x128xf32, #tpu.memory_space<vmem>>) target_semaphore(%arg11 : memref<!tpu.dma_semaphore, #tpu.memory_space<semaphore_mem>>)
    %dma_wait3A_783 = arith.constant 2 : i32
    %dma_wait3A_784 = arith.constant 0 : i32
    %dma_wait3A_785 = arith.constant 0 : i32
    %dma_wait3A_786 = arith.constant 0 : i32
    %dma_wait3A_787 = arith.constant 0 : i32
    %dma_wait3A_788 = tpu.memref_slice %arg8[%dma_wait3A_783, %dma_wait3A_784, %dma_wait3A_785, %dma_wait3A_786, %dma_wait3A_787] : memref<6x2x8x8x128xf32, #tpu.memory_space<vmem>> -> memref<1x1x8x8x128xf32, #tpu.memory_space<vmem>>
    %dma_wait3A_789 = tpu.memref_squeeze %dma_wait3A_788 : memref<1x1x8x8x128xf32, #tpu.memory_space<vmem>> -> memref<8x8x128xf32, #tpu.memory_space<vmem>>
    %dma_wait3A_790 = arith.constant 0 : i32
    %dma_wait3A_791 = arith.constant 0 : i32
    %dma_wait3A_792 = arith.constant 0 : i32
    %dma_wait3A_793 = tpu.memref_slice %arg4[%dma_wait3A_790, %dma_wait3A_791, %dma_wait3A_792] : memref<8x8x1000000xf32, #tpu.memory_space<hbm>> -> memref<8x8x128xf32, #tpu.memory_space<hbm>>
    %dma_wait3A_794 = arith.constant 0 : i32
    %dma_wait3A_795 = arith.constant 0 : i32
    %dma_wait3A_796 = arith.constant 0 : i32
    %dma_wait3A_797 = tpu.memref_slice %arg8[%dma_wait3A_783, %dma_wait3A_784, %dma_wait3A_794, %dma_wait3A_795, %dma_wait3A_796] : memref<6x2x8x8x128xf32, #tpu.memory_space<vmem>> -> memref<1x1x8x8x128xf32, #tpu.memory_space<vmem>>
    %dma_wait3A_798 = tpu.memref_squeeze %dma_wait3A_797 : memref<1x1x8x8x128xf32, #tpu.memory_space<vmem>> -> memref<8x8x128xf32, #tpu.memory_space<vmem>>
    %dma_wait3A_799 = arith.constant 0 : i32
    %dma_wait3A_800 = arith.constant 0 : i32
    %dma_wait3A_801 = arith.constant 0 : i32
    %dma_wait3A_802 = tpu.memref_slice %arg4[%dma_wait3A_799, %dma_wait3A_800, %dma_wait3A_801] : memref<8x8x1000000xf32, #tpu.memory_space<hbm>> -> memref<8x8x128xf32, #tpu.memory_space<hbm>>
    tpu.wait_dma2 semaphore(%arg12 : memref<!tpu.dma_semaphore, #tpu.memory_space<semaphore_mem>>) src(%dma_wait3A_802 : memref<8x8x128xf32, #tpu.memory_space<hbm>>) dst(%dma_wait3A_798 : memref<8x8x128xf32, #tpu.memory_space<vmem>>)
    %dma_wait3A_803 = arith.constant 2 : i32
    %dma_wait3A_804 = arith.constant 1 : i32
    %dma_wait3A_805 = arith.constant 0 : i32
    %dma_wait3A_806 = arith.constant 0 : i32
    %dma_wait3A_807 = arith.constant 0 : i32
    %dma_wait3A_808 = tpu.memref_slice %arg8[%dma_wait3A_803, %dma_wait3A_804, %dma_wait3A_805, %dma_wait3A_806, %dma_wait3A_807] : memref<6x2x8x8x128xf32, #tpu.memory_space<vmem>> -> memref<1x1x8x8x128xf32, #tpu.memory_space<vmem>>
    %dma_wait3A_809 = tpu.memref_squeeze %dma_wait3A_808 : memref<1x1x8x8x128xf32, #tpu.memory_space<vmem>> -> memref<8x8x128xf32, #tpu.memory_space<vmem>>
    %dma_wait3A_810 = arith.constant 0 : i32
    %dma_wait3A_811 = arith.constant 0 : i32
    %dma_wait3A_812 = arith.constant 0 : i32
    %dma_wait3A_813 = tpu.memref_slice %arg4[%dma_wait3A_810, %dma_wait3A_811, %dma_wait3A_812] : memref<8x8x1000000xf32, #tpu.memory_space<hbm>> -> memref<8x8x128xf32, #tpu.memory_space<hbm>>
    %dma_wait3A_814 = arith.constant 0 : i32
    %dma_wait3A_815 = arith.constant 0 : i32
    %dma_wait3A_816 = arith.constant 0 : i32
    %dma_wait3A_817 = tpu.memref_slice %arg8[%dma_wait3A_803, %dma_wait3A_804, %dma_wait3A_814, %dma_wait3A_815, %dma_wait3A_816] : memref<6x2x8x8x128xf32, #tpu.memory_space<vmem>> -> memref<1x1x8x8x128xf32, #tpu.memory_space<vmem>>
    %dma_wait3A_818 = tpu.memref_squeeze %dma_wait3A_817 : memref<1x1x8x8x128xf32, #tpu.memory_space<vmem>> -> memref<8x8x128xf32, #tpu.memory_space<vmem>>
    %dma_wait3A_819 = arith.constant 0 : i32
    %dma_wait3A_820 = arith.constant 0 : i32
    %dma_wait3A_821 = arith.constant 0 : i32
    %dma_wait3A_822 = tpu.memref_slice %arg4[%dma_wait3A_819, %dma_wait3A_820, %dma_wait3A_821] : memref<8x8x1000000xf32, #tpu.memory_space<hbm>> -> memref<8x8x128xf32, #tpu.memory_space<hbm>>
    tpu.wait_dma2 semaphore(%arg12 : memref<!tpu.dma_semaphore, #tpu.memory_space<semaphore_mem>>) src(%dma_wait3A_822 : memref<8x8x128xf32, #tpu.memory_space<hbm>>) dst(%dma_wait3A_818 : memref<8x8x128xf32, #tpu.memory_space<vmem>>)
    %get3A_823 = arith.constant 244 : i32
    %get3A_824 = arith.index_cast %get3A_823 : i32 to index
    %get3A_825 = memref.load %arg7[%get3A_824] : memref<256xi32, #tpu.memory_space<smem>>
    %and3A_826 = arith.constant 127 : i32
    %and3A_827 = arith.andi %get3A_825, %and3A_826 : i32
    %broadcast_in_dim3A_828 = vector.broadcast %and3A_827 : i32 to vector<16xi32>
    %div3A_829 = arith.constant 244 : i32
    %div3A_830 = arith.constant 128 : i32
    %div3A_831 = arith.divsi %div3A_829, %div3A_830 : i32
    %broadcast_in_dim3A_832 = vector.broadcast %div3A_831 : i32 to vector<16xi32>
    %rem3A_833 = arith.constant 244 : i32
    %rem3A_834 = arith.constant 128 : i32
    %rem3A_835 = arith.remsi %rem3A_833, %rem3A_834 : i32
    %broadcast_in_dim3A_836 = vector.broadcast %rem3A_835 : i32 to vector<16xi32>
    %broadcast_in_dim3A_837 = arith.constant 2 : i32
    %broadcast_in_dim3A_838 = vector.broadcast %broadcast_in_dim3A_837 : i32 to vector<16xi32>
    %broadcast_in_dim3A_839 = arith.constant 0 : i32
    %broadcast_in_dim3A_840 = vector.broadcast %broadcast_in_dim3A_839 : i32 to vector<16xi32>
    %gather3A_841 = tpu.vector_load_idx %arg8[%broadcast_in_dim3A_838, %broadcast_in_dim3A_840, %shift_right_arithmetic3A_21, %and3A_44, %broadcast_in_dim3A_828] : memref<6x2x8x8x128xf32, #tpu.memory_space<vmem>>[vector<16xi32>, vector<16xi32>, vector<16xi32>, vector<16xi32>, vector<16xi32>], vector<16xf32>,
    %add3A_842 = arith.constant 0 : i32
    %add3A_843 = vector.broadcast %add3A_842 : i32 to vector<16xi32>
    %add3A_844 = arith.addi %add3A_843, %iota3A : vector<16xi32>
    %gather3A_845 = tpu.vector_load_idx %arg9[%add3A_844, %broadcast_in_dim3A_832, %broadcast_in_dim3A_836] : memref<64x2x128xf32, #tpu.memory_space<vmem>>[vector<16xi32>, vector<16xi32>, vector<16xi32>], vector<16xf32>,
    %add3A_846 = arith.constant 0 : i32
    %add3A_847 = vector.broadcast %add3A_846 : i32 to vector<16xi32>
    %add3A_848 = arith.addi %add3A_847, %iota3A : vector<16xi32>
    %add3A_849 = arith.addf %gather3A_841, %gather3A_845 : vector<16xf32>
    tpu.vector_store_idx %arg9[%add3A_848, %broadcast_in_dim3A_832, %broadcast_in_dim3A_836], %add3A_849 : memref<64x2x128xf32, #tpu.memory_space<vmem>>[vector<16xi32>, vector<16xi32>, vector<16xi32>], vector<16xf32>,
    %gather3A_850 = tpu.vector_load_idx %arg8[%broadcast_in_dim3A_838, %broadcast_in_dim3A_840, %shift_right_arithmetic3A_27, %and3A_50, %broadcast_in_dim3A_828] : memref<6x2x8x8x128xf32, #tpu.memory_space<vmem>>[vector<16xi32>, vector<16xi32>, vector<16xi32>, vector<16xi32>, vector<16xi32>], vector<16xf32>,
    %add3A_851 = arith.constant 16 : i32
    %add3A_852 = vector.broadcast %add3A_851 : i32 to vector<16xi32>
    %add3A_853 = arith.addi %add3A_852, %iota3A : vector<16xi32>
    %gather3A_854 = tpu.vector_load_idx %arg9[%add3A_853, %broadcast_in_dim3A_832, %broadcast_in_dim3A_836] : memref<64x2x128xf32, #tpu.memory_space<vmem>>[vector<16xi32>, vector<16xi32>, vector<16xi32>], vector<16xf32>,
    %add3A_855 = arith.constant 16 : i32
    %add3A_856 = vector.broadcast %add3A_855 : i32 to vector<16xi32>
    %add3A_857 = arith.addi %add3A_856, %iota3A : vector<16xi32>
    %add3A_858 = arith.addf %gather3A_850, %gather3A_854 : vector<16xf32>
    tpu.vector_store_idx %arg9[%add3A_857, %broadcast_in_dim3A_832, %broadcast_in_dim3A_836], %add3A_858 : memref<64x2x128xf32, #tpu.memory_space<vmem>>[vector<16xi32>, vector<16xi32>, vector<16xi32>], vector<16xf32>,
    %gather3A_859 = tpu.vector_load_idx %arg8[%broadcast_in_dim3A_838, %broadcast_in_dim3A_840, %shift_right_arithmetic3A_33, %and3A_56, %broadcast_in_dim3A_828] : memref<6x2x8x8x128xf32, #tpu.memory_space<vmem>>[vector<16xi32>, vector<16xi32>, vector<16xi32>, vector<16xi32>, vector<16xi32>], vector<16xf32>,
    %add3A_860 = arith.constant 32 : i32
    %add3A_861 = vector.broadcast %add3A_860 : i32 to vector<16xi32>
    %add3A_862 = arith.addi %add3A_861, %iota3A : vector<16xi32>
    %gather3A_863 = tpu.vector_load_idx %arg9[%add3A_862, %broadcast_in_dim3A_832, %broadcast_in_dim3A_836] : memref<64x2x128xf32, #tpu.memory_space<vmem>>[vector<16xi32>, vector<16xi32>, vector<16xi32>], vector<16xf32>,
    %add3A_864 = arith.constant 32 : i32
    %add3A_865 = vector.broadcast %add3A_864 : i32 to vector<16xi32>
    %add3A_866 = arith.addi %add3A_865, %iota3A : vector<16xi32>
    %add3A_867 = arith.addf %gather3A_859, %gather3A_863 : vector<16xf32>
    tpu.vector_store_idx %arg9[%add3A_866, %broadcast_in_dim3A_832, %broadcast_in_dim3A_836], %add3A_867 : memref<64x2x128xf32, #tpu.memory_space<vmem>>[vector<16xi32>, vector<16xi32>, vector<16xi32>], vector<16xf32>,
    %gather3A_868 = tpu.vector_load_idx %arg8[%broadcast_in_dim3A_838, %broadcast_in_dim3A_840, %shift_right_arithmetic3A_39, %and3A_62, %broadcast_in_dim3A_828] : memref<6x2x8x8x128xf32, #tpu.memory_space<vmem>>[vector<16xi32>, vector<16xi32>, vector<16xi32>, vector<16xi32>, vector<16xi32>], vector<16xf32>,
    %add3A_869 = arith.constant 48 : i32
    %add3A_870 = vector.broadcast %add3A_869 : i32 to vector<16xi32>
    %add3A_871 = arith.addi %add3A_870, %iota3A : vector<16xi32>
    %gather3A_872 = tpu.vector_load_idx %arg9[%add3A_871, %broadcast_in_dim3A_832, %broadcast_in_dim3A_836] : memref<64x2x128xf32, #tpu.memory_space<vmem>>[vector<16xi32>, vector<16xi32>, vector<16xi32>], vector<16xf32>,
    %add3A_873 = arith.constant 48 : i32
    %add3A_874 = vector.broadcast %add3A_873 : i32 to vector<16xi32>
    %add3A_875 = arith.addi %add3A_874, %iota3A : vector<16xi32>
    %add3A_876 = arith.addf %gather3A_868, %gather3A_872 : vector<16xf32>
    tpu.vector_store_idx %arg9[%add3A_875, %broadcast_in_dim3A_832, %broadcast_in_dim3A_836], %add3A_876 : memref<64x2x128xf32, #tpu.memory_space<vmem>>[vector<16xi32>, vector<16xi32>, vector<16xi32>], vector<16xf32>,
    %get3A_877 = arith.constant 245 : i32
    %get3A_878 = arith.index_cast %get3A_877 : i32 to index
    %get3A_879 = memref.load %arg7[%get3A_878] : memref<256xi32, #tpu.memory_space<smem>>
    %and3A_880 = arith.constant 127 : i32
    %and3A_881 = arith.andi %get3A_879, %and3A_880 : i32
    %broadcast_in_dim3A_882 = vector.broadcast %and3A_881 : i32 to vector<16xi32>
    %div3A_883 = arith.constant 245 : i32
    %div3A_884 = arith.constant 128 : i32
    %div3A_885 = arith.divsi %div3A_883, %div3A_884 : i32
    %broadcast_in_dim3A_886 = vector.broadcast %div3A_885 : i32 to vector<16xi32>
    %rem3A_887 = arith.constant 245 : i32
    %rem3A_888 = arith.constant 128 : i32
    %rem3A_889 = arith.remsi %rem3A_887, %rem3A_888 : i32
    %broadcast_in_dim3A_890 = vector.broadcast %rem3A_889 : i32 to vector<16xi32>
    %broadcast_in_dim3A_891 = arith.constant 2 : i32
    %broadcast_in_dim3A_892 = vector.broadcast %broadcast_in_dim3A_891 : i32 to vector<16xi32>
    %broadcast_in_dim3A_893 = arith.constant 1 : i32
    %broadcast_in_dim3A_894 = vector.broadcast %broadcast_in_dim3A_893 : i32 to vector<16xi32>
    %gather3A_895 = tpu.vector_load_idx %arg8[%broadcast_in_dim3A_892, %broadcast_in_dim3A_894, %shift_right_arithmetic3A_21, %and3A_44, %broadcast_in_dim3A_882] : memref<6x2x8x8x128xf32, #tpu.memory_space<vmem>>[vector<16xi32>, vector<16xi32>, vector<16xi32>, vector<16xi32>, vector<16xi32>], vector<16xf32>,
    %add3A_896 = arith.constant 0 : i32
    %add3A_897 = vector.broadcast %add3A_896 : i32 to vector<16xi32>
    %add3A_898 = arith.addi %add3A_897, %iota3A : vector<16xi32>
    %gather3A_899 = tpu.vector_load_idx %arg9[%add3A_898, %broadcast_in_dim3A_886, %broadcast_in_dim3A_890] : memref<64x2x128xf32, #tpu.memory_space<vmem>>[vector<16xi32>, vector<16xi32>, vector<16xi32>], vector<16xf32>,
    %add3A_900 = arith.constant 0 : i32
    %add3A_901 = vector.broadcast %add3A_900 : i32 to vector<16xi32>
    %add3A_902 = arith.addi %add3A_901, %iota3A : vector<16xi32>
    %add3A_903 = arith.addf %gather3A_895, %gather3A_899 : vector<16xf32>
    tpu.vector_store_idx %arg9[%add3A_902, %broadcast_in_dim3A_886, %broadcast_in_dim3A_890], %add3A_903 : memref<64x2x128xf32, #tpu.memory_space<vmem>>[vector<16xi32>, vector<16xi32>, vector<16xi32>], vector<16xf32>,
    %gather3A_904 = tpu.vector_load_idx %arg8[%broadcast_in_dim3A_892, %broadcast_in_dim3A_894, %shift_right_arithmetic3A_27, %and3A_50, %broadcast_in_dim3A_882] : memref<6x2x8x8x128xf32, #tpu.memory_space<vmem>>[vector<16xi32>, vector<16xi32>, vector<16xi32>, vector<16xi32>, vector<16xi32>], vector<16xf32>,
    %add3A_905 = arith.constant 16 : i32
    %add3A_906 = vector.broadcast %add3A_905 : i32 to vector<16xi32>
    %add3A_907 = arith.addi %add3A_906, %iota3A : vector<16xi32>
    %gather3A_908 = tpu.vector_load_idx %arg9[%add3A_907, %broadcast_in_dim3A_886, %broadcast_in_dim3A_890] : memref<64x2x128xf32, #tpu.memory_space<vmem>>[vector<16xi32>, vector<16xi32>, vector<16xi32>], vector<16xf32>,
    %add3A_909 = arith.constant 16 : i32
    %add3A_910 = vector.broadcast %add3A_909 : i32 to vector<16xi32>
    %add3A_911 = arith.addi %add3A_910, %iota3A : vector<16xi32>
    %add3A_912 = arith.addf %gather3A_904, %gather3A_908 : vector<16xf32>
    tpu.vector_store_idx %arg9[%add3A_911, %broadcast_in_dim3A_886, %broadcast_in_dim3A_890], %add3A_912 : memref<64x2x128xf32, #tpu.memory_space<vmem>>[vector<16xi32>, vector<16xi32>, vector<16xi32>], vector<16xf32>,
    %gather3A_913 = tpu.vector_load_idx %arg8[%broadcast_in_dim3A_892, %broadcast_in_dim3A_894, %shift_right_arithmetic3A_33, %and3A_56, %broadcast_in_dim3A_882] : memref<6x2x8x8x128xf32, #tpu.memory_space<vmem>>[vector<16xi32>, vector<16xi32>, vector<16xi32>, vector<16xi32>, vector<16xi32>], vector<16xf32>,
    %add3A_914 = arith.constant 32 : i32
    %add3A_915 = vector.broadcast %add3A_914 : i32 to vector<16xi32>
    %add3A_916 = arith.addi %add3A_915, %iota3A : vector<16xi32>
    %gather3A_917 = tpu.vector_load_idx %arg9[%add3A_916, %broadcast_in_dim3A_886, %broadcast_in_dim3A_890] : memref<64x2x128xf32, #tpu.memory_space<vmem>>[vector<16xi32>, vector<16xi32>, vector<16xi32>], vector<16xf32>,
    %add3A_918 = arith.constant 32 : i32
    %add3A_919 = vector.broadcast %add3A_918 : i32 to vector<16xi32>
    %add3A_920 = arith.addi %add3A_919, %iota3A : vector<16xi32>
    %add3A_921 = arith.addf %gather3A_913, %gather3A_917 : vector<16xf32>
    tpu.vector_store_idx %arg9[%add3A_920, %broadcast_in_dim3A_886, %broadcast_in_dim3A_890], %add3A_921 : memref<64x2x128xf32, #tpu.memory_space<vmem>>[vector<16xi32>, vector<16xi32>, vector<16xi32>], vector<16xf32>,
    %gather3A_922 = tpu.vector_load_idx %arg8[%broadcast_in_dim3A_892, %broadcast_in_dim3A_894, %shift_right_arithmetic3A_39, %and3A_62, %broadcast_in_dim3A_882] : memref<6x2x8x8x128xf32, #tpu.memory_space<vmem>>[vector<16xi32>, vector<16xi32>, vector<16xi32>, vector<16xi32>, vector<16xi32>], vector<16xf32>,
    %add3A_923 = arith.constant 48 : i32
    %add3A_924 = vector.broadcast %add3A_923 : i32 to vector<16xi32>
    %add3A_925 = arith.addi %add3A_924, %iota3A : vector<16xi32>
    %gather3A_926 = tpu.vector_load_idx %arg9[%add3A_925, %broadcast_in_dim3A_886, %broadcast_in_dim3A_890] : memref<64x2x128xf32, #tpu.memory_space<vmem>>[vector<16xi32>, vector<16xi32>, vector<16xi32>], vector<16xf32>,
    %add3A_927 = arith.constant 48 : i32
    %add3A_928 = vector.broadcast %add3A_927 : i32 to vector<16xi32>
    %add3A_929 = arith.addi %add3A_928, %iota3A : vector<16xi32>
    %add3A_930 = arith.addf %gather3A_922, %gather3A_926 : vector<16xf32>
    tpu.vector_store_idx %arg9[%add3A_929, %broadcast_in_dim3A_886, %broadcast_in_dim3A_890], %add3A_930 : memref<64x2x128xf32, #tpu.memory_space<vmem>>[vector<16xi32>, vector<16xi32>, vector<16xi32>], vector<16xf32>,
    %dma_wait3A_931 = arith.constant 3 : i32
    %dma_wait3A_932 = arith.constant 0 : i32
    %dma_wait3A_933 = arith.constant 0 : i32
    %dma_wait3A_934 = arith.constant 0 : i32
    %dma_wait3A_935 = arith.constant 0 : i32
    %dma_wait3A_936 = tpu.memref_slice %arg8[%dma_wait3A_931, %dma_wait3A_932, %dma_wait3A_933, %dma_wait3A_934, %dma_wait3A_935] : memref<6x2x8x8x128xf32, #tpu.memory_space<vmem>> -> memref<1x1x8x8x128xf32, #tpu.memory_space<vmem>>
    %dma_wait3A_937 = tpu.memref_squeeze %dma_wait3A_936 : memref<1x1x8x8x128xf32, #tpu.memory_space<vmem>> -> memref<8x8x128xf32, #tpu.memory_space<vmem>>
    %dma_wait3A_938 = arith.constant 0 : i32
    %dma_wait3A_939 = arith.constant 0 : i32
    %dma_wait3A_940 = arith.constant 0 : i32
    %dma_wait3A_941 = tpu.memref_slice %arg4[%dma_wait3A_938, %dma_wait3A_939, %dma_wait3A_940] : memref<8x8x1000000xf32, #tpu.memory_space<hbm>> -> memref<8x8x128xf32, #tpu.memory_space<hbm>>
    %dma_wait3A_942 = arith.constant 0 : i32
    %dma_wait3A_943 = arith.constant 0 : i32
    %dma_wait3A_944 = arith.constant 0 : i32
    %dma_wait3A_945 = tpu.memref_slice %arg8[%dma_wait3A_931, %dma_wait3A_932, %dma_wait3A_942, %dma_wait3A_943, %dma_wait3A_944] : memref<6x2x8x8x128xf32, #tpu.memory_space<vmem>> -> memref<1x1x8x8x128xf32, #tpu.memory_space<vmem>>
    %dma_wait3A_946 = tpu.memref_squeeze %dma_wait3A_945 : memref<1x1x8x8x128xf32, #tpu.memory_space<vmem>> -> memref<8x8x128xf32, #tpu.memory_space<vmem>>
    %dma_wait3A_947 = arith.constant 0 : i32
    %dma_wait3A_948 = arith.constant 0 : i32
    %dma_wait3A_949 = arith.constant 0 : i32
    %dma_wait3A_950 = tpu.memref_slice %arg4[%dma_wait3A_947, %dma_wait3A_948, %dma_wait3A_949] : memref<8x8x1000000xf32, #tpu.memory_space<hbm>> -> memref<8x8x128xf32, #tpu.memory_space<hbm>>
    tpu.wait_dma2 semaphore(%arg13 : memref<!tpu.dma_semaphore, #tpu.memory_space<semaphore_mem>>) src(%dma_wait3A_950 : memref<8x8x128xf32, #tpu.memory_space<hbm>>) dst(%dma_wait3A_946 : memref<8x8x128xf32, #tpu.memory_space<vmem>>)
    %dma_wait3A_951 = arith.constant 3 : i32
    %dma_wait3A_952 = arith.constant 1 : i32
    %dma_wait3A_953 = arith.constant 0 : i32
    %dma_wait3A_954 = arith.constant 0 : i32
    %dma_wait3A_955 = arith.constant 0 : i32
    %dma_wait3A_956 = tpu.memref_slice %arg8[%dma_wait3A_951, %dma_wait3A_952, %dma_wait3A_953, %dma_wait3A_954, %dma_wait3A_955] : memref<6x2x8x8x128xf32, #tpu.memory_space<vmem>> -> memref<1x1x8x8x128xf32, #tpu.memory_space<vmem>>
    %dma_wait3A_957 = tpu.memref_squeeze %dma_wait3A_956 : memref<1x1x8x8x128xf32, #tpu.memory_space<vmem>> -> memref<8x8x128xf32, #tpu.memory_space<vmem>>
    %dma_wait3A_958 = arith.constant 0 : i32
    %dma_wait3A_959 = arith.constant 0 : i32
    %dma_wait3A_960 = arith.constant 0 : i32
    %dma_wait3A_961 = tpu.memref_slice %arg4[%dma_wait3A_958, %dma_wait3A_959, %dma_wait3A_960] : memref<8x8x1000000xf32, #tpu.memory_space<hbm>> -> memref<8x8x128xf32, #tpu.memory_space<hbm>>
    %dma_wait3A_962 = arith.constant 0 : i32
    %dma_wait3A_963 = arith.constant 0 : i32
    %dma_wait3A_964 = arith.constant 0 : i32
    %dma_wait3A_965 = tpu.memref_slice %arg8[%dma_wait3A_951, %dma_wait3A_952, %dma_wait3A_962, %dma_wait3A_963, %dma_wait3A_964] : memref<6x2x8x8x128xf32, #tpu.memory_space<vmem>> -> memref<1x1x8x8x128xf32, #tpu.memory_space<vmem>>
    %dma_wait3A_966 = tpu.memref_squeeze %dma_wait3A_965 : memref<1x1x8x8x128xf32, #tpu.memory_space<vmem>> -> memref<8x8x128xf32, #tpu.memory_space<vmem>>
    %dma_wait3A_967 = arith.constant 0 : i32
    %dma_wait3A_968 = arith.constant 0 : i32
    %dma_wait3A_969 = arith.constant 0 : i32
    %dma_wait3A_970 = tpu.memref_slice %arg4[%dma_wait3A_967, %dma_wait3A_968, %dma_wait3A_969] : memref<8x8x1000000xf32, #tpu.memory_space<hbm>> -> memref<8x8x128xf32, #tpu.memory_space<hbm>>
    tpu.wait_dma2 semaphore(%arg13 : memref<!tpu.dma_semaphore, #tpu.memory_space<semaphore_mem>>) src(%dma_wait3A_970 : memref<8x8x128xf32, #tpu.memory_space<hbm>>) dst(%dma_wait3A_966 : memref<8x8x128xf32, #tpu.memory_space<vmem>>)
    %get3A_971 = arith.constant 246 : i32
    %get3A_972 = arith.index_cast %get3A_971 : i32 to index
    %get3A_973 = memref.load %arg7[%get3A_972] : memref<256xi32, #tpu.memory_space<smem>>
    %and3A_974 = arith.constant 127 : i32
    %and3A_975 = arith.andi %get3A_973, %and3A_974 : i32
    %broadcast_in_dim3A_976 = vector.broadcast %and3A_975 : i32 to vector<16xi32>
    %div3A_977 = arith.constant 246 : i32
    %div3A_978 = arith.constant 128 : i32
    %div3A_979 = arith.divsi %div3A_977, %div3A_978 : i32
    %broadcast_in_dim3A_980 = vector.broadcast %div3A_979 : i32 to vector<16xi32>
    %rem3A_981 = arith.constant 246 : i32
    %rem3A_982 = arith.constant 128 : i32
    %rem3A_983 = arith.remsi %rem3A_981, %rem3A_982 : i32
    %broadcast_in_dim3A_984 = vector.broadcast %rem3A_983 : i32 to vector<16xi32>
    %broadcast_in_dim3A_985 = arith.constant 3 : i32
    %broadcast_in_dim3A_986 = vector.broadcast %broadcast_in_dim3A_985 : i32 to vector<16xi32>
    %broadcast_in_dim3A_987 = arith.constant 0 : i32
    %broadcast_in_dim3A_988 = vector.broadcast %broadcast_in_dim3A_987 : i32 to vector<16xi32>
    %gather3A_989 = tpu.vector_load_idx %arg8[%broadcast_in_dim3A_986, %broadcast_in_dim3A_988, %shift_right_arithmetic3A_21, %and3A_44, %broadcast_in_dim3A_976] : memref<6x2x8x8x128xf32, #tpu.memory_space<vmem>>[vector<16xi32>, vector<16xi32>, vector<16xi32>, vector<16xi32>, vector<16xi32>], vector<16xf32>,
    %add3A_990 = arith.constant 0 : i32
    %add3A_991 = vector.broadcast %add3A_990 : i32 to vector<16xi32>
    %add3A_992 = arith.addi %add3A_991, %iota3A : vector<16xi32>
    %gather3A_993 = tpu.vector_load_idx %arg9[%add3A_992, %broadcast_in_dim3A_980, %broadcast_in_dim3A_984] : memref<64x2x128xf32, #tpu.memory_space<vmem>>[vector<16xi32>, vector<16xi32>, vector<16xi32>], vector<16xf32>,
    %add3A_994 = arith.constant 0 : i32
    %add3A_995 = vector.broadcast %add3A_994 : i32 to vector<16xi32>
    %add3A_996 = arith.addi %add3A_995, %iota3A : vector<16xi32>
    %add3A_997 = arith.addf %gather3A_989, %gather3A_993 : vector<16xf32>
    tpu.vector_store_idx %arg9[%add3A_996, %broadcast_in_dim3A_980, %broadcast_in_dim3A_984], %add3A_997 : memref<64x2x128xf32, #tpu.memory_space<vmem>>[vector<16xi32>, vector<16xi32>, vector<16xi32>], vector<16xf32>,
    %gather3A_998 = tpu.vector_load_idx %arg8[%broadcast_in_dim3A_986, %broadcast_in_dim3A_988, %shift_right_arithmetic3A_27, %and3A_50, %broadcast_in_dim3A_976] : memref<6x2x8x8x128xf32, #tpu.memory_space<vmem>>[vector<16xi32>, vector<16xi32>, vector<16xi32>, vector<16xi32>, vector<16xi32>], vector<16xf32>,
    %add3A_999 = arith.constant 16 : i32
    %add3A_1000 = vector.broadcast %add3A_999 : i32 to vector<16xi32>
    %add3A_1001 = arith.addi %add3A_1000, %iota3A : vector<16xi32>
    %gather3A_1002 = tpu.vector_load_idx %arg9[%add3A_1001, %broadcast_in_dim3A_980, %broadcast_in_dim3A_984] : memref<64x2x128xf32, #tpu.memory_space<vmem>>[vector<16xi32>, vector<16xi32>, vector<16xi32>], vector<16xf32>,
    %add3A_1003 = arith.constant 16 : i32
    %add3A_1004 = vector.broadcast %add3A_1003 : i32 to vector<16xi32>
    %add3A_1005 = arith.addi %add3A_1004, %iota3A : vector<16xi32>
    %add3A_1006 = arith.addf %gather3A_998, %gather3A_1002 : vector<16xf32>
    tpu.vector_store_idx %arg9[%add3A_1005, %broadcast_in_dim3A_980, %broadcast_in_dim3A_984], %add3A_1006 : memref<64x2x128xf32, #tpu.memory_space<vmem>>[vector<16xi32>, vector<16xi32>, vector<16xi32>], vector<16xf32>,
    %gather3A_1007 = tpu.vector_load_idx %arg8[%broadcast_in_dim3A_986, %broadcast_in_dim3A_988, %shift_right_arithmetic3A_33, %and3A_56, %broadcast_in_dim3A_976] : memref<6x2x8x8x128xf32, #tpu.memory_space<vmem>>[vector<16xi32>, vector<16xi32>, vector<16xi32>, vector<16xi32>, vector<16xi32>], vector<16xf32>,
    %add3A_1008 = arith.constant 32 : i32
    %add3A_1009 = vector.broadcast %add3A_1008 : i32 to vector<16xi32>
    %add3A_1010 = arith.addi %add3A_1009, %iota3A : vector<16xi32>
    %gather3A_1011 = tpu.vector_load_idx %arg9[%add3A_1010, %broadcast_in_dim3A_980, %broadcast_in_dim3A_984] : memref<64x2x128xf32, #tpu.memory_space<vmem>>[vector<16xi32>, vector<16xi32>, vector<16xi32>], vector<16xf32>,
    %add3A_1012 = arith.constant 32 : i32
    %add3A_1013 = vector.broadcast %add3A_1012 : i32 to vector<16xi32>
    %add3A_1014 = arith.addi %add3A_1013, %iota3A : vector<16xi32>
    %add3A_1015 = arith.addf %gather3A_1007, %gather3A_1011 : vector<16xf32>
    tpu.vector_store_idx %arg9[%add3A_1014, %broadcast_in_dim3A_980, %broadcast_in_dim3A_984], %add3A_1015 : memref<64x2x128xf32, #tpu.memory_space<vmem>>[vector<16xi32>, vector<16xi32>, vector<16xi32>], vector<16xf32>,
    %gather3A_1016 = tpu.vector_load_idx %arg8[%broadcast_in_dim3A_986, %broadcast_in_dim3A_988, %shift_right_arithmetic3A_39, %and3A_62, %broadcast_in_dim3A_976] : memref<6x2x8x8x128xf32, #tpu.memory_space<vmem>>[vector<16xi32>, vector<16xi32>, vector<16xi32>, vector<16xi32>, vector<16xi32>], vector<16xf32>,
    %add3A_1017 = arith.constant 48 : i32
    %add3A_1018 = vector.broadcast %add3A_1017 : i32 to vector<16xi32>
    %add3A_1019 = arith.addi %add3A_1018, %iota3A : vector<16xi32>
    %gather3A_1020 = tpu.vector_load_idx %arg9[%add3A_1019, %broadcast_in_dim3A_980, %broadcast_in_dim3A_984] : memref<64x2x128xf32, #tpu.memory_space<vmem>>[vector<16xi32>, vector<16xi32>, vector<16xi32>], vector<16xf32>,
    %add3A_1021 = arith.constant 48 : i32
    %add3A_1022 = vector.broadcast %add3A_1021 : i32 to vector<16xi32>
    %add3A_1023 = arith.addi %add3A_1022, %iota3A : vector<16xi32>
    %add3A_1024 = arith.addf %gather3A_1016, %gather3A_1020 : vector<16xf32>
    tpu.vector_store_idx %arg9[%add3A_1023, %broadcast_in_dim3A_980, %broadcast_in_dim3A_984], %add3A_1024 : memref<64x2x128xf32, #tpu.memory_space<vmem>>[vector<16xi32>, vector<16xi32>, vector<16xi32>], vector<16xf32>,
    %get3A_1025 = arith.constant 247 : i32
    %get3A_1026 = arith.index_cast %get3A_1025 : i32 to index
    %get3A_1027 = memref.load %arg7[%get3A_1026] : memref<256xi32, #tpu.memory_space<smem>>
    %and3A_1028 = arith.constant 127 : i32
    %and3A_1029 = arith.andi %get3A_1027, %and3A_1028 : i32
    %broadcast_in_dim3A_1030 = vector.broadcast %and3A_1029 : i32 to vector<16xi32>
    %div3A_1031 = arith.constant 247 : i32
    %div3A_1032 = arith.constant 128 : i32
    %div3A_1033 = arith.divsi %div3A_1031, %div3A_1032 : i32
    %broadcast_in_dim3A_1034 = vector.broadcast %div3A_1033 : i32 to vector<16xi32>
    %rem3A_1035 = arith.constant 247 : i32
    %rem3A_1036 = arith.constant 128 : i32
    %rem3A_1037 = arith.remsi %rem3A_1035, %rem3A_1036 : i32
    %broadcast_in_dim3A_1038 = vector.broadcast %rem3A_1037 : i32 to vector<16xi32>
    %broadcast_in_dim3A_1039 = arith.constant 3 : i32
    %broadcast_in_dim3A_1040 = vector.broadcast %broadcast_in_dim3A_1039 : i32 to vector<16xi32>
    %broadcast_in_dim3A_1041 = arith.constant 1 : i32
    %broadcast_in_dim3A_1042 = vector.broadcast %broadcast_in_dim3A_1041 : i32 to vector<16xi32>
    %gather3A_1043 = tpu.vector_load_idx %arg8[%broadcast_in_dim3A_1040, %broadcast_in_dim3A_1042, %shift_right_arithmetic3A_21, %and3A_44, %broadcast_in_dim3A_1030] : memref<6x2x8x8x128xf32, #tpu.memory_space<vmem>>[vector<16xi32>, vector<16xi32>, vector<16xi32>, vector<16xi32>, vector<16xi32>], vector<16xf32>,
    %add3A_1044 = arith.constant 0 : i32
    %add3A_1045 = vector.broadcast %add3A_1044 : i32 to vector<16xi32>
    %add3A_1046 = arith.addi %add3A_1045, %iota3A : vector<16xi32>
    %gather3A_1047 = tpu.vector_load_idx %arg9[%add3A_1046, %broadcast_in_dim3A_1034, %broadcast_in_dim3A_1038] : memref<64x2x128xf32, #tpu.memory_space<vmem>>[vector<16xi32>, vector<16xi32>, vector<16xi32>], vector<16xf32>,
    %add3A_1048 = arith.constant 0 : i32
    %add3A_1049 = vector.broadcast %add3A_1048 : i32 to vector<16xi32>
    %add3A_1050 = arith.addi %add3A_1049, %iota3A : vector<16xi32>
    %add3A_1051 = arith.addf %gather3A_1043, %gather3A_1047 : vector<16xf32>
    tpu.vector_store_idx %arg9[%add3A_1050, %broadcast_in_dim3A_1034, %broadcast_in_dim3A_1038], %add3A_1051 : memref<64x2x128xf32, #tpu.memory_space<vmem>>[vector<16xi32>, vector<16xi32>, vector<16xi32>], vector<16xf32>,
    %gather3A_1052 = tpu.vector_load_idx %arg8[%broadcast_in_dim3A_1040, %broadcast_in_dim3A_1042, %shift_right_arithmetic3A_27, %and3A_50, %broadcast_in_dim3A_1030] : memref<6x2x8x8x128xf32, #tpu.memory_space<vmem>>[vector<16xi32>, vector<16xi32>, vector<16xi32>, vector<16xi32>, vector<16xi32>], vector<16xf32>,
    %add3A_1053 = arith.constant 16 : i32
    %add3A_1054 = vector.broadcast %add3A_1053 : i32 to vector<16xi32>
    %add3A_1055 = arith.addi %add3A_1054, %iota3A : vector<16xi32>
    %gather3A_1056 = tpu.vector_load_idx %arg9[%add3A_1055, %broadcast_in_dim3A_1034, %broadcast_in_dim3A_1038] : memref<64x2x128xf32, #tpu.memory_space<vmem>>[vector<16xi32>, vector<16xi32>, vector<16xi32>], vector<16xf32>,
    %add3A_1057 = arith.constant 16 : i32
    %add3A_1058 = vector.broadcast %add3A_1057 : i32 to vector<16xi32>
    %add3A_1059 = arith.addi %add3A_1058, %iota3A : vector<16xi32>
    %add3A_1060 = arith.addf %gather3A_1052, %gather3A_1056 : vector<16xf32>
    tpu.vector_store_idx %arg9[%add3A_1059, %broadcast_in_dim3A_1034, %broadcast_in_dim3A_1038], %add3A_1060 : memref<64x2x128xf32, #tpu.memory_space<vmem>>[vector<16xi32>, vector<16xi32>, vector<16xi32>], vector<16xf32>,
    %gather3A_1061 = tpu.vector_load_idx %arg8[%broadcast_in_dim3A_1040, %broadcast_in_dim3A_1042, %shift_right_arithmetic3A_33, %and3A_56, %broadcast_in_dim3A_1030] : memref<6x2x8x8x128xf32, #tpu.memory_space<vmem>>[vector<16xi32>, vector<16xi32>, vector<16xi32>, vector<16xi32>, vector<16xi32>], vector<16xf32>,
    %add3A_1062 = arith.constant 32 : i32
    %add3A_1063 = vector.broadcast %add3A_1062 : i32 to vector<16xi32>
    %add3A_1064 = arith.addi %add3A_1063, %iota3A : vector<16xi32>
    %gather3A_1065 = tpu.vector_load_idx %arg9[%add3A_1064, %broadcast_in_dim3A_1034, %broadcast_in_dim3A_1038] : memref<64x2x128xf32, #tpu.memory_space<vmem>>[vector<16xi32>, vector<16xi32>, vector<16xi32>], vector<16xf32>,
    %add3A_1066 = arith.constant 32 : i32
    %add3A_1067 = vector.broadcast %add3A_1066 : i32 to vector<16xi32>
    %add3A_1068 = arith.addi %add3A_1067, %iota3A : vector<16xi32>
    %add3A_1069 = arith.addf %gather3A_1061, %gather3A_1065 : vector<16xf32>
    tpu.vector_store_idx %arg9[%add3A_1068, %broadcast_in_dim3A_1034, %broadcast_in_dim3A_1038], %add3A_1069 : memref<64x2x128xf32, #tpu.memory_space<vmem>>[vector<16xi32>, vector<16xi32>, vector<16xi32>], vector<16xf32>,
    %gather3A_1070 = tpu.vector_load_idx %arg8[%broadcast_in_dim3A_1040, %broadcast_in_dim3A_1042, %shift_right_arithmetic3A_39, %and3A_62, %broadcast_in_dim3A_1030] : memref<6x2x8x8x128xf32, #tpu.memory_space<vmem>>[vector<16xi32>, vector<16xi32>, vector<16xi32>, vector<16xi32>, vector<16xi32>], vector<16xf32>,
    %add3A_1071 = arith.constant 48 : i32
    %add3A_1072 = vector.broadcast %add3A_1071 : i32 to vector<16xi32>
    %add3A_1073 = arith.addi %add3A_1072, %iota3A : vector<16xi32>
    %gather3A_1074 = tpu.vector_load_idx %arg9[%add3A_1073, %broadcast_in_dim3A_1034, %broadcast_in_dim3A_1038] : memref<64x2x128xf32, #tpu.memory_space<vmem>>[vector<16xi32>, vector<16xi32>, vector<16xi32>], vector<16xf32>,
    %add3A_1075 = arith.constant 48 : i32
    %add3A_1076 = vector.broadcast %add3A_1075 : i32 to vector<16xi32>
    %add3A_1077 = arith.addi %add3A_1076, %iota3A : vector<16xi32>
    %add3A_1078 = arith.addf %gather3A_1070, %gather3A_1074 : vector<16xf32>
    tpu.vector_store_idx %arg9[%add3A_1077, %broadcast_in_dim3A_1034, %broadcast_in_dim3A_1038], %add3A_1078 : memref<64x2x128xf32, #tpu.memory_space<vmem>>[vector<16xi32>, vector<16xi32>, vector<16xi32>], vector<16xf32>,
    %dma_wait3A_1079 = arith.constant 4 : i32
    %dma_wait3A_1080 = arith.constant 0 : i32
    %dma_wait3A_1081 = arith.constant 0 : i32
    %dma_wait3A_1082 = arith.constant 0 : i32
    %dma_wait3A_1083 = arith.constant 0 : i32
    %dma_wait3A_1084 = tpu.memref_slice %arg8[%dma_wait3A_1079, %dma_wait3A_1080, %dma_wait3A_1081, %dma_wait3A_1082, %dma_wait3A_1083] : memref<6x2x8x8x128xf32, #tpu.memory_space<vmem>> -> memref<1x1x8x8x128xf32, #tpu.memory_space<vmem>>
    %dma_wait3A_1085 = tpu.memref_squeeze %dma_wait3A_1084 : memref<1x1x8x8x128xf32, #tpu.memory_space<vmem>> -> memref<8x8x128xf32, #tpu.memory_space<vmem>>
    %dma_wait3A_1086 = arith.constant 0 : i32
    %dma_wait3A_1087 = arith.constant 0 : i32
    %dma_wait3A_1088 = arith.constant 0 : i32
    %dma_wait3A_1089 = tpu.memref_slice %arg4[%dma_wait3A_1086, %dma_wait3A_1087, %dma_wait3A_1088] : memref<8x8x1000000xf32, #tpu.memory_space<hbm>> -> memref<8x8x128xf32, #tpu.memory_space<hbm>>
    %dma_wait3A_1090 = arith.constant 0 : i32
    %dma_wait3A_1091 = arith.constant 0 : i32
    %dma_wait3A_1092 = arith.constant 0 : i32
    %dma_wait3A_1093 = tpu.memref_slice %arg8[%dma_wait3A_1079, %dma_wait3A_1080, %dma_wait3A_1090, %dma_wait3A_1091, %dma_wait3A_1092] : memref<6x2x8x8x128xf32, #tpu.memory_space<vmem>> -> memref<1x1x8x8x128xf32, #tpu.memory_space<vmem>>
    %dma_wait3A_1094 = tpu.memref_squeeze %dma_wait3A_1093 : memref<1x1x8x8x128xf32, #tpu.memory_space<vmem>> -> memref<8x8x128xf32, #tpu.memory_space<vmem>>
    %dma_wait3A_1095 = arith.constant 0 : i32
    %dma_wait3A_1096 = arith.constant 0 : i32
    %dma_wait3A_1097 = arith.constant 0 : i32
    %dma_wait3A_1098 = tpu.memref_slice %arg4[%dma_wait3A_1095, %dma_wait3A_1096, %dma_wait3A_1097] : memref<8x8x1000000xf32, #tpu.memory_space<hbm>> -> memref<8x8x128xf32, #tpu.memory_space<hbm>>
    tpu.wait_dma2 semaphore(%arg14 : memref<!tpu.dma_semaphore, #tpu.memory_space<semaphore_mem>>) src(%dma_wait3A_1098 : memref<8x8x128xf32, #tpu.memory_space<hbm>>) dst(%dma_wait3A_1094 : memref<8x8x128xf32, #tpu.memory_space<vmem>>)
    %dma_wait3A_1099 = arith.constant 4 : i32
    %dma_wait3A_1100 = arith.constant 1 : i32
    %dma_wait3A_1101 = arith.constant 0 : i32
    %dma_wait3A_1102 = arith.constant 0 : i32
    %dma_wait3A_1103 = arith.constant 0 : i32
    %dma_wait3A_1104 = tpu.memref_slice %arg8[%dma_wait3A_1099, %dma_wait3A_1100, %dma_wait3A_1101, %dma_wait3A_1102, %dma_wait3A_1103] : memref<6x2x8x8x128xf32, #tpu.memory_space<vmem>> -> memref<1x1x8x8x128xf32, #tpu.memory_space<vmem>>
    %dma_wait3A_1105 = tpu.memref_squeeze %dma_wait3A_1104 : memref<1x1x8x8x128xf32, #tpu.memory_space<vmem>> -> memref<8x8x128xf32, #tpu.memory_space<vmem>>
    %dma_wait3A_1106 = arith.constant 0 : i32
    %dma_wait3A_1107 = arith.constant 0 : i32
    %dma_wait3A_1108 = arith.constant 0 : i32
    %dma_wait3A_1109 = tpu.memref_slice %arg4[%dma_wait3A_1106, %dma_wait3A_1107, %dma_wait3A_1108] : memref<8x8x1000000xf32, #tpu.memory_space<hbm>> -> memref<8x8x128xf32, #tpu.memory_space<hbm>>
    %dma_wait3A_1110 = arith.constant 0 : i32
    %dma_wait3A_1111 = arith.constant 0 : i32
    %dma_wait3A_1112 = arith.constant 0 : i32
    %dma_wait3A_1113 = tpu.memref_slice %arg8[%dma_wait3A_1099, %dma_wait3A_1100, %dma_wait3A_1110, %dma_wait3A_1111, %dma_wait3A_1112] : memref<6x2x8x8x128xf32, #tpu.memory_space<vmem>> -> memref<1x1x8x8x128xf32, #tpu.memory_space<vmem>>
    %dma_wait3A_1114 = tpu.memref_squeeze %dma_wait3A_1113 : memref<1x1x8x8x128xf32, #tpu.memory_space<vmem>> -> memref<8x8x128xf32, #tpu.memory_space<vmem>>
    %dma_wait3A_1115 = arith.constant 0 : i32
    %dma_wait3A_1116 = arith.constant 0 : i32
    %dma_wait3A_1117 = arith.constant 0 : i32
    %dma_wait3A_1118 = tpu.memref_slice %arg4[%dma_wait3A_1115, %dma_wait3A_1116, %dma_wait3A_1117] : memref<8x8x1000000xf32, #tpu.memory_space<hbm>> -> memref<8x8x128xf32, #tpu.memory_space<hbm>>
    tpu.wait_dma2 semaphore(%arg14 : memref<!tpu.dma_semaphore, #tpu.memory_space<semaphore_mem>>) src(%dma_wait3A_1118 : memref<8x8x128xf32, #tpu.memory_space<hbm>>) dst(%dma_wait3A_1114 : memref<8x8x128xf32, #tpu.memory_space<vmem>>)
    %get3A_1119 = arith.constant 248 : i32
    %get3A_1120 = arith.index_cast %get3A_1119 : i32 to index
    %get3A_1121 = memref.load %arg7[%get3A_1120] : memref<256xi32, #tpu.memory_space<smem>>
    %and3A_1122 = arith.constant 127 : i32
    %and3A_1123 = arith.andi %get3A_1121, %and3A_1122 : i32
    %broadcast_in_dim3A_1124 = vector.broadcast %and3A_1123 : i32 to vector<16xi32>
    %div3A_1125 = arith.constant 248 : i32
    %div3A_1126 = arith.constant 128 : i32
    %div3A_1127 = arith.divsi %div3A_1125, %div3A_1126 : i32
    %broadcast_in_dim3A_1128 = vector.broadcast %div3A_1127 : i32 to vector<16xi32>
    %rem3A_1129 = arith.constant 248 : i32
    %rem3A_1130 = arith.constant 128 : i32
    %rem3A_1131 = arith.remsi %rem3A_1129, %rem3A_1130 : i32
    %broadcast_in_dim3A_1132 = vector.broadcast %rem3A_1131 : i32 to vector<16xi32>
    %broadcast_in_dim3A_1133 = arith.constant 4 : i32
    %broadcast_in_dim3A_1134 = vector.broadcast %broadcast_in_dim3A_1133 : i32 to vector<16xi32>
    %broadcast_in_dim3A_1135 = arith.constant 0 : i32
    %broadcast_in_dim3A_1136 = vector.broadcast %broadcast_in_dim3A_1135 : i32 to vector<16xi32>
    %gather3A_1137 = tpu.vector_load_idx %arg8[%broadcast_in_dim3A_1134, %broadcast_in_dim3A_1136, %shift_right_arithmetic3A_21, %and3A_44, %broadcast_in_dim3A_1124] : memref<6x2x8x8x128xf32, #tpu.memory_space<vmem>>[vector<16xi32>, vector<16xi32>, vector<16xi32>, vector<16xi32>, vector<16xi32>], vector<16xf32>,
    %add3A_1138 = arith.constant 0 : i32
    %add3A_1139 = vector.broadcast %add3A_1138 : i32 to vector<16xi32>
    %add3A_1140 = arith.addi %add3A_1139, %iota3A : vector<16xi32>
    %gather3A_1141 = tpu.vector_load_idx %arg9[%add3A_1140, %broadcast_in_dim3A_1128, %broadcast_in_dim3A_1132] : memref<64x2x128xf32, #tpu.memory_space<vmem>>[vector<16xi32>, vector<16xi32>, vector<16xi32>], vector<16xf32>,
    %add3A_1142 = arith.constant 0 : i32
    %add3A_1143 = vector.broadcast %add3A_1142 : i32 to vector<16xi32>
    %add3A_1144 = arith.addi %add3A_1143, %iota3A : vector<16xi32>
    %add3A_1145 = arith.addf %gather3A_1137, %gather3A_1141 : vector<16xf32>
    tpu.vector_store_idx %arg9[%add3A_1144, %broadcast_in_dim3A_1128, %broadcast_in_dim3A_1132], %add3A_1145 : memref<64x2x128xf32, #tpu.memory_space<vmem>>[vector<16xi32>, vector<16xi32>, vector<16xi32>], vector<16xf32>,
    %gather3A_1146 = tpu.vector_load_idx %arg8[%broadcast_in_dim3A_1134, %broadcast_in_dim3A_1136, %shift_right_arithmetic3A_27, %and3A_50, %broadcast_in_dim3A_1124] : memref<6x2x8x8x128xf32, #tpu.memory_space<vmem>>[vector<16xi32>, vector<16xi32>, vector<16xi32>, vector<16xi32>, vector<16xi32>], vector<16xf32>,
    %add3A_1147 = arith.constant 16 : i32
    %add3A_1148 = vector.broadcast %add3A_1147 : i32 to vector<16xi32>
    %add3A_1149 = arith.addi %add3A_1148, %iota3A : vector<16xi32>
    %gather3A_1150 = tpu.vector_load_idx %arg9[%add3A_1149, %broadcast_in_dim3A_1128, %broadcast_in_dim3A_1132] : memref<64x2x128xf32, #tpu.memory_space<vmem>>[vector<16xi32>, vector<16xi32>, vector<16xi32>], vector<16xf32>,
    %add3A_1151 = arith.constant 16 : i32
    %add3A_1152 = vector.broadcast %add3A_1151 : i32 to vector<16xi32>
    %add3A_1153 = arith.addi %add3A_1152, %iota3A : vector<16xi32>
    %add3A_1154 = arith.addf %gather3A_1146, %gather3A_1150 : vector<16xf32>
    tpu.vector_store_idx %arg9[%add3A_1153, %broadcast_in_dim3A_1128, %broadcast_in_dim3A_1132], %add3A_1154 : memref<64x2x128xf32, #tpu.memory_space<vmem>>[vector<16xi32>, vector<16xi32>, vector<16xi32>], vector<16xf32>,
    %gather3A_1155 = tpu.vector_load_idx %arg8[%broadcast_in_dim3A_1134, %broadcast_in_dim3A_1136, %shift_right_arithmetic3A_33, %and3A_56, %broadcast_in_dim3A_1124] : memref<6x2x8x8x128xf32, #tpu.memory_space<vmem>>[vector<16xi32>, vector<16xi32>, vector<16xi32>, vector<16xi32>, vector<16xi32>], vector<16xf32>,
    %add3A_1156 = arith.constant 32 : i32
    %add3A_1157 = vector.broadcast %add3A_1156 : i32 to vector<16xi32>
    %add3A_1158 = arith.addi %add3A_1157, %iota3A : vector<16xi32>
    %gather3A_1159 = tpu.vector_load_idx %arg9[%add3A_1158, %broadcast_in_dim3A_1128, %broadcast_in_dim3A_1132] : memref<64x2x128xf32, #tpu.memory_space<vmem>>[vector<16xi32>, vector<16xi32>, vector<16xi32>], vector<16xf32>,
    %add3A_1160 = arith.constant 32 : i32
    %add3A_1161 = vector.broadcast %add3A_1160 : i32 to vector<16xi32>
    %add3A_1162 = arith.addi %add3A_1161, %iota3A : vector<16xi32>
    %add3A_1163 = arith.addf %gather3A_1155, %gather3A_1159 : vector<16xf32>
    tpu.vector_store_idx %arg9[%add3A_1162, %broadcast_in_dim3A_1128, %broadcast_in_dim3A_1132], %add3A_1163 : memref<64x2x128xf32, #tpu.memory_space<vmem>>[vector<16xi32>, vector<16xi32>, vector<16xi32>], vector<16xf32>,
    %gather3A_1164 = tpu.vector_load_idx %arg8[%broadcast_in_dim3A_1134, %broadcast_in_dim3A_1136, %shift_right_arithmetic3A_39, %and3A_62, %broadcast_in_dim3A_1124] : memref<6x2x8x8x128xf32, #tpu.memory_space<vmem>>[vector<16xi32>, vector<16xi32>, vector<16xi32>, vector<16xi32>, vector<16xi32>], vector<16xf32>,
    %add3A_1165 = arith.constant 48 : i32
    %add3A_1166 = vector.broadcast %add3A_1165 : i32 to vector<16xi32>
    %add3A_1167 = arith.addi %add3A_1166, %iota3A : vector<16xi32>
    %gather3A_1168 = tpu.vector_load_idx %arg9[%add3A_1167, %broadcast_in_dim3A_1128, %broadcast_in_dim3A_1132] : memref<64x2x128xf32, #tpu.memory_space<vmem>>[vector<16xi32>, vector<16xi32>, vector<16xi32>], vector<16xf32>,
    %add3A_1169 = arith.constant 48 : i32
    %add3A_1170 = vector.broadcast %add3A_1169 : i32 to vector<16xi32>
    %add3A_1171 = arith.addi %add3A_1170, %iota3A : vector<16xi32>
    %add3A_1172 = arith.addf %gather3A_1164, %gather3A_1168 : vector<16xf32>
    tpu.vector_store_idx %arg9[%add3A_1171, %broadcast_in_dim3A_1128, %broadcast_in_dim3A_1132], %add3A_1172 : memref<64x2x128xf32, #tpu.memory_space<vmem>>[vector<16xi32>, vector<16xi32>, vector<16xi32>], vector<16xf32>,
    %get3A_1173 = arith.constant 249 : i32
    %get3A_1174 = arith.index_cast %get3A_1173 : i32 to index
    %get3A_1175 = memref.load %arg7[%get3A_1174] : memref<256xi32, #tpu.memory_space<smem>>
    %and3A_1176 = arith.constant 127 : i32
    %and3A_1177 = arith.andi %get3A_1175, %and3A_1176 : i32
    %broadcast_in_dim3A_1178 = vector.broadcast %and3A_1177 : i32 to vector<16xi32>
    %div3A_1179 = arith.constant 249 : i32
    %div3A_1180 = arith.constant 128 : i32
    %div3A_1181 = arith.divsi %div3A_1179, %div3A_1180 : i32
    %broadcast_in_dim3A_1182 = vector.broadcast %div3A_1181 : i32 to vector<16xi32>
    %rem3A_1183 = arith.constant 249 : i32
    %rem3A_1184 = arith.constant 128 : i32
    %rem3A_1185 = arith.remsi %rem3A_1183, %rem3A_1184 : i32
    %broadcast_in_dim3A_1186 = vector.broadcast %rem3A_1185 : i32 to vector<16xi32>
    %broadcast_in_dim3A_1187 = arith.constant 4 : i32
    %broadcast_in_dim3A_1188 = vector.broadcast %broadcast_in_dim3A_1187 : i32 to vector<16xi32>
    %broadcast_in_dim3A_1189 = arith.constant 1 : i32
    %broadcast_in_dim3A_1190 = vector.broadcast %broadcast_in_dim3A_1189 : i32 to vector<16xi32>
    %gather3A_1191 = tpu.vector_load_idx %arg8[%broadcast_in_dim3A_1188, %broadcast_in_dim3A_1190, %shift_right_arithmetic3A_21, %and3A_44, %broadcast_in_dim3A_1178] : memref<6x2x8x8x128xf32, #tpu.memory_space<vmem>>[vector<16xi32>, vector<16xi32>, vector<16xi32>, vector<16xi32>, vector<16xi32>], vector<16xf32>,
    %add3A_1192 = arith.constant 0 : i32
    %add3A_1193 = vector.broadcast %add3A_1192 : i32 to vector<16xi32>
    %add3A_1194 = arith.addi %add3A_1193, %iota3A : vector<16xi32>
    %gather3A_1195 = tpu.vector_load_idx %arg9[%add3A_1194, %broadcast_in_dim3A_1182, %broadcast_in_dim3A_1186] : memref<64x2x128xf32, #tpu.memory_space<vmem>>[vector<16xi32>, vector<16xi32>, vector<16xi32>], vector<16xf32>,
    %add3A_1196 = arith.constant 0 : i32
    %add3A_1197 = vector.broadcast %add3A_1196 : i32 to vector<16xi32>
    %add3A_1198 = arith.addi %add3A_1197, %iota3A : vector<16xi32>
    %add3A_1199 = arith.addf %gather3A_1191, %gather3A_1195 : vector<16xf32>
    tpu.vector_store_idx %arg9[%add3A_1198, %broadcast_in_dim3A_1182, %broadcast_in_dim3A_1186], %add3A_1199 : memref<64x2x128xf32, #tpu.memory_space<vmem>>[vector<16xi32>, vector<16xi32>, vector<16xi32>], vector<16xf32>,
    %gather3A_1200 = tpu.vector_load_idx %arg8[%broadcast_in_dim3A_1188, %broadcast_in_dim3A_1190, %shift_right_arithmetic3A_27, %and3A_50, %broadcast_in_dim3A_1178] : memref<6x2x8x8x128xf32, #tpu.memory_space<vmem>>[vector<16xi32>, vector<16xi32>, vector<16xi32>, vector<16xi32>, vector<16xi32>], vector<16xf32>,
    %add3A_1201 = arith.constant 16 : i32
    %add3A_1202 = vector.broadcast %add3A_1201 : i32 to vector<16xi32>
    %add3A_1203 = arith.addi %add3A_1202, %iota3A : vector<16xi32>
    %gather3A_1204 = tpu.vector_load_idx %arg9[%add3A_1203, %broadcast_in_dim3A_1182, %broadcast_in_dim3A_1186] : memref<64x2x128xf32, #tpu.memory_space<vmem>>[vector<16xi32>, vector<16xi32>, vector<16xi32>], vector<16xf32>,
    %add3A_1205 = arith.constant 16 : i32
    %add3A_1206 = vector.broadcast %add3A_1205 : i32 to vector<16xi32>
    %add3A_1207 = arith.addi %add3A_1206, %iota3A : vector<16xi32>
    %add3A_1208 = arith.addf %gather3A_1200, %gather3A_1204 : vector<16xf32>
    tpu.vector_store_idx %arg9[%add3A_1207, %broadcast_in_dim3A_1182, %broadcast_in_dim3A_1186], %add3A_1208 : memref<64x2x128xf32, #tpu.memory_space<vmem>>[vector<16xi32>, vector<16xi32>, vector<16xi32>], vector<16xf32>,
    %gather3A_1209 = tpu.vector_load_idx %arg8[%broadcast_in_dim3A_1188, %broadcast_in_dim3A_1190, %shift_right_arithmetic3A_33, %and3A_56, %broadcast_in_dim3A_1178] : memref<6x2x8x8x128xf32, #tpu.memory_space<vmem>>[vector<16xi32>, vector<16xi32>, vector<16xi32>, vector<16xi32>, vector<16xi32>], vector<16xf32>,
    %add3A_1210 = arith.constant 32 : i32
    %add3A_1211 = vector.broadcast %add3A_1210 : i32 to vector<16xi32>
    %add3A_1212 = arith.addi %add3A_1211, %iota3A : vector<16xi32>
    %gather3A_1213 = tpu.vector_load_idx %arg9[%add3A_1212, %broadcast_in_dim3A_1182, %broadcast_in_dim3A_1186] : memref<64x2x128xf32, #tpu.memory_space<vmem>>[vector<16xi32>, vector<16xi32>, vector<16xi32>], vector<16xf32>,
    %add3A_1214 = arith.constant 32 : i32
    %add3A_1215 = vector.broadcast %add3A_1214 : i32 to vector<16xi32>
    %add3A_1216 = arith.addi %add3A_1215, %iota3A : vector<16xi32>
    %add3A_1217 = arith.addf %gather3A_1209, %gather3A_1213 : vector<16xf32>
    tpu.vector_store_idx %arg9[%add3A_1216, %broadcast_in_dim3A_1182, %broadcast_in_dim3A_1186], %add3A_1217 : memref<64x2x128xf32, #tpu.memory_space<vmem>>[vector<16xi32>, vector<16xi32>, vector<16xi32>], vector<16xf32>,
    %gather3A_1218 = tpu.vector_load_idx %arg8[%broadcast_in_dim3A_1188, %broadcast_in_dim3A_1190, %shift_right_arithmetic3A_39, %and3A_62, %broadcast_in_dim3A_1178] : memref<6x2x8x8x128xf32, #tpu.memory_space<vmem>>[vector<16xi32>, vector<16xi32>, vector<16xi32>, vector<16xi32>, vector<16xi32>], vector<16xf32>,
    %add3A_1219 = arith.constant 48 : i32
    %add3A_1220 = vector.broadcast %add3A_1219 : i32 to vector<16xi32>
    %add3A_1221 = arith.addi %add3A_1220, %iota3A : vector<16xi32>
    %gather3A_1222 = tpu.vector_load_idx %arg9[%add3A_1221, %broadcast_in_dim3A_1182, %broadcast_in_dim3A_1186] : memref<64x2x128xf32, #tpu.memory_space<vmem>>[vector<16xi32>, vector<16xi32>, vector<16xi32>], vector<16xf32>,
    %add3A_1223 = arith.constant 48 : i32
    %add3A_1224 = vector.broadcast %add3A_1223 : i32 to vector<16xi32>
    %add3A_1225 = arith.addi %add3A_1224, %iota3A : vector<16xi32>
    %add3A_1226 = arith.addf %gather3A_1218, %gather3A_1222 : vector<16xf32>
    tpu.vector_store_idx %arg9[%add3A_1225, %broadcast_in_dim3A_1182, %broadcast_in_dim3A_1186], %add3A_1226 : memref<64x2x128xf32, #tpu.memory_space<vmem>>[vector<16xi32>, vector<16xi32>, vector<16xi32>], vector<16xf32>,
    %dma_wait3A_1227 = arith.constant 5 : i32
    %dma_wait3A_1228 = arith.constant 0 : i32
    %dma_wait3A_1229 = arith.constant 0 : i32
    %dma_wait3A_1230 = arith.constant 0 : i32
    %dma_wait3A_1231 = arith.constant 0 : i32
    %dma_wait3A_1232 = tpu.memref_slice %arg8[%dma_wait3A_1227, %dma_wait3A_1228, %dma_wait3A_1229, %dma_wait3A_1230, %dma_wait3A_1231] : memref<6x2x8x8x128xf32, #tpu.memory_space<vmem>> -> memref<1x1x8x8x128xf32, #tpu.memory_space<vmem>>
    %dma_wait3A_1233 = tpu.memref_squeeze %dma_wait3A_1232 : memref<1x1x8x8x128xf32, #tpu.memory_space<vmem>> -> memref<8x8x128xf32, #tpu.memory_space<vmem>>
    %dma_wait3A_1234 = arith.constant 0 : i32
    %dma_wait3A_1235 = arith.constant 0 : i32
    %dma_wait3A_1236 = arith.constant 0 : i32
    %dma_wait3A_1237 = tpu.memref_slice %arg4[%dma_wait3A_1234, %dma_wait3A_1235, %dma_wait3A_1236] : memref<8x8x1000000xf32, #tpu.memory_space<hbm>> -> memref<8x8x128xf32, #tpu.memory_space<hbm>>
    %dma_wait3A_1238 = arith.constant 0 : i32
    %dma_wait3A_1239 = arith.constant 0 : i32
    %dma_wait3A_1240 = arith.constant 0 : i32
    %dma_wait3A_1241 = tpu.memref_slice %arg8[%dma_wait3A_1227, %dma_wait3A_1228, %dma_wait3A_1238, %dma_wait3A_1239, %dma_wait3A_1240] : memref<6x2x8x8x128xf32, #tpu.memory_space<vmem>> -> memref<1x1x8x8x128xf32, #tpu.memory_space<vmem>>
    %dma_wait3A_1242 = tpu.memref_squeeze %dma_wait3A_1241 : memref<1x1x8x8x128xf32, #tpu.memory_space<vmem>> -> memref<8x8x128xf32, #tpu.memory_space<vmem>>
    %dma_wait3A_1243 = arith.constant 0 : i32
    %dma_wait3A_1244 = arith.constant 0 : i32
    %dma_wait3A_1245 = arith.constant 0 : i32
    %dma_wait3A_1246 = tpu.memref_slice %arg4[%dma_wait3A_1243, %dma_wait3A_1244, %dma_wait3A_1245] : memref<8x8x1000000xf32, #tpu.memory_space<hbm>> -> memref<8x8x128xf32, #tpu.memory_space<hbm>>
    tpu.wait_dma2 semaphore(%arg15 : memref<!tpu.dma_semaphore, #tpu.memory_space<semaphore_mem>>) src(%dma_wait3A_1246 : memref<8x8x128xf32, #tpu.memory_space<hbm>>) dst(%dma_wait3A_1242 : memref<8x8x128xf32, #tpu.memory_space<vmem>>)
    %dma_wait3A_1247 = arith.constant 5 : i32
    %dma_wait3A_1248 = arith.constant 1 : i32
    %dma_wait3A_1249 = arith.constant 0 : i32
    %dma_wait3A_1250 = arith.constant 0 : i32
    %dma_wait3A_1251 = arith.constant 0 : i32
    %dma_wait3A_1252 = tpu.memref_slice %arg8[%dma_wait3A_1247, %dma_wait3A_1248, %dma_wait3A_1249, %dma_wait3A_1250, %dma_wait3A_1251] : memref<6x2x8x8x128xf32, #tpu.memory_space<vmem>> -> memref<1x1x8x8x128xf32, #tpu.memory_space<vmem>>
    %dma_wait3A_1253 = tpu.memref_squeeze %dma_wait3A_1252 : memref<1x1x8x8x128xf32, #tpu.memory_space<vmem>> -> memref<8x8x128xf32, #tpu.memory_space<vmem>>
    %dma_wait3A_1254 = arith.constant 0 : i32
    %dma_wait3A_1255 = arith.constant 0 : i32
    %dma_wait3A_1256 = arith.constant 0 : i32
    %dma_wait3A_1257 = tpu.memref_slice %arg4[%dma_wait3A_1254, %dma_wait3A_1255, %dma_wait3A_1256] : memref<8x8x1000000xf32, #tpu.memory_space<hbm>> -> memref<8x8x128xf32, #tpu.memory_space<hbm>>
    %dma_wait3A_1258 = arith.constant 0 : i32
    %dma_wait3A_1259 = arith.constant 0 : i32
    %dma_wait3A_1260 = arith.constant 0 : i32
    %dma_wait3A_1261 = tpu.memref_slice %arg8[%dma_wait3A_1247, %dma_wait3A_1248, %dma_wait3A_1258, %dma_wait3A_1259, %dma_wait3A_1260] : memref<6x2x8x8x128xf32, #tpu.memory_space<vmem>> -> memref<1x1x8x8x128xf32, #tpu.memory_space<vmem>>
    %dma_wait3A_1262 = tpu.memref_squeeze %dma_wait3A_1261 : memref<1x1x8x8x128xf32, #tpu.memory_space<vmem>> -> memref<8x8x128xf32, #tpu.memory_space<vmem>>
    %dma_wait3A_1263 = arith.constant 0 : i32
    %dma_wait3A_1264 = arith.constant 0 : i32
    %dma_wait3A_1265 = arith.constant 0 : i32
    %dma_wait3A_1266 = tpu.memref_slice %arg4[%dma_wait3A_1263, %dma_wait3A_1264, %dma_wait3A_1265] : memref<8x8x1000000xf32, #tpu.memory_space<hbm>> -> memref<8x8x128xf32, #tpu.memory_space<hbm>>
    tpu.wait_dma2 semaphore(%arg15 : memref<!tpu.dma_semaphore, #tpu.memory_space<semaphore_mem>>) src(%dma_wait3A_1266 : memref<8x8x128xf32, #tpu.memory_space<hbm>>) dst(%dma_wait3A_1262 : memref<8x8x128xf32, #tpu.memory_space<vmem>>)
    %get3A_1267 = arith.constant 250 : i32
    %get3A_1268 = arith.index_cast %get3A_1267 : i32 to index
    %get3A_1269 = memref.load %arg7[%get3A_1268] : memref<256xi32, #tpu.memory_space<smem>>
    %and3A_1270 = arith.constant 127 : i32
    %and3A_1271 = arith.andi %get3A_1269, %and3A_1270 : i32
    %broadcast_in_dim3A_1272 = vector.broadcast %and3A_1271 : i32 to vector<16xi32>
    %div3A_1273 = arith.constant 250 : i32
    %div3A_1274 = arith.constant 128 : i32
    %div3A_1275 = arith.divsi %div3A_1273, %div3A_1274 : i32
    %broadcast_in_dim3A_1276 = vector.broadcast %div3A_1275 : i32 to vector<16xi32>
    %rem3A_1277 = arith.constant 250 : i32
    %rem3A_1278 = arith.constant 128 : i32
    %rem3A_1279 = arith.remsi %rem3A_1277, %rem3A_1278 : i32
    %broadcast_in_dim3A_1280 = vector.broadcast %rem3A_1279 : i32 to vector<16xi32>
    %broadcast_in_dim3A_1281 = arith.constant 5 : i32
    %broadcast_in_dim3A_1282 = vector.broadcast %broadcast_in_dim3A_1281 : i32 to vector<16xi32>
    %broadcast_in_dim3A_1283 = arith.constant 0 : i32
    %broadcast_in_dim3A_1284 = vector.broadcast %broadcast_in_dim3A_1283 : i32 to vector<16xi32>
    %gather3A_1285 = tpu.vector_load_idx %arg8[%broadcast_in_dim3A_1282, %broadcast_in_dim3A_1284, %shift_right_arithmetic3A_21, %and3A_44, %broadcast_in_dim3A_1272] : memref<6x2x8x8x128xf32, #tpu.memory_space<vmem>>[vector<16xi32>, vector<16xi32>, vector<16xi32>, vector<16xi32>, vector<16xi32>], vector<16xf32>,
    %add3A_1286 = arith.constant 0 : i32
    %add3A_1287 = vector.broadcast %add3A_1286 : i32 to vector<16xi32>
    %add3A_1288 = arith.addi %add3A_1287, %iota3A : vector<16xi32>
    %gather3A_1289 = tpu.vector_load_idx %arg9[%add3A_1288, %broadcast_in_dim3A_1276, %broadcast_in_dim3A_1280] : memref<64x2x128xf32, #tpu.memory_space<vmem>>[vector<16xi32>, vector<16xi32>, vector<16xi32>], vector<16xf32>,
    %add3A_1290 = arith.constant 0 : i32
    %add3A_1291 = vector.broadcast %add3A_1290 : i32 to vector<16xi32>
    %add3A_1292 = arith.addi %add3A_1291, %iota3A : vector<16xi32>
    %add3A_1293 = arith.addf %gather3A_1285, %gather3A_1289 : vector<16xf32>
    tpu.vector_store_idx %arg9[%add3A_1292, %broadcast_in_dim3A_1276, %broadcast_in_dim3A_1280], %add3A_1293 : memref<64x2x128xf32, #tpu.memory_space<vmem>>[vector<16xi32>, vector<16xi32>, vector<16xi32>], vector<16xf32>,
    %gather3A_1294 = tpu.vector_load_idx %arg8[%broadcast_in_dim3A_1282, %broadcast_in_dim3A_1284, %shift_right_arithmetic3A_27, %and3A_50, %broadcast_in_dim3A_1272] : memref<6x2x8x8x128xf32, #tpu.memory_space<vmem>>[vector<16xi32>, vector<16xi32>, vector<16xi32>, vector<16xi32>, vector<16xi32>], vector<16xf32>,
    %add3A_1295 = arith.constant 16 : i32
    %add3A_1296 = vector.broadcast %add3A_1295 : i32 to vector<16xi32>
    %add3A_1297 = arith.addi %add3A_1296, %iota3A : vector<16xi32>
    %gather3A_1298 = tpu.vector_load_idx %arg9[%add3A_1297, %broadcast_in_dim3A_1276, %broadcast_in_dim3A_1280] : memref<64x2x128xf32, #tpu.memory_space<vmem>>[vector<16xi32>, vector<16xi32>, vector<16xi32>], vector<16xf32>,
    %add3A_1299 = arith.constant 16 : i32
    %add3A_1300 = vector.broadcast %add3A_1299 : i32 to vector<16xi32>
    %add3A_1301 = arith.addi %add3A_1300, %iota3A : vector<16xi32>
    %add3A_1302 = arith.addf %gather3A_1294, %gather3A_1298 : vector<16xf32>
    tpu.vector_store_idx %arg9[%add3A_1301, %broadcast_in_dim3A_1276, %broadcast_in_dim3A_1280], %add3A_1302 : memref<64x2x128xf32, #tpu.memory_space<vmem>>[vector<16xi32>, vector<16xi32>, vector<16xi32>], vector<16xf32>,
    %gather3A_1303 = tpu.vector_load_idx %arg8[%broadcast_in_dim3A_1282, %broadcast_in_dim3A_1284, %shift_right_arithmetic3A_33, %and3A_56, %broadcast_in_dim3A_1272] : memref<6x2x8x8x128xf32, #tpu.memory_space<vmem>>[vector<16xi32>, vector<16xi32>, vector<16xi32>, vector<16xi32>, vector<16xi32>], vector<16xf32>,
    %add3A_1304 = arith.constant 32 : i32
    %add3A_1305 = vector.broadcast %add3A_1304 : i32 to vector<16xi32>
    %add3A_1306 = arith.addi %add3A_1305, %iota3A : vector<16xi32>
    %gather3A_1307 = tpu.vector_load_idx %arg9[%add3A_1306, %broadcast_in_dim3A_1276, %broadcast_in_dim3A_1280] : memref<64x2x128xf32, #tpu.memory_space<vmem>>[vector<16xi32>, vector<16xi32>, vector<16xi32>], vector<16xf32>,
    %add3A_1308 = arith.constant 32 : i32
    %add3A_1309 = vector.broadcast %add3A_1308 : i32 to vector<16xi32>
    %add3A_1310 = arith.addi %add3A_1309, %iota3A : vector<16xi32>
    %add3A_1311 = arith.addf %gather3A_1303, %gather3A_1307 : vector<16xf32>
    tpu.vector_store_idx %arg9[%add3A_1310, %broadcast_in_dim3A_1276, %broadcast_in_dim3A_1280], %add3A_1311 : memref<64x2x128xf32, #tpu.memory_space<vmem>>[vector<16xi32>, vector<16xi32>, vector<16xi32>], vector<16xf32>,
    %gather3A_1312 = tpu.vector_load_idx %arg8[%broadcast_in_dim3A_1282, %broadcast_in_dim3A_1284, %shift_right_arithmetic3A_39, %and3A_62, %broadcast_in_dim3A_1272] : memref<6x2x8x8x128xf32, #tpu.memory_space<vmem>>[vector<16xi32>, vector<16xi32>, vector<16xi32>, vector<16xi32>, vector<16xi32>], vector<16xf32>,
    %add3A_1313 = arith.constant 48 : i32
    %add3A_1314 = vector.broadcast %add3A_1313 : i32 to vector<16xi32>
    %add3A_1315 = arith.addi %add3A_1314, %iota3A : vector<16xi32>
    %gather3A_1316 = tpu.vector_load_idx %arg9[%add3A_1315, %broadcast_in_dim3A_1276, %broadcast_in_dim3A_1280] : memref<64x2x128xf32, #tpu.memory_space<vmem>>[vector<16xi32>, vector<16xi32>, vector<16xi32>], vector<16xf32>,
    %add3A_1317 = arith.constant 48 : i32
    %add3A_1318 = vector.broadcast %add3A_1317 : i32 to vector<16xi32>
    %add3A_1319 = arith.addi %add3A_1318, %iota3A : vector<16xi32>
    %add3A_1320 = arith.addf %gather3A_1312, %gather3A_1316 : vector<16xf32>
    tpu.vector_store_idx %arg9[%add3A_1319, %broadcast_in_dim3A_1276, %broadcast_in_dim3A_1280], %add3A_1320 : memref<64x2x128xf32, #tpu.memory_space<vmem>>[vector<16xi32>, vector<16xi32>, vector<16xi32>], vector<16xf32>,
    %get3A_1321 = arith.constant 251 : i32
    %get3A_1322 = arith.index_cast %get3A_1321 : i32 to index
    %get3A_1323 = memref.load %arg7[%get3A_1322] : memref<256xi32, #tpu.memory_space<smem>>
    %and3A_1324 = arith.constant 127 : i32
    %and3A_1325 = arith.andi %get3A_1323, %and3A_1324 : i32
    %broadcast_in_dim3A_1326 = vector.broadcast %and3A_1325 : i32 to vector<16xi32>
    %div3A_1327 = arith.constant 251 : i32
    %div3A_1328 = arith.constant 128 : i32
    %div3A_1329 = arith.divsi %div3A_1327, %div3A_1328 : i32
    %broadcast_in_dim3A_1330 = vector.broadcast %div3A_1329 : i32 to vector<16xi32>
    %rem3A_1331 = arith.constant 251 : i32
    %rem3A_1332 = arith.constant 128 : i32
    %rem3A_1333 = arith.remsi %rem3A_1331, %rem3A_1332 : i32
    %broadcast_in_dim3A_1334 = vector.broadcast %rem3A_1333 : i32 to vector<16xi32>
    %broadcast_in_dim3A_1335 = arith.constant 5 : i32
    %broadcast_in_dim3A_1336 = vector.broadcast %broadcast_in_dim3A_1335 : i32 to vector<16xi32>
    %broadcast_in_dim3A_1337 = arith.constant 1 : i32
    %broadcast_in_dim3A_1338 = vector.broadcast %broadcast_in_dim3A_1337 : i32 to vector<16xi32>
    %gather3A_1339 = tpu.vector_load_idx %arg8[%broadcast_in_dim3A_1336, %broadcast_in_dim3A_1338, %shift_right_arithmetic3A_21, %and3A_44, %broadcast_in_dim3A_1326] : memref<6x2x8x8x128xf32, #tpu.memory_space<vmem>>[vector<16xi32>, vector<16xi32>, vector<16xi32>, vector<16xi32>, vector<16xi32>], vector<16xf32>,
    %add3A_1340 = arith.constant 0 : i32
    %add3A_1341 = vector.broadcast %add3A_1340 : i32 to vector<16xi32>
    %add3A_1342 = arith.addi %add3A_1341, %iota3A : vector<16xi32>
    %gather3A_1343 = tpu.vector_load_idx %arg9[%add3A_1342, %broadcast_in_dim3A_1330, %broadcast_in_dim3A_1334] : memref<64x2x128xf32, #tpu.memory_space<vmem>>[vector<16xi32>, vector<16xi32>, vector<16xi32>], vector<16xf32>,
    %add3A_1344 = arith.constant 0 : i32
    %add3A_1345 = vector.broadcast %add3A_1344 : i32 to vector<16xi32>
    %add3A_1346 = arith.addi %add3A_1345, %iota3A : vector<16xi32>
    %add3A_1347 = arith.addf %gather3A_1339, %gather3A_1343 : vector<16xf32>
    tpu.vector_store_idx %arg9[%add3A_1346, %broadcast_in_dim3A_1330, %broadcast_in_dim3A_1334], %add3A_1347 : memref<64x2x128xf32, #tpu.memory_space<vmem>>[vector<16xi32>, vector<16xi32>, vector<16xi32>], vector<16xf32>,
    %gather3A_1348 = tpu.vector_load_idx %arg8[%broadcast_in_dim3A_1336, %broadcast_in_dim3A_1338, %shift_right_arithmetic3A_27, %and3A_50, %broadcast_in_dim3A_1326] : memref<6x2x8x8x128xf32, #tpu.memory_space<vmem>>[vector<16xi32>, vector<16xi32>, vector<16xi32>, vector<16xi32>, vector<16xi32>], vector<16xf32>,
    %add3A_1349 = arith.constant 16 : i32
    %add3A_1350 = vector.broadcast %add3A_1349 : i32 to vector<16xi32>
    %add3A_1351 = arith.addi %add3A_1350, %iota3A : vector<16xi32>
    %gather3A_1352 = tpu.vector_load_idx %arg9[%add3A_1351, %broadcast_in_dim3A_1330, %broadcast_in_dim3A_1334] : memref<64x2x128xf32, #tpu.memory_space<vmem>>[vector<16xi32>, vector<16xi32>, vector<16xi32>], vector<16xf32>,
    %add3A_1353 = arith.constant 16 : i32
    %add3A_1354 = vector.broadcast %add3A_1353 : i32 to vector<16xi32>
    %add3A_1355 = arith.addi %add3A_1354, %iota3A : vector<16xi32>
    %add3A_1356 = arith.addf %gather3A_1348, %gather3A_1352 : vector<16xf32>
    tpu.vector_store_idx %arg9[%add3A_1355, %broadcast_in_dim3A_1330, %broadcast_in_dim3A_1334], %add3A_1356 : memref<64x2x128xf32, #tpu.memory_space<vmem>>[vector<16xi32>, vector<16xi32>, vector<16xi32>], vector<16xf32>,
    %gather3A_1357 = tpu.vector_load_idx %arg8[%broadcast_in_dim3A_1336, %broadcast_in_dim3A_1338, %shift_right_arithmetic3A_33, %and3A_56, %broadcast_in_dim3A_1326] : memref<6x2x8x8x128xf32, #tpu.memory_space<vmem>>[vector<16xi32>, vector<16xi32>, vector<16xi32>, vector<16xi32>, vector<16xi32>], vector<16xf32>,
    %add3A_1358 = arith.constant 32 : i32
    %add3A_1359 = vector.broadcast %add3A_1358 : i32 to vector<16xi32>
    %add3A_1360 = arith.addi %add3A_1359, %iota3A : vector<16xi32>
    %gather3A_1361 = tpu.vector_load_idx %arg9[%add3A_1360, %broadcast_in_dim3A_1330, %broadcast_in_dim3A_1334] : memref<64x2x128xf32, #tpu.memory_space<vmem>>[vector<16xi32>, vector<16xi32>, vector<16xi32>], vector<16xf32>,
    %add3A_1362 = arith.constant 32 : i32
    %add3A_1363 = vector.broadcast %add3A_1362 : i32 to vector<16xi32>
    %add3A_1364 = arith.addi %add3A_1363, %iota3A : vector<16xi32>
    %add3A_1365 = arith.addf %gather3A_1357, %gather3A_1361 : vector<16xf32>
    tpu.vector_store_idx %arg9[%add3A_1364, %broadcast_in_dim3A_1330, %broadcast_in_dim3A_1334], %add3A_1365 : memref<64x2x128xf32, #tpu.memory_space<vmem>>[vector<16xi32>, vector<16xi32>, vector<16xi32>], vector<16xf32>,
    %gather3A_1366 = tpu.vector_load_idx %arg8[%broadcast_in_dim3A_1336, %broadcast_in_dim3A_1338, %shift_right_arithmetic3A_39, %and3A_62, %broadcast_in_dim3A_1326] : memref<6x2x8x8x128xf32, #tpu.memory_space<vmem>>[vector<16xi32>, vector<16xi32>, vector<16xi32>, vector<16xi32>, vector<16xi32>], vector<16xf32>,
    %add3A_1367 = arith.constant 48 : i32
    %add3A_1368 = vector.broadcast %add3A_1367 : i32 to vector<16xi32>
    %add3A_1369 = arith.addi %add3A_1368, %iota3A : vector<16xi32>
    %gather3A_1370 = tpu.vector_load_idx %arg9[%add3A_1369, %broadcast_in_dim3A_1330, %broadcast_in_dim3A_1334] : memref<64x2x128xf32, #tpu.memory_space<vmem>>[vector<16xi32>, vector<16xi32>, vector<16xi32>], vector<16xf32>,
    %add3A_1371 = arith.constant 48 : i32
    %add3A_1372 = vector.broadcast %add3A_1371 : i32 to vector<16xi32>
    %add3A_1373 = arith.addi %add3A_1372, %iota3A : vector<16xi32>
    %add3A_1374 = arith.addf %gather3A_1366, %gather3A_1370 : vector<16xf32>
    tpu.vector_store_idx %arg9[%add3A_1373, %broadcast_in_dim3A_1330, %broadcast_in_dim3A_1334], %add3A_1374 : memref<64x2x128xf32, #tpu.memory_space<vmem>>[vector<16xi32>, vector<16xi32>, vector<16xi32>], vector<16xf32>,
    %dma_wait3A_1375 = arith.constant 0 : i32
    %dma_wait3A_1376 = arith.constant 0 : i32
    %dma_wait3A_1377 = arith.constant 0 : i32
    %dma_wait3A_1378 = arith.constant 0 : i32
    %dma_wait3A_1379 = arith.constant 0 : i32
    %dma_wait3A_1380 = tpu.memref_slice %arg8[%dma_wait3A_1375, %dma_wait3A_1376, %dma_wait3A_1377, %dma_wait3A_1378, %dma_wait3A_1379] : memref<6x2x8x8x128xf32, #tpu.memory_space<vmem>> -> memref<1x1x8x8x128xf32, #tpu.memory_space<vmem>>
    %dma_wait3A_1381 = tpu.memref_squeeze %dma_wait3A_1380 : memref<1x1x8x8x128xf32, #tpu.memory_space<vmem>> -> memref<8x8x128xf32, #tpu.memory_space<vmem>>
    %dma_wait3A_1382 = arith.constant 0 : i32
    %dma_wait3A_1383 = arith.constant 0 : i32
    %dma_wait3A_1384 = arith.constant 0 : i32
    %dma_wait3A_1385 = tpu.memref_slice %arg4[%dma_wait3A_1382, %dma_wait3A_1383, %dma_wait3A_1384] : memref<8x8x1000000xf32, #tpu.memory_space<hbm>> -> memref<8x8x128xf32, #tpu.memory_space<hbm>>
    %dma_wait3A_1386 = arith.constant 0 : i32
    %dma_wait3A_1387 = arith.constant 0 : i32
    %dma_wait3A_1388 = arith.constant 0 : i32
    %dma_wait3A_1389 = tpu.memref_slice %arg8[%dma_wait3A_1375, %dma_wait3A_1376, %dma_wait3A_1386, %dma_wait3A_1387, %dma_wait3A_1388] : memref<6x2x8x8x128xf32, #tpu.memory_space<vmem>> -> memref<1x1x8x8x128xf32, #tpu.memory_space<vmem>>
    %dma_wait3A_1390 = tpu.memref_squeeze %dma_wait3A_1389 : memref<1x1x8x8x128xf32, #tpu.memory_space<vmem>> -> memref<8x8x128xf32, #tpu.memory_space<vmem>>
    %dma_wait3A_1391 = arith.constant 0 : i32
    %dma_wait3A_1392 = arith.constant 0 : i32
    %dma_wait3A_1393 = arith.constant 0 : i32
    %dma_wait3A_1394 = tpu.memref_slice %arg4[%dma_wait3A_1391, %dma_wait3A_1392, %dma_wait3A_1393] : memref<8x8x1000000xf32, #tpu.memory_space<hbm>> -> memref<8x8x128xf32, #tpu.memory_space<hbm>>
    tpu.wait_dma2 semaphore(%arg10 : memref<!tpu.dma_semaphore, #tpu.memory_space<semaphore_mem>>) src(%dma_wait3A_1394 : memref<8x8x128xf32, #tpu.memory_space<hbm>>) dst(%dma_wait3A_1390 : memref<8x8x128xf32, #tpu.memory_space<vmem>>)
    %dma_wait3A_1395 = arith.constant 0 : i32
    %dma_wait3A_1396 = arith.constant 1 : i32
    %dma_wait3A_1397 = arith.constant 0 : i32
    %dma_wait3A_1398 = arith.constant 0 : i32
    %dma_wait3A_1399 = arith.constant 0 : i32
    %dma_wait3A_1400 = tpu.memref_slice %arg8[%dma_wait3A_1395, %dma_wait3A_1396, %dma_wait3A_1397, %dma_wait3A_1398, %dma_wait3A_1399] : memref<6x2x8x8x128xf32, #tpu.memory_space<vmem>> -> memref<1x1x8x8x128xf32, #tpu.memory_space<vmem>>
    %dma_wait3A_1401 = tpu.memref_squeeze %dma_wait3A_1400 : memref<1x1x8x8x128xf32, #tpu.memory_space<vmem>> -> memref<8x8x128xf32, #tpu.memory_space<vmem>>
    %dma_wait3A_1402 = arith.constant 0 : i32
    %dma_wait3A_1403 = arith.constant 0 : i32
    %dma_wait3A_1404 = arith.constant 0 : i32
    %dma_wait3A_1405 = tpu.memref_slice %arg4[%dma_wait3A_1402, %dma_wait3A_1403, %dma_wait3A_1404] : memref<8x8x1000000xf32, #tpu.memory_space<hbm>> -> memref<8x8x128xf32, #tpu.memory_space<hbm>>
    %dma_wait3A_1406 = arith.constant 0 : i32
    %dma_wait3A_1407 = arith.constant 0 : i32
    %dma_wait3A_1408 = arith.constant 0 : i32
    %dma_wait3A_1409 = tpu.memref_slice %arg8[%dma_wait3A_1395, %dma_wait3A_1396, %dma_wait3A_1406, %dma_wait3A_1407, %dma_wait3A_1408] : memref<6x2x8x8x128xf32, #tpu.memory_space<vmem>> -> memref<1x1x8x8x128xf32, #tpu.memory_space<vmem>>
    %dma_wait3A_1410 = tpu.memref_squeeze %dma_wait3A_1409 : memref<1x1x8x8x128xf32, #tpu.memory_space<vmem>> -> memref<8x8x128xf32, #tpu.memory_space<vmem>>
    %dma_wait3A_1411 = arith.constant 0 : i32
    %dma_wait3A_1412 = arith.constant 0 : i32
    %dma_wait3A_1413 = arith.constant 0 : i32
    %dma_wait3A_1414 = tpu.memref_slice %arg4[%dma_wait3A_1411, %dma_wait3A_1412, %dma_wait3A_1413] : memref<8x8x1000000xf32, #tpu.memory_space<hbm>> -> memref<8x8x128xf32, #tpu.memory_space<hbm>>
    tpu.wait_dma2 semaphore(%arg10 : memref<!tpu.dma_semaphore, #tpu.memory_space<semaphore_mem>>) src(%dma_wait3A_1414 : memref<8x8x128xf32, #tpu.memory_space<hbm>>) dst(%dma_wait3A_1410 : memref<8x8x128xf32, #tpu.memory_space<vmem>>)
    %get3A_1415 = arith.constant 252 : i32
    %get3A_1416 = arith.index_cast %get3A_1415 : i32 to index
    %get3A_1417 = memref.load %arg7[%get3A_1416] : memref<256xi32, #tpu.memory_space<smem>>
    %and3A_1418 = arith.constant 127 : i32
    %and3A_1419 = arith.andi %get3A_1417, %and3A_1418 : i32
    %broadcast_in_dim3A_1420 = vector.broadcast %and3A_1419 : i32 to vector<16xi32>
    %div3A_1421 = arith.constant 252 : i32
    %div3A_1422 = arith.constant 128 : i32
    %div3A_1423 = arith.divsi %div3A_1421, %div3A_1422 : i32
    %broadcast_in_dim3A_1424 = vector.broadcast %div3A_1423 : i32 to vector<16xi32>
    %rem3A_1425 = arith.constant 252 : i32
    %rem3A_1426 = arith.constant 128 : i32
    %rem3A_1427 = arith.remsi %rem3A_1425, %rem3A_1426 : i32
    %broadcast_in_dim3A_1428 = vector.broadcast %rem3A_1427 : i32 to vector<16xi32>
    %broadcast_in_dim3A_1429 = arith.constant 0 : i32
    %broadcast_in_dim3A_1430 = vector.broadcast %broadcast_in_dim3A_1429 : i32 to vector<16xi32>
    %broadcast_in_dim3A_1431 = arith.constant 0 : i32
    %broadcast_in_dim3A_1432 = vector.broadcast %broadcast_in_dim3A_1431 : i32 to vector<16xi32>
    %gather3A_1433 = tpu.vector_load_idx %arg8[%broadcast_in_dim3A_1430, %broadcast_in_dim3A_1432, %shift_right_arithmetic3A_21, %and3A_44, %broadcast_in_dim3A_1420] : memref<6x2x8x8x128xf32, #tpu.memory_space<vmem>>[vector<16xi32>, vector<16xi32>, vector<16xi32>, vector<16xi32>, vector<16xi32>], vector<16xf32>,
    %add3A_1434 = arith.constant 0 : i32
    %add3A_1435 = vector.broadcast %add3A_1434 : i32 to vector<16xi32>
    %add3A_1436 = arith.addi %add3A_1435, %iota3A : vector<16xi32>
    %gather3A_1437 = tpu.vector_load_idx %arg9[%add3A_1436, %broadcast_in_dim3A_1424, %broadcast_in_dim3A_1428] : memref<64x2x128xf32, #tpu.memory_space<vmem>>[vector<16xi32>, vector<16xi32>, vector<16xi32>], vector<16xf32>,
    %add3A_1438 = arith.constant 0 : i32
    %add3A_1439 = vector.broadcast %add3A_1438 : i32 to vector<16xi32>
    %add3A_1440 = arith.addi %add3A_1439, %iota3A : vector<16xi32>
    %add3A_1441 = arith.addf %gather3A_1433, %gather3A_1437 : vector<16xf32>
    tpu.vector_store_idx %arg9[%add3A_1440, %broadcast_in_dim3A_1424, %broadcast_in_dim3A_1428], %add3A_1441 : memref<64x2x128xf32, #tpu.memory_space<vmem>>[vector<16xi32>, vector<16xi32>, vector<16xi32>], vector<16xf32>,
    %gather3A_1442 = tpu.vector_load_idx %arg8[%broadcast_in_dim3A_1430, %broadcast_in_dim3A_1432, %shift_right_arithmetic3A_27, %and3A_50, %broadcast_in_dim3A_1420] : memref<6x2x8x8x128xf32, #tpu.memory_space<vmem>>[vector<16xi32>, vector<16xi32>, vector<16xi32>, vector<16xi32>, vector<16xi32>], vector<16xf32>,
    %add3A_1443 = arith.constant 16 : i32
    %add3A_1444 = vector.broadcast %add3A_1443 : i32 to vector<16xi32>
    %add3A_1445 = arith.addi %add3A_1444, %iota3A : vector<16xi32>
    %gather3A_1446 = tpu.vector_load_idx %arg9[%add3A_1445, %broadcast_in_dim3A_1424, %broadcast_in_dim3A_1428] : memref<64x2x128xf32, #tpu.memory_space<vmem>>[vector<16xi32>, vector<16xi32>, vector<16xi32>], vector<16xf32>,
    %add3A_1447 = arith.constant 16 : i32
    %add3A_1448 = vector.broadcast %add3A_1447 : i32 to vector<16xi32>
    %add3A_1449 = arith.addi %add3A_1448, %iota3A : vector<16xi32>
    %add3A_1450 = arith.addf %gather3A_1442, %gather3A_1446 : vector<16xf32>
    tpu.vector_store_idx %arg9[%add3A_1449, %broadcast_in_dim3A_1424, %broadcast_in_dim3A_1428], %add3A_1450 : memref<64x2x128xf32, #tpu.memory_space<vmem>>[vector<16xi32>, vector<16xi32>, vector<16xi32>], vector<16xf32>,
    %gather3A_1451 = tpu.vector_load_idx %arg8[%broadcast_in_dim3A_1430, %broadcast_in_dim3A_1432, %shift_right_arithmetic3A_33, %and3A_56, %broadcast_in_dim3A_1420] : memref<6x2x8x8x128xf32, #tpu.memory_space<vmem>>[vector<16xi32>, vector<16xi32>, vector<16xi32>, vector<16xi32>, vector<16xi32>], vector<16xf32>,
    %add3A_1452 = arith.constant 32 : i32
    %add3A_1453 = vector.broadcast %add3A_1452 : i32 to vector<16xi32>
    %add3A_1454 = arith.addi %add3A_1453, %iota3A : vector<16xi32>
    %gather3A_1455 = tpu.vector_load_idx %arg9[%add3A_1454, %broadcast_in_dim3A_1424, %broadcast_in_dim3A_1428] : memref<64x2x128xf32, #tpu.memory_space<vmem>>[vector<16xi32>, vector<16xi32>, vector<16xi32>], vector<16xf32>,
    %add3A_1456 = arith.constant 32 : i32
    %add3A_1457 = vector.broadcast %add3A_1456 : i32 to vector<16xi32>
    %add3A_1458 = arith.addi %add3A_1457, %iota3A : vector<16xi32>
    %add3A_1459 = arith.addf %gather3A_1451, %gather3A_1455 : vector<16xf32>
    tpu.vector_store_idx %arg9[%add3A_1458, %broadcast_in_dim3A_1424, %broadcast_in_dim3A_1428], %add3A_1459 : memref<64x2x128xf32, #tpu.memory_space<vmem>>[vector<16xi32>, vector<16xi32>, vector<16xi32>], vector<16xf32>,
    %gather3A_1460 = tpu.vector_load_idx %arg8[%broadcast_in_dim3A_1430, %broadcast_in_dim3A_1432, %shift_right_arithmetic3A_39, %and3A_62, %broadcast_in_dim3A_1420] : memref<6x2x8x8x128xf32, #tpu.memory_space<vmem>>[vector<16xi32>, vector<16xi32>, vector<16xi32>, vector<16xi32>, vector<16xi32>], vector<16xf32>,
    %add3A_1461 = arith.constant 48 : i32
    %add3A_1462 = vector.broadcast %add3A_1461 : i32 to vector<16xi32>
    %add3A_1463 = arith.addi %add3A_1462, %iota3A : vector<16xi32>
    %gather3A_1464 = tpu.vector_load_idx %arg9[%add3A_1463, %broadcast_in_dim3A_1424, %broadcast_in_dim3A_1428] : memref<64x2x128xf32, #tpu.memory_space<vmem>>[vector<16xi32>, vector<16xi32>, vector<16xi32>], vector<16xf32>,
    %add3A_1465 = arith.constant 48 : i32
    %add3A_1466 = vector.broadcast %add3A_1465 : i32 to vector<16xi32>
    %add3A_1467 = arith.addi %add3A_1466, %iota3A : vector<16xi32>
    %add3A_1468 = arith.addf %gather3A_1460, %gather3A_1464 : vector<16xf32>
    tpu.vector_store_idx %arg9[%add3A_1467, %broadcast_in_dim3A_1424, %broadcast_in_dim3A_1428], %add3A_1468 : memref<64x2x128xf32, #tpu.memory_space<vmem>>[vector<16xi32>, vector<16xi32>, vector<16xi32>], vector<16xf32>,
    %get3A_1469 = arith.constant 253 : i32
    %get3A_1470 = arith.index_cast %get3A_1469 : i32 to index
    %get3A_1471 = memref.load %arg7[%get3A_1470] : memref<256xi32, #tpu.memory_space<smem>>
    %and3A_1472 = arith.constant 127 : i32
    %and3A_1473 = arith.andi %get3A_1471, %and3A_1472 : i32
    %broadcast_in_dim3A_1474 = vector.broadcast %and3A_1473 : i32 to vector<16xi32>
    %div3A_1475 = arith.constant 253 : i32
    %div3A_1476 = arith.constant 128 : i32
    %div3A_1477 = arith.divsi %div3A_1475, %div3A_1476 : i32
    %broadcast_in_dim3A_1478 = vector.broadcast %div3A_1477 : i32 to vector<16xi32>
    %rem3A_1479 = arith.constant 253 : i32
    %rem3A_1480 = arith.constant 128 : i32
    %rem3A_1481 = arith.remsi %rem3A_1479, %rem3A_1480 : i32
    %broadcast_in_dim3A_1482 = vector.broadcast %rem3A_1481 : i32 to vector<16xi32>
    %broadcast_in_dim3A_1483 = arith.constant 0 : i32
    %broadcast_in_dim3A_1484 = vector.broadcast %broadcast_in_dim3A_1483 : i32 to vector<16xi32>
    %broadcast_in_dim3A_1485 = arith.constant 1 : i32
    %broadcast_in_dim3A_1486 = vector.broadcast %broadcast_in_dim3A_1485 : i32 to vector<16xi32>
    %gather3A_1487 = tpu.vector_load_idx %arg8[%broadcast_in_dim3A_1484, %broadcast_in_dim3A_1486, %shift_right_arithmetic3A_21, %and3A_44, %broadcast_in_dim3A_1474] : memref<6x2x8x8x128xf32, #tpu.memory_space<vmem>>[vector<16xi32>, vector<16xi32>, vector<16xi32>, vector<16xi32>, vector<16xi32>], vector<16xf32>,
    %add3A_1488 = arith.constant 0 : i32
    %add3A_1489 = vector.broadcast %add3A_1488 : i32 to vector<16xi32>
    %add3A_1490 = arith.addi %add3A_1489, %iota3A : vector<16xi32>
    %gather3A_1491 = tpu.vector_load_idx %arg9[%add3A_1490, %broadcast_in_dim3A_1478, %broadcast_in_dim3A_1482] : memref<64x2x128xf32, #tpu.memory_space<vmem>>[vector<16xi32>, vector<16xi32>, vector<16xi32>], vector<16xf32>,
    %add3A_1492 = arith.constant 0 : i32
    %add3A_1493 = vector.broadcast %add3A_1492 : i32 to vector<16xi32>
    %add3A_1494 = arith.addi %add3A_1493, %iota3A : vector<16xi32>
    %add3A_1495 = arith.addf %gather3A_1487, %gather3A_1491 : vector<16xf32>
    tpu.vector_store_idx %arg9[%add3A_1494, %broadcast_in_dim3A_1478, %broadcast_in_dim3A_1482], %add3A_1495 : memref<64x2x128xf32, #tpu.memory_space<vmem>>[vector<16xi32>, vector<16xi32>, vector<16xi32>], vector<16xf32>,
    %gather3A_1496 = tpu.vector_load_idx %arg8[%broadcast_in_dim3A_1484, %broadcast_in_dim3A_1486, %shift_right_arithmetic3A_27, %and3A_50, %broadcast_in_dim3A_1474] : memref<6x2x8x8x128xf32, #tpu.memory_space<vmem>>[vector<16xi32>, vector<16xi32>, vector<16xi32>, vector<16xi32>, vector<16xi32>], vector<16xf32>,
    %add3A_1497 = arith.constant 16 : i32
    %add3A_1498 = vector.broadcast %add3A_1497 : i32 to vector<16xi32>
    %add3A_1499 = arith.addi %add3A_1498, %iota3A : vector<16xi32>
    %gather3A_1500 = tpu.vector_load_idx %arg9[%add3A_1499, %broadcast_in_dim3A_1478, %broadcast_in_dim3A_1482] : memref<64x2x128xf32, #tpu.memory_space<vmem>>[vector<16xi32>, vector<16xi32>, vector<16xi32>], vector<16xf32>,
    %add3A_1501 = arith.constant 16 : i32
    %add3A_1502 = vector.broadcast %add3A_1501 : i32 to vector<16xi32>
    %add3A_1503 = arith.addi %add3A_1502, %iota3A : vector<16xi32>
    %add3A_1504 = arith.addf %gather3A_1496, %gather3A_1500 : vector<16xf32>
    tpu.vector_store_idx %arg9[%add3A_1503, %broadcast_in_dim3A_1478, %broadcast_in_dim3A_1482], %add3A_1504 : memref<64x2x128xf32, #tpu.memory_space<vmem>>[vector<16xi32>, vector<16xi32>, vector<16xi32>], vector<16xf32>,
    %gather3A_1505 = tpu.vector_load_idx %arg8[%broadcast_in_dim3A_1484, %broadcast_in_dim3A_1486, %shift_right_arithmetic3A_33, %and3A_56, %broadcast_in_dim3A_1474] : memref<6x2x8x8x128xf32, #tpu.memory_space<vmem>>[vector<16xi32>, vector<16xi32>, vector<16xi32>, vector<16xi32>, vector<16xi32>], vector<16xf32>,
    %add3A_1506 = arith.constant 32 : i32
    %add3A_1507 = vector.broadcast %add3A_1506 : i32 to vector<16xi32>
    %add3A_1508 = arith.addi %add3A_1507, %iota3A : vector<16xi32>
    %gather3A_1509 = tpu.vector_load_idx %arg9[%add3A_1508, %broadcast_in_dim3A_1478, %broadcast_in_dim3A_1482] : memref<64x2x128xf32, #tpu.memory_space<vmem>>[vector<16xi32>, vector<16xi32>, vector<16xi32>], vector<16xf32>,
    %add3A_1510 = arith.constant 32 : i32
    %add3A_1511 = vector.broadcast %add3A_1510 : i32 to vector<16xi32>
    %add3A_1512 = arith.addi %add3A_1511, %iota3A : vector<16xi32>
    %add3A_1513 = arith.addf %gather3A_1505, %gather3A_1509 : vector<16xf32>
    tpu.vector_store_idx %arg9[%add3A_1512, %broadcast_in_dim3A_1478, %broadcast_in_dim3A_1482], %add3A_1513 : memref<64x2x128xf32, #tpu.memory_space<vmem>>[vector<16xi32>, vector<16xi32>, vector<16xi32>], vector<16xf32>,
    %gather3A_1514 = tpu.vector_load_idx %arg8[%broadcast_in_dim3A_1484, %broadcast_in_dim3A_1486, %shift_right_arithmetic3A_39, %and3A_62, %broadcast_in_dim3A_1474] : memref<6x2x8x8x128xf32, #tpu.memory_space<vmem>>[vector<16xi32>, vector<16xi32>, vector<16xi32>, vector<16xi32>, vector<16xi32>], vector<16xf32>,
    %add3A_1515 = arith.constant 48 : i32
    %add3A_1516 = vector.broadcast %add3A_1515 : i32 to vector<16xi32>
    %add3A_1517 = arith.addi %add3A_1516, %iota3A : vector<16xi32>
    %gather3A_1518 = tpu.vector_load_idx %arg9[%add3A_1517, %broadcast_in_dim3A_1478, %broadcast_in_dim3A_1482] : memref<64x2x128xf32, #tpu.memory_space<vmem>>[vector<16xi32>, vector<16xi32>, vector<16xi32>], vector<16xf32>,
    %add3A_1519 = arith.constant 48 : i32
    %add3A_1520 = vector.broadcast %add3A_1519 : i32 to vector<16xi32>
    %add3A_1521 = arith.addi %add3A_1520, %iota3A : vector<16xi32>
    %add3A_1522 = arith.addf %gather3A_1514, %gather3A_1518 : vector<16xf32>
    tpu.vector_store_idx %arg9[%add3A_1521, %broadcast_in_dim3A_1478, %broadcast_in_dim3A_1482], %add3A_1522 : memref<64x2x128xf32, #tpu.memory_space<vmem>>[vector<16xi32>, vector<16xi32>, vector<16xi32>], vector<16xf32>,
    %dma_wait3A_1523 = arith.constant 1 : i32
    %dma_wait3A_1524 = arith.constant 0 : i32
    %dma_wait3A_1525 = arith.constant 0 : i32
    %dma_wait3A_1526 = arith.constant 0 : i32
    %dma_wait3A_1527 = arith.constant 0 : i32
    %dma_wait3A_1528 = tpu.memref_slice %arg8[%dma_wait3A_1523, %dma_wait3A_1524, %dma_wait3A_1525, %dma_wait3A_1526, %dma_wait3A_1527] : memref<6x2x8x8x128xf32, #tpu.memory_space<vmem>> -> memref<1x1x8x8x128xf32, #tpu.memory_space<vmem>>
    %dma_wait3A_1529 = tpu.memref_squeeze %dma_wait3A_1528 : memref<1x1x8x8x128xf32, #tpu.memory_space<vmem>> -> memref<8x8x128xf32, #tpu.memory_space<vmem>>
    %dma_wait3A_1530 = arith.constant 0 : i32
    %dma_wait3A_1531 = arith.constant 0 : i32
    %dma_wait3A_1532 = arith.constant 0 : i32
    %dma_wait3A_1533 = tpu.memref_slice %arg4[%dma_wait3A_1530, %dma_wait3A_1531, %dma_wait3A_1532] : memref<8x8x1000000xf32, #tpu.memory_space<hbm>> -> memref<8x8x128xf32, #tpu.memory_space<hbm>>
    %dma_wait3A_1534 = arith.constant 0 : i32
    %dma_wait3A_1535 = arith.constant 0 : i32
    %dma_wait3A_1536 = arith.constant 0 : i32
    %dma_wait3A_1537 = tpu.memref_slice %arg8[%dma_wait3A_1523, %dma_wait3A_1524, %dma_wait3A_1534, %dma_wait3A_1535, %dma_wait3A_1536] : memref<6x2x8x8x128xf32, #tpu.memory_space<vmem>> -> memref<1x1x8x8x128xf32, #tpu.memory_space<vmem>>
    %dma_wait3A_1538 = tpu.memref_squeeze %dma_wait3A_1537 : memref<1x1x8x8x128xf32, #tpu.memory_space<vmem>> -> memref<8x8x128xf32, #tpu.memory_space<vmem>>
    %dma_wait3A_1539 = arith.constant 0 : i32
    %dma_wait3A_1540 = arith.constant 0 : i32
    %dma_wait3A_1541 = arith.constant 0 : i32
    %dma_wait3A_1542 = tpu.memref_slice %arg4[%dma_wait3A_1539, %dma_wait3A_1540, %dma_wait3A_1541] : memref<8x8x1000000xf32, #tpu.memory_space<hbm>> -> memref<8x8x128xf32, #tpu.memory_space<hbm>>
    tpu.wait_dma2 semaphore(%arg11 : memref<!tpu.dma_semaphore, #tpu.memory_space<semaphore_mem>>) src(%dma_wait3A_1542 : memref<8x8x128xf32, #tpu.memory_space<hbm>>) dst(%dma_wait3A_1538 : memref<8x8x128xf32, #tpu.memory_space<vmem>>)
    %dma_wait3A_1543 = arith.constant 1 : i32
    %dma_wait3A_1544 = arith.constant 1 : i32
    %dma_wait3A_1545 = arith.constant 0 : i32
    %dma_wait3A_1546 = arith.constant 0 : i32
    %dma_wait3A_1547 = arith.constant 0 : i32
    %dma_wait3A_1548 = tpu.memref_slice %arg8[%dma_wait3A_1543, %dma_wait3A_1544, %dma_wait3A_1545, %dma_wait3A_1546, %dma_wait3A_1547] : memref<6x2x8x8x128xf32, #tpu.memory_space<vmem>> -> memref<1x1x8x8x128xf32, #tpu.memory_space<vmem>>
    %dma_wait3A_1549 = tpu.memref_squeeze %dma_wait3A_1548 : memref<1x1x8x8x128xf32, #tpu.memory_space<vmem>> -> memref<8x8x128xf32, #tpu.memory_space<vmem>>
    %dma_wait3A_1550 = arith.constant 0 : i32
    %dma_wait3A_1551 = arith.constant 0 : i32
    %dma_wait3A_1552 = arith.constant 0 : i32
    %dma_wait3A_1553 = tpu.memref_slice %arg4[%dma_wait3A_1550, %dma_wait3A_1551, %dma_wait3A_1552] : memref<8x8x1000000xf32, #tpu.memory_space<hbm>> -> memref<8x8x128xf32, #tpu.memory_space<hbm>>
    %dma_wait3A_1554 = arith.constant 0 : i32
    %dma_wait3A_1555 = arith.constant 0 : i32
    %dma_wait3A_1556 = arith.constant 0 : i32
    %dma_wait3A_1557 = tpu.memref_slice %arg8[%dma_wait3A_1543, %dma_wait3A_1544, %dma_wait3A_1554, %dma_wait3A_1555, %dma_wait3A_1556] : memref<6x2x8x8x128xf32, #tpu.memory_space<vmem>> -> memref<1x1x8x8x128xf32, #tpu.memory_space<vmem>>
    %dma_wait3A_1558 = tpu.memref_squeeze %dma_wait3A_1557 : memref<1x1x8x8x128xf32, #tpu.memory_space<vmem>> -> memref<8x8x128xf32, #tpu.memory_space<vmem>>
    %dma_wait3A_1559 = arith.constant 0 : i32
    %dma_wait3A_1560 = arith.constant 0 : i32
    %dma_wait3A_1561 = arith.constant 0 : i32
    %dma_wait3A_1562 = tpu.memref_slice %arg4[%dma_wait3A_1559, %dma_wait3A_1560, %dma_wait3A_1561] : memref<8x8x1000000xf32, #tpu.memory_space<hbm>> -> memref<8x8x128xf32, #tpu.memory_space<hbm>>
    tpu.wait_dma2 semaphore(%arg11 : memref<!tpu.dma_semaphore, #tpu.memory_space<semaphore_mem>>) src(%dma_wait3A_1562 : memref<8x8x128xf32, #tpu.memory_space<hbm>>) dst(%dma_wait3A_1558 : memref<8x8x128xf32, #tpu.memory_space<vmem>>)
    %get3A_1563 = arith.constant 254 : i32
    %get3A_1564 = arith.index_cast %get3A_1563 : i32 to index
    %get3A_1565 = memref.load %arg7[%get3A_1564] : memref<256xi32, #tpu.memory_space<smem>>
    %and3A_1566 = arith.constant 127 : i32
    %and3A_1567 = arith.andi %get3A_1565, %and3A_1566 : i32
    %broadcast_in_dim3A_1568 = vector.broadcast %and3A_1567 : i32 to vector<16xi32>
    %div3A_1569 = arith.constant 254 : i32
    %div3A_1570 = arith.constant 128 : i32
    %div3A_1571 = arith.divsi %div3A_1569, %div3A_1570 : i32
    %broadcast_in_dim3A_1572 = vector.broadcast %div3A_1571 : i32 to vector<16xi32>
    %rem3A_1573 = arith.constant 254 : i32
    %rem3A_1574 = arith.constant 128 : i32
    %rem3A_1575 = arith.remsi %rem3A_1573, %rem3A_1574 : i32
    %broadcast_in_dim3A_1576 = vector.broadcast %rem3A_1575 : i32 to vector<16xi32>
    %broadcast_in_dim3A_1577 = arith.constant 1 : i32
    %broadcast_in_dim3A_1578 = vector.broadcast %broadcast_in_dim3A_1577 : i32 to vector<16xi32>
    %broadcast_in_dim3A_1579 = arith.constant 0 : i32
    %broadcast_in_dim3A_1580 = vector.broadcast %broadcast_in_dim3A_1579 : i32 to vector<16xi32>
    %gather3A_1581 = tpu.vector_load_idx %arg8[%broadcast_in_dim3A_1578, %broadcast_in_dim3A_1580, %shift_right_arithmetic3A_21, %and3A_44, %broadcast_in_dim3A_1568] : memref<6x2x8x8x128xf32, #tpu.memory_space<vmem>>[vector<16xi32>, vector<16xi32>, vector<16xi32>, vector<16xi32>, vector<16xi32>], vector<16xf32>,
    %add3A_1582 = arith.constant 0 : i32
    %add3A_1583 = vector.broadcast %add3A_1582 : i32 to vector<16xi32>
    %add3A_1584 = arith.addi %add3A_1583, %iota3A : vector<16xi32>
    %gather3A_1585 = tpu.vector_load_idx %arg9[%add3A_1584, %broadcast_in_dim3A_1572, %broadcast_in_dim3A_1576] : memref<64x2x128xf32, #tpu.memory_space<vmem>>[vector<16xi32>, vector<16xi32>, vector<16xi32>], vector<16xf32>,
    %add3A_1586 = arith.constant 0 : i32
    %add3A_1587 = vector.broadcast %add3A_1586 : i32 to vector<16xi32>
    %add3A_1588 = arith.addi %add3A_1587, %iota3A : vector<16xi32>
    %add3A_1589 = arith.addf %gather3A_1581, %gather3A_1585 : vector<16xf32>
    tpu.vector_store_idx %arg9[%add3A_1588, %broadcast_in_dim3A_1572, %broadcast_in_dim3A_1576], %add3A_1589 : memref<64x2x128xf32, #tpu.memory_space<vmem>>[vector<16xi32>, vector<16xi32>, vector<16xi32>], vector<16xf32>,
    %gather3A_1590 = tpu.vector_load_idx %arg8[%broadcast_in_dim3A_1578, %broadcast_in_dim3A_1580, %shift_right_arithmetic3A_27, %and3A_50, %broadcast_in_dim3A_1568] : memref<6x2x8x8x128xf32, #tpu.memory_space<vmem>>[vector<16xi32>, vector<16xi32>, vector<16xi32>, vector<16xi32>, vector<16xi32>], vector<16xf32>,
    %add3A_1591 = arith.constant 16 : i32
    %add3A_1592 = vector.broadcast %add3A_1591 : i32 to vector<16xi32>
    %add3A_1593 = arith.addi %add3A_1592, %iota3A : vector<16xi32>
    %gather3A_1594 = tpu.vector_load_idx %arg9[%add3A_1593, %broadcast_in_dim3A_1572, %broadcast_in_dim3A_1576] : memref<64x2x128xf32, #tpu.memory_space<vmem>>[vector<16xi32>, vector<16xi32>, vector<16xi32>], vector<16xf32>,
    %add3A_1595 = arith.constant 16 : i32
    %add3A_1596 = vector.broadcast %add3A_1595 : i32 to vector<16xi32>
    %add3A_1597 = arith.addi %add3A_1596, %iota3A : vector<16xi32>
    %add3A_1598 = arith.addf %gather3A_1590, %gather3A_1594 : vector<16xf32>
    tpu.vector_store_idx %arg9[%add3A_1597, %broadcast_in_dim3A_1572, %broadcast_in_dim3A_1576], %add3A_1598 : memref<64x2x128xf32, #tpu.memory_space<vmem>>[vector<16xi32>, vector<16xi32>, vector<16xi32>], vector<16xf32>,
    %gather3A_1599 = tpu.vector_load_idx %arg8[%broadcast_in_dim3A_1578, %broadcast_in_dim3A_1580, %shift_right_arithmetic3A_33, %and3A_56, %broadcast_in_dim3A_1568] : memref<6x2x8x8x128xf32, #tpu.memory_space<vmem>>[vector<16xi32>, vector<16xi32>, vector<16xi32>, vector<16xi32>, vector<16xi32>], vector<16xf32>,
    %add3A_1600 = arith.constant 32 : i32
    %add3A_1601 = vector.broadcast %add3A_1600 : i32 to vector<16xi32>
    %add3A_1602 = arith.addi %add3A_1601, %iota3A : vector<16xi32>
    %gather3A_1603 = tpu.vector_load_idx %arg9[%add3A_1602, %broadcast_in_dim3A_1572, %broadcast_in_dim3A_1576] : memref<64x2x128xf32, #tpu.memory_space<vmem>>[vector<16xi32>, vector<16xi32>, vector<16xi32>], vector<16xf32>,
    %add3A_1604 = arith.constant 32 : i32
    %add3A_1605 = vector.broadcast %add3A_1604 : i32 to vector<16xi32>
    %add3A_1606 = arith.addi %add3A_1605, %iota3A : vector<16xi32>
    %add3A_1607 = arith.addf %gather3A_1599, %gather3A_1603 : vector<16xf32>
    tpu.vector_store_idx %arg9[%add3A_1606, %broadcast_in_dim3A_1572, %broadcast_in_dim3A_1576], %add3A_1607 : memref<64x2x128xf32, #tpu.memory_space<vmem>>[vector<16xi32>, vector<16xi32>, vector<16xi32>], vector<16xf32>,
    %gather3A_1608 = tpu.vector_load_idx %arg8[%broadcast_in_dim3A_1578, %broadcast_in_dim3A_1580, %shift_right_arithmetic3A_39, %and3A_62, %broadcast_in_dim3A_1568] : memref<6x2x8x8x128xf32, #tpu.memory_space<vmem>>[vector<16xi32>, vector<16xi32>, vector<16xi32>, vector<16xi32>, vector<16xi32>], vector<16xf32>,
    %add3A_1609 = arith.constant 48 : i32
    %add3A_1610 = vector.broadcast %add3A_1609 : i32 to vector<16xi32>
    %add3A_1611 = arith.addi %add3A_1610, %iota3A : vector<16xi32>
    %gather3A_1612 = tpu.vector_load_idx %arg9[%add3A_1611, %broadcast_in_dim3A_1572, %broadcast_in_dim3A_1576] : memref<64x2x128xf32, #tpu.memory_space<vmem>>[vector<16xi32>, vector<16xi32>, vector<16xi32>], vector<16xf32>,
    %add3A_1613 = arith.constant 48 : i32
    %add3A_1614 = vector.broadcast %add3A_1613 : i32 to vector<16xi32>
    %add3A_1615 = arith.addi %add3A_1614, %iota3A : vector<16xi32>
    %add3A_1616 = arith.addf %gather3A_1608, %gather3A_1612 : vector<16xf32>
    tpu.vector_store_idx %arg9[%add3A_1615, %broadcast_in_dim3A_1572, %broadcast_in_dim3A_1576], %add3A_1616 : memref<64x2x128xf32, #tpu.memory_space<vmem>>[vector<16xi32>, vector<16xi32>, vector<16xi32>], vector<16xf32>,
    %get3A_1617 = arith.constant 255 : i32
    %get3A_1618 = arith.index_cast %get3A_1617 : i32 to index
    %get3A_1619 = memref.load %arg7[%get3A_1618] : memref<256xi32, #tpu.memory_space<smem>>
    %and3A_1620 = arith.constant 127 : i32
    %and3A_1621 = arith.andi %get3A_1619, %and3A_1620 : i32
    %broadcast_in_dim3A_1622 = vector.broadcast %and3A_1621 : i32 to vector<16xi32>
    %div3A_1623 = arith.constant 255 : i32
    %div3A_1624 = arith.constant 128 : i32
    %div3A_1625 = arith.divsi %div3A_1623, %div3A_1624 : i32
    %broadcast_in_dim3A_1626 = vector.broadcast %div3A_1625 : i32 to vector<16xi32>
    %rem3A_1627 = arith.constant 255 : i32
    %rem3A_1628 = arith.constant 128 : i32
    %rem3A_1629 = arith.remsi %rem3A_1627, %rem3A_1628 : i32
    %broadcast_in_dim3A_1630 = vector.broadcast %rem3A_1629 : i32 to vector<16xi32>
    %broadcast_in_dim3A_1631 = arith.constant 1 : i32
    %broadcast_in_dim3A_1632 = vector.broadcast %broadcast_in_dim3A_1631 : i32 to vector<16xi32>
    %broadcast_in_dim3A_1633 = arith.constant 1 : i32
    %broadcast_in_dim3A_1634 = vector.broadcast %broadcast_in_dim3A_1633 : i32 to vector<16xi32>
    %gather3A_1635 = tpu.vector_load_idx %arg8[%broadcast_in_dim3A_1632, %broadcast_in_dim3A_1634, %shift_right_arithmetic3A_21, %and3A_44, %broadcast_in_dim3A_1622] : memref<6x2x8x8x128xf32, #tpu.memory_space<vmem>>[vector<16xi32>, vector<16xi32>, vector<16xi32>, vector<16xi32>, vector<16xi32>], vector<16xf32>,
    %add3A_1636 = arith.constant 0 : i32
    %add3A_1637 = vector.broadcast %add3A_1636 : i32 to vector<16xi32>
    %add3A_1638 = arith.addi %add3A_1637, %iota3A : vector<16xi32>
    %gather3A_1639 = tpu.vector_load_idx %arg9[%add3A_1638, %broadcast_in_dim3A_1626, %broadcast_in_dim3A_1630] : memref<64x2x128xf32, #tpu.memory_space<vmem>>[vector<16xi32>, vector<16xi32>, vector<16xi32>], vector<16xf32>,
    %add3A_1640 = arith.constant 0 : i32
    %add3A_1641 = vector.broadcast %add3A_1640 : i32 to vector<16xi32>
    %add3A_1642 = arith.addi %add3A_1641, %iota3A : vector<16xi32>
    %add3A_1643 = arith.addf %gather3A_1635, %gather3A_1639 : vector<16xf32>
    tpu.vector_store_idx %arg9[%add3A_1642, %broadcast_in_dim3A_1626, %broadcast_in_dim3A_1630], %add3A_1643 : memref<64x2x128xf32, #tpu.memory_space<vmem>>[vector<16xi32>, vector<16xi32>, vector<16xi32>], vector<16xf32>,
    %gather3A_1644 = tpu.vector_load_idx %arg8[%broadcast_in_dim3A_1632, %broadcast_in_dim3A_1634, %shift_right_arithmetic3A_27, %and3A_50, %broadcast_in_dim3A_1622] : memref<6x2x8x8x128xf32, #tpu.memory_space<vmem>>[vector<16xi32>, vector<16xi32>, vector<16xi32>, vector<16xi32>, vector<16xi32>], vector<16xf32>,
    %add3A_1645 = arith.constant 16 : i32
    %add3A_1646 = vector.broadcast %add3A_1645 : i32 to vector<16xi32>
    %add3A_1647 = arith.addi %add3A_1646, %iota3A : vector<16xi32>
    %gather3A_1648 = tpu.vector_load_idx %arg9[%add3A_1647, %broadcast_in_dim3A_1626, %broadcast_in_dim3A_1630] : memref<64x2x128xf32, #tpu.memory_space<vmem>>[vector<16xi32>, vector<16xi32>, vector<16xi32>], vector<16xf32>,
    %add3A_1649 = arith.constant 16 : i32
    %add3A_1650 = vector.broadcast %add3A_1649 : i32 to vector<16xi32>
    %add3A_1651 = arith.addi %add3A_1650, %iota3A : vector<16xi32>
    %add3A_1652 = arith.addf %gather3A_1644, %gather3A_1648 : vector<16xf32>
    tpu.vector_store_idx %arg9[%add3A_1651, %broadcast_in_dim3A_1626, %broadcast_in_dim3A_1630], %add3A_1652 : memref<64x2x128xf32, #tpu.memory_space<vmem>>[vector<16xi32>, vector<16xi32>, vector<16xi32>], vector<16xf32>,
    %gather3A_1653 = tpu.vector_load_idx %arg8[%broadcast_in_dim3A_1632, %broadcast_in_dim3A_1634, %shift_right_arithmetic3A_33, %and3A_56, %broadcast_in_dim3A_1622] : memref<6x2x8x8x128xf32, #tpu.memory_space<vmem>>[vector<16xi32>, vector<16xi32>, vector<16xi32>, vector<16xi32>, vector<16xi32>], vector<16xf32>,
    %add3A_1654 = arith.constant 32 : i32
    %add3A_1655 = vector.broadcast %add3A_1654 : i32 to vector<16xi32>
    %add3A_1656 = arith.addi %add3A_1655, %iota3A : vector<16xi32>
    %gather3A_1657 = tpu.vector_load_idx %arg9[%add3A_1656, %broadcast_in_dim3A_1626, %broadcast_in_dim3A_1630] : memref<64x2x128xf32, #tpu.memory_space<vmem>>[vector<16xi32>, vector<16xi32>, vector<16xi32>], vector<16xf32>,
    %add3A_1658 = arith.constant 32 : i32
    %add3A_1659 = vector.broadcast %add3A_1658 : i32 to vector<16xi32>
    %add3A_1660 = arith.addi %add3A_1659, %iota3A : vector<16xi32>
    %add3A_1661 = arith.addf %gather3A_1653, %gather3A_1657 : vector<16xf32>
    tpu.vector_store_idx %arg9[%add3A_1660, %broadcast_in_dim3A_1626, %broadcast_in_dim3A_1630], %add3A_1661 : memref<64x2x128xf32, #tpu.memory_space<vmem>>[vector<16xi32>, vector<16xi32>, vector<16xi32>], vector<16xf32>,
    %gather3A_1662 = tpu.vector_load_idx %arg8[%broadcast_in_dim3A_1632, %broadcast_in_dim3A_1634, %shift_right_arithmetic3A_39, %and3A_62, %broadcast_in_dim3A_1622] : memref<6x2x8x8x128xf32, #tpu.memory_space<vmem>>[vector<16xi32>, vector<16xi32>, vector<16xi32>, vector<16xi32>, vector<16xi32>], vector<16xf32>,
    %add3A_1663 = arith.constant 48 : i32
    %add3A_1664 = vector.broadcast %add3A_1663 : i32 to vector<16xi32>
    %add3A_1665 = arith.addi %add3A_1664, %iota3A : vector<16xi32>
    %gather3A_1666 = tpu.vector_load_idx %arg9[%add3A_1665, %broadcast_in_dim3A_1626, %broadcast_in_dim3A_1630] : memref<64x2x128xf32, #tpu.memory_space<vmem>>[vector<16xi32>, vector<16xi32>, vector<16xi32>], vector<16xf32>,
    %add3A_1667 = arith.constant 48 : i32
    %add3A_1668 = vector.broadcast %add3A_1667 : i32 to vector<16xi32>
    %add3A_1669 = arith.addi %add3A_1668, %iota3A : vector<16xi32>
    %add3A_1670 = arith.addf %gather3A_1662, %gather3A_1666 : vector<16xf32>
    tpu.vector_store_idx %arg9[%add3A_1669, %broadcast_in_dim3A_1626, %broadcast_in_dim3A_1630], %add3A_1670 : memref<64x2x128xf32, #tpu.memory_space<vmem>>[vector<16xi32>, vector<16xi32>, vector<16xi32>], vector<16xf32>,
    "tpu.region"() ({
      %run_scoped3A = tpu.sem_alloc : memref<!tpu.dma_semaphore, #tpu.memory_space<semaphore_mem>>
      %dma_start3A_1671 = arith.constant 0 : i32
      %dma_start3A_1672 = arith.constant 0 : i32
      %dma_start3A_1673 = tpu.memref_slice %arg5[%div3A_3, %dma_start3A_1671, %div3A_6, %dma_start3A_1672] : memref<4x64x16x128xf32, #tpu.memory_space<hbm>> -> memref<1x64x2x128xf32, #tpu.memory_space<hbm>>
      %dma_start3A_1674 = tpu.memref_squeeze %dma_start3A_1673 : memref<1x64x2x128xf32, #tpu.memory_space<hbm>> -> memref<64x2x128xf32, #tpu.memory_space<hbm>>
      %dma_start3A_1675 = arith.constant 0 : i32
      %dma_start3A_1676 = arith.constant 0 : i32
      %dma_start3A_1677 = tpu.memref_slice %arg5[%div3A_3, %dma_start3A_1675, %div3A_6, %dma_start3A_1676] : memref<4x64x16x128xf32, #tpu.memory_space<hbm>> -> memref<1x64x2x128xf32, #tpu.memory_space<hbm>>
      %dma_start3A_1678 = tpu.memref_squeeze %dma_start3A_1677 : memref<1x64x2x128xf32, #tpu.memory_space<hbm>> -> memref<64x2x128xf32, #tpu.memory_space<hbm>>
      tpu.enqueue_dma source(%arg9 : memref<64x2x128xf32, #tpu.memory_space<vmem>>) target(%dma_start3A_1678 : memref<64x2x128xf32, #tpu.memory_space<hbm>>) target_semaphore(%run_scoped3A : memref<!tpu.dma_semaphore, #tpu.memory_space<semaphore_mem>>)
      %dma_wait3A_1679 = arith.constant 0 : i32
      %dma_wait3A_1680 = arith.constant 0 : i32
      %dma_wait3A_1681 = tpu.memref_slice %arg5[%div3A_3, %dma_wait3A_1679, %div3A_6, %dma_wait3A_1680] : memref<4x64x16x128xf32, #tpu.memory_space<hbm>> -> memref<1x64x2x128xf32, #tpu.memory_space<hbm>>
      %dma_wait3A_1682 = tpu.memref_squeeze %dma_wait3A_1681 : memref<1x64x2x128xf32, #tpu.memory_space<hbm>> -> memref<64x2x128xf32, #tpu.memory_space<hbm>>
      %dma_wait3A_1683 = arith.constant 0 : i32
      %dma_wait3A_1684 = arith.constant 0 : i32
      %dma_wait3A_1685 = tpu.memref_slice %arg5[%div3A_3, %dma_wait3A_1683, %div3A_6, %dma_wait3A_1684] : memref<4x64x16x128xf32, #tpu.memory_space<hbm>> -> memref<1x64x2x128xf32, #tpu.memory_space<hbm>>
      %dma_wait3A_1686 = tpu.memref_squeeze %dma_wait3A_1685 : memref<1x64x2x128xf32, #tpu.memory_space<hbm>> -> memref<64x2x128xf32, #tpu.memory_space<hbm>>
      tpu.wait_dma2 semaphore(%run_scoped3A : memref<!tpu.dma_semaphore, #tpu.memory_space<semaphore_mem>>) src(%arg9 : memref<64x2x128xf32, #tpu.memory_space<vmem>>) dst(%dma_wait3A_1686 : memref<64x2x128xf32, #tpu.memory_space<hbm>>)
      tpu.yield
    }) : () -> ()
    return
  }
}

</mosaic_0001>

<sc_bundles>
// kernel: kernel.3.cloned.1.call-start
scs
__scs_entry_jumppad:
0x0: {  	(pc) =	sbr.rel $0x88, $3  }
0x1: {  	(tag) =	ssettag $0x0;
	lr =	simm.s32 $0x1  }
0x2: {  	[smem:$0x3F9F] =	sst lr;
	_ =	strace $0xD0000000  }
0x3: {  	_ = 	snop  }
0x4: {  	_ = 	snop  }
0x5: {  	_ = 	snop  }
0x6: {  	_ = 	snop  }
0x7: {  	_ = 	snop  }
__scs_overlays_trampoline_lowered:
0x8: {  	[smem:$0x3FAE] =	sst s0  }
0x9: {  	[smem:$0x3FAF] =	sst s1  }
0xa: {  	[smem:$0x3FB0] =	sst s2  }
0xb: {  	[smem:$0x3FB1] =	sst s3  }
0xc: {  	[smem:$0x3FB2] =	sst s4  }
0xd: {  	[smem:$0x3FB3] =	sst s5  }
0xe: {  	[smem:$0x3FB4] =	sst s6  }
0xf: {  	[smem:$0x3FB5] =	sst s7  }
0x10: {  	[smem:$0x3FB6] =	sst s8  }
0x11: {  	[smem:$0x3FB7] =	sst s9;
	s0 =	simm.s32 @!p0 $0x0  }
0x12: {  	s1 =	sld [smem:$0x3F9D];
	s0 =	simm.s32 @p0 $0x1  }
0x13: {  	[smem:$0x3FB8] =	sst s0;
	s0 =	simm.s32 @!p1 $0x0  }
0x14: {  	s2 =	sld [smem:$0x3F9C];
	s0 =	simm.s32 @p1 $0x1  }
0x15: {  	[smem:$0x3FB9] =	sst s0;
	s0 =	simm.s32 @!p2 $0x0  }
0x16: {  	s3 =	sld [smem:$0x3FDB];
	s0 =	simm.s32 @p2 $0x1  }
0x17: {  	s4 =	simm.s32 $0x1BF5;
	[smem:$0x3FBB] =	sst s0  }
0x18: {  	s0 =	sld [smem:$0x3F9E];
	_ =	swait.ge [sflag:s4], $0x0  }
0x19: {  	s7 =	sld [smem:$0x3F9F]  }
0x1a: {  	s8 =	sadd.s32 $0xFFFFE003, lr  }
0x1b: {  	s9 =	sadd.s32 $0xFFFFFEF7, lr;
	s5 =	simm.s32 $0xFFFFFFFF;
	p2 =	slt.u32 s8, $0xFFFFF086  }
0x1c: {  	p1 =	slt.u32 s9, $0xF7A;
	s5 =	simm.s32 @!p2 $0x0  }
0x1d: {  	s5 =	simm.s32 @p1 $0x1;
	p0 =	seq.s32 s7, s2  }
0x1e: {  	s7 =	smul.u32 @!p0 $0xF7A, s2;
	p2 =	seq.s32 @!p0 s5, $0x0  }
0x1f: {  	s9 =	smul.u32 $0xF7A, s1;
	s8 =	simm.s32 @!p0 $0x1BF5;
	p2 =	por !p2, p0  }
0x20: {  	[sflag:s8] =	ssyncset.s32 @!p0 $0xFFFFF086;
	s6 =	sadd.s32 @!p0 s3, s7;
	s7 =	simm.s32 @!p0 $0x108  }
0x21: {  	s3 =	sadd.s32 s3, s9;
	s6 =	sadd.s32 @!p0 $0x88, s6;
	s7 =	simm.s32 @p2 $0x1082  }
0x22: {  	[simem:s7], [sflag:s8] =	dma.local @!p0 [hbm:s6], $0xF7A  }
0x23: {  	s9 =	sor.u32 $0xD0000000, s2;
	s6 =	simm.s32 $0x108;
	_ =	swait.ge @!p0 [sflag:s8], $0x0  }
0x24: {  	s3 =	sadd.s32 $0x88, s3;
	s6 =	simm.s32 @!p1 $0x1082;
	[sflag:s4] =	ssyncset.s32 $0xFFFFF086  }
0x25: {  	[simem:s6], [sflag:s4] =	dma.local [hbm:s3], $0xF7A  }
0x26: {  	[smem:$0x3F9F] =	sst s1;
	(tag) =	ssettag s2;
	_ =	strace s9  }
0x27: {  	s1 =	sld [smem:$0x3FAF]  }
0x28: {  	s2 =	sld [smem:$0x3FB0]  }
0x29: {  	s4 =	sld [smem:$0x3FB2]  }
0x2a: {  	p0 =	seq.s32 s5, $0x0;
	s5 =	sld [smem:$0x3FB3]  }
0x2b: {  	s6 =	sld [smem:$0x3FB4]  }
0x2c: {  	s7 =	sld [smem:$0x3FB5]  }
0x2d: {  	s3 =	simm.s32 $0x108;
	s8 =	sld [smem:$0x3FB6]  }
0x2e: {  	s3 =	simm.s32 @!p0 $0x1082;
	s9 =	sld [smem:$0x3FB7]  }
0x2f: {  	lr =	sadd.s32 s0, s3;
	s0 =	sld [smem:$0x3FAE]  }
0x30: {  	s3 =	sld [smem:$0x3FB1]  }
0x31: {  	[smem:$0x3FBA] =	sst s10  }
0x32: {  	s10 =	sld [smem:$0x3FB8];
	_ =	sdelay $0x3  }
0x33: {  	p0 =	seq.s32 s10, $0x1;
	s10 =	sld [smem:$0x3FBA];
	_ =	sdelay $0x3  }
0x34: {  	[smem:$0x3FBA] =	sst s10  }
0x35: {  	s10 =	sld [smem:$0x3FB9];
	_ =	sdelay $0x3  }
0x36: {  	p1 =	seq.s32 s10, $0x1;
	s10 =	sld [smem:$0x3FBA];
	_ =	sdelay $0x3  }
0x37: {  	[smem:$0x3FBA] =	sst s10  }
0x38: {  	s10 =	sld [smem:$0x3FBB]  }
0x39: {  	_ = 	snop;
	(pc) =	sbr.ind lr, $3  }
0x3a: {  	_ = 	snop  }
0x3b: {  	_ = 	snop  }
0x3c: {  	p2 =	seq.s32 s10, $0x1;
	s10 =	sld [smem:$0x3FBA]  }
0x3d: {  	_ =	shalt  }
0x3e: {  	_ =	shalt  }
0x3f: {  	_ =	shalt  }
0x40: {  	_ =	shalt  }
0x41: {  	_ =	shalt  }
0x42: {  	_ =	shalt  }
0x43: {  	_ =	shalt  }
0x44: {  	_ =	shalt  }
0x45: {  	_ =	shalt  }
0x46: {  	_ =	shalt  }
0x47: {  	_ =	shalt  }
0x48: {  	_ =	shalt  }
0x49: {  	_ =	shalt  }
0x4a: {  	_ =	shalt  }
0x4b: {  	_ =	shalt  }
0x4c: {  	_ =	shalt  }
0x4d: {  	_ =	shalt  }
0x4e: {  	_ =	shalt  }
0x4f: {  	_ =	shalt  }
0x50: {  	_ =	shalt  }
0x51: {  	_ =	shalt  }
0x52: {  	_ =	shalt  }
0x53: {  	_ =	shalt  }
0x54: {  	_ =	shalt  }
0x55: {  	_ =	shalt  }
0x56: {  	_ =	shalt  }
0x57: {  	_ =	shalt  }
0x58: {  	_ =	shalt  }
0x59: {  	_ =	shalt  }
0x5a: {  	_ =	shalt  }
0x5b: {  	_ =	shalt  }
0x5c: {  	_ =	shalt  }
0x5d: {  	_ =	shalt  }
0x5e: {  	_ =	shalt  }
0x5f: {  	_ =	shalt  }
0x60: {  	_ =	shalt  }
0x61: {  	_ =	shalt  }
0x62: {  	_ =	shalt  }
0x63: {  	_ =	shalt  }
0x64: {  	_ =	shalt  }
0x65: {  	_ =	shalt  }
0x66: {  	_ =	shalt  }
0x67: {  	_ =	shalt  }
0x68: {  	_ =	shalt  }
0x69: {  	_ =	shalt  }
0x6a: {  	_ =	shalt  }
0x6b: {  	_ =	shalt  }
0x6c: {  	_ =	shalt  }
0x6d: {  	_ =	shalt  }
0x6e: {  	_ =	shalt  }
0x6f: {  	_ =	shalt  }
0x70: {  	_ =	shalt  }
0x71: {  	_ =	shalt  }
0x72: {  	_ =	shalt  }
0x73: {  	_ =	shalt  }
0x74: {  	_ =	shalt  }
0x75: {  	_ =	shalt  }
0x76: {  	_ =	shalt  }
0x77: {  	_ =	shalt  }
0x78: {  	_ =	shalt  }
0x79: {  	_ =	shalt  }
0x7a: {  	_ =	shalt  }
0x7b: {  	_ =	shalt  }
0x7c: {  	_ =	shalt  }
0x7d: {  	_ =	shalt  }
0x7e: {  	_ =	shalt  }
0x7f: {  	_ =	shalt  }
0x80: {  	_ =	shalt  }
0x81: {  	_ =	shalt  }
0x82: {  	_ =	shalt  }
0x83: {  	_ =	shalt  }
0x84: {  	_ =	shalt  }
0x85: {  	_ =	shalt  }
0x86: {  	_ =	shalt  }
0x87: {  	_ =	shalt  }
.Lfunc_end0:
.L_simem_size_0:
called_computation_lowered:
.L_overlay_start_0:
0x88: {  	s2 =	sld [smem:$0x3FD9]  }
0x89: {  	s3 =	sld [smem:$0x3FFE];
	_ =	sdelay $0x1  }
0x8a: {  	s1 =	srdreg.scid  }
0x8b: {  	s0 =	sand.u32 $0x1, s1  }
0x8c: {  	s17 =	sshll.u32 s0, $0xA;
	s2 =	sadd.s32 s3, s2  }
0x8d: {  	s2 =	sadd.s32 s2, s17  }
0x8e: {  	[smem:$0x3FC6] =	sst s2  }
0x8f: {  	_ = 	snop  }
0x90: {  	s2 =	sld [smem:$0x3FC8]  }
0x91: {  	s18 =	sld [smem:$0x3FD0];
	(tm) =	ssettm $0x1  }
0x92: {  	s4 =	sld [smem:$0x3FFB];
	_ =	sdelay $0x3  }
0x93: {  	_ =	strace s4  }
0x94: {  	s4 =	sld [smem:$0x3FFC];
	_ =	sdelay $0x3  }
0x95: {  	_ =	strace s4  }
0x96: {  	s4 =	sld [smem:$0x3FFD];
	_ =	sdelay $0x3  }
0x97: {  	_ =	strace s4  }
0x98: {  	_ =	strace $0x8FFFFFFF  }
0x99: {  	s19 =	sld [smem:$0x3FDB];
	_ =	sdelay $0x1  }
0x9a: {  	s5 =	simm.s32 $_scs_section_size  }
0x9b: {  	s6 =	simm.s32 $_size__tile_overlayer_lowered;
	s7 =	simm.s32 $_tile_overlayer_lowered  }
0x9c: {  	s22 =	simm.s32 $0x1BFF;
	s21 =	sshll.u32 s7, $0x1;
	s4 =	sadd.s32 s5, s19  }
0x9d: {  	s8 =	simm.s32 $0x0;
	s20 =	sshll.u32 s6, $0x1;
	s6 =	sadd.s32 s21, s4  }
0x9e: {  	[timem:s8], [sflag:s22] =	dma.local [hbm:s6], s20  }
0x9f: {  	_ =	swait.ge [sflag:s22], s20  }
0xa0: {  	s5 =	ssub.s32 $0x0, s20;
	[sflag:s22] =	ssyncset.done $0x0  }
0xa1: {  	[sflag:s22] =	ssyncadd.s32 s5;
	_ =	sdelay $0x1  }
0xa2: {  	s23 =	simm.s32 $0x1B8B  }
0xa3: {  	_ =	swait.ge [sflag:s23], $0x1  }
0xa4: {  	[sflag:s23] =	ssyncset.done $0x0  }
0xa5: {  	s25 =	simm.s32 $0x1B8E;
	s24 =	sld [smem:$0x3FFE];
	[sflag:s23] =	ssyncadd.s32 $0xFFFFFFFF  }
0xa6: {  	s26 =	simm.s32 $execute0_lowered;
	[smem:$0x3FD2] =	sst s25  }
0xa7: {  	s6 =	sshll.u32 s26, $0x1;
	_ =	strace $0x80000046;
	[dreg:$0x1] =	wrdreg $0xFFFFFFFF  }
0xa8: {  	s28 =	simm.s32 $_size_execute0_lowered;
	s4 =	sadd.s32 s4, s6;
	[dreg:$0x0] =	wrdreg $0x0  }
0xa9: {  	s6 =	sshll.u32 s28, $0x1;
	[dreg:$0x2] =	wrdreg s4  }
0xaa: {  	[dreg:$0x3] =	wrdreg s6  }
0xab: {  	[dreg:$0x4] =	wrdreg $0xC0  }
0xac: {  	_ =	task [dreg:s8], $0x5FFFF  }
0xad: {  	[dreg:$0x1] =	wrdreg $0xFFFFFFFF  }
0xae: {  	[dreg:$0x0] =	wrdreg $0x60  }
0xaf: {  	[dreg:$0x2] =	wrdreg s24  }
0xb0: {  	[dreg:$0x3] =	wrdreg s18  }
0xb1: {  	[dreg:$0x4] =	wrdreg s2  }
0xb2: {  	[dreg:$0x5] =	wrdreg $0x9  }
0xb3: {  	_ =	task.clear_ibuf [dreg:s8], $0x6FFFF;
	_ =	strace $0x90000046  }
0xb4: {  	s29 =	simm.s32 $0x9;
	_ =	strace $0x80000048  }
0xb5: {  	_ =	swait.ge [sflag:s29], $0x1  }
0xb6: {  	[sflag:s29] =	ssyncadd.s32 $0xFFFFFFFF  }
0xb7: {  	_ =	strace $0x90000048  }
0xb8: {  	_ =	sfence  }
0xb9: {  	s30 =	sld [smem:$0x0];
	_ =	sdelay $0x2  }
0xba: {  	s31 =	sshll.u32 s1, $0xD;
	s1 =	sshrl.u32 s1, $0x2  }
0xbb: {  	s3 =	sand.u32 $0x4000, s31;
	s1 =	sadd.s32 s1, s30  }
0xbc: {  	s0 =	sor.u32 s3, s0;
	s1 =	sshll.u32 s1, $0x11  }
0xbd: {  	s0 =	sor.u32 s1, s0  }
0xbe: {  	s0 =	sadd.s32 $0x8F2B, s0  }
0xbf: {  	[sflag:s0] =	ssyncadd.remote.s32 $0x1  }
0xc0: {  	_ =	sfence.sel $0xFFFF  }
0xc1: {  	[dreg:$0x0] =	wrdreg $0xFFFFFFFF;
	(pc) =	sbr.abs _section_cstart, $3  }
0xc2: {  	[dreg:$0x1] =	wrdreg $0xFFFFFFFF  }
0xc3: {  	_ =	task.clear_ibuf [dreg:s8], $0x2FFFF;
	_ =	strace $0x9FFFFFFF  }
0xc4: {  	(tm) =	ssettm $0x7FFFFFFF  }
0xc5: {  	_ =	shalt  }
tec
execute0_lowered:
.L_overlay_start_1:
0x0: {  	(tag) =	ssettag $0x1  }
0x1: {  	v1 =	vlaneseq.u32;
	s0 =	rddreg [dreg:$0x0]  }
0x2: {  	s1 =	rddreg [dreg:$0x1];
	v0 =	vmul.u32 $0x80, v1;
	v1 =	vmul.u32 $0x100, v1  }
0x3: {  	s3 =	srdreg.scid;
	s2 =	rddreg [dreg:$0x2]  }
0x4: {  	s6 =	stileid.u32;
	s7 =	simm.s32 $0x0;
	s10 =	simm.s32 $0x18100;
	v2 =	vor.u32 $0x800, v0;
	v3 =	vor.u32 $0x1000, v1  }
0x5: {  	s8 =	simm.s32 $0x100;
	s11 =	simm.s32 $0x400;
	s13 =	simm.s32 $0x7A1400;
	v4 =	vor.u32 $0x1000, v0;
	v5 =	vor.u32 $0x2000, v1;
	v6 =	vor.u32 $0x1800, v0  }
0x6: {  	s12 =	simm.s32 $0x8;
	s14 =	simm.s32 $0x2100;
	s15 =	simm.s32 $0x4100;
	v7 =	vor.u32 $0x3000, v1;
	v8 =	vor.u32 $0x2000, v0;
	v9 =	vor.u32 $0x2800, v0  }
0x7: {  	s16 =	simm.s32 $0x6100;
	s17 =	simm.s32 $0x8100;
	s18 =	simm.s32 $0xA100;
	v10 =	vor.u32 $0x3000, v0;
	v11 =	vor.u32 $0x3800, v0;
	v12 =	vor.u32 $0x4000, v0  }
0x8: {  	s19 =	simm.s32 $0xC100;
	s20 =	simm.s32 $0xE100;
	s21 =	simm.s32 $0x10100;
	v13 =	vor.u32 $0x4800, v0;
	v14 =	vor.u32 $0x5000, v0;
	v15 =	vor.u32 $0x5800, v0  }
0x9: {  	s28 =	simm.s32 $0x2;
	s29 =	simm.s32 $0x3;
	s30 =	simm.s32 $0x4;
	v16 =	vor.u32 $0x6000, v0;
	v17 =	vor.u32 $0x6800, v0;
	v18 =	vor.u32 $0x7000, v0  }
0xa: {  	s31 =	simm.s32 $0x5;
	s3 =	sand.u32 $0x1, s3;
	s4 =	sshll.u32 s6, $0x9;
	v19 =	vor.u32 $0x7800, v0;
	v20 =	vor.u32 $0x8000, v0;
	v21 =	vor.u32 $0x8800, v0  }
0xb: {  	s22 =	sshll.u32 s6, $0xF;
	[smem:$0x7FF] =	sst s7;
	s5 =	sshll.u32 s3, $0x8;
	v22 =	vor.u32 $0x9000, v0;
	v23 =	vor.u32 $0x9800, v0;
	v24 =	vor.u32 $0xA000, v0  }
0xc: {  	_ =	strace $0x80000047;
	s3 =	ssub.s32 $0x2, s3;
	s4 =	sor.u32 s5, s4;
	v25 =	vor.u32 $0xA800, v0;
	v26 =	vor.u32 $0xB000, v0;
	v27 =	vor.u32 $0xB800, v0  }
0xd: {  	s24 =	sshrl.u32 s3, $0x1;
	v28 =	vor.u32 $0xC000, v0;
	v29 =	vor.u32 $0xC800, v0;
	v30 =	vor.u32 $0xD000, v0;
	s5 =	sor.u32 s22, s4;
	s4 =	sshrl.u32 s4, $0x3  }
0xe: {  	v31 =	vor.u32 $0xD800, v0;
	v32 =	vor.u32 $0xE000, v0;
	v33 =	vor.u32 $0xE800, v0;
	s3 =	ssub.s32 s3, s24;
	s22 =	simm.s32 $0x12100;
	s24 =	simm.s32 $0x14100  }
0xf: {  	v34 =	vor.u32 $0xF000, v0;
	v35 =	vor.u32 $0xF800, v0;
	v36 =	vor.u32 $0x10000, v0;
	s5 =	sand.u32 $0x60700, s5;
	s23 =	sadd.s32 s4, s0;
	s4 =	sand.u32 $0xE0, s4  }
0x10: {  	v37 =	vor.u32 $0x10800, v0;
	v38 =	vor.u32 $0x11000, v0;
	v39 =	vor.u32 $0x11800, v0;
	s26 =	smax.u32 s3, $0x1;
	s5 =	sshrl.u32 s5, $0x3;
	s1 =	sadd.s32 s1, s4  }
0x11: {  	v40 =	vor.u32 $0x12000, v0;
	v41 =	vor.u32 $0x12800, v0;
	v42 =	vor.u32 $0x13000, v0;
	s25 =	sadd.s32 $0x400, s23;
	[dreg:$0x7] =	wrdreg s26;
	s4 =	simm.s32 $0x800  }
0x12: {  	v43 =	vor.u32 $0x13800, v0;
	v44 =	vor.u32 $0x14000, v0;
	v45 =	vor.u32 $0x14800, v0;
	s26 =	simm.s32 $0x1;
	s0 =	sadd.s32 s5, s0;
	[dreg:$0x4] =	wrdreg s1  }
0x13: {  	v46 =	vor.u32 $0x15000, v0;
	v47 =	vor.u32 $0x15800, v0;
	v48 =	vor.u32 $0x16000, v0;
	[dreg:$0x5] =	wrdreg s25;
	s25 =	simm.s32 $0x16100;
	s0 =	sadd.s32 $0x800, s0  }
0x14: {  	v49 =	vor.u32 $0x16800, v0;
	v50 =	vor.u32 $0x17000, v0;
	v51 =	vor.u32 $0x17800, v0;
	s1 =	simm.s32 $0x6;
	[dreg:$0x6] =	wrdreg s0;
	s0 =	simm.s32 $0x0  }
.LBB2_1:
0x15: {  	s3 =	rddreg [dreg:$0x4]  }
0x16: {  	[tilespmem:s10], [sflag:$0x7] =	stream.strided.gather [hbm4b:s3+s8], $0x4000, s4, s8, $0x38;
	[tilespmem:$0x1C100] =	vst v63  }
0x17: {  	s7 =	simm.s32 $0x0;
	s9 =	rddreg [dreg:$0x5]  }
0x18: {  	[tilespmem:s7], [sflag:$0x8] =	stream.linear.gather [hbm4b:s9+s7], $0x100, $0x38;
	[tilespmem:$0x1C100] =	vst v63  }
0x19: {  	_ =	swait.ge [sflag:s12], $0x100  }
0x1a: {  	[sflag:s12] =	ssyncset.done $0x0  }
0x1b: {  	s4 =	simm.s32 $0x0;
	[sflag:s12] =	ssyncadd.s32 $0xFFFFFF00  }
0x1c: {  	v53 =	vld [tilespmem:s4+$0x0];
	_ =	sdelay $0x4  }
0x1d: {  	(v2sf) =	vpush v53, $0x0  }
0x1e: {  	(v2sf) =	vpush v53, $0x1;
	_ =	sdelay $0x1  }
0x1f: {  	(v2sf) =	vpush v53, $0x2  }
0x20: {  	(v2sf) =	vpush v53, $0x3  }
0x21: {  	(v2sf) =	vpush v53, $0x4  }
0x22: {  	(v2sf) =	vpush v53, $0x5  }
0x23: {  	(v2sf) =	vpush v53, $0x6  }
0x24: {  	(v2sf) =	vpush v53, $0x7  }
0x25: {  	(v2sf) =	vpush v53, $0x8  }
0x26: {  	(v2sf) =	vpush v53, $0x9  }
0x27: {  	s3 =	simm.s32 $0x10;
	(v2sf) =	vpush v53, $0xA  }
0x28: {  	v52 =	vld [tilespmem:s3+$0x0];
	(v2sf) =	vpush v53, $0xB  }
0x29: {  	(v2sf) =	vpush v53, $0xC  }
0x2a: {  	(v2sf) =	vpush v53, $0xD  }
0x2b: {  	(v2sf) =	vpush v53, $0xE;
	s5 =	spop (v2sf)  }
0x2c: {  	(v2sf) =	vpush v53, $0xF;
	[smem:s4] =	sst s5;
	s23 =	spop (v2sf)  }
0x2d: {  	(v2sf) =	vpush v52, $0x0;
	[smem:$0x1] =	sst s23  }
0x2e: {  	s5 =	spop (v2sf)  }
0x2f: {  	(v2sf) =	vpush v52, $0x1;
	[smem:$0x2] =	sst s5  }
0x30: {  	s5 =	spop (v2sf)  }
0x31: {  	(v2sf) =	vpush v52, $0x2;
	[smem:$0x3] =	sst s5  }
0x32: {  	s5 =	spop (v2sf)  }
0x33: {  	(v2sf) =	vpush v52, $0x3;
	[smem:$0x4] =	sst s5  }
0x34: {  	s5 =	spop (v2sf)  }
0x35: {  	(v2sf) =	vpush v52, $0x4;
	[smem:$0x5] =	sst s5  }
0x36: {  	s5 =	spop (v2sf)  }
0x37: {  	(v2sf) =	vpush v52, $0x5;
	[smem:$0x6] =	sst s5  }
0x38: {  	s5 =	spop (v2sf)  }
0x39: {  	(v2sf) =	vpush v52, $0x6;
	[smem:$0x7] =	sst s5  }
0x3a: {  	s5 =	spop (v2sf)  }
0x3b: {  	(v2sf) =	vpush v52, $0x7;
	[smem:$0x8] =	sst s5  }
0x3c: {  	s5 =	spop (v2sf)  }
0x3d: {  	(v2sf) =	vpush v52, $0x8;
	[smem:$0x9] =	sst s5  }
0x3e: {  	s5 =	spop (v2sf)  }
0x3f: {  	(v2sf) =	vpush v52, $0x9;
	[smem:$0xA] =	sst s5  }
0x40: {  	s5 =	spop (v2sf)  }
0x41: {  	(v2sf) =	vpush v52, $0xA;
	[smem:$0xB] =	sst s5  }
0x42: {  	s6 =	spop (v2sf)  }
0x43: {  	(v2sf) =	vpush v52, $0xB;
	[smem:$0xC] =	sst s6  }
0x44: {  	s5 =	simm.s32 $0x20;
	s6 =	spop (v2sf)  }
0x45: {  	v53 =	vld [tilespmem:s5+$0x0];
	(v2sf) =	vpush v52, $0xC;
	[smem:$0xD] =	sst s6  }
0x46: {  	s6 =	spop (v2sf)  }
0x47: {  	(v2sf) =	vpush v52, $0xD;
	[smem:$0xE] =	sst s6  }
0x48: {  	s6 =	simm.s32 $0xC0;
	s7 =	spop (v2sf)  }
.LBB2_2:
0x49: {  	p0 =	sne.s32 s6, $0x3C0;
	[smem:s4+$0xF] =	sst s7;
	s7 =	smov.u32 s6  }
0x4a: {  	(v2sf) =	vpush v52, $0xE;
	s6 =	sadd.s32 $0x40, s6;
	s4 =	smov.u32 s3;
	s3 =	smov.u32 s5  }
0x4b: {  	s5 =	spop (v2sf);
	(v2sf) =	vpush v52, $0xF  }
0x4c: {  	[smem:s4] =	sst s5;
	s5 =	spop (v2sf)  }
0x4d: {  	(v2sf) =	vpush v53, $0x0;
	[smem:s4+$0x1] =	sst s5;
	s5 =	spop (v2sf);
	v52 =	vmov v53  }
0x4e: {  	(v2sf) =	vpush v52, $0x1;
	[smem:s4+$0x2] =	sst s5;
	s5 =	spop (v2sf)  }
0x4f: {  	(v2sf) =	vpush v52, $0x2;
	[smem:s4+$0x3] =	sst s5;
	s5 =	spop (v2sf)  }
0x50: {  	(v2sf) =	vpush v52, $0x3;
	[smem:s4+$0x4] =	sst s5;
	s5 =	spop (v2sf)  }
0x51: {  	(v2sf) =	vpush v52, $0x4;
	[smem:s4+$0x5] =	sst s5;
	s5 =	spop (v2sf)  }
0x52: {  	(v2sf) =	vpush v52, $0x5;
	[smem:s4+$0x6] =	sst s5;
	s5 =	spop (v2sf)  }
0x53: {  	(v2sf) =	vpush v52, $0x6;
	[smem:s4+$0x7] =	sst s5;
	s5 =	spop (v2sf)  }
0x54: {  	(v2sf) =	vpush v52, $0x7;
	[smem:s4+$0x8] =	sst s5;
	s5 =	spop (v2sf)  }
0x55: {  	(v2sf) =	vpush v52, $0x8;
	[smem:s4+$0x9] =	sst s5;
	s5 =	spop (v2sf)  }
0x56: {  	[smem:s4+$0xA] =	sst s5  }
.Ltmp0:
0x57: {  	(v2sf) =	vpush v52, $0x9;
	s5 =	spop (v2sf);
	(pc) =	sbr.rel @p0 .LBB2_2-.Ltmp0, $4  }
0x58: {  	(v2sf) =	vpush v52, $0xA;
	[smem:s4+$0xB] =	sst s5;
	s9 =	spop (v2sf)  }
0x59: {  	s5 =	sshra.s32 s7, $0x2;
	(v2sf) =	vpush v52, $0xB;
	[smem:s4+$0xC] =	sst s9;
	s7 =	spop (v2sf)  }
0x5a: {  	v53 =	vld [tilespmem:s5+$0x0];
	(v2sf) =	vpush v52, $0xC;
	[smem:s4+$0xD] =	sst s7;
	s7 =	spop (v2sf)  }
0x5b: {  	(v2sf) =	vpush v52, $0xD;
	[smem:s4+$0xE] =	sst s7;
	s7 =	spop (v2sf)  }
0x5c: {  	_ = 	snop  }
0x5d: {  	(v2sf) =	vpush v52, $0xE  }
0x5e: {  	[smem:s4+$0xF] =	sst s7;
	s23 =	spop (v2sf);
	(v2sf) =	vpush v52, $0xF  }
0x5f: {  	[smem:s3] =	sst s23;
	s6 =	spop (v2sf);
	(v2sf) =	vpush v53, $0x0  }
0x60: {  	[smem:s3+$0x1] =	sst s6;
	s7 =	spop (v2sf);
	(v2sf) =	vpush v53, $0x1  }
0x61: {  	[smem:s3+$0x2] =	sst s7;
	s9 =	spop (v2sf);
	(v2sf) =	vpush v53, $0x2  }
0x62: {  	[smem:s3+$0x3] =	sst s9;
	s23 =	spop (v2sf);
	(v2sf) =	vpush v53, $0x3  }
0x63: {  	[smem:s3+$0x4] =	sst s23;
	s6 =	spop (v2sf);
	(v2sf) =	vpush v53, $0x4  }
0x64: {  	[smem:s3+$0x5] =	sst s6;
	s7 =	spop (v2sf);
	(v2sf) =	vpush v53, $0x5  }
0x65: {  	[smem:s3+$0x6] =	sst s7;
	s9 =	spop (v2sf);
	(v2sf) =	vpush v53, $0x6  }
0x66: {  	[smem:s3+$0x7] =	sst s9;
	s23 =	spop (v2sf);
	(v2sf) =	vpush v53, $0x7  }
0x67: {  	[smem:s3+$0x8] =	sst s23;
	s6 =	spop (v2sf);
	(v2sf) =	vpush v53, $0x8  }
0x68: {  	[smem:s3+$0x9] =	sst s6;
	s7 =	spop (v2sf);
	(v2sf) =	vpush v53, $0x9  }
0x69: {  	[smem:s3+$0xA] =	sst s7;
	s9 =	spop (v2sf);
	(v2sf) =	vpush v53, $0xA  }
0x6a: {  	[smem:s3+$0xB] =	sst s9;
	s23 =	spop (v2sf);
	(v2sf) =	vpush v53, $0xB  }
0x6b: {  	[smem:s3+$0xC] =	sst s23;
	s6 =	spop (v2sf);
	(v2sf) =	vpush v53, $0xC  }
0x6c: {  	[smem:s3+$0xD] =	sst s6;
	s7 =	spop (v2sf);
	(v2sf) =	vpush v53, $0xD  }
0x6d: {  	[smem:s3+$0xE] =	sst s7;
	s9 =	spop (v2sf);
	(v2sf) =	vpush v53, $0xE  }
0x6e: {  	[smem:s3+$0xF] =	sst s9;
	s23 =	spop (v2sf);
	(v2sf) =	vpush v53, $0xF  }
0x6f: {  	[smem:s5] =	sst s23;
	s4 =	spop (v2sf)  }
0x70: {  	[smem:s5+$0x1] =	sst s4;
	s6 =	spop (v2sf)  }
0x71: {  	[smem:s5+$0x2] =	sst s6;
	s7 =	spop (v2sf)  }
0x72: {  	[smem:s5+$0x3] =	sst s7;
	s9 =	spop (v2sf)  }
0x73: {  	[smem:s5+$0x4] =	sst s9;
	s23 =	spop (v2sf)  }
0x74: {  	[smem:s5+$0x5] =	sst s23;
	s4 =	spop (v2sf)  }
0x75: {  	[smem:s5+$0x6] =	sst s4;
	s6 =	spop (v2sf)  }
0x76: {  	[smem:s5+$0x7] =	sst s6;
	s7 =	spop (v2sf)  }
0x77: {  	[smem:s5+$0x8] =	sst s7;
	s9 =	spop (v2sf)  }
0x78: {  	[smem:s5+$0x9] =	sst s9;
	s23 =	spop (v2sf)  }
0x79: {  	[smem:s5+$0xA] =	sst s23;
	s4 =	spop (v2sf)  }
0x7a: {  	[smem:s5+$0xB] =	sst s4;
	s6 =	spop (v2sf)  }
0x7b: {  	[smem:s5+$0xC] =	sst s6;
	s7 =	spop (v2sf)  }
0x7c: {  	[smem:s5+$0xD] =	sst s7;
	s9 =	spop (v2sf)  }
0x7d: {  	[smem:s5+$0xE] =	sst s9;
	s23 =	spop (v2sf)  }
0x7e: {  	[smem:s5+$0xF] =	sst s23  }
0x7f: {  	s3 =	sld [smem:$0x0]  }
0x80: {  	s4 =	sld [smem:$0x1];
	_ =	sdelay $0x1  }
0x81: {  	s5 =	sld [smem:$0x2];
	s3 =	sand.u32 $0xFFFFF80, s3  }
0x82: {  	s7 =	sld [smem:$0x3];
	s4 =	sand.u32 $0xFFFFF80, s4;
	s3 =	sadd.s32 s2, s3  }
0x83: {  	[tilespmem:s8], [sflag:$0x1] =	stream.strided.gather [hbm4b:s3+s11], $0x2000, s13, s11, $0x38;
	[tilespmem:$0x1C100] =	vst v63  }
0x84: {  	s23 =	sld [smem:$0x4];
	s6 =	sand.u32 $0xFFFFF80, s5;
	s3 =	sadd.s32 s2, s4  }
0x85: {  	[tilespmem:s14], [sflag:$0x1] =	stream.strided.gather [hbm4b:s3+s11], $0x2000, s13, s11, $0x38;
	[tilespmem:$0x1C100] =	vst v63  }
0x86: {  	s9 =	sand.u32 $0xFFFFF80, s7;
	s5 =	sld [smem:$0x5];
	s3 =	sadd.s32 s2, s6  }
0x87: {  	[tilespmem:s15], [sflag:$0x2] =	stream.strided.gather [hbm4b:s3+s11], $0x2000, s13, s11, $0x38;
	[tilespmem:$0x1C100] =	vst v63  }
0x88: {  	s7 =	sld [smem:$0x6];
	s4 =	sand.u32 $0xFFFFF80, s23;
	s3 =	sadd.s32 s2, s9  }
0x89: {  	[tilespmem:s16], [sflag:$0x2] =	stream.strided.gather [hbm4b:s3+s11], $0x2000, s13, s11, $0x38;
	[tilespmem:$0x1C100] =	vst v63  }
0x8a: {  	s23 =	sld [smem:$0x7];
	s6 =	sand.u32 $0xFFFFF80, s5;
	s3 =	sadd.s32 s2, s4  }
0x8b: {  	[tilespmem:s17], [sflag:$0x3] =	stream.strided.gather [hbm4b:s3+s11], $0x2000, s13, s11, $0x38;
	[tilespmem:$0x1C100] =	vst v63  }
0x8c: {  	s5 =	sld [smem:$0x8];
	s9 =	sand.u32 $0xFFFFF80, s7;
	s3 =	sadd.s32 s2, s6  }
0x8d: {  	[tilespmem:s18], [sflag:$0x3] =	stream.strided.gather [hbm4b:s3+s11], $0x2000, s13, s11, $0x38;
	[tilespmem:$0x1C100] =	vst v63  }
0x8e: {  	s7 =	sld [smem:$0x9];
	s4 =	sand.u32 $0xFFFFF80, s23;
	s3 =	sadd.s32 s2, s9  }
0x8f: {  	[tilespmem:s19], [sflag:$0x4] =	stream.strided.gather [hbm4b:s3+s11], $0x2000, s13, s11, $0x38;
	[tilespmem:$0x1C100] =	vst v63  }
0x90: {  	s6 =	sand.u32 $0xFFFFF80, s5;
	s3 =	sadd.s32 s2, s4  }
0x91: {  	[tilespmem:s20], [sflag:$0x4] =	stream.strided.gather [hbm4b:s3+s11], $0x2000, s13, s11, $0x38;
	[tilespmem:$0x1C100] =	vst v63  }
0x92: {  	s9 =	sand.u32 $0xFFFFF80, s7;
	s3 =	sadd.s32 s2, s6  }
0x93: {  	[tilespmem:s21], [sflag:$0x5] =	stream.strided.gather [hbm4b:s3+s11], $0x2000, s13, s11, $0x38;
	[tilespmem:$0x1C100] =	vst v63  }
0x94: {  	s23 =	simm.s32 $0x7;
	s3 =	sadd.s32 s2, s9  }
0x95: {  	[tilespmem:s22], [sflag:$0x5] =	stream.strided.gather [hbm4b:s3+s11], $0x2000, s13, s11, $0x38;
	[tilespmem:$0x1C100] =	vst v63  }
0x96: {  	_ =	swait.ge [sflag:s23], $0x4000  }
0x97: {  	[sflag:s23] =	ssyncset.done $0x0  }
0x98: {  	s9 =	simm.s32 $0xB;
	s3 =	simm.s32 $0x0;
	[sflag:s23] =	ssyncadd.s32 $0xFFFFC000  }
.LBB2_4:
0x99: {  	s5 =	sld [smem:s9+$0xFFFFFFFF]  }
0x9a: {  	s4 =	sld [smem:s9+$0x0];
	_ =	sdelay $0x1  }
0x9b: {  	s6 =	sand.u32 $0xFFFFF80, s5  }
0x9c: {  	s7 =	sand.u32 $0xFFFFF80, s4;
	s6 =	sadd.s32 s2, s6  }
0x9d: {  	[tilespmem:s24], [sflag:$0x6] =	stream.strided.gather [hbm4b:s6+s11], $0x2000, s13, s11, $0x38;
	[tilespmem:$0x1C100] =	vst v63  }
0x9e: {  	s6 =	sadd.s32 s2, s7  }
0x9f: {  	[tilespmem:s25], [sflag:$0x6] =	stream.strided.gather [hbm4b:s6+s11], $0x2000, s13, s11, $0x38;
	[tilespmem:$0x1C100] =	vst v63  }
0xa0: {  	_ =	swait.ge [sflag:s26], $0x2000  }
0xa1: {  	[sflag:s26] =	ssyncset.done $0x0  }
0xa2: {  	[sflag:s26] =	ssyncadd.s32 $0xFFFFE000  }
0xa3: {  	_ =	swait.ge [sflag:s26], $0x2000  }
0xa4: {  	[sflag:s26] =	ssyncset.done $0x0  }
0xa5: {  	v52 =	vmov s3;
	[sflag:s26] =	ssyncadd.s32 $0xFFFFE000  }
0xa6: {  	v52 =	vand.u32 $0x7C, v52;
	s23 =	sld [smem:s9+$0xFFFFFFF5]  }
0xa7: {  	v52 =	vbroadcast v52, $0x0;
	s7 =	sand.u32 $0xFFFFFF80, s3  }
0xa8: {  	v54 =	vadd.s32 s7, v1  }
0xa9: {  	v55 =	vor.u32 v52, v54;
	s6 =	sand.u32 $0x7F, s23  }
0xaa: {  	v53 =	vor.u32 s6, v0;
	_ =	sdelay $0x3  }
0xab: {  	v56 =	vld.idx.msk [tilespmem:v55+s10+$0x0], $0xffff  }
0xac: {  	v53 =	vld.idx.msk [tilespmem:v53+s8+$0x0], $0xffff;
	_ =	sdelay $0x2  }
0xad: {  	v58 =	vadd.s32 s7, v3;
	v57 =	vor.u32 s6, v2  }
0xae: {  	v59 =	vor.u32 v52, v58  }
0xaf: {  	v53 =	vadd.f32 v56, v53;
	_ =	sdelay $0x1  }
0xb0: {  	[tilespmem:v55+s10+$0x0] =	vst.idx.msk $0xffff, v53  }
0xb1: {  	v53 =	vld.idx.msk [tilespmem:v57+s8+$0x0], $0xffff  }
0xb2: {  	v55 =	vld.idx.msk [tilespmem:v59+s10+$0x0], $0xffff;
	_ =	sdelay $0x2  }
0xb3: {  	v56 =	vor.u32 s6, v4;
	v57 =	vadd.s32 s7, v5  }
0xb4: {  	v60 =	vor.u32 v52, v57  }
0xb5: {  	v53 =	vadd.f32 v55, v53;
	_ =	sdelay $0x1  }
0xb6: {  	[tilespmem:v59+s10+$0x0] =	vst.idx.msk $0xffff, v53  }
0xb7: {  	v53 =	vld.idx.msk [tilespmem:v56+s8+$0x0], $0xffff  }
0xb8: {  	v61 =	vld.idx.msk [tilespmem:v60+s10+$0x0], $0xffff;
	_ =	sdelay $0x2  }
0xb9: {  	v62 =	vor.u32 s6, v6;
	v59 =	vadd.s32 s7, v7  }
0xba: {  	v52 =	vor.u32 v52, v59  }
0xbb: {  	v53 =	vadd.f32 v61, v53;
	_ =	sdelay $0x1  }
0xbc: {  	[tilespmem:v60+s10+$0x0] =	vst.idx.msk $0xffff, v53  }
0xbd: {  	s23 =	sld [smem:s9+$0xFFFFFFF6];
	s7 =	sadd.s32 $0x1, s3;
	v53 =	vld.idx.msk [tilespmem:v62+s8+$0x0], $0xffff  }
0xbe: {  	v63 =	vmov s7;
	v55 =	vld.idx.msk [tilespmem:v52+s10+$0x0], $0xffff  }
0xbf: {  	v56 =	vand.u32 $0x7D, v63  }
0xc0: {  	s23 =	sand.u32 $0x7F, s23;
	v56 =	vbroadcast v56, $0x0  }
0xc1: {  	v60 =	vor.u32 s23, v8  }
0xc2: {  	v61 =	vor.u32 v56, v54  }
0xc3: {  	v53 =	vadd.f32 v55, v53;
	_ =	sdelay $0x1  }
0xc4: {  	[tilespmem:v52+s10+$0x0] =	vst.idx.msk $0xffff, v53  }
0xc5: {  	v52 =	vld.idx.msk [tilespmem:v60+s8+$0x0], $0xffff  }
0xc6: {  	v53 =	vld.idx.msk [tilespmem:v61+s10+$0x0], $0xffff;
	_ =	sdelay $0x2  }
0xc7: {  	v55 =	vor.u32 s23, v9  }
0xc8: {  	v60 =	vor.u32 v56, v58  }
0xc9: {  	v52 =	vadd.f32 v53, v52;
	_ =	sdelay $0x1  }
0xca: {  	[tilespmem:v61+s10+$0x0] =	vst.idx.msk $0xffff, v52  }
0xcb: {  	v52 =	vld.idx.msk [tilespmem:v55+s8+$0x0], $0xffff  }
0xcc: {  	v53 =	vld.idx.msk [tilespmem:v60+s10+$0x0], $0xffff;
	_ =	sdelay $0x2  }
0xcd: {  	v55 =	vor.u32 s23, v10  }
0xce: {  	v61 =	vor.u32 v56, v57  }
0xcf: {  	v52 =	vadd.f32 v53, v52;
	_ =	sdelay $0x1  }
0xd0: {  	[tilespmem:v60+s10+$0x0] =	vst.idx.msk $0xffff, v52  }
0xd1: {  	v52 =	vld.idx.msk [tilespmem:v55+s8+$0x0], $0xffff  }
0xd2: {  	v60 =	vld.idx.msk [tilespmem:v61+s10+$0x0], $0xffff;
	_ =	sdelay $0x2  }
0xd3: {  	v62 =	vor.u32 s23, v11  }
0xd4: {  	v56 =	vor.u32 v56, v59  }
0xd5: {  	v52 =	vadd.f32 v60, v52;
	_ =	sdelay $0x1  }
0xd6: {  	[tilespmem:v61+s10+$0x0] =	vst.idx.msk $0xffff, v52  }
0xd7: {  	v52 =	vld.idx.msk [tilespmem:v62+s8+$0x0], $0xffff  }
0xd8: {  	v63 =	vld.idx.msk [tilespmem:v56+s10+$0x0], $0xffff;
	_ =	sdelay $0x2  }
0xd9: {  	s7 =	sld [smem:s9+$0x1]  }
0xda: {  	s23 =	sld [smem:s9+$0x2]  }
0xdb: {  	v52 =	vadd.f32 v63, v52  }
0xdc: {  	s6 =	sand.u32 $0xFFFFF80, s7  }
0xdd: {  	s6 =	sadd.s32 s2, s6;
	s23 =	sand.u32 $0xFFFFF80, s23;
	[tilespmem:v56+s10+$0x0] =	vst.idx.msk $0xffff, v52  }
0xde: {  	[tilespmem:s8], [sflag:$0x1] =	stream.strided.gather [hbm4b:s6+s11], $0x2000, s13, s11, $0x38;
	[tilespmem:$0x1C100] =	vst v63  }
0xdf: {  	s6 =	sadd.s32 s2, s23  }
0xe0: {  	[tilespmem:s14], [sflag:$0x1] =	stream.strided.gather [hbm4b:s6+s11], $0x2000, s13, s11, $0x38;
	[tilespmem:$0x1C100] =	vst v63  }
0xe1: {  	_ =	swait.ge [sflag:s28], $0x2000  }
0xe2: {  	[sflag:s28] =	ssyncset.done $0x0  }
0xe3: {  	[sflag:s28] =	ssyncadd.s32 $0xFFFFE000  }
0xe4: {  	_ =	swait.ge [sflag:s28], $0x2000  }
0xe5: {  	s7 =	sadd.s32 $0x2, s3;
	[sflag:s28] =	ssyncset.done $0x0  }
0xe6: {  	v60 =	vmov s7;
	[sflag:s28] =	ssyncadd.s32 $0xFFFFE000  }
0xe7: {  	v52 =	vand.u32 $0x7E, v60;
	s23 =	sld [smem:s9+$0xFFFFFFF7]  }
0xe8: {  	v52 =	vbroadcast v52, $0x0;
	_ =	sdelay $0x1  }
0xe9: {  	v55 =	vor.u32 v52, v54;
	s7 =	sand.u32 $0x7F, s23  }
0xea: {  	v61 =	vor.u32 s7, v12;
	_ =	sdelay $0x3  }
0xeb: {  	v56 =	vld.idx.msk [tilespmem:v55+s10+$0x0], $0xffff  }
0xec: {  	v53 =	vld.idx.msk [tilespmem:v61+s8+$0x0], $0xffff;
	_ =	sdelay $0x2  }
0xed: {  	v60 =	vor.u32 s7, v13  }
0xee: {  	v61 =	vor.u32 v52, v58  }
0xef: {  	v53 =	vadd.f32 v56, v53;
	_ =	sdelay $0x1  }
0xf0: {  	[tilespmem:v55+s10+$0x0] =	vst.idx.msk $0xffff, v53  }
0xf1: {  	v53 =	vld.idx.msk [tilespmem:v60+s8+$0x0], $0xffff  }
0xf2: {  	v55 =	vld.idx.msk [tilespmem:v61+s10+$0x0], $0xffff;
	_ =	sdelay $0x2  }
0xf3: {  	v56 =	vor.u32 s7, v14  }
0xf4: {  	v60 =	vor.u32 v52, v57  }
0xf5: {  	v53 =	vadd.f32 v55, v53;
	_ =	sdelay $0x1  }
0xf6: {  	[tilespmem:v61+s10+$0x0] =	vst.idx.msk $0xffff, v53  }
0xf7: {  	v53 =	vld.idx.msk [tilespmem:v56+s8+$0x0], $0xffff  }
0xf8: {  	v62 =	vld.idx.msk [tilespmem:v60+s10+$0x0], $0xffff;
	_ =	sdelay $0x2  }
0xf9: {  	v63 =	vor.u32 s7, v15  }
0xfa: {  	v52 =	vor.u32 v52, v59  }
0xfb: {  	v53 =	vadd.f32 v62, v53;
	_ =	sdelay $0x1  }
0xfc: {  	[tilespmem:v60+s10+$0x0] =	vst.idx.msk $0xffff, v53  }
0xfd: {  	s6 =	sld [smem:s9+$0xFFFFFFF8];
	s23 =	sadd.s32 $0x3, s3;
	v53 =	vld.idx.msk [tilespmem:v63+s8+$0x0], $0xffff  }
0xfe: {  	v61 =	vmov s23;
	v55 =	vld.idx.msk [tilespmem:v52+s10+$0x0], $0xffff  }
0xff: {  	v56 =	vand.u32 $0x7F, v61  }
0x100: {  	s6 =	sand.u32 $0x7F, s6;
	v56 =	vbroadcast v56, $0x0  }
0x101: {  	v60 =	vor.u32 s6, v16  }
0x102: {  	v54 =	vor.u32 v56, v54  }
0x103: {  	v53 =	vadd.f32 v55, v53;
	_ =	sdelay $0x1  }
0x104: {  	[tilespmem:v52+s10+$0x0] =	vst.idx.msk $0xffff, v53  }
0x105: {  	v52 =	vld.idx.msk [tilespmem:v60+s8+$0x0], $0xffff  }
0x106: {  	v53 =	vld.idx.msk [tilespmem:v54+s10+$0x0], $0xffff;
	_ =	sdelay $0x2  }
0x107: {  	v62 =	vor.u32 s6, v17  }
0x108: {  	v58 =	vor.u32 v56, v58  }
0x109: {  	v52 =	vadd.f32 v53, v52;
	_ =	sdelay $0x1  }
0x10a: {  	[tilespmem:v54+s10+$0x0] =	vst.idx.msk $0xffff, v52  }
0x10b: {  	v52 =	vld.idx.msk [tilespmem:v62+s8+$0x0], $0xffff  }
0x10c: {  	v63 =	vld.idx.msk [tilespmem:v58+s10+$0x0], $0xffff;
	_ =	sdelay $0x2  }
0x10d: {  	v60 =	vor.u32 s6, v18  }
0x10e: {  	v61 =	vor.u32 v56, v57  }
0x10f: {  	v52 =	vadd.f32 v63, v52;
	_ =	sdelay $0x1  }
0x110: {  	[tilespmem:v58+s10+$0x0] =	vst.idx.msk $0xffff, v52  }
0x111: {  	v52 =	vld.idx.msk [tilespmem:v60+s8+$0x0], $0xffff  }
0x112: {  	v62 =	vld.idx.msk [tilespmem:v61+s10+$0x0], $0xffff;
	_ =	sdelay $0x2  }
0x113: {  	v63 =	vor.u32 s6, v19  }
0x114: {  	v56 =	vor.u32 v56, v59  }
0x115: {  	v52 =	vadd.f32 v62, v52;
	_ =	sdelay $0x1  }
0x116: {  	[tilespmem:v61+s10+$0x0] =	vst.idx.msk $0xffff, v52  }
0x117: {  	v52 =	vld.idx.msk [tilespmem:v63+s8+$0x0], $0xffff  }
0x118: {  	v59 =	vld.idx.msk [tilespmem:v56+s10+$0x0], $0xffff;
	_ =	sdelay $0x2  }
0x119: {  	s7 =	sld [smem:s9+$0x3]  }
0x11a: {  	s23 =	sld [smem:s9+$0x4]  }
0x11b: {  	v52 =	vadd.f32 v59, v52  }
0x11c: {  	s6 =	sand.u32 $0xFFFFF80, s7  }
0x11d: {  	s23 =	sand.u32 $0xFFFFF80, s23;
	s6 =	sadd.s32 s2, s6;
	[tilespmem:v56+s10+$0x0] =	vst.idx.msk $0xffff, v52  }
0x11e: {  	[tilespmem:s15], [sflag:$0x2] =	stream.strided.gather [hbm4b:s6+s11], $0x2000, s13, s11, $0x38;
	[tilespmem:$0x1C100] =	vst v63  }
0x11f: {  	s6 =	sadd.s32 s2, s23  }
0x120: {  	[tilespmem:s16], [sflag:$0x2] =	stream.strided.gather [hbm4b:s6+s11], $0x2000, s13, s11, $0x38;
	[tilespmem:$0x1C100] =	vst v63  }
0x121: {  	_ =	swait.ge [sflag:s29], $0x2000  }
0x122: {  	[sflag:s29] =	ssyncset.done $0x0  }
0x123: {  	[sflag:s29] =	ssyncadd.s32 $0xFFFFE000  }
0x124: {  	s7 =	sadd.s32 $0x4, s3;
	_ =	swait.ge [sflag:s29], $0x2000  }
0x125: {  	v60 =	vmov s7;
	[sflag:s29] =	ssyncset.done $0x0  }
0x126: {  	v52 =	vand.u32 $0x7C, v60;
	s6 =	sand.u32 $0xFFFFFF80, s7;
	[sflag:s29] =	ssyncadd.s32 $0xFFFFE000  }
0x127: {  	v52 =	vor.u32 s6, v52;
	s23 =	sld [smem:s9+$0xFFFFFFF9]  }
0x128: {  	v52 =	vbroadcast v52, $0x0;
	_ =	sdelay $0x1  }
0x129: {  	v62 =	vadd.s32 v1, v52;
	s23 =	sand.u32 $0x7F, s23  }
0x12a: {  	v61 =	vor.u32 s23, v20;
	_ =	sdelay $0x3  }
0x12b: {  	v63 =	vld.idx.msk [tilespmem:v62+s10+$0x0], $0xffff  }
0x12c: {  	v53 =	vld.idx.msk [tilespmem:v61+s8+$0x0], $0xffff;
	_ =	sdelay $0x2  }
0x12d: {  	v60 =	vor.u32 s23, v21  }
0x12e: {  	v61 =	vadd.s32 v3, v52  }
0x12f: {  	v53 =	vadd.f32 v63, v53;
	_ =	sdelay $0x1  }
0x130: {  	[tilespmem:v62+s10+$0x0] =	vst.idx.msk $0xffff, v53  }
0x131: {  	v53 =	vld.idx.msk [tilespmem:v60+s8+$0x0], $0xffff  }
0x132: {  	v54 =	vld.idx.msk [tilespmem:v61+s10+$0x0], $0xffff;
	_ =	sdelay $0x2  }
0x133: {  	v62 =	vor.u32 s23, v22  }
0x134: {  	v63 =	vadd.s32 v5, v52  }
0x135: {  	v53 =	vadd.f32 v54, v53;
	_ =	sdelay $0x1  }
0x136: {  	[tilespmem:v61+s10+$0x0] =	vst.idx.msk $0xffff, v53  }
0x137: {  	v53 =	vld.idx.msk [tilespmem:v62+s8+$0x0], $0xffff  }
0x138: {  	v60 =	vld.idx.msk [tilespmem:v63+s10+$0x0], $0xffff;
	_ =	sdelay $0x2  }
0x139: {  	v61 =	vor.u32 s23, v23  }
0x13a: {  	v52 =	vadd.s32 v7, v52  }
0x13b: {  	v53 =	vadd.f32 v60, v53;
	_ =	sdelay $0x1  }
0x13c: {  	s7 =	sadd.s32 $0x5, s3;
	[tilespmem:v63+s10+$0x0] =	vst.idx.msk $0xffff, v53  }
0x13d: {  	s23 =	sld [smem:s9+$0xFFFFFFFA];
	v62 =	vmov s7;
	v53 =	vld.idx.msk [tilespmem:v61+s8+$0x0], $0xffff  }
0x13e: {  	s6 =	sand.u32 $0xFFFFFF80, s7;
	v54 =	vand.u32 $0x7D, v62;
	v63 =	vld.idx.msk [tilespmem:v52+s10+$0x0], $0xffff  }
0x13f: {  	v54 =	vor.u32 s6, v54  }
0x140: {  	s23 =	sand.u32 $0x7F, s23;
	v54 =	vbroadcast v54, $0x0  }
0x141: {  	v60 =	vor.u32 s23, v24  }
0x142: {  	v61 =	vadd.s32 v1, v54  }
0x143: {  	v53 =	vadd.f32 v63, v53;
	_ =	sdelay $0x1  }
0x144: {  	[tilespmem:v52+s10+$0x0] =	vst.idx.msk $0xffff, v53  }
0x145: {  	v52 =	vld.idx.msk [tilespmem:v60+s8+$0x0], $0xffff  }
0x146: {  	v53 =	vld.idx.msk [tilespmem:v61+s10+$0x0], $0xffff;
	_ =	sdelay $0x2  }
0x147: {  	v62 =	vor.u32 s23, v25  }
0x148: {  	v63 =	vadd.s32 v3, v54  }
0x149: {  	v52 =	vadd.f32 v53, v52;
	_ =	sdelay $0x1  }
0x14a: {  	[tilespmem:v61+s10+$0x0] =	vst.idx.msk $0xffff, v52  }
0x14b: {  	v52 =	vld.idx.msk [tilespmem:v62+s8+$0x0], $0xffff  }
0x14c: {  	v60 =	vld.idx.msk [tilespmem:v63+s10+$0x0], $0xffff;
	_ =	sdelay $0x2  }
0x14d: {  	v61 =	vor.u32 s23, v26  }
0x14e: {  	v62 =	vadd.s32 v5, v54  }
0x14f: {  	v52 =	vadd.f32 v60, v52;
	_ =	sdelay $0x1  }
0x150: {  	[tilespmem:v63+s10+$0x0] =	vst.idx.msk $0xffff, v52  }
0x151: {  	v52 =	vld.idx.msk [tilespmem:v61+s8+$0x0], $0xffff  }
0x152: {  	v63 =	vld.idx.msk [tilespmem:v62+s10+$0x0], $0xffff;
	_ =	sdelay $0x2  }
0x153: {  	v58 =	vor.u32 s23, v27  }
0x154: {  	v54 =	vadd.s32 v7, v54  }
0x155: {  	v52 =	vadd.f32 v63, v52;
	_ =	sdelay $0x1  }
0x156: {  	[tilespmem:v62+s10+$0x0] =	vst.idx.msk $0xffff, v52  }
0x157: {  	v52 =	vld.idx.msk [tilespmem:v58+s8+$0x0], $0xffff  }
0x158: {  	v59 =	vld.idx.msk [tilespmem:v54+s10+$0x0], $0xffff;
	_ =	sdelay $0x2  }
0x159: {  	s7 =	sld [smem:s9+$0x5]  }
0x15a: {  	s23 =	sld [smem:s9+$0x6]  }
0x15b: {  	v52 =	vadd.f32 v59, v52  }
0x15c: {  	s6 =	sand.u32 $0xFFFFF80, s7  }
0x15d: {  	s6 =	sadd.s32 s2, s6;
	s23 =	sand.u32 $0xFFFFF80, s23;
	[tilespmem:v54+s10+$0x0] =	vst.idx.msk $0xffff, v52  }
0x15e: {  	[tilespmem:s17], [sflag:$0x3] =	stream.strided.gather [hbm4b:s6+s11], $0x2000, s13, s11, $0x38;
	[tilespmem:$0x1C100] =	vst v63  }
0x15f: {  	s6 =	sadd.s32 s2, s23  }
0x160: {  	[tilespmem:s18], [sflag:$0x3] =	stream.strided.gather [hbm4b:s6+s11], $0x2000, s13, s11, $0x38;
	[tilespmem:$0x1C100] =	vst v63  }
0x161: {  	_ =	swait.ge [sflag:s30], $0x2000  }
0x162: {  	[sflag:s30] =	ssyncset.done $0x0  }
0x163: {  	[sflag:s30] =	ssyncadd.s32 $0xFFFFE000  }
0x164: {  	s7 =	sadd.s32 $0x6, s3;
	_ =	swait.ge [sflag:s30], $0x2000  }
0x165: {  	v60 =	vmov s7;
	[sflag:s30] =	ssyncset.done $0x0  }
0x166: {  	v52 =	vand.u32 $0x7E, v60;
	s6 =	sand.u32 $0xFFFFFF80, s7;
	[sflag:s30] =	ssyncadd.s32 $0xFFFFE000  }
0x167: {  	v52 =	vor.u32 s6, v52;
	s23 =	sld [smem:s9+$0xFFFFFFFB]  }
0x168: {  	v52 =	vbroadcast v52, $0x0;
	_ =	sdelay $0x1  }
0x169: {  	v62 =	vadd.s32 v1, v52;
	s23 =	sand.u32 $0x7F, s23  }
0x16a: {  	v61 =	vor.u32 s23, v28;
	_ =	sdelay $0x3  }
0x16b: {  	v63 =	vld.idx.msk [tilespmem:v62+s10+$0x0], $0xffff  }
0x16c: {  	v53 =	vld.idx.msk [tilespmem:v61+s8+$0x0], $0xffff;
	_ =	sdelay $0x2  }
0x16d: {  	v60 =	vor.u32 s23, v29  }
0x16e: {  	v61 =	vadd.s32 v3, v52  }
0x16f: {  	v53 =	vadd.f32 v63, v53;
	_ =	sdelay $0x1  }
0x170: {  	[tilespmem:v62+s10+$0x0] =	vst.idx.msk $0xffff, v53  }
0x171: {  	v53 =	vld.idx.msk [tilespmem:v60+s8+$0x0], $0xffff  }
0x172: {  	v54 =	vld.idx.msk [tilespmem:v61+s10+$0x0], $0xffff;
	_ =	sdelay $0x2  }
0x173: {  	v62 =	vor.u32 s23, v30  }
0x174: {  	v63 =	vadd.s32 v5, v52  }
0x175: {  	v53 =	vadd.f32 v54, v53;
	_ =	sdelay $0x1  }
0x176: {  	[tilespmem:v61+s10+$0x0] =	vst.idx.msk $0xffff, v53  }
0x177: {  	v53 =	vld.idx.msk [tilespmem:v62+s8+$0x0], $0xffff  }
0x178: {  	v60 =	vld.idx.msk [tilespmem:v63+s10+$0x0], $0xffff;
	_ =	sdelay $0x2  }
0x179: {  	v61 =	vor.u32 s23, v31  }
0x17a: {  	v52 =	vadd.s32 v7, v52  }
0x17b: {  	v53 =	vadd.f32 v60, v53;
	_ =	sdelay $0x1  }
0x17c: {  	s7 =	sadd.s32 $0x7, s3;
	[tilespmem:v63+s10+$0x0] =	vst.idx.msk $0xffff, v53  }
0x17d: {  	s23 =	sld [smem:s9+$0xFFFFFFFC];
	v62 =	vmov s7;
	v53 =	vld.idx.msk [tilespmem:v61+s8+$0x0], $0xffff  }
0x17e: {  	s6 =	sand.u32 $0xFFFFFF80, s7;
	v54 =	vand.u32 $0x7F, v62;
	v63 =	vld.idx.msk [tilespmem:v52+s10+$0x0], $0xffff  }
0x17f: {  	v54 =	vor.u32 s6, v54  }
0x180: {  	s23 =	sand.u32 $0x7F, s23;
	v54 =	vbroadcast v54, $0x0  }
0x181: {  	v60 =	vor.u32 s23, v32  }
0x182: {  	v61 =	vadd.s32 v1, v54  }
0x183: {  	v53 =	vadd.f32 v63, v53;
	_ =	sdelay $0x1  }
0x184: {  	[tilespmem:v52+s10+$0x0] =	vst.idx.msk $0xffff, v53  }
0x185: {  	v52 =	vld.idx.msk [tilespmem:v60+s8+$0x0], $0xffff  }
0x186: {  	v53 =	vld.idx.msk [tilespmem:v61+s10+$0x0], $0xffff;
	_ =	sdelay $0x2  }
0x187: {  	v62 =	vor.u32 s23, v33  }
0x188: {  	v63 =	vadd.s32 v3, v54  }
0x189: {  	v52 =	vadd.f32 v53, v52;
	_ =	sdelay $0x1  }
0x18a: {  	[tilespmem:v61+s10+$0x0] =	vst.idx.msk $0xffff, v52  }
0x18b: {  	v52 =	vld.idx.msk [tilespmem:v62+s8+$0x0], $0xffff  }
0x18c: {  	v60 =	vld.idx.msk [tilespmem:v63+s10+$0x0], $0xffff;
	_ =	sdelay $0x2  }
0x18d: {  	v61 =	vor.u32 s23, v34  }
0x18e: {  	v62 =	vadd.s32 v5, v54  }
0x18f: {  	v52 =	vadd.f32 v60, v52;
	_ =	sdelay $0x1  }
0x190: {  	[tilespmem:v63+s10+$0x0] =	vst.idx.msk $0xffff, v52  }
0x191: {  	v52 =	vld.idx.msk [tilespmem:v61+s8+$0x0], $0xffff  }
0x192: {  	v63 =	vld.idx.msk [tilespmem:v62+s10+$0x0], $0xffff;
	_ =	sdelay $0x2  }
0x193: {  	v58 =	vor.u32 s23, v35  }
0x194: {  	v54 =	vadd.s32 v7, v54  }
0x195: {  	v52 =	vadd.f32 v63, v52;
	_ =	sdelay $0x1  }
0x196: {  	[tilespmem:v62+s10+$0x0] =	vst.idx.msk $0xffff, v52  }
0x197: {  	v52 =	vld.idx.msk [tilespmem:v58+s8+$0x0], $0xffff  }
0x198: {  	v59 =	vld.idx.msk [tilespmem:v54+s10+$0x0], $0xffff;
	_ =	sdelay $0x2  }
0x199: {  	s7 =	sld [smem:s9+$0x7]  }
0x19a: {  	s23 =	sld [smem:s9+$0x8]  }
0x19b: {  	v52 =	vadd.f32 v59, v52  }
0x19c: {  	s6 =	sand.u32 $0xFFFFF80, s7  }
0x19d: {  	s6 =	sadd.s32 s2, s6;
	s23 =	sand.u32 $0xFFFFF80, s23;
	[tilespmem:v54+s10+$0x0] =	vst.idx.msk $0xffff, v52  }
0x19e: {  	[tilespmem:s19], [sflag:$0x4] =	stream.strided.gather [hbm4b:s6+s11], $0x2000, s13, s11, $0x38;
	[tilespmem:$0x1C100] =	vst v63  }
0x19f: {  	s6 =	sadd.s32 s2, s23  }
0x1a0: {  	[tilespmem:s20], [sflag:$0x4] =	stream.strided.gather [hbm4b:s6+s11], $0x2000, s13, s11, $0x38;
	[tilespmem:$0x1C100] =	vst v63  }
0x1a1: {  	_ =	swait.ge [sflag:s31], $0x2000  }
0x1a2: {  	[sflag:s31] =	ssyncset.done $0x0  }
0x1a3: {  	[sflag:s31] =	ssyncadd.s32 $0xFFFFE000  }
0x1a4: {  	s7 =	sadd.s32 $0x8, s3;
	_ =	swait.ge [sflag:s31], $0x2000  }
0x1a5: {  	v60 =	vmov s7;
	[sflag:s31] =	ssyncset.done $0x0  }
0x1a6: {  	v52 =	vand.u32 $0x7C, v60;
	s6 =	sand.u32 $0xFFFFFF80, s7;
	[sflag:s31] =	ssyncadd.s32 $0xFFFFE000  }
0x1a7: {  	v52 =	vor.u32 s6, v52;
	s23 =	sld [smem:s9+$0xFFFFFFFD]  }
0x1a8: {  	v52 =	vbroadcast v52, $0x0;
	_ =	sdelay $0x1  }
0x1a9: {  	v62 =	vadd.s32 v1, v52;
	s23 =	sand.u32 $0x7F, s23  }
0x1aa: {  	v61 =	vor.u32 s23, v36;
	_ =	sdelay $0x3  }
0x1ab: {  	v63 =	vld.idx.msk [tilespmem:v62+s10+$0x0], $0xffff  }
0x1ac: {  	v53 =	vld.idx.msk [tilespmem:v61+s8+$0x0], $0xffff;
	_ =	sdelay $0x2  }
0x1ad: {  	v60 =	vor.u32 s23, v37  }
0x1ae: {  	v61 =	vadd.s32 v3, v52  }
0x1af: {  	v53 =	vadd.f32 v63, v53;
	_ =	sdelay $0x1  }
0x1b0: {  	[tilespmem:v62+s10+$0x0] =	vst.idx.msk $0xffff, v53  }
0x1b1: {  	v53 =	vld.idx.msk [tilespmem:v60+s8+$0x0], $0xffff  }
0x1b2: {  	v54 =	vld.idx.msk [tilespmem:v61+s10+$0x0], $0xffff;
	_ =	sdelay $0x2  }
0x1b3: {  	v62 =	vor.u32 s23, v38  }
0x1b4: {  	v63 =	vadd.s32 v5, v52  }
0x1b5: {  	v53 =	vadd.f32 v54, v53;
	_ =	sdelay $0x1  }
0x1b6: {  	[tilespmem:v61+s10+$0x0] =	vst.idx.msk $0xffff, v53  }
0x1b7: {  	v53 =	vld.idx.msk [tilespmem:v62+s8+$0x0], $0xffff  }
0x1b8: {  	v60 =	vld.idx.msk [tilespmem:v63+s10+$0x0], $0xffff;
	_ =	sdelay $0x2  }
0x1b9: {  	v61 =	vor.u32 s23, v39  }
0x1ba: {  	v52 =	vadd.s32 v7, v52  }
0x1bb: {  	v53 =	vadd.f32 v60, v53;
	_ =	sdelay $0x1  }
0x1bc: {  	s7 =	sadd.s32 $0x9, s3;
	[tilespmem:v63+s10+$0x0] =	vst.idx.msk $0xffff, v53  }
0x1bd: {  	s23 =	sld [smem:s9+$0xFFFFFFFE];
	v62 =	vmov s7;
	v53 =	vld.idx.msk [tilespmem:v61+s8+$0x0], $0xffff  }
0x1be: {  	s6 =	sand.u32 $0xFFFFFF80, s7;
	v54 =	vand.u32 $0x7D, v62;
	v63 =	vld.idx.msk [tilespmem:v52+s10+$0x0], $0xffff  }
0x1bf: {  	v54 =	vor.u32 s6, v54  }
0x1c0: {  	s23 =	sand.u32 $0x7F, s23;
	v54 =	vbroadcast v54, $0x0  }
0x1c1: {  	v60 =	vor.u32 s23, v40  }
0x1c2: {  	v61 =	vadd.s32 v1, v54  }
0x1c3: {  	v53 =	vadd.f32 v63, v53;
	_ =	sdelay $0x1  }
0x1c4: {  	[tilespmem:v52+s10+$0x0] =	vst.idx.msk $0xffff, v53  }
0x1c5: {  	v52 =	vld.idx.msk [tilespmem:v60+s8+$0x0], $0xffff  }
0x1c6: {  	v53 =	vld.idx.msk [tilespmem:v61+s10+$0x0], $0xffff;
	_ =	sdelay $0x2  }
0x1c7: {  	v62 =	vor.u32 s23, v41  }
0x1c8: {  	v63 =	vadd.s32 v3, v54  }
0x1c9: {  	v52 =	vadd.f32 v53, v52;
	_ =	sdelay $0x1  }
0x1ca: {  	[tilespmem:v61+s10+$0x0] =	vst.idx.msk $0xffff, v52  }
0x1cb: {  	v52 =	vld.idx.msk [tilespmem:v62+s8+$0x0], $0xffff  }
0x1cc: {  	v60 =	vld.idx.msk [tilespmem:v63+s10+$0x0], $0xffff;
	_ =	sdelay $0x2  }
0x1cd: {  	v61 =	vor.u32 s23, v42  }
0x1ce: {  	v62 =	vadd.s32 v5, v54  }
0x1cf: {  	v52 =	vadd.f32 v60, v52;
	_ =	sdelay $0x1  }
0x1d0: {  	[tilespmem:v63+s10+$0x0] =	vst.idx.msk $0xffff, v52  }
0x1d1: {  	v52 =	vld.idx.msk [tilespmem:v61+s8+$0x0], $0xffff  }
0x1d2: {  	v63 =	vld.idx.msk [tilespmem:v62+s10+$0x0], $0xffff;
	_ =	sdelay $0x2  }
0x1d3: {  	v58 =	vor.u32 s23, v43  }
0x1d4: {  	v54 =	vadd.s32 v7, v54  }
0x1d5: {  	v52 =	vadd.f32 v63, v52;
	_ =	sdelay $0x1  }
0x1d6: {  	[tilespmem:v62+s10+$0x0] =	vst.idx.msk $0xffff, v52  }
0x1d7: {  	v52 =	vld.idx.msk [tilespmem:v58+s8+$0x0], $0xffff  }
0x1d8: {  	v59 =	vld.idx.msk [tilespmem:v54+s10+$0x0], $0xffff  }
0x1d9: {  	s7 =	sld [smem:s9+$0x9];
	_ =	sdelay $0x2  }
0x1da: {  	s6 =	sand.u32 $0xFFFFF80, s7;
	s7 =	sld [smem:s9+$0xA]  }
0x1db: {  	v52 =	vadd.f32 v59, v52;
	_ =	sdelay $0x1  }
0x1dc: {  	s6 =	sadd.s32 s2, s6;
	s7 =	sand.u32 $0xFFFFF80, s7;
	s23 =	sadd.s32 $0xA, s3;
	[tilespmem:v54+s10+$0x0] =	vst.idx.msk $0xffff, v52  }
0x1dd: {  	v60 =	vmov s23;
	[tilespmem:s21], [sflag:$0x5] =	stream.strided.gather [hbm4b:s6+s11], $0x2000, s13, s11, $0x38;
	[tilespmem:$0x1C100] =	vst v63  }
0x1de: {  	s7 =	sadd.s32 s2, s7;
	v52 =	vand.u32 $0x7E, v60;
	s6 =	sand.u32 $0xFFFFFF80, s23  }
0x1df: {  	v52 =	vor.u32 s6, v52;
	[tilespmem:s22], [sflag:$0x5] =	stream.strided.gather [hbm4b:s7+s11], $0x2000, s13, s11, $0x38;
	[tilespmem:$0x1C100] =	vst v63  }
0x1e0: {  	s5 =	sand.u32 $0x7F, s5;
	v52 =	vbroadcast v52, $0x0;
	_ =	swait.ge [sflag:s1], $0x2000  }
0x1e1: {  	v61 =	vor.u32 s5, v44;
	[sflag:s1] =	ssyncset.done $0x0  }
0x1e2: {  	v62 =	vadd.s32 v1, v52;
	[sflag:s1] =	ssyncadd.s32 $0xFFFFE000  }
0x1e3: {  	_ =	swait.ge [sflag:s1], $0x2000  }
0x1e4: {  	[sflag:s1] =	ssyncset.done $0x0  }
0x1e5: {  	[sflag:s1] =	ssyncadd.s32 $0xFFFFE000  }
0x1e6: {  	v53 =	vld.idx.msk [tilespmem:v61+s8+$0x0], $0xffff  }
0x1e7: {  	v63 =	vld.idx.msk [tilespmem:v62+s10+$0x0], $0xffff;
	_ =	sdelay $0x2  }
0x1e8: {  	v60 =	vor.u32 s5, v45  }
0x1e9: {  	v61 =	vadd.s32 v3, v52  }
0x1ea: {  	v53 =	vadd.f32 v63, v53;
	_ =	sdelay $0x1  }
0x1eb: {  	[tilespmem:v62+s10+$0x0] =	vst.idx.msk $0xffff, v53  }
0x1ec: {  	v53 =	vld.idx.msk [tilespmem:v60+s8+$0x0], $0xffff  }
0x1ed: {  	v54 =	vld.idx.msk [tilespmem:v61+s10+$0x0], $0xffff;
	_ =	sdelay $0x2  }
0x1ee: {  	v62 =	vor.u32 s5, v46  }
0x1ef: {  	v63 =	vadd.s32 v5, v52  }
0x1f0: {  	v53 =	vadd.f32 v54, v53;
	_ =	sdelay $0x1  }
0x1f1: {  	[tilespmem:v61+s10+$0x0] =	vst.idx.msk $0xffff, v53  }
0x1f2: {  	v53 =	vld.idx.msk [tilespmem:v62+s8+$0x0], $0xffff  }
0x1f3: {  	v58 =	vld.idx.msk [tilespmem:v63+s10+$0x0], $0xffff;
	_ =	sdelay $0x2  }
0x1f4: {  	v59 =	vor.u32 s5, v47  }
0x1f5: {  	v52 =	vadd.s32 v7, v52  }
0x1f6: {  	v53 =	vadd.f32 v58, v53;
	_ =	sdelay $0x1  }
0x1f7: {  	s23 =	sadd.s32 $0xB, s3;
	[tilespmem:v63+s10+$0x0] =	vst.idx.msk $0xffff, v53  }
0x1f8: {  	v60 =	vmov s23;
	v53 =	vld.idx.msk [tilespmem:v59+s8+$0x0], $0xffff  }
0x1f9: {  	s5 =	sand.u32 $0xFFFFFF80, s23;
	v54 =	vand.u32 $0x7F, v60;
	v61 =	vld.idx.msk [tilespmem:v52+s10+$0x0], $0xffff  }
0x1fa: {  	v54 =	vor.u32 s5, v54  }
0x1fb: {  	s4 =	sand.u32 $0x7F, s4;
	v54 =	vbroadcast v54, $0x0  }
0x1fc: {  	v62 =	vor.u32 s4, v48  }
0x1fd: {  	v63 =	vadd.s32 v1, v54  }
0x1fe: {  	v53 =	vadd.f32 v61, v53;
	_ =	sdelay $0x1  }
0x1ff: {  	[tilespmem:v52+s10+$0x0] =	vst.idx.msk $0xffff, v53  }
0x200: {  	v52 =	vld.idx.msk [tilespmem:v62+s8+$0x0], $0xffff  }
0x201: {  	v53 =	vld.idx.msk [tilespmem:v63+s10+$0x0], $0xffff;
	_ =	sdelay $0x2  }
0x202: {  	v60 =	vor.u32 s4, v49  }
0x203: {  	v61 =	vadd.s32 v3, v54  }
0x204: {  	v52 =	vadd.f32 v53, v52;
	_ =	sdelay $0x1  }
0x205: {  	[tilespmem:v63+s10+$0x0] =	vst.idx.msk $0xffff, v52  }
0x206: {  	v52 =	vld.idx.msk [tilespmem:v60+s8+$0x0], $0xffff  }
0x207: {  	v62 =	vld.idx.msk [tilespmem:v61+s10+$0x0], $0xffff;
	_ =	sdelay $0x2  }
0x208: {  	v63 =	vor.u32 s4, v50  }
0x209: {  	v60 =	vadd.s32 v5, v54  }
0x20a: {  	v52 =	vadd.f32 v62, v52;
	_ =	sdelay $0x1  }
0x20b: {  	[tilespmem:v61+s10+$0x0] =	vst.idx.msk $0xffff, v52  }
0x20c: {  	v52 =	vld.idx.msk [tilespmem:v63+s8+$0x0], $0xffff  }
0x20d: {  	v61 =	vld.idx.msk [tilespmem:v60+s10+$0x0], $0xffff;
	_ =	sdelay $0x2  }
0x20e: {  	v62 =	vor.u32 s4, v51  }
0x20f: {  	v54 =	vadd.s32 v7, v54  }
0x210: {  	v52 =	vadd.f32 v61, v52;
	_ =	sdelay $0x1  }
0x211: {  	[tilespmem:v60+s10+$0x0] =	vst.idx.msk $0xffff, v52  }
0x212: {  	v52 =	vld.idx.msk [tilespmem:v62+s8+$0x0], $0xffff  }
0x213: {  	v63 =	vld.idx.msk [tilespmem:v54+s10+$0x0], $0xffff;
	_ =	sdelay $0x1  }
0x214: {  	p0 =	sne.s32 s3, $0xE4  }
.Ltmp1:
0x215: {  	_ = 	snop;
	(pc) =	sbr.rel @p0 .LBB2_4-.Ltmp1, $3  }
0x216: {  	_ = 	snop  }
0x217: {  	v52 =	vadd.f32 v63, v52;
	_ =	sdelay $0x1  }
0x218: {  	s9 =	sadd.s32 $0xC, s9;
	s3 =	sadd.s32 $0xC, s3;
	[tilespmem:v54+s10+$0x0] =	vst.idx.msk $0xffff, v52  }
0x219: {  	s9 =	sld [smem:$0xFA]  }
0x21a: {  	s3 =	sld [smem:$0xFB];
	_ =	sdelay $0x1  }
0x21b: {  	s4 =	sand.u32 $0xFFFFF80, s9  }
0x21c: {  	s23 =	sand.u32 $0xFFFFF80, s3;
	s4 =	sadd.s32 s2, s4  }
0x21d: {  	[tilespmem:s24], [sflag:$0x6] =	stream.strided.gather [hbm4b:s4+s11], $0x2000, s13, s11, $0x38;
	[tilespmem:$0x1C100] =	vst v63  }
0x21e: {  	s4 =	sadd.s32 s2, s23  }
0x21f: {  	[tilespmem:s25], [sflag:$0x6] =	stream.strided.gather [hbm4b:s4+s11], $0x2000, s13, s11, $0x38;
	[tilespmem:$0x1C100] =	vst v63  }
0x220: {  	_ =	swait.ge [sflag:s26], $0x2000  }
0x221: {  	[sflag:s26] =	ssyncset.done $0x0  }
0x222: {  	[sflag:s26] =	ssyncadd.s32 $0xFFFFE000  }
0x223: {  	_ =	swait.ge [sflag:s26], $0x2000  }
0x224: {  	[sflag:s26] =	ssyncset.done $0x0  }
0x225: {  	[sflag:s26] =	ssyncadd.s32 $0xFFFFE000  }
0x226: {  	s5 =	sld [smem:$0xF0];
	_ =	sdelay $0x2  }
0x227: {  	v53 =	vor.u32 $0xF0, v1;
	s4 =	sand.u32 $0x7F, s5  }
0x228: {  	v52 =	vor.u32 s4, v0;
	_ =	sdelay $0x3  }
0x229: {  	v54 =	vld.idx.msk [tilespmem:v53+s10+$0x0], $0xffff  }
0x22a: {  	v52 =	vld.idx.msk [tilespmem:v52+s8+$0x0], $0xffff;
	_ =	sdelay $0x2  }
0x22b: {  	v55 =	vor.u32 s4, v2  }
0x22c: {  	v56 =	vor.u32 $0x10F0, v1  }
0x22d: {  	v52 =	vadd.f32 v54, v52;
	_ =	sdelay $0x1  }
0x22e: {  	[tilespmem:v53+s10+$0x0] =	vst.idx.msk $0xffff, v52  }
0x22f: {  	v52 =	vld.idx.msk [tilespmem:v55+s8+$0x0], $0xffff  }
0x230: {  	v53 =	vld.idx.msk [tilespmem:v56+s10+$0x0], $0xffff;
	_ =	sdelay $0x2  }
0x231: {  	v59 =	vor.u32 s4, v4  }
0x232: {  	v60 =	vor.u32 $0x20F0, v1  }
0x233: {  	v52 =	vadd.f32 v53, v52;
	_ =	sdelay $0x1  }
0x234: {  	[tilespmem:v56+s10+$0x0] =	vst.idx.msk $0xffff, v52  }
0x235: {  	v52 =	vld.idx.msk [tilespmem:v59+s8+$0x0], $0xffff  }
0x236: {  	v61 =	vld.idx.msk [tilespmem:v60+s10+$0x0], $0xffff;
	_ =	sdelay $0x2  }
0x237: {  	v62 =	vor.u32 s4, v6  }
0x238: {  	v63 =	vor.u32 $0x30F0, v1  }
0x239: {  	v52 =	vadd.f32 v61, v52;
	_ =	sdelay $0x1  }
0x23a: {  	[tilespmem:v60+s10+$0x0] =	vst.idx.msk $0xffff, v52  }
0x23b: {  	s6 =	sld [smem:$0xF1];
	v52 =	vld.idx.msk [tilespmem:v62+s8+$0x0], $0xffff  }
0x23c: {  	v58 =	vld.idx.msk [tilespmem:v63+s10+$0x0], $0xffff;
	_ =	sdelay $0x1  }
0x23d: {  	s4 =	sand.u32 $0x7F, s6  }
0x23e: {  	v59 =	vor.u32 s4, v8  }
0x23f: {  	v60 =	vor.u32 $0xF1, v1  }
0x240: {  	v52 =	vadd.f32 v58, v52;
	_ =	sdelay $0x1  }
0x241: {  	[tilespmem:v63+s10+$0x0] =	vst.idx.msk $0xffff, v52  }
0x242: {  	v52 =	vld.idx.msk [tilespmem:v59+s8+$0x0], $0xffff  }
0x243: {  	v61 =	vld.idx.msk [tilespmem:v60+s10+$0x0], $0xffff;
	_ =	sdelay $0x2  }
0x244: {  	v62 =	vor.u32 s4, v9  }
0x245: {  	v63 =	vor.u32 $0x10F1, v1  }
0x246: {  	v52 =	vadd.f32 v61, v52;
	_ =	sdelay $0x1  }
0x247: {  	[tilespmem:v60+s10+$0x0] =	vst.idx.msk $0xffff, v52  }
0x248: {  	v52 =	vld.idx.msk [tilespmem:v62+s8+$0x0], $0xffff  }
0x249: {  	v58 =	vld.idx.msk [tilespmem:v63+s10+$0x0], $0xffff;
	_ =	sdelay $0x2  }
0x24a: {  	v59 =	vor.u32 s4, v10  }
0x24b: {  	v60 =	vor.u32 $0x20F1, v1  }
0x24c: {  	v52 =	vadd.f32 v58, v52;
	_ =	sdelay $0x1  }
0x24d: {  	[tilespmem:v63+s10+$0x0] =	vst.idx.msk $0xffff, v52  }
0x24e: {  	v52 =	vld.idx.msk [tilespmem:v59+s8+$0x0], $0xffff  }
0x24f: {  	v61 =	vld.idx.msk [tilespmem:v60+s10+$0x0], $0xffff;
	_ =	sdelay $0x2  }
0x250: {  	v62 =	vor.u32 s4, v11  }
0x251: {  	v63 =	vor.u32 $0x30F1, v1  }
0x252: {  	v52 =	vadd.f32 v61, v52;
	_ =	sdelay $0x1  }
0x253: {  	[tilespmem:v60+s10+$0x0] =	vst.idx.msk $0xffff, v52  }
0x254: {  	v52 =	vld.idx.msk [tilespmem:v62+s8+$0x0], $0xffff  }
0x255: {  	v58 =	vld.idx.msk [tilespmem:v63+s10+$0x0], $0xffff;
	_ =	sdelay $0x2  }
0x256: {  	s6 =	sld [smem:$0xFC]  }
0x257: {  	s4 =	sld [smem:$0xFD]  }
0x258: {  	v52 =	vadd.f32 v58, v52  }
0x259: {  	s5 =	sand.u32 $0xFFFFF80, s6  }
0x25a: {  	s5 =	sadd.s32 s2, s5;
	s7 =	sand.u32 $0xFFFFF80, s4;
	[tilespmem:v63+s10+$0x0] =	vst.idx.msk $0xffff, v52  }
0x25b: {  	[tilespmem:s8], [sflag:$0x1] =	stream.strided.gather [hbm4b:s5+s11], $0x2000, s13, s11, $0x38;
	[tilespmem:$0x1C100] =	vst v63  }
0x25c: {  	s5 =	sadd.s32 s2, s7  }
0x25d: {  	[tilespmem:s14], [sflag:$0x1] =	stream.strided.gather [hbm4b:s5+s11], $0x2000, s13, s11, $0x38;
	[tilespmem:$0x1C100] =	vst v63  }
0x25e: {  	_ =	swait.ge [sflag:s28], $0x2000  }
0x25f: {  	[sflag:s28] =	ssyncset.done $0x0  }
0x260: {  	[sflag:s28] =	ssyncadd.s32 $0xFFFFE000  }
0x261: {  	_ =	swait.ge [sflag:s28], $0x2000  }
0x262: {  	[sflag:s28] =	ssyncset.done $0x0  }
0x263: {  	[sflag:s28] =	ssyncadd.s32 $0xFFFFE000  }
0x264: {  	s23 =	sld [smem:$0xF2];
	_ =	sdelay $0x2  }
0x265: {  	v60 =	vor.u32 $0xF2, v1;
	s5 =	sand.u32 $0x7F, s23  }
0x266: {  	v59 =	vor.u32 s5, v12;
	_ =	sdelay $0x3  }
0x267: {  	v61 =	vld.idx.msk [tilespmem:v60+s10+$0x0], $0xffff  }
0x268: {  	v52 =	vld.idx.msk [tilespmem:v59+s8+$0x0], $0xffff;
	_ =	sdelay $0x2  }
0x269: {  	v62 =	vor.u32 s5, v13  }
0x26a: {  	v63 =	vor.u32 $0x10F2, v1  }
0x26b: {  	v52 =	vadd.f32 v61, v52;
	_ =	sdelay $0x1  }
0x26c: {  	[tilespmem:v60+s10+$0x0] =	vst.idx.msk $0xffff, v52  }
0x26d: {  	v52 =	vld.idx.msk [tilespmem:v62+s8+$0x0], $0xffff  }
0x26e: {  	v53 =	vld.idx.msk [tilespmem:v63+s10+$0x0], $0xffff;
	_ =	sdelay $0x2  }
0x26f: {  	v59 =	vor.u32 s5, v14  }
0x270: {  	v60 =	vor.u32 $0x20F2, v1  }
0x271: {  	v52 =	vadd.f32 v53, v52;
	_ =	sdelay $0x1  }
0x272: {  	[tilespmem:v63+s10+$0x0] =	vst.idx.msk $0xffff, v52  }
0x273: {  	v52 =	vld.idx.msk [tilespmem:v59+s8+$0x0], $0xffff  }
0x274: {  	v61 =	vld.idx.msk [tilespmem:v60+s10+$0x0], $0xffff;
	_ =	sdelay $0x2  }
0x275: {  	v62 =	vor.u32 s5, v15  }
0x276: {  	v63 =	vor.u32 $0x30F2, v1  }
0x277: {  	v52 =	vadd.f32 v61, v52;
	_ =	sdelay $0x1  }
0x278: {  	[tilespmem:v60+s10+$0x0] =	vst.idx.msk $0xffff, v52  }
0x279: {  	s7 =	sld [smem:$0xF3];
	v52 =	vld.idx.msk [tilespmem:v62+s8+$0x0], $0xffff  }
0x27a: {  	v58 =	vld.idx.msk [tilespmem:v63+s10+$0x0], $0xffff;
	_ =	sdelay $0x1  }
0x27b: {  	s5 =	sand.u32 $0x7F, s7  }
0x27c: {  	v59 =	vor.u32 s5, v16  }
0x27d: {  	v60 =	vor.u32 $0xF3, v1  }
0x27e: {  	v52 =	vadd.f32 v58, v52;
	_ =	sdelay $0x1  }
0x27f: {  	[tilespmem:v63+s10+$0x0] =	vst.idx.msk $0xffff, v52  }
0x280: {  	v52 =	vld.idx.msk [tilespmem:v59+s8+$0x0], $0xffff  }
0x281: {  	v61 =	vld.idx.msk [tilespmem:v60+s10+$0x0], $0xffff;
	_ =	sdelay $0x2  }
0x282: {  	v62 =	vor.u32 s5, v17  }
0x283: {  	v63 =	vor.u32 $0x10F3, v1  }
0x284: {  	v52 =	vadd.f32 v61, v52;
	_ =	sdelay $0x1  }
0x285: {  	[tilespmem:v60+s10+$0x0] =	vst.idx.msk $0xffff, v52  }
0x286: {  	v52 =	vld.idx.msk [tilespmem:v62+s8+$0x0], $0xffff  }
0x287: {  	v58 =	vld.idx.msk [tilespmem:v63+s10+$0x0], $0xffff;
	_ =	sdelay $0x2  }
0x288: {  	v59 =	vor.u32 s5, v18  }
0x289: {  	v60 =	vor.u32 $0x20F3, v1  }
0x28a: {  	v52 =	vadd.f32 v58, v52;
	_ =	sdelay $0x1  }
0x28b: {  	[tilespmem:v63+s10+$0x0] =	vst.idx.msk $0xffff, v52  }
0x28c: {  	v52 =	vld.idx.msk [tilespmem:v59+s8+$0x0], $0xffff  }
0x28d: {  	v61 =	vld.idx.msk [tilespmem:v60+s10+$0x0], $0xffff;
	_ =	sdelay $0x2  }
0x28e: {  	v62 =	vor.u32 s5, v19  }
0x28f: {  	v63 =	vor.u32 $0x30F3, v1  }
0x290: {  	v52 =	vadd.f32 v61, v52;
	_ =	sdelay $0x1  }
0x291: {  	[tilespmem:v60+s10+$0x0] =	vst.idx.msk $0xffff, v52  }
0x292: {  	v52 =	vld.idx.msk [tilespmem:v62+s8+$0x0], $0xffff  }
0x293: {  	v58 =	vld.idx.msk [tilespmem:v63+s10+$0x0], $0xffff;
	_ =	sdelay $0x2  }
0x294: {  	s7 =	sld [smem:$0xFE];
	_ =	sdelay $0x1  }
0x295: {  	v52 =	vadd.f32 v58, v52  }
0x296: {  	s23 =	sand.u32 $0xFFFFF80, s7;
	s5 =	sld [smem:$0xFF]  }
0x297: {  	s23 =	sadd.s32 s2, s23;
	[tilespmem:v63+s10+$0x0] =	vst.idx.msk $0xffff, v52  }
0x298: {  	[tilespmem:s15], [sflag:$0x2] =	stream.strided.gather [hbm4b:s23+s11], $0x2000, s13, s11, $0x38;
	[tilespmem:$0x1C100] =	vst v63  }
0x299: {  	s23 =	sand.u32 $0xFFFFF80, s5  }
0x29a: {  	s23 =	sadd.s32 s2, s23  }
0x29b: {  	[tilespmem:s16], [sflag:$0x2] =	stream.strided.gather [hbm4b:s23+s11], $0x2000, s13, s11, $0x38;
	[tilespmem:$0x1C100] =	vst v63  }
0x29c: {  	_ =	swait.ge [sflag:s29], $0x2000  }
0x29d: {  	[sflag:s29] =	ssyncset.done $0x0  }
0x29e: {  	[sflag:s29] =	ssyncadd.s32 $0xFFFFE000  }
0x29f: {  	_ =	swait.ge [sflag:s29], $0x2000  }
0x2a0: {  	[sflag:s29] =	ssyncset.done $0x0  }
0x2a1: {  	[sflag:s29] =	ssyncadd.s32 $0xFFFFE000  }
0x2a2: {  	s23 =	sld [smem:$0xF4];
	_ =	sdelay $0x2  }
0x2a3: {  	v60 =	vor.u32 $0xF4, v1;
	s23 =	sand.u32 $0x7F, s23  }
0x2a4: {  	v59 =	vor.u32 s23, v20;
	_ =	sdelay $0x3  }
0x2a5: {  	v61 =	vld.idx.msk [tilespmem:v60+s10+$0x0], $0xffff  }
0x2a6: {  	v52 =	vld.idx.msk [tilespmem:v59+s8+$0x0], $0xffff;
	_ =	sdelay $0x2  }
0x2a7: {  	v62 =	vor.u32 s23, v21  }
0x2a8: {  	v63 =	vor.u32 $0x10F4, v1  }
0x2a9: {  	v52 =	vadd.f32 v61, v52;
	_ =	sdelay $0x1  }
0x2aa: {  	[tilespmem:v60+s10+$0x0] =	vst.idx.msk $0xffff, v52  }
0x2ab: {  	v52 =	vld.idx.msk [tilespmem:v62+s8+$0x0], $0xffff  }
0x2ac: {  	v53 =	vld.idx.msk [tilespmem:v63+s10+$0x0], $0xffff;
	_ =	sdelay $0x2  }
0x2ad: {  	v59 =	vor.u32 s23, v22  }
0x2ae: {  	v60 =	vor.u32 $0x20F4, v1  }
0x2af: {  	v52 =	vadd.f32 v53, v52;
	_ =	sdelay $0x1  }
0x2b0: {  	[tilespmem:v63+s10+$0x0] =	vst.idx.msk $0xffff, v52  }
0x2b1: {  	v52 =	vld.idx.msk [tilespmem:v59+s8+$0x0], $0xffff  }
0x2b2: {  	v61 =	vld.idx.msk [tilespmem:v60+s10+$0x0], $0xffff;
	_ =	sdelay $0x2  }
0x2b3: {  	v62 =	vor.u32 s23, v23  }
0x2b4: {  	v63 =	vor.u32 $0x30F4, v1  }
0x2b5: {  	v52 =	vadd.f32 v61, v52;
	_ =	sdelay $0x1  }
0x2b6: {  	[tilespmem:v60+s10+$0x0] =	vst.idx.msk $0xffff, v52  }
0x2b7: {  	s23 =	sld [smem:$0xF5];
	v52 =	vld.idx.msk [tilespmem:v62+s8+$0x0], $0xffff  }
0x2b8: {  	v58 =	vld.idx.msk [tilespmem:v63+s10+$0x0], $0xffff;
	_ =	sdelay $0x1  }
0x2b9: {  	s23 =	sand.u32 $0x7F, s23  }
0x2ba: {  	v59 =	vor.u32 s23, v24  }
0x2bb: {  	v60 =	vor.u32 $0xF5, v1  }
0x2bc: {  	v52 =	vadd.f32 v58, v52;
	_ =	sdelay $0x1  }
0x2bd: {  	[tilespmem:v63+s10+$0x0] =	vst.idx.msk $0xffff, v52  }
0x2be: {  	v52 =	vld.idx.msk [tilespmem:v59+s8+$0x0], $0xffff  }
0x2bf: {  	v61 =	vld.idx.msk [tilespmem:v60+s10+$0x0], $0xffff;
	_ =	sdelay $0x2  }
0x2c0: {  	v62 =	vor.u32 s23, v25  }
0x2c1: {  	v63 =	vor.u32 $0x10F5, v1  }
0x2c2: {  	v52 =	vadd.f32 v61, v52;
	_ =	sdelay $0x1  }
0x2c3: {  	[tilespmem:v60+s10+$0x0] =	vst.idx.msk $0xffff, v52  }
0x2c4: {  	v52 =	vld.idx.msk [tilespmem:v62+s8+$0x0], $0xffff  }
0x2c5: {  	v58 =	vld.idx.msk [tilespmem:v63+s10+$0x0], $0xffff;
	_ =	sdelay $0x2  }
0x2c6: {  	v59 =	vor.u32 s23, v26  }
0x2c7: {  	v60 =	vor.u32 $0x20F5, v1  }
0x2c8: {  	v52 =	vadd.f32 v58, v52;
	_ =	sdelay $0x1  }
0x2c9: {  	[tilespmem:v63+s10+$0x0] =	vst.idx.msk $0xffff, v52  }
0x2ca: {  	v52 =	vld.idx.msk [tilespmem:v59+s8+$0x0], $0xffff  }
0x2cb: {  	v61 =	vld.idx.msk [tilespmem:v60+s10+$0x0], $0xffff;
	_ =	sdelay $0x2  }
0x2cc: {  	v62 =	vor.u32 s23, v27  }
0x2cd: {  	v63 =	vor.u32 $0x30F5, v1  }
0x2ce: {  	v52 =	vadd.f32 v61, v52;
	_ =	sdelay $0x1  }
0x2cf: {  	[tilespmem:v60+s10+$0x0] =	vst.idx.msk $0xffff, v52  }
0x2d0: {  	v52 =	vld.idx.msk [tilespmem:v62+s8+$0x0], $0xffff  }
0x2d1: {  	v58 =	vld.idx.msk [tilespmem:v63+s10+$0x0], $0xffff;
	_ =	sdelay $0x4  }
0x2d2: {  	v52 =	vadd.f32 v58, v52;
	_ =	sdelay $0x1  }
0x2d3: {  	[tilespmem:v63+s10+$0x0] =	vst.idx.msk $0xffff, v52  }
0x2d4: {  	_ =	swait.ge [sflag:s30], $0x2000  }
0x2d5: {  	[sflag:s30] =	ssyncset.done $0x0  }
0x2d6: {  	[sflag:s30] =	ssyncadd.s32 $0xFFFFE000  }
0x2d7: {  	_ =	swait.ge [sflag:s30], $0x2000  }
0x2d8: {  	[sflag:s30] =	ssyncset.done $0x0  }
0x2d9: {  	[sflag:s30] =	ssyncadd.s32 $0xFFFFE000  }
0x2da: {  	s23 =	sld [smem:$0xF6];
	_ =	sdelay $0x2  }
0x2db: {  	v60 =	vor.u32 $0xF6, v1;
	s23 =	sand.u32 $0x7F, s23  }
0x2dc: {  	v59 =	vor.u32 s23, v28;
	_ =	sdelay $0x3  }
0x2dd: {  	v61 =	vld.idx.msk [tilespmem:v60+s10+$0x0], $0xffff  }
0x2de: {  	v52 =	vld.idx.msk [tilespmem:v59+s8+$0x0], $0xffff;
	_ =	sdelay $0x2  }
0x2df: {  	v62 =	vor.u32 s23, v29  }
0x2e0: {  	v63 =	vor.u32 $0x10F6, v1  }
0x2e1: {  	v52 =	vadd.f32 v61, v52;
	_ =	sdelay $0x1  }
0x2e2: {  	[tilespmem:v60+s10+$0x0] =	vst.idx.msk $0xffff, v52  }
0x2e3: {  	v52 =	vld.idx.msk [tilespmem:v62+s8+$0x0], $0xffff  }
0x2e4: {  	v53 =	vld.idx.msk [tilespmem:v63+s10+$0x0], $0xffff;
	_ =	sdelay $0x2  }
0x2e5: {  	v59 =	vor.u32 s23, v30  }
0x2e6: {  	v60 =	vor.u32 $0x20F6, v1  }
0x2e7: {  	v52 =	vadd.f32 v53, v52;
	_ =	sdelay $0x1  }
0x2e8: {  	[tilespmem:v63+s10+$0x0] =	vst.idx.msk $0xffff, v52  }
0x2e9: {  	v52 =	vld.idx.msk [tilespmem:v59+s8+$0x0], $0xffff  }
0x2ea: {  	v61 =	vld.idx.msk [tilespmem:v60+s10+$0x0], $0xffff;
	_ =	sdelay $0x2  }
0x2eb: {  	v62 =	vor.u32 s23, v31  }
0x2ec: {  	v63 =	vor.u32 $0x30F6, v1  }
0x2ed: {  	v52 =	vadd.f32 v61, v52;
	_ =	sdelay $0x1  }
0x2ee: {  	[tilespmem:v60+s10+$0x0] =	vst.idx.msk $0xffff, v52  }
0x2ef: {  	s23 =	sld [smem:$0xF7];
	v52 =	vld.idx.msk [tilespmem:v62+s8+$0x0], $0xffff  }
0x2f0: {  	v58 =	vld.idx.msk [tilespmem:v63+s10+$0x0], $0xffff;
	_ =	sdelay $0x1  }
0x2f1: {  	s23 =	sand.u32 $0x7F, s23  }
0x2f2: {  	v59 =	vor.u32 s23, v32  }
0x2f3: {  	v60 =	vor.u32 $0xF7, v1  }
0x2f4: {  	v52 =	vadd.f32 v58, v52;
	_ =	sdelay $0x1  }
0x2f5: {  	[tilespmem:v63+s10+$0x0] =	vst.idx.msk $0xffff, v52  }
0x2f6: {  	v52 =	vld.idx.msk [tilespmem:v59+s8+$0x0], $0xffff  }
0x2f7: {  	v61 =	vld.idx.msk [tilespmem:v60+s10+$0x0], $0xffff;
	_ =	sdelay $0x2  }
0x2f8: {  	v62 =	vor.u32 s23, v33  }
0x2f9: {  	v63 =	vor.u32 $0x10F7, v1  }
0x2fa: {  	v52 =	vadd.f32 v61, v52;
	_ =	sdelay $0x1  }
0x2fb: {  	[tilespmem:v60+s10+$0x0] =	vst.idx.msk $0xffff, v52  }
0x2fc: {  	v52 =	vld.idx.msk [tilespmem:v62+s8+$0x0], $0xffff  }
0x2fd: {  	v58 =	vld.idx.msk [tilespmem:v63+s10+$0x0], $0xffff;
	_ =	sdelay $0x2  }
0x2fe: {  	v59 =	vor.u32 s23, v34  }
0x2ff: {  	v60 =	vor.u32 $0x20F7, v1  }
0x300: {  	v52 =	vadd.f32 v58, v52;
	_ =	sdelay $0x1  }
0x301: {  	[tilespmem:v63+s10+$0x0] =	vst.idx.msk $0xffff, v52  }
0x302: {  	v52 =	vld.idx.msk [tilespmem:v59+s8+$0x0], $0xffff  }
0x303: {  	v61 =	vld.idx.msk [tilespmem:v60+s10+$0x0], $0xffff;
	_ =	sdelay $0x2  }
0x304: {  	v62 =	vor.u32 s23, v35  }
0x305: {  	v63 =	vor.u32 $0x30F7, v1  }
0x306: {  	v52 =	vadd.f32 v61, v52;
	_ =	sdelay $0x1  }
0x307: {  	[tilespmem:v60+s10+$0x0] =	vst.idx.msk $0xffff, v52  }
0x308: {  	v52 =	vld.idx.msk [tilespmem:v62+s8+$0x0], $0xffff  }
0x309: {  	v58 =	vld.idx.msk [tilespmem:v63+s10+$0x0], $0xffff;
	_ =	sdelay $0x4  }
0x30a: {  	v52 =	vadd.f32 v58, v52;
	_ =	sdelay $0x1  }
0x30b: {  	[tilespmem:v63+s10+$0x0] =	vst.idx.msk $0xffff, v52  }
0x30c: {  	_ =	swait.ge [sflag:s31], $0x2000  }
0x30d: {  	[sflag:s31] =	ssyncset.done $0x0  }
0x30e: {  	[sflag:s31] =	ssyncadd.s32 $0xFFFFE000  }
0x30f: {  	_ =	swait.ge [sflag:s31], $0x2000  }
0x310: {  	[sflag:s31] =	ssyncset.done $0x0  }
0x311: {  	[sflag:s31] =	ssyncadd.s32 $0xFFFFE000  }
0x312: {  	s23 =	sld [smem:$0xF8];
	_ =	sdelay $0x2  }
0x313: {  	v60 =	vor.u32 $0xF8, v1;
	s23 =	sand.u32 $0x7F, s23  }
0x314: {  	v59 =	vor.u32 s23, v36;
	_ =	sdelay $0x3  }
0x315: {  	v61 =	vld.idx.msk [tilespmem:v60+s10+$0x0], $0xffff  }
0x316: {  	v52 =	vld.idx.msk [tilespmem:v59+s8+$0x0], $0xffff;
	_ =	sdelay $0x2  }
0x317: {  	v62 =	vor.u32 s23, v37  }
0x318: {  	v63 =	vor.u32 $0x10F8, v1  }
0x319: {  	v52 =	vadd.f32 v61, v52;
	_ =	sdelay $0x1  }
0x31a: {  	[tilespmem:v60+s10+$0x0] =	vst.idx.msk $0xffff, v52  }
0x31b: {  	v52 =	vld.idx.msk [tilespmem:v62+s8+$0x0], $0xffff  }
0x31c: {  	v53 =	vld.idx.msk [tilespmem:v63+s10+$0x0], $0xffff;
	_ =	sdelay $0x2  }
0x31d: {  	v59 =	vor.u32 s23, v38  }
0x31e: {  	v60 =	vor.u32 $0x20F8, v1  }
0x31f: {  	v52 =	vadd.f32 v53, v52;
	_ =	sdelay $0x1  }
0x320: {  	[tilespmem:v63+s10+$0x0] =	vst.idx.msk $0xffff, v52  }
0x321: {  	v52 =	vld.idx.msk [tilespmem:v59+s8+$0x0], $0xffff  }
0x322: {  	v61 =	vld.idx.msk [tilespmem:v60+s10+$0x0], $0xffff;
	_ =	sdelay $0x2  }
0x323: {  	v62 =	vor.u32 s23, v39  }
0x324: {  	v63 =	vor.u32 $0x30F8, v1  }
0x325: {  	v52 =	vadd.f32 v61, v52;
	_ =	sdelay $0x1  }
0x326: {  	[tilespmem:v60+s10+$0x0] =	vst.idx.msk $0xffff, v52  }
0x327: {  	s23 =	sld [smem:$0xF9];
	v52 =	vld.idx.msk [tilespmem:v62+s8+$0x0], $0xffff  }
0x328: {  	v58 =	vld.idx.msk [tilespmem:v63+s10+$0x0], $0xffff;
	_ =	sdelay $0x1  }
0x329: {  	s23 =	sand.u32 $0x7F, s23  }
0x32a: {  	v59 =	vor.u32 s23, v40  }
0x32b: {  	v60 =	vor.u32 $0xF9, v1  }
0x32c: {  	v52 =	vadd.f32 v58, v52;
	_ =	sdelay $0x1  }
0x32d: {  	[tilespmem:v63+s10+$0x0] =	vst.idx.msk $0xffff, v52  }
0x32e: {  	v52 =	vld.idx.msk [tilespmem:v59+s8+$0x0], $0xffff  }
0x32f: {  	v61 =	vld.idx.msk [tilespmem:v60+s10+$0x0], $0xffff;
	_ =	sdelay $0x2  }
0x330: {  	v62 =	vor.u32 s23, v41  }
0x331: {  	v63 =	vor.u32 $0x10F9, v1  }
0x332: {  	v52 =	vadd.f32 v61, v52;
	_ =	sdelay $0x1  }
0x333: {  	[tilespmem:v60+s10+$0x0] =	vst.idx.msk $0xffff, v52  }
0x334: {  	v52 =	vld.idx.msk [tilespmem:v62+s8+$0x0], $0xffff  }
0x335: {  	v58 =	vld.idx.msk [tilespmem:v63+s10+$0x0], $0xffff;
	_ =	sdelay $0x2  }
0x336: {  	v59 =	vor.u32 s23, v42  }
0x337: {  	v60 =	vor.u32 $0x20F9, v1  }
0x338: {  	v52 =	vadd.f32 v58, v52;
	_ =	sdelay $0x1  }
0x339: {  	[tilespmem:v63+s10+$0x0] =	vst.idx.msk $0xffff, v52  }
0x33a: {  	v52 =	vld.idx.msk [tilespmem:v59+s8+$0x0], $0xffff  }
0x33b: {  	v61 =	vld.idx.msk [tilespmem:v60+s10+$0x0], $0xffff;
	_ =	sdelay $0x2  }
0x33c: {  	v62 =	vor.u32 s23, v43  }
0x33d: {  	v63 =	vor.u32 $0x30F9, v1  }
0x33e: {  	v52 =	vadd.f32 v61, v52;
	_ =	sdelay $0x1  }
0x33f: {  	[tilespmem:v60+s10+$0x0] =	vst.idx.msk $0xffff, v52  }
0x340: {  	v52 =	vld.idx.msk [tilespmem:v62+s8+$0x0], $0xffff  }
0x341: {  	v58 =	vld.idx.msk [tilespmem:v63+s10+$0x0], $0xffff;
	_ =	sdelay $0x4  }
0x342: {  	v52 =	vadd.f32 v58, v52;
	_ =	sdelay $0x1  }
0x343: {  	[tilespmem:v63+s10+$0x0] =	vst.idx.msk $0xffff, v52  }
0x344: {  	s9 =	sand.u32 $0x7F, s9;
	_ =	swait.ge [sflag:s1], $0x2000  }
0x345: {  	v59 =	vor.u32 s9, v44;
	[sflag:s1] =	ssyncset.done $0x0  }
0x346: {  	v60 =	vor.u32 $0xFA, v1;
	[sflag:s1] =	ssyncadd.s32 $0xFFFFE000  }
0x347: {  	_ =	swait.ge [sflag:s1], $0x2000  }
0x348: {  	[sflag:s1] =	ssyncset.done $0x0  }
0x349: {  	[sflag:s1] =	ssyncadd.s32 $0xFFFFE000  }
0x34a: {  	v52 =	vld.idx.msk [tilespmem:v59+s8+$0x0], $0xffff  }
0x34b: {  	v61 =	vld.idx.msk [tilespmem:v60+s10+$0x0], $0xffff;
	_ =	sdelay $0x2  }
0x34c: {  	v62 =	vor.u32 s9, v45  }
0x34d: {  	v63 =	vor.u32 $0x10FA, v1  }
0x34e: {  	v52 =	vadd.f32 v61, v52;
	_ =	sdelay $0x1  }
0x34f: {  	[tilespmem:v60+s10+$0x0] =	vst.idx.msk $0xffff, v52  }
0x350: {  	v52 =	vld.idx.msk [tilespmem:v62+s8+$0x0], $0xffff  }
0x351: {  	v53 =	vld.idx.msk [tilespmem:v63+s10+$0x0], $0xffff;
	_ =	sdelay $0x2  }
0x352: {  	v59 =	vor.u32 s9, v46  }
0x353: {  	v60 =	vor.u32 $0x20FA, v1  }
0x354: {  	v52 =	vadd.f32 v53, v52;
	_ =	sdelay $0x1  }
0x355: {  	[tilespmem:v63+s10+$0x0] =	vst.idx.msk $0xffff, v52  }
0x356: {  	v52 =	vld.idx.msk [tilespmem:v59+s8+$0x0], $0xffff  }
0x357: {  	v61 =	vld.idx.msk [tilespmem:v60+s10+$0x0], $0xffff;
	_ =	sdelay $0x2  }
0x358: {  	v62 =	vor.u32 s9, v47  }
0x359: {  	v63 =	vor.u32 $0x30FA, v1  }
0x35a: {  	v52 =	vadd.f32 v61, v52;
	_ =	sdelay $0x1  }
0x35b: {  	[tilespmem:v60+s10+$0x0] =	vst.idx.msk $0xffff, v52  }
0x35c: {  	v52 =	vld.idx.msk [tilespmem:v62+s8+$0x0], $0xffff  }
0x35d: {  	v58 =	vld.idx.msk [tilespmem:v63+s10+$0x0], $0xffff;
	_ =	sdelay $0x1  }
0x35e: {  	s3 =	sand.u32 $0x7F, s3  }
0x35f: {  	v59 =	vor.u32 s3, v48  }
0x360: {  	v60 =	vor.u32 $0xFB, v1  }
0x361: {  	v52 =	vadd.f32 v58, v52;
	_ =	sdelay $0x1  }
0x362: {  	[tilespmem:v63+s10+$0x0] =	vst.idx.msk $0xffff, v52  }
0x363: {  	v52 =	vld.idx.msk [tilespmem:v59+s8+$0x0], $0xffff  }
0x364: {  	v61 =	vld.idx.msk [tilespmem:v60+s10+$0x0], $0xffff;
	_ =	sdelay $0x2  }
0x365: {  	v62 =	vor.u32 s3, v49  }
0x366: {  	v63 =	vor.u32 $0x10FB, v1  }
0x367: {  	v52 =	vadd.f32 v61, v52;
	_ =	sdelay $0x1  }
0x368: {  	[tilespmem:v60+s10+$0x0] =	vst.idx.msk $0xffff, v52  }
0x369: {  	v52 =	vld.idx.msk [tilespmem:v62+s8+$0x0], $0xffff  }
0x36a: {  	v58 =	vld.idx.msk [tilespmem:v63+s10+$0x0], $0xffff;
	_ =	sdelay $0x2  }
0x36b: {  	v59 =	vor.u32 s3, v50  }
0x36c: {  	v60 =	vor.u32 $0x20FB, v1  }
0x36d: {  	v52 =	vadd.f32 v58, v52;
	_ =	sdelay $0x1  }
0x36e: {  	[tilespmem:v63+s10+$0x0] =	vst.idx.msk $0xffff, v52  }
0x36f: {  	v52 =	vld.idx.msk [tilespmem:v59+s8+$0x0], $0xffff  }
0x370: {  	v61 =	vld.idx.msk [tilespmem:v60+s10+$0x0], $0xffff;
	_ =	sdelay $0x2  }
0x371: {  	v62 =	vor.u32 s3, v51  }
0x372: {  	v63 =	vor.u32 $0x30FB, v1  }
0x373: {  	v52 =	vadd.f32 v61, v52;
	_ =	sdelay $0x1  }
0x374: {  	[tilespmem:v60+s10+$0x0] =	vst.idx.msk $0xffff, v52  }
0x375: {  	v52 =	vld.idx.msk [tilespmem:v62+s8+$0x0], $0xffff  }
0x376: {  	v58 =	vld.idx.msk [tilespmem:v63+s10+$0x0], $0xffff;
	_ =	sdelay $0x4  }
0x377: {  	v52 =	vadd.f32 v58, v52;
	_ =	sdelay $0x1  }
0x378: {  	[tilespmem:v63+s10+$0x0] =	vst.idx.msk $0xffff, v52  }
0x379: {  	s23 =	sand.u32 $0x7F, s6;
	_ =	swait.ge [sflag:s26], $0x2000  }
0x37a: {  	v59 =	vor.u32 s23, v0;
	[sflag:s26] =	ssyncset.done $0x0  }
0x37b: {  	v60 =	vor.u32 $0xFC, v1;
	[sflag:s26] =	ssyncadd.s32 $0xFFFFE000  }
0x37c: {  	_ =	swait.ge [sflag:s26], $0x2000  }
0x37d: {  	[sflag:s26] =	ssyncset.done $0x0  }
0x37e: {  	[sflag:s26] =	ssyncadd.s32 $0xFFFFE000  }
0x37f: {  	v52 =	vld.idx.msk [tilespmem:v59+s8+$0x0], $0xffff  }
0x380: {  	v61 =	vld.idx.msk [tilespmem:v60+s10+$0x0], $0xffff;
	_ =	sdelay $0x2  }
0x381: {  	v62 =	vor.u32 s23, v2  }
0x382: {  	v63 =	vor.u32 $0x10FC, v1  }
0x383: {  	v52 =	vadd.f32 v61, v52;
	_ =	sdelay $0x1  }
0x384: {  	[tilespmem:v60+s10+$0x0] =	vst.idx.msk $0xffff, v52  }
0x385: {  	v52 =	vld.idx.msk [tilespmem:v62+s8+$0x0], $0xffff  }
0x386: {  	v53 =	vld.idx.msk [tilespmem:v63+s10+$0x0], $0xffff;
	_ =	sdelay $0x2  }
0x387: {  	v59 =	vor.u32 s23, v4  }
0x388: {  	v60 =	vor.u32 $0x20FC, v1  }
0x389: {  	v52 =	vadd.f32 v53, v52;
	_ =	sdelay $0x1  }
0x38a: {  	[tilespmem:v63+s10+$0x0] =	vst.idx.msk $0xffff, v52  }
0x38b: {  	v52 =	vld.idx.msk [tilespmem:v59+s8+$0x0], $0xffff  }
0x38c: {  	v61 =	vld.idx.msk [tilespmem:v60+s10+$0x0], $0xffff;
	_ =	sdelay $0x2  }
0x38d: {  	v62 =	vor.u32 s23, v6  }
0x38e: {  	v63 =	vor.u32 $0x30FC, v1  }
0x38f: {  	v52 =	vadd.f32 v61, v52;
	_ =	sdelay $0x1  }
0x390: {  	[tilespmem:v60+s10+$0x0] =	vst.idx.msk $0xffff, v52  }
0x391: {  	v52 =	vld.idx.msk [tilespmem:v62+s8+$0x0], $0xffff  }
0x392: {  	v58 =	vld.idx.msk [tilespmem:v63+s10+$0x0], $0xffff;
	_ =	sdelay $0x1  }
0x393: {  	s4 =	sand.u32 $0x7F, s4  }
0x394: {  	v59 =	vor.u32 s4, v8  }
0x395: {  	v60 =	vor.u32 $0xFD, v1  }
0x396: {  	v52 =	vadd.f32 v58, v52;
	_ =	sdelay $0x1  }
0x397: {  	[tilespmem:v63+s10+$0x0] =	vst.idx.msk $0xffff, v52  }
0x398: {  	v52 =	vld.idx.msk [tilespmem:v59+s8+$0x0], $0xffff  }
0x399: {  	v61 =	vld.idx.msk [tilespmem:v60+s10+$0x0], $0xffff;
	_ =	sdelay $0x2  }
0x39a: {  	v62 =	vor.u32 s4, v9  }
0x39b: {  	v63 =	vor.u32 $0x10FD, v1  }
0x39c: {  	v52 =	vadd.f32 v61, v52;
	_ =	sdelay $0x1  }
0x39d: {  	[tilespmem:v60+s10+$0x0] =	vst.idx.msk $0xffff, v52  }
0x39e: {  	v52 =	vld.idx.msk [tilespmem:v62+s8+$0x0], $0xffff  }
0x39f: {  	v58 =	vld.idx.msk [tilespmem:v63+s10+$0x0], $0xffff;
	_ =	sdelay $0x2  }
0x3a0: {  	v59 =	vor.u32 s4, v10  }
0x3a1: {  	v60 =	vor.u32 $0x20FD, v1  }
0x3a2: {  	v52 =	vadd.f32 v58, v52;
	_ =	sdelay $0x1  }
0x3a3: {  	[tilespmem:v63+s10+$0x0] =	vst.idx.msk $0xffff, v52  }
0x3a4: {  	v52 =	vld.idx.msk [tilespmem:v59+s8+$0x0], $0xffff  }
0x3a5: {  	v61 =	vld.idx.msk [tilespmem:v60+s10+$0x0], $0xffff;
	_ =	sdelay $0x2  }
0x3a6: {  	v62 =	vor.u32 s4, v11  }
0x3a7: {  	v63 =	vor.u32 $0x30FD, v1  }
0x3a8: {  	v52 =	vadd.f32 v61, v52;
	_ =	sdelay $0x1  }
0x3a9: {  	[tilespmem:v60+s10+$0x0] =	vst.idx.msk $0xffff, v52  }
0x3aa: {  	v52 =	vld.idx.msk [tilespmem:v62+s8+$0x0], $0xffff  }
0x3ab: {  	v58 =	vld.idx.msk [tilespmem:v63+s10+$0x0], $0xffff;
	_ =	sdelay $0x4  }
0x3ac: {  	v52 =	vadd.f32 v58, v52;
	_ =	sdelay $0x1  }
0x3ad: {  	[tilespmem:v63+s10+$0x0] =	vst.idx.msk $0xffff, v52  }
0x3ae: {  	s6 =	sand.u32 $0x7F, s7;
	_ =	swait.ge [sflag:s28], $0x2000  }
0x3af: {  	v59 =	vor.u32 s6, v12;
	[sflag:s28] =	ssyncset.done $0x0  }
0x3b0: {  	v60 =	vor.u32 $0xFE, v1;
	[sflag:s28] =	ssyncadd.s32 $0xFFFFE000  }
0x3b1: {  	_ =	swait.ge [sflag:s28], $0x2000  }
0x3b2: {  	[sflag:s28] =	ssyncset.done $0x0  }
0x3b3: {  	[sflag:s28] =	ssyncadd.s32 $0xFFFFE000  }
0x3b4: {  	v52 =	vld.idx.msk [tilespmem:v59+s8+$0x0], $0xffff  }
0x3b5: {  	v61 =	vld.idx.msk [tilespmem:v60+s10+$0x0], $0xffff;
	_ =	sdelay $0x2  }
0x3b6: {  	v62 =	vor.u32 s6, v13  }
0x3b7: {  	v63 =	vor.u32 $0x10FE, v1  }
0x3b8: {  	v52 =	vadd.f32 v61, v52;
	_ =	sdelay $0x1  }
0x3b9: {  	[tilespmem:v60+s10+$0x0] =	vst.idx.msk $0xffff, v52  }
0x3ba: {  	v52 =	vld.idx.msk [tilespmem:v62+s8+$0x0], $0xffff  }
0x3bb: {  	v53 =	vld.idx.msk [tilespmem:v63+s10+$0x0], $0xffff;
	_ =	sdelay $0x2  }
0x3bc: {  	v59 =	vor.u32 s6, v14  }
0x3bd: {  	v60 =	vor.u32 $0x20FE, v1  }
0x3be: {  	v52 =	vadd.f32 v53, v52;
	_ =	sdelay $0x1  }
0x3bf: {  	[tilespmem:v63+s10+$0x0] =	vst.idx.msk $0xffff, v52  }
0x3c0: {  	v52 =	vld.idx.msk [tilespmem:v59+s8+$0x0], $0xffff  }
0x3c1: {  	v61 =	vld.idx.msk [tilespmem:v60+s10+$0x0], $0xffff;
	_ =	sdelay $0x2  }
0x3c2: {  	v62 =	vor.u32 s6, v15  }
0x3c3: {  	v63 =	vor.u32 $0x30FE, v1  }
0x3c4: {  	v52 =	vadd.f32 v61, v52;
	_ =	sdelay $0x1  }
0x3c5: {  	[tilespmem:v60+s10+$0x0] =	vst.idx.msk $0xffff, v52  }
0x3c6: {  	v52 =	vld.idx.msk [tilespmem:v62+s8+$0x0], $0xffff  }
0x3c7: {  	v59 =	vld.idx.msk [tilespmem:v63+s10+$0x0], $0xffff;
	_ =	sdelay $0x1  }
0x3c8: {  	s7 =	sand.u32 $0x7F, s5  }
0x3c9: {  	v60 =	vor.u32 s7, v16  }
0x3ca: {  	v61 =	vor.u32 $0xFF, v1  }
0x3cb: {  	v52 =	vadd.f32 v59, v52;
	_ =	sdelay $0x1  }
0x3cc: {  	[tilespmem:v63+s10+$0x0] =	vst.idx.msk $0xffff, v52  }
0x3cd: {  	v52 =	vld.idx.msk [tilespmem:v60+s8+$0x0], $0xffff  }
0x3ce: {  	v62 =	vld.idx.msk [tilespmem:v61+s10+$0x0], $0xffff;
	_ =	sdelay $0x2  }
0x3cf: {  	v63 =	vor.u32 s7, v17  }
0x3d0: {  	v60 =	vor.u32 $0x10FF, v1  }
0x3d1: {  	v52 =	vadd.f32 v62, v52;
	_ =	sdelay $0x1  }
0x3d2: {  	[tilespmem:v61+s10+$0x0] =	vst.idx.msk $0xffff, v52  }
0x3d3: {  	v52 =	vld.idx.msk [tilespmem:v63+s8+$0x0], $0xffff  }
0x3d4: {  	v61 =	vld.idx.msk [tilespmem:v60+s10+$0x0], $0xffff;
	_ =	sdelay $0x2  }
0x3d5: {  	v62 =	vor.u32 s7, v18  }
0x3d6: {  	v63 =	vor.u32 $0x20FF, v1  }
0x3d7: {  	v52 =	vadd.f32 v61, v52;
	_ =	sdelay $0x1  }
0x3d8: {  	[tilespmem:v60+s10+$0x0] =	vst.idx.msk $0xffff, v52  }
0x3d9: {  	v52 =	vld.idx.msk [tilespmem:v62+s8+$0x0], $0xffff  }
0x3da: {  	v60 =	vld.idx.msk [tilespmem:v63+s10+$0x0], $0xffff;
	_ =	sdelay $0x2  }
0x3db: {  	v61 =	vor.u32 s7, v19  }
0x3dc: {  	v62 =	vor.u32 $0x30FF, v1  }
0x3dd: {  	v52 =	vadd.f32 v60, v52;
	_ =	sdelay $0x1  }
0x3de: {  	[tilespmem:v63+s10+$0x0] =	vst.idx.msk $0xffff, v52  }
0x3df: {  	v52 =	vld.idx.msk [tilespmem:v61+s8+$0x0], $0xffff  }
0x3e0: {  	v63 =	vld.idx.msk [tilespmem:v62+s10+$0x0], $0xffff;
	_ =	sdelay $0x4  }
0x3e1: {  	v52 =	vadd.f32 v63, v52;
	_ =	sdelay $0x1  }
0x3e2: {  	s4 =	simm.s32 $0x800;
	s9 =	rddreg [dreg:$0x6];
	[tilespmem:v62+s10+$0x0] =	vst.idx.msk $0xffff, v52  }
0x3e3: {  	[hbm4b:s9+s8] =	stream.strided.scatter [tilespmem:s10], [sflag:$0x8], $0x4000, s4, s8, $0x38;
	[tilespmem:$0x1C100] =	vst v63  }
0x3e4: {  	_ =	swait.ge [sflag:s12], $0x4000  }
0x3e5: {  	s0 =	sadd.s32 $0x1, s0;
	s23 =	rddreg [dreg:$0x7]  }
0x3e6: {  	p0 =	sne.s32 s0, s23  }
.Ltmp2:
0x3e7: {  	_ = 	snop;
	(pc) =	sbr.rel @p0 .LBB2_1-.Ltmp2, $3  }
0x3e8: {  	_ =	sdelay $0x1  }
0x3e9: {  	[sflag:s12] =	ssyncset.done $0x0  }
0x3ea: {  	[sflag:s12] =	ssyncadd.s32 $0xFFFFC000  }
0x3eb: {  	_ =	sfence.sel $0x180000  }
0x3ec: {  	[bflag:$0x0] =	sbarrier.arrive $0xFFFF  }
0x3ed: {  	_ =	strace $0x90000047  }
0x3ee: {  	s0 =	stileid.u32;
	[bflag:$0x2] =	sbarrier.arrive $0xFFFF  }
0x3ef: {  	p0 =	sne.s32 s0, $0x0;
	s0 =	rddreg [dreg:$0x3]  }
0x3f0: {  	s0 =	sadd.s32 @!p0 $0x100000, s0  }
0x3f1: {  	[sflag:s0] =	ssyncadd.tile.s32 @!p0 $0x1;
	_ =	shalt  }
.Lfunc_end2:
_tile_overlayer_lowered:
.L_overlay_start_2:
0x3f2: {  	(tag) =	ssettag $0x2  }
0x3f3: {  	s0 =	rddreg [dreg:$0x0];
	s2 =	stileid.u32  }
0x3f4: {  	s1 =	rddreg [dreg:$0x1];
	p0 =	sne.s32 s2, $0x0  }
0x3f5: {  	s3 =	rddreg [dreg:$0x2];
	[bflag:$0x3] =	sbarrier.arrive $0xFFFF;
	s2 =	simm.s32 @!p0 $0x1C08  }
0x3f6: {  	[timem:s3], [sflag:s2] =	dma.local @!p0 [hbm:s0], s1  }
0x3f7: {  	s0 =	simm.s32 @!p0 $0x8  }
0x3f8: {  	_ =	swait.ge @!p0 [sflag:s0], s1  }
0x3f9: {  	s1 =	ssub.s32 @!p0 $0x0, s1;
	[sflag:s0] =	ssyncset.done @!p0 $0x0  }
0x3fa: {  	[sflag:s0] =	ssyncadd.s32 @!p0 s1  }
0x3fb: {  	[bflag:$0x3] =	sbarrier.arrive $0xFFFF  }
0x3fc: {  	_ =	shalt  }

</sc_bundles>
